<compile_context>
chip_gen: v7x
topology: tpu7x:2x2x1
jax: 0.10.2.dev20260603
libtpu: 0.0.44.dev20260713+nightly
codegen_flags: <defaults>
</compile_context>

<pallas_src>
import jax
import jax.numpy as jnp
from jax import lax
from jax.experimental import pallas as pl
from jax.experimental.pallas import tpu as pltpu
from jax.experimental.pallas import tpu_sc as plsc

_DIM = 64
_V = 1000000
_B = 16384
_L = 20
_NC = 2
_NS = 16
_NW = _NC * _NS
_BPW = _B // _NW
_PPW = _BPW * _L
_CHUNKS = 32
_CB = _BPW // _CHUNKS
_CP = _CB * _L
_IDXW = 64
_QPC = _CP // _IDXW


def _tree_sum(vs):
    while len(vs) > 1:
        vs = [vs[i] + vs[i + 1] for i in range(0, len(vs) - 1, 2)] + (
            [vs[-1]] if len(vs) % 2 else [])
    return vs[0]


def _sc_body(tgt_idx_hbm, ctx_idx_hbm, tt_hbm, ct_hbm, out_hbm,
             tgt_idx_v, ctx_idx_v, tgt_s, ctx_s, h_a, h_b, u_a, u_b,
             part, out_a, out_b, sem_a, sem_b, sem_oa, sem_ob):
    wid = lax.axis_index("s") * _NC + lax.axis_index("c")
    pltpu.sync_copy(tgt_idx_hbm.at[pl.ds(wid * _BPW, _BPW)], tgt_idx_v)
    pltpu.sync_copy(ctx_idx_hbm.at[pl.ds(wid * _PPW, _PPW)], ctx_idx_v)
    iota = lax.iota(jnp.int32, 16)

    def shift_ctx(z, c2):
        ctx_s[pl.ds(16 * z, 16)] = lax.shift_right_logical(
            ctx_idx_v[pl.ds(16 * z, 16)], 1)
        return c2

    lax.fori_loop(0, _PPW // 16, shift_ctx, 0)

    def shift_tgt(z, c2):
        tgt_s[pl.ds(16 * z, 16)] = lax.shift_right_logical(
            tgt_idx_v[pl.ds(16 * z, 16)], 1)
        return c2

    lax.fori_loop(0, _BPW // 16, shift_tgt, 0)

    def issue(k, h_buf, u_buf, sem):
        pltpu.async_copy(tt_hbm.at[tgt_s.at[pl.ds(_CB * k, _CB)]],
                         h_buf, sem)
        for q in range(_QPC):
            pltpu.async_copy(
                ct_hbm.at[ctx_s.at[pl.ds(_CP * k + _IDXW * q, _IDXW)]],
                u_buf.at[pl.ds(_IDXW * q, _IDXW)], sem)

    def drain(k, h_buf, u_buf, sem):
        pltpu.make_async_copy(tt_hbm.at[tgt_s.at[pl.ds(_CB * k, _CB)]],
                              h_buf, sem).wait()
        for q in range(_QPC):
            pltpu.make_async_copy(
                ct_hbm.at[ctx_s.at[pl.ds(_CP * k + _IDXW * q, _IDXW)]],
                u_buf.at[pl.ds(_IDXW * q, _IDXW)], sem).wait()

    def compute(k, h_buf, u_buf, out_c, sem_o):
        def grp(g, c2):
            q0 = 16 * g
            cvec = ctx_idx_v[pl.ds(_CP * k + q0, 16)]
            uoff_v = (cvec & 1) * _DIM
            b_vec = (q0 + iota) // _L
            tid_v = plsc.load_gather(
                tgt_idx_v, [jnp.full(16, 0, jnp.int32) + _CB * k + b_vec])
            hoff_v = (tid_v & 1) * _DIM
            for jj in range(16):
                q = q0 + jj
                b = q // _L
                uoff = uoff_v[jj]
                hoff = hoff_v[jj]
                acc = None
                for c in range(4):
                    m = (u_buf[q, pl.ds(uoff + 16 * c, 16)]
                         * h_buf[b, pl.ds(hoff + 16 * c, 16)])
                    acc = m if acc is None else acc + m
                part[jj, :] = acc
            cols = [plsc.load_gather(part, [iota, jnp.full(16, c, jnp.int32)])
                    for c in range(16)]
            tot = _tree_sum(cols)
            sig = 1.0 / (1.0 + jnp.exp(-tot))
            out_c[pl.ds(16 * g, 16)] = sig
            return c2

        @pl.when(k >= 2)
        def _():
            pltpu.make_async_copy(
                out_c,
                out_hbm.at[pl.ds(wid * _PPW + _CP * (k - 2), _CP)],
                sem_o).wait()

        lax.fori_loop(0, _CP // 16, grp, 0)
        pltpu.async_copy(
            out_c, out_hbm.at[pl.ds(wid * _PPW + _CP * k, _CP)], sem_o)

    issue(0, h_a, u_a, sem_a)

    def outer(i, carry):
        k = 2 * i
        issue(k + 1, h_b, u_b, sem_b)
        drain(k, h_a, u_a, sem_a)
        compute(k, h_a, u_a, out_a, sem_oa)

        @pl.when(i < _CHUNKS // 2 - 1)
        def _():
            issue(k + 2, h_a, u_a, sem_a)

        drain(k + 1, h_b, u_b, sem_b)
        compute(k + 1, h_b, u_b, out_b, sem_ob)
        return carry

    lax.fori_loop(0, _CHUNKS // 2, outer, 0)
    pltpu.make_async_copy(
        out_a, out_hbm.at[pl.ds(wid * _PPW + _CP * (_CHUNKS - 2), _CP)],
        sem_oa).wait()
    pltpu.make_async_copy(
        out_b, out_hbm.at[pl.ds(wid * _PPW + _CP * (_CHUNKS - 1), _CP)],
        sem_ob).wait()


@jax.jit
def _sc_call(tgt_idx3, ctx_idx3, target_table2, context_table2):
    mesh = plsc.VectorSubcoreMesh(core_axis_name="c", subcore_axis_name="s")
    return pl.kernel(
        _sc_body,
        out_type=jax.ShapeDtypeStruct((_B * _L,), jnp.float32),
        mesh=mesh,
        compiler_params=pltpu.CompilerParams(
            needs_layout_passes=False, use_tc_tiling_on_sc=True),
        scratch_types=[
            pltpu.VMEM((_BPW,), jnp.int32),
            pltpu.VMEM((_PPW,), jnp.int32),
            pltpu.VMEM((_BPW,), jnp.int32),
            pltpu.VMEM((_PPW,), jnp.int32),
            pltpu.VMEM((_CB, 2 * _DIM), jnp.float32),
            pltpu.VMEM((_CB, 2 * _DIM), jnp.float32),
            pltpu.VMEM((_CP, 2 * _DIM), jnp.float32),
            pltpu.VMEM((_CP, 2 * _DIM), jnp.float32),
            pltpu.VMEM((16, 16), jnp.float32),
            pltpu.VMEM((_CP,), jnp.float32),
            pltpu.VMEM((_CP,), jnp.float32),
            pltpu.SemaphoreType.DMA,
            pltpu.SemaphoreType.DMA,
            pltpu.SemaphoreType.DMA,
            pltpu.SemaphoreType.DMA,
        ],
    )(tgt_idx3, ctx_idx3, target_table2, context_table2)


def kernel(target_word_id, context_word_ids, target_table, context_table):
    out = _sc_call(target_word_id, context_word_ids.reshape(-1),
                   target_table.reshape(_V // 2, 2 * _DIM),
                   context_table.reshape(_V // 2, 2 * _DIM))
    return out.reshape(_B, _L)

# --- scband reference (transcript-rebuilt; emitter-appended) ---
"""Pipeline reference for scband-word2-vec-17471926960340 (READ-ONLY COPY).

The authoritative reference and input builder live on the scoring server;
editing this copy changes nothing except your own understanding.
"""

import jax, jax.numpy as jnp
import numpy as np

VOCAB = 1000000
DIM = 64
B = 16384
L = 20


def setup_inputs(seed: int = 0) -> dict:
    key = jax.random.key(seed)
    k1, k2, k3, k4 = jax.random.split(key, 4)
    init_range = 0.5 / VOCAB
    target_table = jax.random.uniform(k1, (VOCAB, DIM), dtype=jnp.float32) * 2 * init_range - init_range
    context_table = jax.random.uniform(k2, (VOCAB, DIM), dtype=jnp.float32) * 2 * init_range - init_range
    target_word_id = jax.random.randint(k3, (B,), 0, VOCAB, dtype=jnp.int32)
    context_word_ids = jax.random.randint(k4, (B, L), 0, VOCAB, dtype=jnp.int32)
    return {
        "target_word_id": target_word_id,
        "context_word_ids": context_word_ids,
        "target_table": target_table,
        "context_table": context_table,
    }


def reference(target_word_id, context_word_ids, target_table, context_table):
    # h = target_embeddings(target_word_id): [B, D] gather
    h = jnp.take(target_table, target_word_id, axis=0)
    # u = context_embeddings(context_word_ids): [B, L, D] gather
    u = jnp.take(context_table, context_word_ids, axis=0)
    # bmm(h.unsqueeze(1), u.transpose(1,2)).squeeze(1) -> [B, L]
    dot_product = jnp.einsum("bd,bld->bl", h, u)
    predictions = jax.nn.sigmoid(dot_product)
    return predictions

if __name__ == "__main__":
    import jax
    _d = setup_inputs()
    print(jax.jit(kernel)(*tuple(_d.values())))

</pallas_src>

<mosaic_0001>
#map = affine_map<(d0, d1) -> (0)>
#map1 = affine_map<(d0, d1) -> (0, 0)>
module attributes {stable_mosaic.version = 14 : i64} {
  func.func @_sc_body(%arg0: i32, %arg1: i32, %arg2: memref<16384xi32, #tpu.memory_space<hbm>>, %arg3: memref<327680xi32, #tpu.memory_space<hbm>>, %arg4: memref<500000x128xf32, #tpu.memory_space<hbm>>, %arg5: memref<500000x128xf32, #tpu.memory_space<hbm>>, %arg6: memref<327680xf32, #tpu.memory_space<hbm>>, %arg7: memref<512xi32, #tpu.memory_space<vmem>>, %arg8: memref<10240xi32, #tpu.memory_space<vmem>>, %arg9: memref<512xi32, #tpu.memory_space<vmem>>, %arg10: memref<10240xi32, #tpu.memory_space<vmem>>, %arg11: memref<16x128xf32, #tpu.memory_space<vmem>>, %arg12: memref<16x128xf32, #tpu.memory_space<vmem>>, %arg13: memref<320x128xf32, #tpu.memory_space<vmem>>, %arg14: memref<320x128xf32, #tpu.memory_space<vmem>>, %arg15: memref<16x16xf32, #tpu.memory_space<vmem>>, %arg16: memref<320xf32, #tpu.memory_space<vmem>>, %arg17: memref<320xf32, #tpu.memory_space<vmem>>, %arg18: memref<!tpu.dma_semaphore, #tpu.memory_space<semaphore_mem>>, %arg19: memref<!tpu.dma_semaphore, #tpu.memory_space<semaphore_mem>>, %arg20: memref<!tpu.dma_semaphore, #tpu.memory_space<semaphore_mem>>, %arg21: memref<!tpu.dma_semaphore, #tpu.memory_space<semaphore_mem>>) attributes {dimension_semantics = [#tpu.dimension_semantics<core_parallel>, #tpu.dimension_semantics<subcore_parallel>], iteration_bounds = array<i64: 2, 16>, scalar_prefetch = 0 : i64, scratch_operands = 15 : i64, tpu.core_type = #tpu.core_type<sc_vector_subcore>, window_params = [{transform_indices = #map}, {transform_indices = #map}, {transform_indices = #map1}, {transform_indices = #map1}, {transform_indices = #map}]} {
    %mul3A = arith.constant 2 : i32
    %mul3A_0 = arith.muli %arg1, %mul3A : i32
    %add3A = arith.addi %mul3A_0, %arg0 : i32
    %mul3A_1 = arith.constant 512 : i32
    %mul3A_2 = arith.muli %add3A, %mul3A_1 : i32
    "tpu.region"() ({
      %run_scoped3A = tpu.sem_alloc : memref<!tpu.dma_semaphore, #tpu.memory_space<semaphore_mem>>
      %dma_start3A_77 = tpu.memref_slice %arg2[%mul3A_2] : memref<16384xi32, #tpu.memory_space<hbm>> -> memref<512xi32, #tpu.memory_space<hbm>>
      %dma_start3A_78 = tpu.memref_slice %arg2[%mul3A_2] : memref<16384xi32, #tpu.memory_space<hbm>> -> memref<512xi32, #tpu.memory_space<hbm>>
      tpu.enqueue_dma source(%dma_start3A_78 : memref<512xi32, #tpu.memory_space<hbm>>) target(%arg7 : memref<512xi32, #tpu.memory_space<vmem>>) target_semaphore(%run_scoped3A : memref<!tpu.dma_semaphore, #tpu.memory_space<semaphore_mem>>)
      %dma_wait3A_79 = tpu.memref_slice %arg2[%mul3A_2] : memref<16384xi32, #tpu.memory_space<hbm>> -> memref<512xi32, #tpu.memory_space<hbm>>
      %dma_wait3A_80 = tpu.memref_slice %arg2[%mul3A_2] : memref<16384xi32, #tpu.memory_space<hbm>> -> memref<512xi32, #tpu.memory_space<hbm>>
      tpu.wait_dma2 semaphore(%run_scoped3A : memref<!tpu.dma_semaphore, #tpu.memory_space<semaphore_mem>>) src(%dma_wait3A_80 : memref<512xi32, #tpu.memory_space<hbm>>) dst(%arg7 : memref<512xi32, #tpu.memory_space<vmem>>)
      tpu.yield
    }) : () -> ()
    %mul3A_3 = arith.constant 10240 : i32
    %mul3A_4 = arith.muli %add3A, %mul3A_3 : i32
    "tpu.region"() ({
      %run_scoped3A = tpu.sem_alloc : memref<!tpu.dma_semaphore, #tpu.memory_space<semaphore_mem>>
      %dma_start3A_77 = tpu.memref_slice %arg3[%mul3A_4] : memref<327680xi32, #tpu.memory_space<hbm>> -> memref<10240xi32, #tpu.memory_space<hbm>>
      %dma_start3A_78 = tpu.memref_slice %arg3[%mul3A_4] : memref<327680xi32, #tpu.memory_space<hbm>> -> memref<10240xi32, #tpu.memory_space<hbm>>
      tpu.enqueue_dma source(%dma_start3A_78 : memref<10240xi32, #tpu.memory_space<hbm>>) target(%arg8 : memref<10240xi32, #tpu.memory_space<vmem>>) target_semaphore(%run_scoped3A : memref<!tpu.dma_semaphore, #tpu.memory_space<semaphore_mem>>)
      %dma_wait3A_79 = tpu.memref_slice %arg3[%mul3A_4] : memref<327680xi32, #tpu.memory_space<hbm>> -> memref<10240xi32, #tpu.memory_space<hbm>>
      %dma_wait3A_80 = tpu.memref_slice %arg3[%mul3A_4] : memref<327680xi32, #tpu.memory_space<hbm>> -> memref<10240xi32, #tpu.memory_space<hbm>>
      tpu.wait_dma2 semaphore(%run_scoped3A : memref<!tpu.dma_semaphore, #tpu.memory_space<semaphore_mem>>) src(%dma_wait3A_80 : memref<10240xi32, #tpu.memory_space<hbm>>) dst(%arg8 : memref<10240xi32, #tpu.memory_space<vmem>>)
      tpu.yield
    }) : () -> ()
    %iota3A = tpu.iota {dimensions = array<i32: 0>} : vector<16xi32>
    %scan3A = arith.constant 0 : i32
    %scan3A_5 = arith.constant 0 : i32
    %scan3A_6 = arith.constant 640 : i32
    %scan3A_7 = arith.addi %scan3A_5, %scan3A_6 : i32
    %scan3A_8 = arith.constant 1 : i32
    scf.for %scan3A_77 = %scan3A_5 to %scan3A_7 step %scan3A_8  : i32 {
      %mul3A_78 = arith.constant 16 : i32
      %mul3A_79 = arith.muli %mul3A_78, %scan3A_77 : i32
      %get3A = arith.index_cast %mul3A_79 : i32 to index
      %get3A_80 = tpu.vector_load %arg8[%get3A] {strides = array<i32>} : memref<10240xi32, #tpu.memory_space<vmem>>, vector<16xi32>,
      %shift_right_logical3A = arith.constant 1 : i32
      %shift_right_logical3A_81 = vector.broadcast %shift_right_logical3A : i32 to vector<16xi32>
      %shift_right_logical3A_82 = arith.shrui %get3A_80, %shift_right_logical3A_81 : vector<16xi32>
      %mul3A_83 = arith.constant 16 : i32
      %mul3A_84 = arith.muli %mul3A_83, %scan3A_77 : i32
      %swap3A = arith.index_cast %mul3A_84 : i32 to index
      %swap3A_85 = tpu.vector_load %arg10[%swap3A] {strides = array<i32>} : memref<10240xi32, #tpu.memory_space<vmem>>, vector<16xi32>,
      tpu.vector_store %arg10[%swap3A], %shift_right_logical3A_82 {strides = array<i32>} : memref<10240xi32, #tpu.memory_space<vmem>>, vector<16xi32>,
    }
    %scan3A_9 = arith.constant 640 : i32
    %scan3A_10 = arith.constant 0 : i32
    %scan3A_11 = arith.constant 0 : i32
    %scan3A_12 = arith.constant 32 : i32
    %scan3A_13 = arith.addi %scan3A_11, %scan3A_12 : i32
    %scan3A_14 = arith.constant 1 : i32
    scf.for %scan3A_77 = %scan3A_11 to %scan3A_13 step %scan3A_14  : i32 {
      %mul3A_78 = arith.constant 16 : i32
      %mul3A_79 = arith.muli %mul3A_78, %scan3A_77 : i32
      %get3A = arith.index_cast %mul3A_79 : i32 to index
      %get3A_80 = tpu.vector_load %arg7[%get3A] {strides = array<i32>} : memref<512xi32, #tpu.memory_space<vmem>>, vector<16xi32>,
      %shift_right_logical3A = arith.constant 1 : i32
      %shift_right_logical3A_81 = vector.broadcast %shift_right_logical3A : i32 to vector<16xi32>
      %shift_right_logical3A_82 = arith.shrui %get3A_80, %shift_right_logical3A_81 : vector<16xi32>
      %mul3A_83 = arith.constant 16 : i32
      %mul3A_84 = arith.muli %mul3A_83, %scan3A_77 : i32
      %swap3A = arith.index_cast %mul3A_84 : i32 to index
      %swap3A_85 = tpu.vector_load %arg9[%swap3A] {strides = array<i32>} : memref<512xi32, #tpu.memory_space<vmem>>, vector<16xi32>,
      tpu.vector_store %arg9[%swap3A], %shift_right_logical3A_82 {strides = array<i32>} : memref<512xi32, #tpu.memory_space<vmem>>, vector<16xi32>,
    }
    %scan3A_15 = arith.constant 32 : i32
    %dma_start3A = arith.constant 0 : i32
    %dma_start3A_16 = tpu.memref_slice %arg9[%dma_start3A] : memref<512xi32, #tpu.memory_space<vmem>> -> memref<16xi32, #tpu.memory_space<vmem>>
    %dma_start3A_17 = arith.constant 0 : i32
    %dma_start3A_18 = arith.constant 0 : i32
    %dma_start3A_19 = tpu.memref_slice %arg4[%dma_start3A_17, %dma_start3A_18] : memref<500000x128xf32, #tpu.memory_space<hbm>> -> memref<500000x128xf32, #tpu.memory_space<hbm>>
    tpu.enqueue_indirect_dma source(%dma_start3A_19 : memref<500000x128xf32, #tpu.memory_space<hbm>>) target(%arg11 : memref<16x128xf32, #tpu.memory_space<vmem>>) offsets(%dma_start3A_16 : memref<16xi32, #tpu.memory_space<vmem>>) semaphore(%arg18 : memref<!tpu.dma_semaphore, #tpu.memory_space<semaphore_mem>>)
    %dma_start3A_20 = arith.constant 0 : i32
    %dma_start3A_21 = arith.constant 0 : i32
    %dma_start3A_22 = tpu.memref_slice %arg13[%dma_start3A_20, %dma_start3A_21] : memref<320x128xf32, #tpu.memory_space<vmem>> -> memref<64x128xf32, #tpu.memory_space<vmem>>
    %dma_start3A_23 = arith.constant 0 : i32
    %dma_start3A_24 = tpu.memref_slice %arg10[%dma_start3A_23] : memref<10240xi32, #tpu.memory_space<vmem>> -> memref<64xi32, #tpu.memory_space<vmem>>
    %dma_start3A_25 = arith.constant 0 : i32
    %dma_start3A_26 = arith.constant 0 : i32
    %dma_start3A_27 = tpu.memref_slice %arg5[%dma_start3A_25, %dma_start3A_26] : memref<500000x128xf32, #tpu.memory_space<hbm>> -> memref<500000x128xf32, #tpu.memory_space<hbm>>
    tpu.enqueue_indirect_dma source(%dma_start3A_27 : memref<500000x128xf32, #tpu.memory_space<hbm>>) target(%dma_start3A_22 : memref<64x128xf32, #tpu.memory_space<vmem>>) offsets(%dma_start3A_24 : memref<64xi32, #tpu.memory_space<vmem>>) semaphore(%arg18 : memref<!tpu.dma_semaphore, #tpu.memory_space<semaphore_mem>>)
    %dma_start3A_28 = arith.constant 64 : i32
    %dma_start3A_29 = arith.constant 0 : i32
    %dma_start3A_30 = tpu.memref_slice %arg13[%dma_start3A_28, %dma_start3A_29] : memref<320x128xf32, #tpu.memory_space<vmem>> -> memref<64x128xf32, #tpu.memory_space<vmem>>
    %dma_start3A_31 = arith.constant 64 : i32
    %dma_start3A_32 = tpu.memref_slice %arg10[%dma_start3A_31] : memref<10240xi32, #tpu.memory_space<vmem>> -> memref<64xi32, #tpu.memory_space<vmem>>
    %dma_start3A_33 = arith.constant 0 : i32
    %dma_start3A_34 = arith.constant 0 : i32
    %dma_start3A_35 = tpu.memref_slice %arg5[%dma_start3A_33, %dma_start3A_34] : memref<500000x128xf32, #tpu.memory_space<hbm>> -> memref<500000x128xf32, #tpu.memory_space<hbm>>
    tpu.enqueue_indirect_dma source(%dma_start3A_35 : memref<500000x128xf32, #tpu.memory_space<hbm>>) target(%dma_start3A_30 : memref<64x128xf32, #tpu.memory_space<vmem>>) offsets(%dma_start3A_32 : memref<64xi32, #tpu.memory_space<vmem>>) semaphore(%arg18 : memref<!tpu.dma_semaphore, #tpu.memory_space<semaphore_mem>>)
    %dma_start3A_36 = arith.constant 128 : i32
    %dma_start3A_37 = arith.constant 0 : i32
    %dma_start3A_38 = tpu.memref_slice %arg13[%dma_start3A_36, %dma_start3A_37] : memref<320x128xf32, #tpu.memory_space<vmem>> -> memref<64x128xf32, #tpu.memory_space<vmem>>
    %dma_start3A_39 = arith.constant 128 : i32
    %dma_start3A_40 = tpu.memref_slice %arg10[%dma_start3A_39] : memref<10240xi32, #tpu.memory_space<vmem>> -> memref<64xi32, #tpu.memory_space<vmem>>
    %dma_start3A_41 = arith.constant 0 : i32
    %dma_start3A_42 = arith.constant 0 : i32
    %dma_start3A_43 = tpu.memref_slice %arg5[%dma_start3A_41, %dma_start3A_42] : memref<500000x128xf32, #tpu.memory_space<hbm>> -> memref<500000x128xf32, #tpu.memory_space<hbm>>
    tpu.enqueue_indirect_dma source(%dma_start3A_43 : memref<500000x128xf32, #tpu.memory_space<hbm>>) target(%dma_start3A_38 : memref<64x128xf32, #tpu.memory_space<vmem>>) offsets(%dma_start3A_40 : memref<64xi32, #tpu.memory_space<vmem>>) semaphore(%arg18 : memref<!tpu.dma_semaphore, #tpu.memory_space<semaphore_mem>>)
    %dma_start3A_44 = arith.constant 192 : i32
    %dma_start3A_45 = arith.constant 0 : i32
    %dma_start3A_46 = tpu.memref_slice %arg13[%dma_start3A_44, %dma_start3A_45] : memref<320x128xf32, #tpu.memory_space<vmem>> -> memref<64x128xf32, #tpu.memory_space<vmem>>
    %dma_start3A_47 = arith.constant 192 : i32
    %dma_start3A_48 = tpu.memref_slice %arg10[%dma_start3A_47] : memref<10240xi32, #tpu.memory_space<vmem>> -> memref<64xi32, #tpu.memory_space<vmem>>
    %dma_start3A_49 = arith.constant 0 : i32
    %dma_start3A_50 = arith.constant 0 : i32
    %dma_start3A_51 = tpu.memref_slice %arg5[%dma_start3A_49, %dma_start3A_50] : memref<500000x128xf32, #tpu.memory_space<hbm>> -> memref<500000x128xf32, #tpu.memory_space<hbm>>
    tpu.enqueue_indirect_dma source(%dma_start3A_51 : memref<500000x128xf32, #tpu.memory_space<hbm>>) target(%dma_start3A_46 : memref<64x128xf32, #tpu.memory_space<vmem>>) offsets(%dma_start3A_48 : memref<64xi32, #tpu.memory_space<vmem>>) semaphore(%arg18 : memref<!tpu.dma_semaphore, #tpu.memory_space<semaphore_mem>>)
    %dma_start3A_52 = arith.constant 256 : i32
    %dma_start3A_53 = arith.constant 0 : i32
    %dma_start3A_54 = tpu.memref_slice %arg13[%dma_start3A_52, %dma_start3A_53] : memref<320x128xf32, #tpu.memory_space<vmem>> -> memref<64x128xf32, #tpu.memory_space<vmem>>
    %dma_start3A_55 = arith.constant 256 : i32
    %dma_start3A_56 = tpu.memref_slice %arg10[%dma_start3A_55] : memref<10240xi32, #tpu.memory_space<vmem>> -> memref<64xi32, #tpu.memory_space<vmem>>
    %dma_start3A_57 = arith.constant 0 : i32
    %dma_start3A_58 = arith.constant 0 : i32
    %dma_start3A_59 = tpu.memref_slice %arg5[%dma_start3A_57, %dma_start3A_58] : memref<500000x128xf32, #tpu.memory_space<hbm>> -> memref<500000x128xf32, #tpu.memory_space<hbm>>
    tpu.enqueue_indirect_dma source(%dma_start3A_59 : memref<500000x128xf32, #tpu.memory_space<hbm>>) target(%dma_start3A_54 : memref<64x128xf32, #tpu.memory_space<vmem>>) offsets(%dma_start3A_56 : memref<64xi32, #tpu.memory_space<vmem>>) semaphore(%arg18 : memref<!tpu.dma_semaphore, #tpu.memory_space<semaphore_mem>>)
    %scan3A_60 = arith.constant 0 : i32
    %scan3A_61 = arith.constant 0 : i32
    %scan3A_62 = arith.constant 16 : i32
    %scan3A_63 = arith.addi %scan3A_61, %scan3A_62 : i32
    %scan3A_64 = arith.constant 1 : i32
    scf.for %scan3A_77 = %scan3A_61 to %scan3A_63 step %scan3A_64  : i32 {
      %mul3A_78 = arith.constant 2 : i32
      %mul3A_79 = arith.muli %mul3A_78, %scan3A_77 : i32
      %add3A_80 = arith.constant 1 : i32
      %add3A_81 = arith.addi %mul3A_79, %add3A_80 : i32
      %mul3A_82 = arith.constant 16 : i32
      %mul3A_83 = arith.muli %mul3A_82, %add3A_81 : i32
      %dma_start3A_84 = tpu.memref_slice %arg9[%mul3A_83] : memref<512xi32, #tpu.memory_space<vmem>> -> memref<16xi32, #tpu.memory_space<vmem>>
      %dma_start3A_85 = arith.constant 0 : i32
      %dma_start3A_86 = arith.constant 0 : i32
      %dma_start3A_87 = tpu.memref_slice %arg4[%dma_start3A_85, %dma_start3A_86] : memref<500000x128xf32, #tpu.memory_space<hbm>> -> memref<500000x128xf32, #tpu.memory_space<hbm>>
      tpu.enqueue_indirect_dma source(%dma_start3A_87 : memref<500000x128xf32, #tpu.memory_space<hbm>>) target(%arg12 : memref<16x128xf32, #tpu.memory_space<vmem>>) offsets(%dma_start3A_84 : memref<16xi32, #tpu.memory_space<vmem>>) semaphore(%arg19 : memref<!tpu.dma_semaphore, #tpu.memory_space<semaphore_mem>>)
      %mul3A_88 = arith.constant 320 : i32
      %mul3A_89 = arith.muli %mul3A_88, %add3A_81 : i32
      %add3A_90 = arith.constant 0 : i32
      %add3A_91 = arith.addi %mul3A_89, %add3A_90 : i32
      %dma_start3A_92 = arith.constant 0 : i32
      %dma_start3A_93 = arith.constant 0 : i32
      %dma_start3A_94 = tpu.memref_slice %arg14[%dma_start3A_92, %dma_start3A_93] : memref<320x128xf32, #tpu.memory_space<vmem>> -> memref<64x128xf32, #tpu.memory_space<vmem>>
      %dma_start3A_95 = tpu.memref_slice %arg10[%add3A_91] : memref<10240xi32, #tpu.memory_space<vmem>> -> memref<64xi32, #tpu.memory_space<vmem>>
      %dma_start3A_96 = arith.constant 0 : i32
      %dma_start3A_97 = arith.constant 0 : i32
      %dma_start3A_98 = tpu.memref_slice %arg5[%dma_start3A_96, %dma_start3A_97] : memref<500000x128xf32, #tpu.memory_space<hbm>> -> memref<500000x128xf32, #tpu.memory_space<hbm>>
      tpu.enqueue_indirect_dma source(%dma_start3A_98 : memref<500000x128xf32, #tpu.memory_space<hbm>>) target(%dma_start3A_94 : memref<64x128xf32, #tpu.memory_space<vmem>>) offsets(%dma_start3A_95 : memref<64xi32, #tpu.memory_space<vmem>>) semaphore(%arg19 : memref<!tpu.dma_semaphore, #tpu.memory_space<semaphore_mem>>)
      %mul3A_99 = arith.constant 320 : i32
      %mul3A_100 = arith.muli %mul3A_99, %add3A_81 : i32
      %add3A_101 = arith.constant 64 : i32
      %add3A_102 = arith.addi %mul3A_100, %add3A_101 : i32
      %dma_start3A_103 = arith.constant 64 : i32
      %dma_start3A_104 = arith.constant 0 : i32
      %dma_start3A_105 = tpu.memref_slice %arg14[%dma_start3A_103, %dma_start3A_104] : memref<320x128xf32, #tpu.memory_space<vmem>> -> memref<64x128xf32, #tpu.memory_space<vmem>>
      %dma_start3A_106 = tpu.memref_slice %arg10[%add3A_102] : memref<10240xi32, #tpu.memory_space<vmem>> -> memref<64xi32, #tpu.memory_space<vmem>>
      %dma_start3A_107 = arith.constant 0 : i32
      %dma_start3A_108 = arith.constant 0 : i32
      %dma_start3A_109 = tpu.memref_slice %arg5[%dma_start3A_107, %dma_start3A_108] : memref<500000x128xf32, #tpu.memory_space<hbm>> -> memref<500000x128xf32, #tpu.memory_space<hbm>>
      tpu.enqueue_indirect_dma source(%dma_start3A_109 : memref<500000x128xf32, #tpu.memory_space<hbm>>) target(%dma_start3A_105 : memref<64x128xf32, #tpu.memory_space<vmem>>) offsets(%dma_start3A_106 : memref<64xi32, #tpu.memory_space<vmem>>) semaphore(%arg19 : memref<!tpu.dma_semaphore, #tpu.memory_space<semaphore_mem>>)
      %mul3A_110 = arith.constant 320 : i32
      %mul3A_111 = arith.muli %mul3A_110, %add3A_81 : i32
      %add3A_112 = arith.constant 128 : i32
      %add3A_113 = arith.addi %mul3A_111, %add3A_112 : i32
      %dma_start3A_114 = arith.constant 128 : i32
      %dma_start3A_115 = arith.constant 0 : i32
      %dma_start3A_116 = tpu.memref_slice %arg14[%dma_start3A_114, %dma_start3A_115] : memref<320x128xf32, #tpu.memory_space<vmem>> -> memref<64x128xf32, #tpu.memory_space<vmem>>
      %dma_start3A_117 = tpu.memref_slice %arg10[%add3A_113] : memref<10240xi32, #tpu.memory_space<vmem>> -> memref<64xi32, #tpu.memory_space<vmem>>
      %dma_start3A_118 = arith.constant 0 : i32
      %dma_start3A_119 = arith.constant 0 : i32
      %dma_start3A_120 = tpu.memref_slice %arg5[%dma_start3A_118, %dma_start3A_119] : memref<500000x128xf32, #tpu.memory_space<hbm>> -> memref<500000x128xf32, #tpu.memory_space<hbm>>
      tpu.enqueue_indirect_dma source(%dma_start3A_120 : memref<500000x128xf32, #tpu.memory_space<hbm>>) target(%dma_start3A_116 : memref<64x128xf32, #tpu.memory_space<vmem>>) offsets(%dma_start3A_117 : memref<64xi32, #tpu.memory_space<vmem>>) semaphore(%arg19 : memref<!tpu.dma_semaphore, #tpu.memory_space<semaphore_mem>>)
      %mul3A_121 = arith.constant 320 : i32
      %mul3A_122 = arith.muli %mul3A_121, %add3A_81 : i32
      %add3A_123 = arith.constant 192 : i32
      %add3A_124 = arith.addi %mul3A_122, %add3A_123 : i32
      %dma_start3A_125 = arith.constant 192 : i32
      %dma_start3A_126 = arith.constant 0 : i32
      %dma_start3A_127 = tpu.memref_slice %arg14[%dma_start3A_125, %dma_start3A_126] : memref<320x128xf32, #tpu.memory_space<vmem>> -> memref<64x128xf32, #tpu.memory_space<vmem>>
      %dma_start3A_128 = tpu.memref_slice %arg10[%add3A_124] : memref<10240xi32, #tpu.memory_space<vmem>> -> memref<64xi32, #tpu.memory_space<vmem>>
      %dma_start3A_129 = arith.constant 0 : i32
      %dma_start3A_130 = arith.constant 0 : i32
      %dma_start3A_131 = tpu.memref_slice %arg5[%dma_start3A_129, %dma_start3A_130] : memref<500000x128xf32, #tpu.memory_space<hbm>> -> memref<500000x128xf32, #tpu.memory_space<hbm>>
      tpu.enqueue_indirect_dma source(%dma_start3A_131 : memref<500000x128xf32, #tpu.memory_space<hbm>>) target(%dma_start3A_127 : memref<64x128xf32, #tpu.memory_space<vmem>>) offsets(%dma_start3A_128 : memref<64xi32, #tpu.memory_space<vmem>>) semaphore(%arg19 : memref<!tpu.dma_semaphore, #tpu.memory_space<semaphore_mem>>)
      %mul3A_132 = arith.constant 320 : i32
      %mul3A_133 = arith.muli %mul3A_132, %add3A_81 : i32
      %add3A_134 = arith.constant 256 : i32
      %add3A_135 = arith.addi %mul3A_133, %add3A_134 : i32
      %dma_start3A_136 = arith.constant 256 : i32
      %dma_start3A_137 = arith.constant 0 : i32
      %dma_start3A_138 = tpu.memref_slice %arg14[%dma_start3A_136, %dma_start3A_137] : memref<320x128xf32, #tpu.memory_space<vmem>> -> memref<64x128xf32, #tpu.memory_space<vmem>>
      %dma_start3A_139 = tpu.memref_slice %arg10[%add3A_135] : memref<10240xi32, #tpu.memory_space<vmem>> -> memref<64xi32, #tpu.memory_space<vmem>>
      %dma_start3A_140 = arith.constant 0 : i32
      %dma_start3A_141 = arith.constant 0 : i32
      %dma_start3A_142 = tpu.memref_slice %arg5[%dma_start3A_140, %dma_start3A_141] : memref<500000x128xf32, #tpu.memory_space<hbm>> -> memref<500000x128xf32, #tpu.memory_space<hbm>>
      tpu.enqueue_indirect_dma source(%dma_start3A_142 : memref<500000x128xf32, #tpu.memory_space<hbm>>) target(%dma_start3A_138 : memref<64x128xf32, #tpu.memory_space<vmem>>) offsets(%dma_start3A_139 : memref<64xi32, #tpu.memory_space<vmem>>) semaphore(%arg19 : memref<!tpu.dma_semaphore, #tpu.memory_space<semaphore_mem>>)
      %mul3A_143 = arith.constant 16 : i32
      %mul3A_144 = arith.muli %mul3A_143, %mul3A_79 : i32
      %dma_wait3A_145 = tpu.memref_slice %arg9[%mul3A_144] : memref<512xi32, #tpu.memory_space<vmem>> -> memref<16xi32, #tpu.memory_space<vmem>>
      %dma_wait3A_146 = arith.constant 0 : i32
      %dma_wait3A_147 = arith.constant 0 : i32
      %dma_wait3A_148 = tpu.memref_slice %arg4[%dma_wait3A_146, %dma_wait3A_147] : memref<500000x128xf32, #tpu.memory_space<hbm>> -> memref<500000x128xf32, #tpu.memory_space<hbm>>
      tpu.wait_indirect_dma semaphore(%arg18 : memref<!tpu.dma_semaphore, #tpu.memory_space<semaphore_mem>>) src(%dma_wait3A_148 : memref<500000x128xf32, #tpu.memory_space<hbm>>) dst(%arg11 : memref<16x128xf32, #tpu.memory_space<vmem>>)
      %mul3A_149 = arith.constant 320 : i32
      %mul3A_150 = arith.muli %mul3A_149, %mul3A_79 : i32
      %add3A_151 = arith.constant 0 : i32
      %add3A_152 = arith.addi %mul3A_150, %add3A_151 : i32
      %dma_wait3A_153 = arith.constant 0 : i32
      %dma_wait3A_154 = arith.constant 0 : i32
      %dma_wait3A_155 = tpu.memref_slice %arg13[%dma_wait3A_153, %dma_wait3A_154] : memref<320x128xf32, #tpu.memory_space<vmem>> -> memref<64x128xf32, #tpu.memory_space<vmem>>
      %dma_wait3A_156 = tpu.memref_slice %arg10[%add3A_152] : memref<10240xi32, #tpu.memory_space<vmem>> -> memref<64xi32, #tpu.memory_space<vmem>>
      %dma_wait3A_157 = arith.constant 0 : i32
      %dma_wait3A_158 = arith.constant 0 : i32
      %dma_wait3A_159 = tpu.memref_slice %arg5[%dma_wait3A_157, %dma_wait3A_158] : memref<500000x128xf32, #tpu.memory_space<hbm>> -> memref<500000x128xf32, #tpu.memory_space<hbm>>
      tpu.wait_indirect_dma semaphore(%arg18 : memref<!tpu.dma_semaphore, #tpu.memory_space<semaphore_mem>>) src(%dma_wait3A_159 : memref<500000x128xf32, #tpu.memory_space<hbm>>) dst(%dma_wait3A_155 : memref<64x128xf32, #tpu.memory_space<vmem>>)
      %mul3A_160 = arith.constant 320 : i32
      %mul3A_161 = arith.muli %mul3A_160, %mul3A_79 : i32
      %add3A_162 = arith.constant 64 : i32
      %add3A_163 = arith.addi %mul3A_161, %add3A_162 : i32
      %dma_wait3A_164 = arith.constant 64 : i32
      %dma_wait3A_165 = arith.constant 0 : i32
      %dma_wait3A_166 = tpu.memref_slice %arg13[%dma_wait3A_164, %dma_wait3A_165] : memref<320x128xf32, #tpu.memory_space<vmem>> -> memref<64x128xf32, #tpu.memory_space<vmem>>
      %dma_wait3A_167 = tpu.memref_slice %arg10[%add3A_163] : memref<10240xi32, #tpu.memory_space<vmem>> -> memref<64xi32, #tpu.memory_space<vmem>>
      %dma_wait3A_168 = arith.constant 0 : i32
      %dma_wait3A_169 = arith.constant 0 : i32
      %dma_wait3A_170 = tpu.memref_slice %arg5[%dma_wait3A_168, %dma_wait3A_169] : memref<500000x128xf32, #tpu.memory_space<hbm>> -> memref<500000x128xf32, #tpu.memory_space<hbm>>
      tpu.wait_indirect_dma semaphore(%arg18 : memref<!tpu.dma_semaphore, #tpu.memory_space<semaphore_mem>>) src(%dma_wait3A_170 : memref<500000x128xf32, #tpu.memory_space<hbm>>) dst(%dma_wait3A_166 : memref<64x128xf32, #tpu.memory_space<vmem>>)
      %mul3A_171 = arith.constant 320 : i32
      %mul3A_172 = arith.muli %mul3A_171, %mul3A_79 : i32
      %add3A_173 = arith.constant 128 : i32
      %add3A_174 = arith.addi %mul3A_172, %add3A_173 : i32
      %dma_wait3A_175 = arith.constant 128 : i32
      %dma_wait3A_176 = arith.constant 0 : i32
      %dma_wait3A_177 = tpu.memref_slice %arg13[%dma_wait3A_175, %dma_wait3A_176] : memref<320x128xf32, #tpu.memory_space<vmem>> -> memref<64x128xf32, #tpu.memory_space<vmem>>
      %dma_wait3A_178 = tpu.memref_slice %arg10[%add3A_174] : memref<10240xi32, #tpu.memory_space<vmem>> -> memref<64xi32, #tpu.memory_space<vmem>>
      %dma_wait3A_179 = arith.constant 0 : i32
      %dma_wait3A_180 = arith.constant 0 : i32
      %dma_wait3A_181 = tpu.memref_slice %arg5[%dma_wait3A_179, %dma_wait3A_180] : memref<500000x128xf32, #tpu.memory_space<hbm>> -> memref<500000x128xf32, #tpu.memory_space<hbm>>
      tpu.wait_indirect_dma semaphore(%arg18 : memref<!tpu.dma_semaphore, #tpu.memory_space<semaphore_mem>>) src(%dma_wait3A_181 : memref<500000x128xf32, #tpu.memory_space<hbm>>) dst(%dma_wait3A_177 : memref<64x128xf32, #tpu.memory_space<vmem>>)
      %mul3A_182 = arith.constant 320 : i32
      %mul3A_183 = arith.muli %mul3A_182, %mul3A_79 : i32
      %add3A_184 = arith.constant 192 : i32
      %add3A_185 = arith.addi %mul3A_183, %add3A_184 : i32
      %dma_wait3A_186 = arith.constant 192 : i32
      %dma_wait3A_187 = arith.constant 0 : i32
      %dma_wait3A_188 = tpu.memref_slice %arg13[%dma_wait3A_186, %dma_wait3A_187] : memref<320x128xf32, #tpu.memory_space<vmem>> -> memref<64x128xf32, #tpu.memory_space<vmem>>
      %dma_wait3A_189 = tpu.memref_slice %arg10[%add3A_185] : memref<10240xi32, #tpu.memory_space<vmem>> -> memref<64xi32, #tpu.memory_space<vmem>>
      %dma_wait3A_190 = arith.constant 0 : i32
      %dma_wait3A_191 = arith.constant 0 : i32
      %dma_wait3A_192 = tpu.memref_slice %arg5[%dma_wait3A_190, %dma_wait3A_191] : memref<500000x128xf32, #tpu.memory_space<hbm>> -> memref<500000x128xf32, #tpu.memory_space<hbm>>
      tpu.wait_indirect_dma semaphore(%arg18 : memref<!tpu.dma_semaphore, #tpu.memory_space<semaphore_mem>>) src(%dma_wait3A_192 : memref<500000x128xf32, #tpu.memory_space<hbm>>) dst(%dma_wait3A_188 : memref<64x128xf32, #tpu.memory_space<vmem>>)
      %mul3A_193 = arith.constant 320 : i32
      %mul3A_194 = arith.muli %mul3A_193, %mul3A_79 : i32
      %add3A_195 = arith.constant 256 : i32
      %add3A_196 = arith.addi %mul3A_194, %add3A_195 : i32
      %dma_wait3A_197 = arith.constant 256 : i32
      %dma_wait3A_198 = arith.constant 0 : i32
      %dma_wait3A_199 = tpu.memref_slice %arg13[%dma_wait3A_197, %dma_wait3A_198] : memref<320x128xf32, #tpu.memory_space<vmem>> -> memref<64x128xf32, #tpu.memory_space<vmem>>
      %dma_wait3A_200 = tpu.memref_slice %arg10[%add3A_196] : memref<10240xi32, #tpu.memory_space<vmem>> -> memref<64xi32, #tpu.memory_space<vmem>>
      %dma_wait3A_201 = arith.constant 0 : i32
      %dma_wait3A_202 = arith.constant 0 : i32
      %dma_wait3A_203 = tpu.memref_slice %arg5[%dma_wait3A_201, %dma_wait3A_202] : memref<500000x128xf32, #tpu.memory_space<hbm>> -> memref<500000x128xf32, #tpu.memory_space<hbm>>
      tpu.wait_indirect_dma semaphore(%arg18 : memref<!tpu.dma_semaphore, #tpu.memory_space<semaphore_mem>>) src(%dma_wait3A_203 : memref<500000x128xf32, #tpu.memory_space<hbm>>) dst(%dma_wait3A_199 : memref<64x128xf32, #tpu.memory_space<vmem>>)
      %ge3A = arith.constant 2 : i32
      %ge3A_204 = arith.cmpi sge, %mul3A_79, %ge3A : i32
      %convert_element_type3A = arith.extui %ge3A_204 : i1 to i32
      %cond3A = arith.constant 0 : i32
      %cond3A_205 = arith.cmpi ne, %convert_element_type3A, %cond3A : i32
      scf.if %cond3A_205 {
        %mul3A_306 = arith.constant 10240 : i32
        %mul3A_307 = arith.muli %add3A, %mul3A_306 : i32
        %sub3A = arith.constant 2 : i32
        %sub3A_308 = arith.subi %mul3A_79, %sub3A : i32
        %mul3A_309 = arith.constant 320 : i32
        %mul3A_310 = arith.muli %mul3A_309, %sub3A_308 : i32
        %add3A_311 = arith.addi %mul3A_307, %mul3A_310 : i32
        %dma_wait3A_312 = tpu.memref_slice %arg6[%add3A_311] : memref<327680xf32, #tpu.memory_space<hbm>> -> memref<320xf32, #tpu.memory_space<hbm>>
        %dma_wait3A_313 = tpu.memref_slice %arg6[%add3A_311] : memref<327680xf32, #tpu.memory_space<hbm>> -> memref<320xf32, #tpu.memory_space<hbm>>
        tpu.wait_dma2 semaphore(%arg20 : memref<!tpu.dma_semaphore, #tpu.memory_space<semaphore_mem>>) src(%arg16 : memref<320xf32, #tpu.memory_space<vmem>>) dst(%dma_wait3A_313 : memref<320xf32, #tpu.memory_space<hbm>>)
      } else {
      }
      %scan3A_206 = arith.constant 0 : i32
      %scan3A_207 = arith.constant 0 : i32
      %scan3A_208 = arith.constant 20 : i32
      %scan3A_209 = arith.addi %scan3A_207, %scan3A_208 : i32
      %scan3A_210 = arith.constant 1 : i32
      scf.for %scan3A_306 = %scan3A_207 to %scan3A_209 step %scan3A_210  : i32 {
        %mul3A_307 = arith.constant 16 : i32
        %mul3A_308 = arith.muli %mul3A_307, %scan3A_306 : i32
        %mul3A_309 = arith.constant 320 : i32
        %mul3A_310 = arith.muli %mul3A_309, %mul3A_79 : i32
        %add3A_311 = arith.addi %mul3A_310, %mul3A_308 : i32
        %get3A = arith.index_cast %add3A_311 : i32 to index
        %get3A_312 = tpu.vector_load %arg8[%get3A] {strides = array<i32>} : memref<10240xi32, #tpu.memory_space<vmem>>, vector<16xi32>,
        %and3A = arith.constant 1 : i32
        %and3A_313 = vector.broadcast %and3A : i32 to vector<16xi32>
        %and3A_314 = arith.andi %get3A_312, %and3A_313 : vector<16xi32>
        %mul3A_315 = arith.constant 64 : i32
        %mul3A_316 = vector.broadcast %mul3A_315 : i32 to vector<16xi32>
        %mul3A_317 = arith.muli %and3A_314, %mul3A_316 : vector<16xi32>
        %add3A_318 = vector.broadcast %mul3A_308 : i32 to vector<16xi32>
        %add3A_319 = arith.addi %add3A_318, %iota3A : vector<16xi32>
        %jit3A = arith.constant 20 : i32
        %div3A = vector.broadcast %jit3A : i32 to vector<16xi32>
        %div3A_320 = arith.divsi %add3A_319, %div3A : vector<16xi32>
        %sign3A = arith.constant 0 : i32
        %sign3A_321 = vector.broadcast %sign3A : i32 to vector<16xi32>
        %sign3A_322 = arith.cmpi sgt, %add3A_319, %sign3A_321 : vector<16xi32>
        %sign3A_323 = arith.extui %sign3A_322 : vector<16xi1> to vector<16xi32>
        %sign3A_324 = arith.constant 0 : i32
        %sign3A_325 = vector.broadcast %sign3A_324 : i32 to vector<16xi32>
        %sign3A_326 = arith.cmpi slt, %add3A_319, %sign3A_325 : vector<16xi32>
        %sign3A_327 = arith.extui %sign3A_326 : vector<16xi1> to vector<16xi32>
        %sign3A_328 = arith.subi %sign3A_323, %sign3A_327 : vector<16xi32>
        %sign3A_329 = arith.constant 0 : i32
        %sign3A_330 = arith.cmpi sgt, %jit3A, %sign3A_329 : i32
        %sign3A_331 = arith.extui %sign3A_330 : i1 to i32
        %sign3A_332 = arith.constant 0 : i32
        %sign3A_333 = arith.cmpi slt, %jit3A, %sign3A_332 : i32
        %sign3A_334 = arith.extui %sign3A_333 : i1 to i32
        %sign3A_335 = arith.subi %sign3A_331, %sign3A_334 : i32
        %ne3A = vector.broadcast %sign3A_335 : i32 to vector<16xi32>
        %ne3A_336 = arith.cmpi ne, %sign3A_328, %ne3A : vector<16xi32>
        %rem3A = vector.broadcast %jit3A : i32 to vector<16xi32>
        %rem3A_337 = arith.remsi %add3A_319, %rem3A : vector<16xi32>
        %ne3A_338 = arith.constant 0 : i32
        %ne3A_339 = vector.broadcast %ne3A_338 : i32 to vector<16xi32>
        %ne3A_340 = arith.cmpi ne, %rem3A_337, %ne3A_339 : vector<16xi32>
        %and3A_341 = arith.andi %ne3A_336, %ne3A_340 : vector<16xi1>
        %sub3A = arith.constant 1 : i32
        %sub3A_342 = vector.broadcast %sub3A : i32 to vector<16xi32>
        %sub3A_343 = arith.subi %div3A_320, %sub3A_342 : vector<16xi32>
        %select_n3A = arith.select %and3A_341, %sub3A_343, %div3A_320 : vector<16xi1>, vector<16xi32>
        %broadcast_in_dim3A = arith.constant 0 : i32
        %broadcast_in_dim3A_344 = vector.broadcast %broadcast_in_dim3A : i32 to vector<16xi32>
        %mul3A_345 = arith.constant 16 : i32
        %mul3A_346 = arith.muli %mul3A_345, %mul3A_79 : i32
        %add3A_347 = vector.broadcast %mul3A_346 : i32 to vector<16xi32>
        %add3A_348 = arith.addi %broadcast_in_dim3A_344, %add3A_347 : vector<16xi32>
        %add3A_349 = arith.addi %add3A_348, %select_n3A : vector<16xi32>
        %gather3A = tpu.vector_load_idx %arg7[%add3A_349] : memref<512xi32, #tpu.memory_space<vmem>>[vector<16xi32>], vector<16xi32>,
        %and3A_350 = arith.constant 1 : i32
        %and3A_351 = vector.broadcast %and3A_350 : i32 to vector<16xi32>
        %and3A_352 = arith.andi %gather3A, %and3A_351 : vector<16xi32>
        %mul3A_353 = arith.constant 64 : i32
        %mul3A_354 = vector.broadcast %mul3A_353 : i32 to vector<16xi32>
        %mul3A_355 = arith.muli %and3A_352, %mul3A_354 : vector<16xi32>
        %add3A_356 = arith.constant 0 : i32
        %add3A_357 = arith.addi %mul3A_308, %add3A_356 : i32
        %jit3A_358 = arith.constant 20 : i32
        %div3A_359 = arith.divsi %add3A_357, %jit3A_358 : i32
        %sign3A_360 = arith.constant 0 : i32
        %sign3A_361 = arith.cmpi sgt, %add3A_357, %sign3A_360 : i32
        %sign3A_362 = arith.extui %sign3A_361 : i1 to i32
        %sign3A_363 = arith.constant 0 : i32
        %sign3A_364 = arith.cmpi slt, %add3A_357, %sign3A_363 : i32
        %sign3A_365 = arith.extui %sign3A_364 : i1 to i32
        %sign3A_366 = arith.subi %sign3A_362, %sign3A_365 : i32
        %sign3A_367 = arith.constant 0 : i32
        %sign3A_368 = arith.cmpi sgt, %jit3A_358, %sign3A_367 : i32
        %sign3A_369 = arith.extui %sign3A_368 : i1 to i32
        %sign3A_370 = arith.constant 0 : i32
        %sign3A_371 = arith.cmpi slt, %jit3A_358, %sign3A_370 : i32
        %sign3A_372 = arith.extui %sign3A_371 : i1 to i32
        %sign3A_373 = arith.subi %sign3A_369, %sign3A_372 : i32
        %ne3A_374 = arith.cmpi ne, %sign3A_366, %sign3A_373 : i32
        %rem3A_375 = arith.remsi %add3A_357, %jit3A_358 : i32
        %ne3A_376 = arith.constant 0 : i32
        %ne3A_377 = arith.cmpi ne, %rem3A_375, %ne3A_376 : i32
        %and3A_378 = arith.andi %ne3A_374, %ne3A_377 : i1
        %sub3A_379 = arith.constant 1 : i32
        %sub3A_380 = arith.subi %div3A_359, %sub3A_379 : i32
        %select_n3A_381 = arith.select %and3A_378, %sub3A_380, %div3A_359 : i32
        %slice3A = vector.extract_strided_slice %mul3A_317 {offsets = [0], sizes = [1], strides = [1]} : vector<16xi32> to vector<1xi32>
        %squeeze3A = vector.extract %slice3A[0] : i32 from vector<1xi32>
        %slice3A_382 = vector.extract_strided_slice %mul3A_355 {offsets = [0], sizes = [1], strides = [1]} : vector<16xi32> to vector<1xi32>
        %squeeze3A_383 = vector.extract %slice3A_382[0] : i32 from vector<1xi32>
        %add3A_384 = arith.constant 0 : i32
        %add3A_385 = arith.addi %squeeze3A, %add3A_384 : i32
        %get3A_386 = arith.index_cast %add3A_357 : i32 to index
        %get3A_387 = arith.index_cast %add3A_385 : i32 to index
        %get3A_388 = tpu.vector_load %arg13[%get3A_386, %get3A_387] {strides = array<i32>} : memref<320x128xf32, #tpu.memory_space<vmem>>, vector<16xf32>,
        %add3A_389 = arith.constant 0 : i32
        %add3A_390 = arith.addi %squeeze3A_383, %add3A_389 : i32
        %get3A_391 = arith.index_cast %select_n3A_381 : i32 to index
        %get3A_392 = arith.index_cast %add3A_390 : i32 to index
        %get3A_393 = tpu.vector_load %arg11[%get3A_391, %get3A_392] {strides = array<i32>} : memref<16x128xf32, #tpu.memory_space<vmem>>, vector<16xf32>,
        %mul3A_394 = arith.mulf %get3A_388, %get3A_393 : vector<16xf32>
        %add3A_395 = arith.constant 16 : i32
        %add3A_396 = arith.addi %squeeze3A, %add3A_395 : i32
        %get3A_397 = arith.index_cast %add3A_357 : i32 to index
        %get3A_398 = arith.index_cast %add3A_396 : i32 to index
        %get3A_399 = tpu.vector_load %arg13[%get3A_397, %get3A_398] {strides = array<i32>} : memref<320x128xf32, #tpu.memory_space<vmem>>, vector<16xf32>,
        %add3A_400 = arith.constant 16 : i32
        %add3A_401 = arith.addi %squeeze3A_383, %add3A_400 : i32
        %get3A_402 = arith.index_cast %select_n3A_381 : i32 to index
        %get3A_403 = arith.index_cast %add3A_401 : i32 to index
        %get3A_404 = tpu.vector_load %arg11[%get3A_402, %get3A_403] {strides = array<i32>} : memref<16x128xf32, #tpu.memory_space<vmem>>, vector<16xf32>,
        %mul3A_405 = arith.mulf %get3A_399, %get3A_404 : vector<16xf32>
        %add3A_406 = arith.addf %mul3A_394, %mul3A_405 : vector<16xf32>
        %add3A_407 = arith.constant 32 : i32
        %add3A_408 = arith.addi %squeeze3A, %add3A_407 : i32
        %get3A_409 = arith.index_cast %add3A_357 : i32 to index
        %get3A_410 = arith.index_cast %add3A_408 : i32 to index
        %get3A_411 = tpu.vector_load %arg13[%get3A_409, %get3A_410] {strides = array<i32>} : memref<320x128xf32, #tpu.memory_space<vmem>>, vector<16xf32>,
        %add3A_412 = arith.constant 32 : i32
        %add3A_413 = arith.addi %squeeze3A_383, %add3A_412 : i32
        %get3A_414 = arith.index_cast %select_n3A_381 : i32 to index
        %get3A_415 = arith.index_cast %add3A_413 : i32 to index
        %get3A_416 = tpu.vector_load %arg11[%get3A_414, %get3A_415] {strides = array<i32>} : memref<16x128xf32, #tpu.memory_space<vmem>>, vector<16xf32>,
        %mul3A_417 = arith.mulf %get3A_411, %get3A_416 : vector<16xf32>
        %add3A_418 = arith.addf %add3A_406, %mul3A_417 : vector<16xf32>
        %add3A_419 = arith.constant 48 : i32
        %add3A_420 = arith.addi %squeeze3A, %add3A_419 : i32
        %get3A_421 = arith.index_cast %add3A_357 : i32 to index
        %get3A_422 = arith.index_cast %add3A_420 : i32 to index
        %get3A_423 = tpu.vector_load %arg13[%get3A_421, %get3A_422] {strides = array<i32>} : memref<320x128xf32, #tpu.memory_space<vmem>>, vector<16xf32>,
        %add3A_424 = arith.constant 48 : i32
        %add3A_425 = arith.addi %squeeze3A_383, %add3A_424 : i32
        %get3A_426 = arith.index_cast %select_n3A_381 : i32 to index
        %get3A_427 = arith.index_cast %add3A_425 : i32 to index
        %get3A_428 = tpu.vector_load %arg11[%get3A_426, %get3A_427] {strides = array<i32>} : memref<16x128xf32, #tpu.memory_space<vmem>>, vector<16xf32>,
        %mul3A_429 = arith.mulf %get3A_423, %get3A_428 : vector<16xf32>
        %add3A_430 = arith.addf %add3A_418, %mul3A_429 : vector<16xf32>
        %swap3A = arith.constant 0 : i32
        %swap3A_431 = arith.index_cast %swap3A : i32 to index
        %swap3A_432 = arith.constant 0 : index
        %swap3A_433 = tpu.vector_load %arg15[%swap3A_431, %swap3A_432] {strides = array<i32>} : memref<16x16xf32, #tpu.memory_space<vmem>>, vector<16xf32>,
        tpu.vector_store %arg15[%swap3A_431, %swap3A_432], %add3A_430 {strides = array<i32>} : memref<16x16xf32, #tpu.memory_space<vmem>>, vector<16xf32>,
        %add3A_434 = arith.constant 1 : i32
        %add3A_435 = arith.addi %mul3A_308, %add3A_434 : i32
        %jit3A_436 = arith.constant 20 : i32
        %div3A_437 = arith.divsi %add3A_435, %jit3A_436 : i32
        %sign3A_438 = arith.constant 0 : i32
        %sign3A_439 = arith.cmpi sgt, %add3A_435, %sign3A_438 : i32
        %sign3A_440 = arith.extui %sign3A_439 : i1 to i32
        %sign3A_441 = arith.constant 0 : i32
        %sign3A_442 = arith.cmpi slt, %add3A_435, %sign3A_441 : i32
        %sign3A_443 = arith.extui %sign3A_442 : i1 to i32
        %sign3A_444 = arith.subi %sign3A_440, %sign3A_443 : i32
        %sign3A_445 = arith.constant 0 : i32
        %sign3A_446 = arith.cmpi sgt, %jit3A_436, %sign3A_445 : i32
        %sign3A_447 = arith.extui %sign3A_446 : i1 to i32
        %sign3A_448 = arith.constant 0 : i32
        %sign3A_449 = arith.cmpi slt, %jit3A_436, %sign3A_448 : i32
        %sign3A_450 = arith.extui %sign3A_449 : i1 to i32
        %sign3A_451 = arith.subi %sign3A_447, %sign3A_450 : i32
        %ne3A_452 = arith.cmpi ne, %sign3A_444, %sign3A_451 : i32
        %rem3A_453 = arith.remsi %add3A_435, %jit3A_436 : i32
        %ne3A_454 = arith.constant 0 : i32
        %ne3A_455 = arith.cmpi ne, %rem3A_453, %ne3A_454 : i32
        %and3A_456 = arith.andi %ne3A_452, %ne3A_455 : i1
        %sub3A_457 = arith.constant 1 : i32
        %sub3A_458 = arith.subi %div3A_437, %sub3A_457 : i32
        %select_n3A_459 = arith.select %and3A_456, %sub3A_458, %div3A_437 : i32
        %slice3A_460 = vector.extract_strided_slice %mul3A_317 {offsets = [1], sizes = [1], strides = [1]} : vector<16xi32> to vector<1xi32>
        %squeeze3A_461 = vector.extract %slice3A_460[0] : i32 from vector<1xi32>
        %slice3A_462 = vector.extract_strided_slice %mul3A_355 {offsets = [1], sizes = [1], strides = [1]} : vector<16xi32> to vector<1xi32>
        %squeeze3A_463 = vector.extract %slice3A_462[0] : i32 from vector<1xi32>
        %add3A_464 = arith.constant 0 : i32
        %add3A_465 = arith.addi %squeeze3A_461, %add3A_464 : i32
        %get3A_466 = arith.index_cast %add3A_435 : i32 to index
        %get3A_467 = arith.index_cast %add3A_465 : i32 to index
        %get3A_468 = tpu.vector_load %arg13[%get3A_466, %get3A_467] {strides = array<i32>} : memref<320x128xf32, #tpu.memory_space<vmem>>, vector<16xf32>,
        %add3A_469 = arith.constant 0 : i32
        %add3A_470 = arith.addi %squeeze3A_463, %add3A_469 : i32
        %get3A_471 = arith.index_cast %select_n3A_459 : i32 to index
        %get3A_472 = arith.index_cast %add3A_470 : i32 to index
        %get3A_473 = tpu.vector_load %arg11[%get3A_471, %get3A_472] {strides = array<i32>} : memref<16x128xf32, #tpu.memory_space<vmem>>, vector<16xf32>,
        %mul3A_474 = arith.mulf %get3A_468, %get3A_473 : vector<16xf32>
        %add3A_475 = arith.constant 16 : i32
        %add3A_476 = arith.addi %squeeze3A_461, %add3A_475 : i32
        %get3A_477 = arith.index_cast %add3A_435 : i32 to index
        %get3A_478 = arith.index_cast %add3A_476 : i32 to index
        %get3A_479 = tpu.vector_load %arg13[%get3A_477, %get3A_478] {strides = array<i32>} : memref<320x128xf32, #tpu.memory_space<vmem>>, vector<16xf32>,
        %add3A_480 = arith.constant 16 : i32
        %add3A_481 = arith.addi %squeeze3A_463, %add3A_480 : i32
        %get3A_482 = arith.index_cast %select_n3A_459 : i32 to index
        %get3A_483 = arith.index_cast %add3A_481 : i32 to index
        %get3A_484 = tpu.vector_load %arg11[%get3A_482, %get3A_483] {strides = array<i32>} : memref<16x128xf32, #tpu.memory_space<vmem>>, vector<16xf32>,
        %mul3A_485 = arith.mulf %get3A_479, %get3A_484 : vector<16xf32>
        %add3A_486 = arith.addf %mul3A_474, %mul3A_485 : vector<16xf32>
        %add3A_487 = arith.constant 32 : i32
        %add3A_488 = arith.addi %squeeze3A_461, %add3A_487 : i32
        %get3A_489 = arith.index_cast %add3A_435 : i32 to index
        %get3A_490 = arith.index_cast %add3A_488 : i32 to index
        %get3A_491 = tpu.vector_load %arg13[%get3A_489, %get3A_490] {strides = array<i32>} : memref<320x128xf32, #tpu.memory_space<vmem>>, vector<16xf32>,
        %add3A_492 = arith.constant 32 : i32
        %add3A_493 = arith.addi %squeeze3A_463, %add3A_492 : i32
        %get3A_494 = arith.index_cast %select_n3A_459 : i32 to index
        %get3A_495 = arith.index_cast %add3A_493 : i32 to index
        %get3A_496 = tpu.vector_load %arg11[%get3A_494, %get3A_495] {strides = array<i32>} : memref<16x128xf32, #tpu.memory_space<vmem>>, vector<16xf32>,
        %mul3A_497 = arith.mulf %get3A_491, %get3A_496 : vector<16xf32>
        %add3A_498 = arith.addf %add3A_486, %mul3A_497 : vector<16xf32>
        %add3A_499 = arith.constant 48 : i32
        %add3A_500 = arith.addi %squeeze3A_461, %add3A_499 : i32
        %get3A_501 = arith.index_cast %add3A_435 : i32 to index
        %get3A_502 = arith.index_cast %add3A_500 : i32 to index
        %get3A_503 = tpu.vector_load %arg13[%get3A_501, %get3A_502] {strides = array<i32>} : memref<320x128xf32, #tpu.memory_space<vmem>>, vector<16xf32>,
        %add3A_504 = arith.constant 48 : i32
        %add3A_505 = arith.addi %squeeze3A_463, %add3A_504 : i32
        %get3A_506 = arith.index_cast %select_n3A_459 : i32 to index
        %get3A_507 = arith.index_cast %add3A_505 : i32 to index
        %get3A_508 = tpu.vector_load %arg11[%get3A_506, %get3A_507] {strides = array<i32>} : memref<16x128xf32, #tpu.memory_space<vmem>>, vector<16xf32>,
        %mul3A_509 = arith.mulf %get3A_503, %get3A_508 : vector<16xf32>
        %add3A_510 = arith.addf %add3A_498, %mul3A_509 : vector<16xf32>
        %swap3A_511 = arith.constant 1 : i32
        %swap3A_512 = arith.index_cast %swap3A_511 : i32 to index
        %swap3A_513 = arith.constant 0 : index
        %swap3A_514 = tpu.vector_load %arg15[%swap3A_512, %swap3A_513] {strides = array<i32>} : memref<16x16xf32, #tpu.memory_space<vmem>>, vector<16xf32>,
        tpu.vector_store %arg15[%swap3A_512, %swap3A_513], %add3A_510 {strides = array<i32>} : memref<16x16xf32, #tpu.memory_space<vmem>>, vector<16xf32>,
        %add3A_515 = arith.constant 2 : i32
        %add3A_516 = arith.addi %mul3A_308, %add3A_515 : i32
        %jit3A_517 = arith.constant 20 : i32
        %div3A_518 = arith.divsi %add3A_516, %jit3A_517 : i32
        %sign3A_519 = arith.constant 0 : i32
        %sign3A_520 = arith.cmpi sgt, %add3A_516, %sign3A_519 : i32
        %sign3A_521 = arith.extui %sign3A_520 : i1 to i32
        %sign3A_522 = arith.constant 0 : i32
        %sign3A_523 = arith.cmpi slt, %add3A_516, %sign3A_522 : i32
        %sign3A_524 = arith.extui %sign3A_523 : i1 to i32
        %sign3A_525 = arith.subi %sign3A_521, %sign3A_524 : i32
        %sign3A_526 = arith.constant 0 : i32
        %sign3A_527 = arith.cmpi sgt, %jit3A_517, %sign3A_526 : i32
        %sign3A_528 = arith.extui %sign3A_527 : i1 to i32
        %sign3A_529 = arith.constant 0 : i32
        %sign3A_530 = arith.cmpi slt, %jit3A_517, %sign3A_529 : i32
        %sign3A_531 = arith.extui %sign3A_530 : i1 to i32
        %sign3A_532 = arith.subi %sign3A_528, %sign3A_531 : i32
        %ne3A_533 = arith.cmpi ne, %sign3A_525, %sign3A_532 : i32
        %rem3A_534 = arith.remsi %add3A_516, %jit3A_517 : i32
        %ne3A_535 = arith.constant 0 : i32
        %ne3A_536 = arith.cmpi ne, %rem3A_534, %ne3A_535 : i32
        %and3A_537 = arith.andi %ne3A_533, %ne3A_536 : i1
        %sub3A_538 = arith.constant 1 : i32
        %sub3A_539 = arith.subi %div3A_518, %sub3A_538 : i32
        %select_n3A_540 = arith.select %and3A_537, %sub3A_539, %div3A_518 : i32
        %slice3A_541 = vector.extract_strided_slice %mul3A_317 {offsets = [2], sizes = [1], strides = [1]} : vector<16xi32> to vector<1xi32>
        %squeeze3A_542 = vector.extract %slice3A_541[0] : i32 from vector<1xi32>
        %slice3A_543 = vector.extract_strided_slice %mul3A_355 {offsets = [2], sizes = [1], strides = [1]} : vector<16xi32> to vector<1xi32>
        %squeeze3A_544 = vector.extract %slice3A_543[0] : i32 from vector<1xi32>
        %add3A_545 = arith.constant 0 : i32
        %add3A_546 = arith.addi %squeeze3A_542, %add3A_545 : i32
        %get3A_547 = arith.index_cast %add3A_516 : i32 to index
        %get3A_548 = arith.index_cast %add3A_546 : i32 to index
        %get3A_549 = tpu.vector_load %arg13[%get3A_547, %get3A_548] {strides = array<i32>} : memref<320x128xf32, #tpu.memory_space<vmem>>, vector<16xf32>,
        %add3A_550 = arith.constant 0 : i32
        %add3A_551 = arith.addi %squeeze3A_544, %add3A_550 : i32
        %get3A_552 = arith.index_cast %select_n3A_540 : i32 to index
        %get3A_553 = arith.index_cast %add3A_551 : i32 to index
        %get3A_554 = tpu.vector_load %arg11[%get3A_552, %get3A_553] {strides = array<i32>} : memref<16x128xf32, #tpu.memory_space<vmem>>, vector<16xf32>,
        %mul3A_555 = arith.mulf %get3A_549, %get3A_554 : vector<16xf32>
        %add3A_556 = arith.constant 16 : i32
        %add3A_557 = arith.addi %squeeze3A_542, %add3A_556 : i32
        %get3A_558 = arith.index_cast %add3A_516 : i32 to index
        %get3A_559 = arith.index_cast %add3A_557 : i32 to index
        %get3A_560 = tpu.vector_load %arg13[%get3A_558, %get3A_559] {strides = array<i32>} : memref<320x128xf32, #tpu.memory_space<vmem>>, vector<16xf32>,
        %add3A_561 = arith.constant 16 : i32
        %add3A_562 = arith.addi %squeeze3A_544, %add3A_561 : i32
        %get3A_563 = arith.index_cast %select_n3A_540 : i32 to index
        %get3A_564 = arith.index_cast %add3A_562 : i32 to index
        %get3A_565 = tpu.vector_load %arg11[%get3A_563, %get3A_564] {strides = array<i32>} : memref<16x128xf32, #tpu.memory_space<vmem>>, vector<16xf32>,
        %mul3A_566 = arith.mulf %get3A_560, %get3A_565 : vector<16xf32>
        %add3A_567 = arith.addf %mul3A_555, %mul3A_566 : vector<16xf32>
        %add3A_568 = arith.constant 32 : i32
        %add3A_569 = arith.addi %squeeze3A_542, %add3A_568 : i32
        %get3A_570 = arith.index_cast %add3A_516 : i32 to index
        %get3A_571 = arith.index_cast %add3A_569 : i32 to index
        %get3A_572 = tpu.vector_load %arg13[%get3A_570, %get3A_571] {strides = array<i32>} : memref<320x128xf32, #tpu.memory_space<vmem>>, vector<16xf32>,
        %add3A_573 = arith.constant 32 : i32
        %add3A_574 = arith.addi %squeeze3A_544, %add3A_573 : i32
        %get3A_575 = arith.index_cast %select_n3A_540 : i32 to index
        %get3A_576 = arith.index_cast %add3A_574 : i32 to index
        %get3A_577 = tpu.vector_load %arg11[%get3A_575, %get3A_576] {strides = array<i32>} : memref<16x128xf32, #tpu.memory_space<vmem>>, vector<16xf32>,
        %mul3A_578 = arith.mulf %get3A_572, %get3A_577 : vector<16xf32>
        %add3A_579 = arith.addf %add3A_567, %mul3A_578 : vector<16xf32>
        %add3A_580 = arith.constant 48 : i32
        %add3A_581 = arith.addi %squeeze3A_542, %add3A_580 : i32
        %get3A_582 = arith.index_cast %add3A_516 : i32 to index
        %get3A_583 = arith.index_cast %add3A_581 : i32 to index
        %get3A_584 = tpu.vector_load %arg13[%get3A_582, %get3A_583] {strides = array<i32>} : memref<320x128xf32, #tpu.memory_space<vmem>>, vector<16xf32>,
        %add3A_585 = arith.constant 48 : i32
        %add3A_586 = arith.addi %squeeze3A_544, %add3A_585 : i32
        %get3A_587 = arith.index_cast %select_n3A_540 : i32 to index
        %get3A_588 = arith.index_cast %add3A_586 : i32 to index
        %get3A_589 = tpu.vector_load %arg11[%get3A_587, %get3A_588] {strides = array<i32>} : memref<16x128xf32, #tpu.memory_space<vmem>>, vector<16xf32>,
        %mul3A_590 = arith.mulf %get3A_584, %get3A_589 : vector<16xf32>
        %add3A_591 = arith.addf %add3A_579, %mul3A_590 : vector<16xf32>
        %swap3A_592 = arith.constant 2 : i32
        %swap3A_593 = arith.index_cast %swap3A_592 : i32 to index
        %swap3A_594 = arith.constant 0 : index
        %swap3A_595 = tpu.vector_load %arg15[%swap3A_593, %swap3A_594] {strides = array<i32>} : memref<16x16xf32, #tpu.memory_space<vmem>>, vector<16xf32>,
        tpu.vector_store %arg15[%swap3A_593, %swap3A_594], %add3A_591 {strides = array<i32>} : memref<16x16xf32, #tpu.memory_space<vmem>>, vector<16xf32>,
        %add3A_596 = arith.constant 3 : i32
        %add3A_597 = arith.addi %mul3A_308, %add3A_596 : i32
        %jit3A_598 = arith.constant 20 : i32
        %div3A_599 = arith.divsi %add3A_597, %jit3A_598 : i32
        %sign3A_600 = arith.constant 0 : i32
        %sign3A_601 = arith.cmpi sgt, %add3A_597, %sign3A_600 : i32
        %sign3A_602 = arith.extui %sign3A_601 : i1 to i32
        %sign3A_603 = arith.constant 0 : i32
        %sign3A_604 = arith.cmpi slt, %add3A_597, %sign3A_603 : i32
        %sign3A_605 = arith.extui %sign3A_604 : i1 to i32
        %sign3A_606 = arith.subi %sign3A_602, %sign3A_605 : i32
        %sign3A_607 = arith.constant 0 : i32
        %sign3A_608 = arith.cmpi sgt, %jit3A_598, %sign3A_607 : i32
        %sign3A_609 = arith.extui %sign3A_608 : i1 to i32
        %sign3A_610 = arith.constant 0 : i32
        %sign3A_611 = arith.cmpi slt, %jit3A_598, %sign3A_610 : i32
        %sign3A_612 = arith.extui %sign3A_611 : i1 to i32
        %sign3A_613 = arith.subi %sign3A_609, %sign3A_612 : i32
        %ne3A_614 = arith.cmpi ne, %sign3A_606, %sign3A_613 : i32
        %rem3A_615 = arith.remsi %add3A_597, %jit3A_598 : i32
        %ne3A_616 = arith.constant 0 : i32
        %ne3A_617 = arith.cmpi ne, %rem3A_615, %ne3A_616 : i32
        %and3A_618 = arith.andi %ne3A_614, %ne3A_617 : i1
        %sub3A_619 = arith.constant 1 : i32
        %sub3A_620 = arith.subi %div3A_599, %sub3A_619 : i32
        %select_n3A_621 = arith.select %and3A_618, %sub3A_620, %div3A_599 : i32
        %slice3A_622 = vector.extract_strided_slice %mul3A_317 {offsets = [3], sizes = [1], strides = [1]} : vector<16xi32> to vector<1xi32>
        %squeeze3A_623 = vector.extract %slice3A_622[0] : i32 from vector<1xi32>
        %slice3A_624 = vector.extract_strided_slice %mul3A_355 {offsets = [3], sizes = [1], strides = [1]} : vector<16xi32> to vector<1xi32>
        %squeeze3A_625 = vector.extract %slice3A_624[0] : i32 from vector<1xi32>
        %add3A_626 = arith.constant 0 : i32
        %add3A_627 = arith.addi %squeeze3A_623, %add3A_626 : i32
        %get3A_628 = arith.index_cast %add3A_597 : i32 to index
        %get3A_629 = arith.index_cast %add3A_627 : i32 to index
        %get3A_630 = tpu.vector_load %arg13[%get3A_628, %get3A_629] {strides = array<i32>} : memref<320x128xf32, #tpu.memory_space<vmem>>, vector<16xf32>,
        %add3A_631 = arith.constant 0 : i32
        %add3A_632 = arith.addi %squeeze3A_625, %add3A_631 : i32
        %get3A_633 = arith.index_cast %select_n3A_621 : i32 to index
        %get3A_634 = arith.index_cast %add3A_632 : i32 to index
        %get3A_635 = tpu.vector_load %arg11[%get3A_633, %get3A_634] {strides = array<i32>} : memref<16x128xf32, #tpu.memory_space<vmem>>, vector<16xf32>,
        %mul3A_636 = arith.mulf %get3A_630, %get3A_635 : vector<16xf32>
        %add3A_637 = arith.constant 16 : i32
        %add3A_638 = arith.addi %squeeze3A_623, %add3A_637 : i32
        %get3A_639 = arith.index_cast %add3A_597 : i32 to index
        %get3A_640 = arith.index_cast %add3A_638 : i32 to index
        %get3A_641 = tpu.vector_load %arg13[%get3A_639, %get3A_640] {strides = array<i32>} : memref<320x128xf32, #tpu.memory_space<vmem>>, vector<16xf32>,
        %add3A_642 = arith.constant 16 : i32
        %add3A_643 = arith.addi %squeeze3A_625, %add3A_642 : i32
        %get3A_644 = arith.index_cast %select_n3A_621 : i32 to index
        %get3A_645 = arith.index_cast %add3A_643 : i32 to index
        %get3A_646 = tpu.vector_load %arg11[%get3A_644, %get3A_645] {strides = array<i32>} : memref<16x128xf32, #tpu.memory_space<vmem>>, vector<16xf32>,
        %mul3A_647 = arith.mulf %get3A_641, %get3A_646 : vector<16xf32>
        %add3A_648 = arith.addf %mul3A_636, %mul3A_647 : vector<16xf32>
        %add3A_649 = arith.constant 32 : i32
        %add3A_650 = arith.addi %squeeze3A_623, %add3A_649 : i32
        %get3A_651 = arith.index_cast %add3A_597 : i32 to index
        %get3A_652 = arith.index_cast %add3A_650 : i32 to index
        %get3A_653 = tpu.vector_load %arg13[%get3A_651, %get3A_652] {strides = array<i32>} : memref<320x128xf32, #tpu.memory_space<vmem>>, vector<16xf32>,
        %add3A_654 = arith.constant 32 : i32
        %add3A_655 = arith.addi %squeeze3A_625, %add3A_654 : i32
        %get3A_656 = arith.index_cast %select_n3A_621 : i32 to index
        %get3A_657 = arith.index_cast %add3A_655 : i32 to index
        %get3A_658 = tpu.vector_load %arg11[%get3A_656, %get3A_657] {strides = array<i32>} : memref<16x128xf32, #tpu.memory_space<vmem>>, vector<16xf32>,
        %mul3A_659 = arith.mulf %get3A_653, %get3A_658 : vector<16xf32>
        %add3A_660 = arith.addf %add3A_648, %mul3A_659 : vector<16xf32>
        %add3A_661 = arith.constant 48 : i32
        %add3A_662 = arith.addi %squeeze3A_623, %add3A_661 : i32
        %get3A_663 = arith.index_cast %add3A_597 : i32 to index
        %get3A_664 = arith.index_cast %add3A_662 : i32 to index
        %get3A_665 = tpu.vector_load %arg13[%get3A_663, %get3A_664] {strides = array<i32>} : memref<320x128xf32, #tpu.memory_space<vmem>>, vector<16xf32>,
        %add3A_666 = arith.constant 48 : i32
        %add3A_667 = arith.addi %squeeze3A_625, %add3A_666 : i32
        %get3A_668 = arith.index_cast %select_n3A_621 : i32 to index
        %get3A_669 = arith.index_cast %add3A_667 : i32 to index
        %get3A_670 = tpu.vector_load %arg11[%get3A_668, %get3A_669] {strides = array<i32>} : memref<16x128xf32, #tpu.memory_space<vmem>>, vector<16xf32>,
        %mul3A_671 = arith.mulf %get3A_665, %get3A_670 : vector<16xf32>
        %add3A_672 = arith.addf %add3A_660, %mul3A_671 : vector<16xf32>
        %swap3A_673 = arith.constant 3 : i32
        %swap3A_674 = arith.index_cast %swap3A_673 : i32 to index
        %swap3A_675 = arith.constant 0 : index
        %swap3A_676 = tpu.vector_load %arg15[%swap3A_674, %swap3A_675] {strides = array<i32>} : memref<16x16xf32, #tpu.memory_space<vmem>>, vector<16xf32>,
        tpu.vector_store %arg15[%swap3A_674, %swap3A_675], %add3A_672 {strides = array<i32>} : memref<16x16xf32, #tpu.memory_space<vmem>>, vector<16xf32>,
        %add3A_677 = arith.constant 4 : i32
        %add3A_678 = arith.addi %mul3A_308, %add3A_677 : i32
        %jit3A_679 = arith.constant 20 : i32
        %div3A_680 = arith.divsi %add3A_678, %jit3A_679 : i32
        %sign3A_681 = arith.constant 0 : i32
        %sign3A_682 = arith.cmpi sgt, %add3A_678, %sign3A_681 : i32
        %sign3A_683 = arith.extui %sign3A_682 : i1 to i32
        %sign3A_684 = arith.constant 0 : i32
        %sign3A_685 = arith.cmpi slt, %add3A_678, %sign3A_684 : i32
        %sign3A_686 = arith.extui %sign3A_685 : i1 to i32
        %sign3A_687 = arith.subi %sign3A_683, %sign3A_686 : i32
        %sign3A_688 = arith.constant 0 : i32
        %sign3A_689 = arith.cmpi sgt, %jit3A_679, %sign3A_688 : i32
        %sign3A_690 = arith.extui %sign3A_689 : i1 to i32
        %sign3A_691 = arith.constant 0 : i32
        %sign3A_692 = arith.cmpi slt, %jit3A_679, %sign3A_691 : i32
        %sign3A_693 = arith.extui %sign3A_692 : i1 to i32
        %sign3A_694 = arith.subi %sign3A_690, %sign3A_693 : i32
        %ne3A_695 = arith.cmpi ne, %sign3A_687, %sign3A_694 : i32
        %rem3A_696 = arith.remsi %add3A_678, %jit3A_679 : i32
        %ne3A_697 = arith.constant 0 : i32
        %ne3A_698 = arith.cmpi ne, %rem3A_696, %ne3A_697 : i32
        %and3A_699 = arith.andi %ne3A_695, %ne3A_698 : i1
        %sub3A_700 = arith.constant 1 : i32
        %sub3A_701 = arith.subi %div3A_680, %sub3A_700 : i32
        %select_n3A_702 = arith.select %and3A_699, %sub3A_701, %div3A_680 : i32
        %slice3A_703 = vector.extract_strided_slice %mul3A_317 {offsets = [4], sizes = [1], strides = [1]} : vector<16xi32> to vector<1xi32>
        %squeeze3A_704 = vector.extract %slice3A_703[0] : i32 from vector<1xi32>
        %slice3A_705 = vector.extract_strided_slice %mul3A_355 {offsets = [4], sizes = [1], strides = [1]} : vector<16xi32> to vector<1xi32>
        %squeeze3A_706 = vector.extract %slice3A_705[0] : i32 from vector<1xi32>
        %add3A_707 = arith.constant 0 : i32
        %add3A_708 = arith.addi %squeeze3A_704, %add3A_707 : i32
        %get3A_709 = arith.index_cast %add3A_678 : i32 to index
        %get3A_710 = arith.index_cast %add3A_708 : i32 to index
        %get3A_711 = tpu.vector_load %arg13[%get3A_709, %get3A_710] {strides = array<i32>} : memref<320x128xf32, #tpu.memory_space<vmem>>, vector<16xf32>,
        %add3A_712 = arith.constant 0 : i32
        %add3A_713 = arith.addi %squeeze3A_706, %add3A_712 : i32
        %get3A_714 = arith.index_cast %select_n3A_702 : i32 to index
        %get3A_715 = arith.index_cast %add3A_713 : i32 to index
        %get3A_716 = tpu.vector_load %arg11[%get3A_714, %get3A_715] {strides = array<i32>} : memref<16x128xf32, #tpu.memory_space<vmem>>, vector<16xf32>,
        %mul3A_717 = arith.mulf %get3A_711, %get3A_716 : vector<16xf32>
        %add3A_718 = arith.constant 16 : i32
        %add3A_719 = arith.addi %squeeze3A_704, %add3A_718 : i32
        %get3A_720 = arith.index_cast %add3A_678 : i32 to index
        %get3A_721 = arith.index_cast %add3A_719 : i32 to index
        %get3A_722 = tpu.vector_load %arg13[%get3A_720, %get3A_721] {strides = array<i32>} : memref<320x128xf32, #tpu.memory_space<vmem>>, vector<16xf32>,
        %add3A_723 = arith.constant 16 : i32
        %add3A_724 = arith.addi %squeeze3A_706, %add3A_723 : i32
        %get3A_725 = arith.index_cast %select_n3A_702 : i32 to index
        %get3A_726 = arith.index_cast %add3A_724 : i32 to index
        %get3A_727 = tpu.vector_load %arg11[%get3A_725, %get3A_726] {strides = array<i32>} : memref<16x128xf32, #tpu.memory_space<vmem>>, vector<16xf32>,
        %mul3A_728 = arith.mulf %get3A_722, %get3A_727 : vector<16xf32>
        %add3A_729 = arith.addf %mul3A_717, %mul3A_728 : vector<16xf32>
        %add3A_730 = arith.constant 32 : i32
        %add3A_731 = arith.addi %squeeze3A_704, %add3A_730 : i32
        %get3A_732 = arith.index_cast %add3A_678 : i32 to index
        %get3A_733 = arith.index_cast %add3A_731 : i32 to index
        %get3A_734 = tpu.vector_load %arg13[%get3A_732, %get3A_733] {strides = array<i32>} : memref<320x128xf32, #tpu.memory_space<vmem>>, vector<16xf32>,
        %add3A_735 = arith.constant 32 : i32
        %add3A_736 = arith.addi %squeeze3A_706, %add3A_735 : i32
        %get3A_737 = arith.index_cast %select_n3A_702 : i32 to index
        %get3A_738 = arith.index_cast %add3A_736 : i32 to index
        %get3A_739 = tpu.vector_load %arg11[%get3A_737, %get3A_738] {strides = array<i32>} : memref<16x128xf32, #tpu.memory_space<vmem>>, vector<16xf32>,
        %mul3A_740 = arith.mulf %get3A_734, %get3A_739 : vector<16xf32>
        %add3A_741 = arith.addf %add3A_729, %mul3A_740 : vector<16xf32>
        %add3A_742 = arith.constant 48 : i32
        %add3A_743 = arith.addi %squeeze3A_704, %add3A_742 : i32
        %get3A_744 = arith.index_cast %add3A_678 : i32 to index
        %get3A_745 = arith.index_cast %add3A_743 : i32 to index
        %get3A_746 = tpu.vector_load %arg13[%get3A_744, %get3A_745] {strides = array<i32>} : memref<320x128xf32, #tpu.memory_space<vmem>>, vector<16xf32>,
        %add3A_747 = arith.constant 48 : i32
        %add3A_748 = arith.addi %squeeze3A_706, %add3A_747 : i32
        %get3A_749 = arith.index_cast %select_n3A_702 : i32 to index
        %get3A_750 = arith.index_cast %add3A_748 : i32 to index
        %get3A_751 = tpu.vector_load %arg11[%get3A_749, %get3A_750] {strides = array<i32>} : memref<16x128xf32, #tpu.memory_space<vmem>>, vector<16xf32>,
        %mul3A_752 = arith.mulf %get3A_746, %get3A_751 : vector<16xf32>
        %add3A_753 = arith.addf %add3A_741, %mul3A_752 : vector<16xf32>
        %swap3A_754 = arith.constant 4 : i32
        %swap3A_755 = arith.index_cast %swap3A_754 : i32 to index
        %swap3A_756 = arith.constant 0 : index
        %swap3A_757 = tpu.vector_load %arg15[%swap3A_755, %swap3A_756] {strides = array<i32>} : memref<16x16xf32, #tpu.memory_space<vmem>>, vector<16xf32>,
        tpu.vector_store %arg15[%swap3A_755, %swap3A_756], %add3A_753 {strides = array<i32>} : memref<16x16xf32, #tpu.memory_space<vmem>>, vector<16xf32>,
        %add3A_758 = arith.constant 5 : i32
        %add3A_759 = arith.addi %mul3A_308, %add3A_758 : i32
        %jit3A_760 = arith.constant 20 : i32
        %div3A_761 = arith.divsi %add3A_759, %jit3A_760 : i32
        %sign3A_762 = arith.constant 0 : i32
        %sign3A_763 = arith.cmpi sgt, %add3A_759, %sign3A_762 : i32
        %sign3A_764 = arith.extui %sign3A_763 : i1 to i32
        %sign3A_765 = arith.constant 0 : i32
        %sign3A_766 = arith.cmpi slt, %add3A_759, %sign3A_765 : i32
        %sign3A_767 = arith.extui %sign3A_766 : i1 to i32
        %sign3A_768 = arith.subi %sign3A_764, %sign3A_767 : i32
        %sign3A_769 = arith.constant 0 : i32
        %sign3A_770 = arith.cmpi sgt, %jit3A_760, %sign3A_769 : i32
        %sign3A_771 = arith.extui %sign3A_770 : i1 to i32
        %sign3A_772 = arith.constant 0 : i32
        %sign3A_773 = arith.cmpi slt, %jit3A_760, %sign3A_772 : i32
        %sign3A_774 = arith.extui %sign3A_773 : i1 to i32
        %sign3A_775 = arith.subi %sign3A_771, %sign3A_774 : i32
        %ne3A_776 = arith.cmpi ne, %sign3A_768, %sign3A_775 : i32
        %rem3A_777 = arith.remsi %add3A_759, %jit3A_760 : i32
        %ne3A_778 = arith.constant 0 : i32
        %ne3A_779 = arith.cmpi ne, %rem3A_777, %ne3A_778 : i32
        %and3A_780 = arith.andi %ne3A_776, %ne3A_779 : i1
        %sub3A_781 = arith.constant 1 : i32
        %sub3A_782 = arith.subi %div3A_761, %sub3A_781 : i32
        %select_n3A_783 = arith.select %and3A_780, %sub3A_782, %div3A_761 : i32
        %slice3A_784 = vector.extract_strided_slice %mul3A_317 {offsets = [5], sizes = [1], strides = [1]} : vector<16xi32> to vector<1xi32>
        %squeeze3A_785 = vector.extract %slice3A_784[0] : i32 from vector<1xi32>
        %slice3A_786 = vector.extract_strided_slice %mul3A_355 {offsets = [5], sizes = [1], strides = [1]} : vector<16xi32> to vector<1xi32>
        %squeeze3A_787 = vector.extract %slice3A_786[0] : i32 from vector<1xi32>
        %add3A_788 = arith.constant 0 : i32
        %add3A_789 = arith.addi %squeeze3A_785, %add3A_788 : i32
        %get3A_790 = arith.index_cast %add3A_759 : i32 to index
        %get3A_791 = arith.index_cast %add3A_789 : i32 to index
        %get3A_792 = tpu.vector_load %arg13[%get3A_790, %get3A_791] {strides = array<i32>} : memref<320x128xf32, #tpu.memory_space<vmem>>, vector<16xf32>,
        %add3A_793 = arith.constant 0 : i32
        %add3A_794 = arith.addi %squeeze3A_787, %add3A_793 : i32
        %get3A_795 = arith.index_cast %select_n3A_783 : i32 to index
        %get3A_796 = arith.index_cast %add3A_794 : i32 to index
        %get3A_797 = tpu.vector_load %arg11[%get3A_795, %get3A_796] {strides = array<i32>} : memref<16x128xf32, #tpu.memory_space<vmem>>, vector<16xf32>,
        %mul3A_798 = arith.mulf %get3A_792, %get3A_797 : vector<16xf32>
        %add3A_799 = arith.constant 16 : i32
        %add3A_800 = arith.addi %squeeze3A_785, %add3A_799 : i32
        %get3A_801 = arith.index_cast %add3A_759 : i32 to index
        %get3A_802 = arith.index_cast %add3A_800 : i32 to index
        %get3A_803 = tpu.vector_load %arg13[%get3A_801, %get3A_802] {strides = array<i32>} : memref<320x128xf32, #tpu.memory_space<vmem>>, vector<16xf32>,
        %add3A_804 = arith.constant 16 : i32
        %add3A_805 = arith.addi %squeeze3A_787, %add3A_804 : i32
        %get3A_806 = arith.index_cast %select_n3A_783 : i32 to index
        %get3A_807 = arith.index_cast %add3A_805 : i32 to index
        %get3A_808 = tpu.vector_load %arg11[%get3A_806, %get3A_807] {strides = array<i32>} : memref<16x128xf32, #tpu.memory_space<vmem>>, vector<16xf32>,
        %mul3A_809 = arith.mulf %get3A_803, %get3A_808 : vector<16xf32>
        %add3A_810 = arith.addf %mul3A_798, %mul3A_809 : vector<16xf32>
        %add3A_811 = arith.constant 32 : i32
        %add3A_812 = arith.addi %squeeze3A_785, %add3A_811 : i32
        %get3A_813 = arith.index_cast %add3A_759 : i32 to index
        %get3A_814 = arith.index_cast %add3A_812 : i32 to index
        %get3A_815 = tpu.vector_load %arg13[%get3A_813, %get3A_814] {strides = array<i32>} : memref<320x128xf32, #tpu.memory_space<vmem>>, vector<16xf32>,
        %add3A_816 = arith.constant 32 : i32
        %add3A_817 = arith.addi %squeeze3A_787, %add3A_816 : i32
        %get3A_818 = arith.index_cast %select_n3A_783 : i32 to index
        %get3A_819 = arith.index_cast %add3A_817 : i32 to index
        %get3A_820 = tpu.vector_load %arg11[%get3A_818, %get3A_819] {strides = array<i32>} : memref<16x128xf32, #tpu.memory_space<vmem>>, vector<16xf32>,
        %mul3A_821 = arith.mulf %get3A_815, %get3A_820 : vector<16xf32>
        %add3A_822 = arith.addf %add3A_810, %mul3A_821 : vector<16xf32>
        %add3A_823 = arith.constant 48 : i32
        %add3A_824 = arith.addi %squeeze3A_785, %add3A_823 : i32
        %get3A_825 = arith.index_cast %add3A_759 : i32 to index
        %get3A_826 = arith.index_cast %add3A_824 : i32 to index
        %get3A_827 = tpu.vector_load %arg13[%get3A_825, %get3A_826] {strides = array<i32>} : memref<320x128xf32, #tpu.memory_space<vmem>>, vector<16xf32>,
        %add3A_828 = arith.constant 48 : i32
        %add3A_829 = arith.addi %squeeze3A_787, %add3A_828 : i32
        %get3A_830 = arith.index_cast %select_n3A_783 : i32 to index
        %get3A_831 = arith.index_cast %add3A_829 : i32 to index
        %get3A_832 = tpu.vector_load %arg11[%get3A_830, %get3A_831] {strides = array<i32>} : memref<16x128xf32, #tpu.memory_space<vmem>>, vector<16xf32>,
        %mul3A_833 = arith.mulf %get3A_827, %get3A_832 : vector<16xf32>
        %add3A_834 = arith.addf %add3A_822, %mul3A_833 : vector<16xf32>
        %swap3A_835 = arith.constant 5 : i32
        %swap3A_836 = arith.index_cast %swap3A_835 : i32 to index
        %swap3A_837 = arith.constant 0 : index
        %swap3A_838 = tpu.vector_load %arg15[%swap3A_836, %swap3A_837] {strides = array<i32>} : memref<16x16xf32, #tpu.memory_space<vmem>>, vector<16xf32>,
        tpu.vector_store %arg15[%swap3A_836, %swap3A_837], %add3A_834 {strides = array<i32>} : memref<16x16xf32, #tpu.memory_space<vmem>>, vector<16xf32>,
        %add3A_839 = arith.constant 6 : i32
        %add3A_840 = arith.addi %mul3A_308, %add3A_839 : i32
        %jit3A_841 = arith.constant 20 : i32
        %div3A_842 = arith.divsi %add3A_840, %jit3A_841 : i32
        %sign3A_843 = arith.constant 0 : i32
        %sign3A_844 = arith.cmpi sgt, %add3A_840, %sign3A_843 : i32
        %sign3A_845 = arith.extui %sign3A_844 : i1 to i32
        %sign3A_846 = arith.constant 0 : i32
        %sign3A_847 = arith.cmpi slt, %add3A_840, %sign3A_846 : i32
        %sign3A_848 = arith.extui %sign3A_847 : i1 to i32
        %sign3A_849 = arith.subi %sign3A_845, %sign3A_848 : i32
        %sign3A_850 = arith.constant 0 : i32
        %sign3A_851 = arith.cmpi sgt, %jit3A_841, %sign3A_850 : i32
        %sign3A_852 = arith.extui %sign3A_851 : i1 to i32
        %sign3A_853 = arith.constant 0 : i32
        %sign3A_854 = arith.cmpi slt, %jit3A_841, %sign3A_853 : i32
        %sign3A_855 = arith.extui %sign3A_854 : i1 to i32
        %sign3A_856 = arith.subi %sign3A_852, %sign3A_855 : i32
        %ne3A_857 = arith.cmpi ne, %sign3A_849, %sign3A_856 : i32
        %rem3A_858 = arith.remsi %add3A_840, %jit3A_841 : i32
        %ne3A_859 = arith.constant 0 : i32
        %ne3A_860 = arith.cmpi ne, %rem3A_858, %ne3A_859 : i32
        %and3A_861 = arith.andi %ne3A_857, %ne3A_860 : i1
        %sub3A_862 = arith.constant 1 : i32
        %sub3A_863 = arith.subi %div3A_842, %sub3A_862 : i32
        %select_n3A_864 = arith.select %and3A_861, %sub3A_863, %div3A_842 : i32
        %slice3A_865 = vector.extract_strided_slice %mul3A_317 {offsets = [6], sizes = [1], strides = [1]} : vector<16xi32> to vector<1xi32>
        %squeeze3A_866 = vector.extract %slice3A_865[0] : i32 from vector<1xi32>
        %slice3A_867 = vector.extract_strided_slice %mul3A_355 {offsets = [6], sizes = [1], strides = [1]} : vector<16xi32> to vector<1xi32>
        %squeeze3A_868 = vector.extract %slice3A_867[0] : i32 from vector<1xi32>
        %add3A_869 = arith.constant 0 : i32
        %add3A_870 = arith.addi %squeeze3A_866, %add3A_869 : i32
        %get3A_871 = arith.index_cast %add3A_840 : i32 to index
        %get3A_872 = arith.index_cast %add3A_870 : i32 to index
        %get3A_873 = tpu.vector_load %arg13[%get3A_871, %get3A_872] {strides = array<i32>} : memref<320x128xf32, #tpu.memory_space<vmem>>, vector<16xf32>,
        %add3A_874 = arith.constant 0 : i32
        %add3A_875 = arith.addi %squeeze3A_868, %add3A_874 : i32
        %get3A_876 = arith.index_cast %select_n3A_864 : i32 to index
        %get3A_877 = arith.index_cast %add3A_875 : i32 to index
        %get3A_878 = tpu.vector_load %arg11[%get3A_876, %get3A_877] {strides = array<i32>} : memref<16x128xf32, #tpu.memory_space<vmem>>, vector<16xf32>,
        %mul3A_879 = arith.mulf %get3A_873, %get3A_878 : vector<16xf32>
        %add3A_880 = arith.constant 16 : i32
        %add3A_881 = arith.addi %squeeze3A_866, %add3A_880 : i32
        %get3A_882 = arith.index_cast %add3A_840 : i32 to index
        %get3A_883 = arith.index_cast %add3A_881 : i32 to index
        %get3A_884 = tpu.vector_load %arg13[%get3A_882, %get3A_883] {strides = array<i32>} : memref<320x128xf32, #tpu.memory_space<vmem>>, vector<16xf32>,
        %add3A_885 = arith.constant 16 : i32
        %add3A_886 = arith.addi %squeeze3A_868, %add3A_885 : i32
        %get3A_887 = arith.index_cast %select_n3A_864 : i32 to index
        %get3A_888 = arith.index_cast %add3A_886 : i32 to index
        %get3A_889 = tpu.vector_load %arg11[%get3A_887, %get3A_888] {strides = array<i32>} : memref<16x128xf32, #tpu.memory_space<vmem>>, vector<16xf32>,
        %mul3A_890 = arith.mulf %get3A_884, %get3A_889 : vector<16xf32>
        %add3A_891 = arith.addf %mul3A_879, %mul3A_890 : vector<16xf32>
        %add3A_892 = arith.constant 32 : i32
        %add3A_893 = arith.addi %squeeze3A_866, %add3A_892 : i32
        %get3A_894 = arith.index_cast %add3A_840 : i32 to index
        %get3A_895 = arith.index_cast %add3A_893 : i32 to index
        %get3A_896 = tpu.vector_load %arg13[%get3A_894, %get3A_895] {strides = array<i32>} : memref<320x128xf32, #tpu.memory_space<vmem>>, vector<16xf32>,
        %add3A_897 = arith.constant 32 : i32
        %add3A_898 = arith.addi %squeeze3A_868, %add3A_897 : i32
        %get3A_899 = arith.index_cast %select_n3A_864 : i32 to index
        %get3A_900 = arith.index_cast %add3A_898 : i32 to index
        %get3A_901 = tpu.vector_load %arg11[%get3A_899, %get3A_900] {strides = array<i32>} : memref<16x128xf32, #tpu.memory_space<vmem>>, vector<16xf32>,
        %mul3A_902 = arith.mulf %get3A_896, %get3A_901 : vector<16xf32>
        %add3A_903 = arith.addf %add3A_891, %mul3A_902 : vector<16xf32>
        %add3A_904 = arith.constant 48 : i32
        %add3A_905 = arith.addi %squeeze3A_866, %add3A_904 : i32
        %get3A_906 = arith.index_cast %add3A_840 : i32 to index
        %get3A_907 = arith.index_cast %add3A_905 : i32 to index
        %get3A_908 = tpu.vector_load %arg13[%get3A_906, %get3A_907] {strides = array<i32>} : memref<320x128xf32, #tpu.memory_space<vmem>>, vector<16xf32>,
        %add3A_909 = arith.constant 48 : i32
        %add3A_910 = arith.addi %squeeze3A_868, %add3A_909 : i32
        %get3A_911 = arith.index_cast %select_n3A_864 : i32 to index
        %get3A_912 = arith.index_cast %add3A_910 : i32 to index
        %get3A_913 = tpu.vector_load %arg11[%get3A_911, %get3A_912] {strides = array<i32>} : memref<16x128xf32, #tpu.memory_space<vmem>>, vector<16xf32>,
        %mul3A_914 = arith.mulf %get3A_908, %get3A_913 : vector<16xf32>
        %add3A_915 = arith.addf %add3A_903, %mul3A_914 : vector<16xf32>
        %swap3A_916 = arith.constant 6 : i32
        %swap3A_917 = arith.index_cast %swap3A_916 : i32 to index
        %swap3A_918 = arith.constant 0 : index
        %swap3A_919 = tpu.vector_load %arg15[%swap3A_917, %swap3A_918] {strides = array<i32>} : memref<16x16xf32, #tpu.memory_space<vmem>>, vector<16xf32>,
        tpu.vector_store %arg15[%swap3A_917, %swap3A_918], %add3A_915 {strides = array<i32>} : memref<16x16xf32, #tpu.memory_space<vmem>>, vector<16xf32>,
        %add3A_920 = arith.constant 7 : i32
        %add3A_921 = arith.addi %mul3A_308, %add3A_920 : i32
        %jit3A_922 = arith.constant 20 : i32
        %div3A_923 = arith.divsi %add3A_921, %jit3A_922 : i32
        %sign3A_924 = arith.constant 0 : i32
        %sign3A_925 = arith.cmpi sgt, %add3A_921, %sign3A_924 : i32
        %sign3A_926 = arith.extui %sign3A_925 : i1 to i32
        %sign3A_927 = arith.constant 0 : i32
        %sign3A_928 = arith.cmpi slt, %add3A_921, %sign3A_927 : i32
        %sign3A_929 = arith.extui %sign3A_928 : i1 to i32
        %sign3A_930 = arith.subi %sign3A_926, %sign3A_929 : i32
        %sign3A_931 = arith.constant 0 : i32
        %sign3A_932 = arith.cmpi sgt, %jit3A_922, %sign3A_931 : i32
        %sign3A_933 = arith.extui %sign3A_932 : i1 to i32
        %sign3A_934 = arith.constant 0 : i32
        %sign3A_935 = arith.cmpi slt, %jit3A_922, %sign3A_934 : i32
        %sign3A_936 = arith.extui %sign3A_935 : i1 to i32
        %sign3A_937 = arith.subi %sign3A_933, %sign3A_936 : i32
        %ne3A_938 = arith.cmpi ne, %sign3A_930, %sign3A_937 : i32
        %rem3A_939 = arith.remsi %add3A_921, %jit3A_922 : i32
        %ne3A_940 = arith.constant 0 : i32
        %ne3A_941 = arith.cmpi ne, %rem3A_939, %ne3A_940 : i32
        %and3A_942 = arith.andi %ne3A_938, %ne3A_941 : i1
        %sub3A_943 = arith.constant 1 : i32
        %sub3A_944 = arith.subi %div3A_923, %sub3A_943 : i32
        %select_n3A_945 = arith.select %and3A_942, %sub3A_944, %div3A_923 : i32
        %slice3A_946 = vector.extract_strided_slice %mul3A_317 {offsets = [7], sizes = [1], strides = [1]} : vector<16xi32> to vector<1xi32>
        %squeeze3A_947 = vector.extract %slice3A_946[0] : i32 from vector<1xi32>
        %slice3A_948 = vector.extract_strided_slice %mul3A_355 {offsets = [7], sizes = [1], strides = [1]} : vector<16xi32> to vector<1xi32>
        %squeeze3A_949 = vector.extract %slice3A_948[0] : i32 from vector<1xi32>
        %add3A_950 = arith.constant 0 : i32
        %add3A_951 = arith.addi %squeeze3A_947, %add3A_950 : i32
        %get3A_952 = arith.index_cast %add3A_921 : i32 to index
        %get3A_953 = arith.index_cast %add3A_951 : i32 to index
        %get3A_954 = tpu.vector_load %arg13[%get3A_952, %get3A_953] {strides = array<i32>} : memref<320x128xf32, #tpu.memory_space<vmem>>, vector<16xf32>,
        %add3A_955 = arith.constant 0 : i32
        %add3A_956 = arith.addi %squeeze3A_949, %add3A_955 : i32
        %get3A_957 = arith.index_cast %select_n3A_945 : i32 to index
        %get3A_958 = arith.index_cast %add3A_956 : i32 to index
        %get3A_959 = tpu.vector_load %arg11[%get3A_957, %get3A_958] {strides = array<i32>} : memref<16x128xf32, #tpu.memory_space<vmem>>, vector<16xf32>,
        %mul3A_960 = arith.mulf %get3A_954, %get3A_959 : vector<16xf32>
        %add3A_961 = arith.constant 16 : i32
        %add3A_962 = arith.addi %squeeze3A_947, %add3A_961 : i32
        %get3A_963 = arith.index_cast %add3A_921 : i32 to index
        %get3A_964 = arith.index_cast %add3A_962 : i32 to index
        %get3A_965 = tpu.vector_load %arg13[%get3A_963, %get3A_964] {strides = array<i32>} : memref<320x128xf32, #tpu.memory_space<vmem>>, vector<16xf32>,
        %add3A_966 = arith.constant 16 : i32
        %add3A_967 = arith.addi %squeeze3A_949, %add3A_966 : i32
        %get3A_968 = arith.index_cast %select_n3A_945 : i32 to index
        %get3A_969 = arith.index_cast %add3A_967 : i32 to index
        %get3A_970 = tpu.vector_load %arg11[%get3A_968, %get3A_969] {strides = array<i32>} : memref<16x128xf32, #tpu.memory_space<vmem>>, vector<16xf32>,
        %mul3A_971 = arith.mulf %get3A_965, %get3A_970 : vector<16xf32>
        %add3A_972 = arith.addf %mul3A_960, %mul3A_971 : vector<16xf32>
        %add3A_973 = arith.constant 32 : i32
        %add3A_974 = arith.addi %squeeze3A_947, %add3A_973 : i32
        %get3A_975 = arith.index_cast %add3A_921 : i32 to index
        %get3A_976 = arith.index_cast %add3A_974 : i32 to index
        %get3A_977 = tpu.vector_load %arg13[%get3A_975, %get3A_976] {strides = array<i32>} : memref<320x128xf32, #tpu.memory_space<vmem>>, vector<16xf32>,
        %add3A_978 = arith.constant 32 : i32
        %add3A_979 = arith.addi %squeeze3A_949, %add3A_978 : i32
        %get3A_980 = arith.index_cast %select_n3A_945 : i32 to index
        %get3A_981 = arith.index_cast %add3A_979 : i32 to index
        %get3A_982 = tpu.vector_load %arg11[%get3A_980, %get3A_981] {strides = array<i32>} : memref<16x128xf32, #tpu.memory_space<vmem>>, vector<16xf32>,
        %mul3A_983 = arith.mulf %get3A_977, %get3A_982 : vector<16xf32>
        %add3A_984 = arith.addf %add3A_972, %mul3A_983 : vector<16xf32>
        %add3A_985 = arith.constant 48 : i32
        %add3A_986 = arith.addi %squeeze3A_947, %add3A_985 : i32
        %get3A_987 = arith.index_cast %add3A_921 : i32 to index
        %get3A_988 = arith.index_cast %add3A_986 : i32 to index
        %get3A_989 = tpu.vector_load %arg13[%get3A_987, %get3A_988] {strides = array<i32>} : memref<320x128xf32, #tpu.memory_space<vmem>>, vector<16xf32>,
        %add3A_990 = arith.constant 48 : i32
        %add3A_991 = arith.addi %squeeze3A_949, %add3A_990 : i32
        %get3A_992 = arith.index_cast %select_n3A_945 : i32 to index
        %get3A_993 = arith.index_cast %add3A_991 : i32 to index
        %get3A_994 = tpu.vector_load %arg11[%get3A_992, %get3A_993] {strides = array<i32>} : memref<16x128xf32, #tpu.memory_space<vmem>>, vector<16xf32>,
        %mul3A_995 = arith.mulf %get3A_989, %get3A_994 : vector<16xf32>
        %add3A_996 = arith.addf %add3A_984, %mul3A_995 : vector<16xf32>
        %swap3A_997 = arith.constant 7 : i32
        %swap3A_998 = arith.index_cast %swap3A_997 : i32 to index
        %swap3A_999 = arith.constant 0 : index
        %swap3A_1000 = tpu.vector_load %arg15[%swap3A_998, %swap3A_999] {strides = array<i32>} : memref<16x16xf32, #tpu.memory_space<vmem>>, vector<16xf32>,
        tpu.vector_store %arg15[%swap3A_998, %swap3A_999], %add3A_996 {strides = array<i32>} : memref<16x16xf32, #tpu.memory_space<vmem>>, vector<16xf32>,
        %add3A_1001 = arith.constant 8 : i32
        %add3A_1002 = arith.addi %mul3A_308, %add3A_1001 : i32
        %jit3A_1003 = arith.constant 20 : i32
        %div3A_1004 = arith.divsi %add3A_1002, %jit3A_1003 : i32
        %sign3A_1005 = arith.constant 0 : i32
        %sign3A_1006 = arith.cmpi sgt, %add3A_1002, %sign3A_1005 : i32
        %sign3A_1007 = arith.extui %sign3A_1006 : i1 to i32
        %sign3A_1008 = arith.constant 0 : i32
        %sign3A_1009 = arith.cmpi slt, %add3A_1002, %sign3A_1008 : i32
        %sign3A_1010 = arith.extui %sign3A_1009 : i1 to i32
        %sign3A_1011 = arith.subi %sign3A_1007, %sign3A_1010 : i32
        %sign3A_1012 = arith.constant 0 : i32
        %sign3A_1013 = arith.cmpi sgt, %jit3A_1003, %sign3A_1012 : i32
        %sign3A_1014 = arith.extui %sign3A_1013 : i1 to i32
        %sign3A_1015 = arith.constant 0 : i32
        %sign3A_1016 = arith.cmpi slt, %jit3A_1003, %sign3A_1015 : i32
        %sign3A_1017 = arith.extui %sign3A_1016 : i1 to i32
        %sign3A_1018 = arith.subi %sign3A_1014, %sign3A_1017 : i32
        %ne3A_1019 = arith.cmpi ne, %sign3A_1011, %sign3A_1018 : i32
        %rem3A_1020 = arith.remsi %add3A_1002, %jit3A_1003 : i32
        %ne3A_1021 = arith.constant 0 : i32
        %ne3A_1022 = arith.cmpi ne, %rem3A_1020, %ne3A_1021 : i32
        %and3A_1023 = arith.andi %ne3A_1019, %ne3A_1022 : i1
        %sub3A_1024 = arith.constant 1 : i32
        %sub3A_1025 = arith.subi %div3A_1004, %sub3A_1024 : i32
        %select_n3A_1026 = arith.select %and3A_1023, %sub3A_1025, %div3A_1004 : i32
        %slice3A_1027 = vector.extract_strided_slice %mul3A_317 {offsets = [8], sizes = [1], strides = [1]} : vector<16xi32> to vector<1xi32>
        %squeeze3A_1028 = vector.extract %slice3A_1027[0] : i32 from vector<1xi32>
        %slice3A_1029 = vector.extract_strided_slice %mul3A_355 {offsets = [8], sizes = [1], strides = [1]} : vector<16xi32> to vector<1xi32>
        %squeeze3A_1030 = vector.extract %slice3A_1029[0] : i32 from vector<1xi32>
        %add3A_1031 = arith.constant 0 : i32
        %add3A_1032 = arith.addi %squeeze3A_1028, %add3A_1031 : i32
        %get3A_1033 = arith.index_cast %add3A_1002 : i32 to index
        %get3A_1034 = arith.index_cast %add3A_1032 : i32 to index
        %get3A_1035 = tpu.vector_load %arg13[%get3A_1033, %get3A_1034] {strides = array<i32>} : memref<320x128xf32, #tpu.memory_space<vmem>>, vector<16xf32>,
        %add3A_1036 = arith.constant 0 : i32
        %add3A_1037 = arith.addi %squeeze3A_1030, %add3A_1036 : i32
        %get3A_1038 = arith.index_cast %select_n3A_1026 : i32 to index
        %get3A_1039 = arith.index_cast %add3A_1037 : i32 to index
        %get3A_1040 = tpu.vector_load %arg11[%get3A_1038, %get3A_1039] {strides = array<i32>} : memref<16x128xf32, #tpu.memory_space<vmem>>, vector<16xf32>,
        %mul3A_1041 = arith.mulf %get3A_1035, %get3A_1040 : vector<16xf32>
        %add3A_1042 = arith.constant 16 : i32
        %add3A_1043 = arith.addi %squeeze3A_1028, %add3A_1042 : i32
        %get3A_1044 = arith.index_cast %add3A_1002 : i32 to index
        %get3A_1045 = arith.index_cast %add3A_1043 : i32 to index
        %get3A_1046 = tpu.vector_load %arg13[%get3A_1044, %get3A_1045] {strides = array<i32>} : memref<320x128xf32, #tpu.memory_space<vmem>>, vector<16xf32>,
        %add3A_1047 = arith.constant 16 : i32
        %add3A_1048 = arith.addi %squeeze3A_1030, %add3A_1047 : i32
        %get3A_1049 = arith.index_cast %select_n3A_1026 : i32 to index
        %get3A_1050 = arith.index_cast %add3A_1048 : i32 to index
        %get3A_1051 = tpu.vector_load %arg11[%get3A_1049, %get3A_1050] {strides = array<i32>} : memref<16x128xf32, #tpu.memory_space<vmem>>, vector<16xf32>,
        %mul3A_1052 = arith.mulf %get3A_1046, %get3A_1051 : vector<16xf32>
        %add3A_1053 = arith.addf %mul3A_1041, %mul3A_1052 : vector<16xf32>
        %add3A_1054 = arith.constant 32 : i32
        %add3A_1055 = arith.addi %squeeze3A_1028, %add3A_1054 : i32
        %get3A_1056 = arith.index_cast %add3A_1002 : i32 to index
        %get3A_1057 = arith.index_cast %add3A_1055 : i32 to index
        %get3A_1058 = tpu.vector_load %arg13[%get3A_1056, %get3A_1057] {strides = array<i32>} : memref<320x128xf32, #tpu.memory_space<vmem>>, vector<16xf32>,
        %add3A_1059 = arith.constant 32 : i32
        %add3A_1060 = arith.addi %squeeze3A_1030, %add3A_1059 : i32
        %get3A_1061 = arith.index_cast %select_n3A_1026 : i32 to index
        %get3A_1062 = arith.index_cast %add3A_1060 : i32 to index
        %get3A_1063 = tpu.vector_load %arg11[%get3A_1061, %get3A_1062] {strides = array<i32>} : memref<16x128xf32, #tpu.memory_space<vmem>>, vector<16xf32>,
        %mul3A_1064 = arith.mulf %get3A_1058, %get3A_1063 : vector<16xf32>
        %add3A_1065 = arith.addf %add3A_1053, %mul3A_1064 : vector<16xf32>
        %add3A_1066 = arith.constant 48 : i32
        %add3A_1067 = arith.addi %squeeze3A_1028, %add3A_1066 : i32
        %get3A_1068 = arith.index_cast %add3A_1002 : i32 to index
        %get3A_1069 = arith.index_cast %add3A_1067 : i32 to index
        %get3A_1070 = tpu.vector_load %arg13[%get3A_1068, %get3A_1069] {strides = array<i32>} : memref<320x128xf32, #tpu.memory_space<vmem>>, vector<16xf32>,
        %add3A_1071 = arith.constant 48 : i32
        %add3A_1072 = arith.addi %squeeze3A_1030, %add3A_1071 : i32
        %get3A_1073 = arith.index_cast %select_n3A_1026 : i32 to index
        %get3A_1074 = arith.index_cast %add3A_1072 : i32 to index
        %get3A_1075 = tpu.vector_load %arg11[%get3A_1073, %get3A_1074] {strides = array<i32>} : memref<16x128xf32, #tpu.memory_space<vmem>>, vector<16xf32>,
        %mul3A_1076 = arith.mulf %get3A_1070, %get3A_1075 : vector<16xf32>
        %add3A_1077 = arith.addf %add3A_1065, %mul3A_1076 : vector<16xf32>
        %swap3A_1078 = arith.constant 8 : i32
        %swap3A_1079 = arith.index_cast %swap3A_1078 : i32 to index
        %swap3A_1080 = arith.constant 0 : index
        %swap3A_1081 = tpu.vector_load %arg15[%swap3A_1079, %swap3A_1080] {strides = array<i32>} : memref<16x16xf32, #tpu.memory_space<vmem>>, vector<16xf32>,
        tpu.vector_store %arg15[%swap3A_1079, %swap3A_1080], %add3A_1077 {strides = array<i32>} : memref<16x16xf32, #tpu.memory_space<vmem>>, vector<16xf32>,
        %add3A_1082 = arith.constant 9 : i32
        %add3A_1083 = arith.addi %mul3A_308, %add3A_1082 : i32
        %jit3A_1084 = arith.constant 20 : i32
        %div3A_1085 = arith.divsi %add3A_1083, %jit3A_1084 : i32
        %sign3A_1086 = arith.constant 0 : i32
        %sign3A_1087 = arith.cmpi sgt, %add3A_1083, %sign3A_1086 : i32
        %sign3A_1088 = arith.extui %sign3A_1087 : i1 to i32
        %sign3A_1089 = arith.constant 0 : i32
        %sign3A_1090 = arith.cmpi slt, %add3A_1083, %sign3A_1089 : i32
        %sign3A_1091 = arith.extui %sign3A_1090 : i1 to i32
        %sign3A_1092 = arith.subi %sign3A_1088, %sign3A_1091 : i32
        %sign3A_1093 = arith.constant 0 : i32
        %sign3A_1094 = arith.cmpi sgt, %jit3A_1084, %sign3A_1093 : i32
        %sign3A_1095 = arith.extui %sign3A_1094 : i1 to i32
        %sign3A_1096 = arith.constant 0 : i32
        %sign3A_1097 = arith.cmpi slt, %jit3A_1084, %sign3A_1096 : i32
        %sign3A_1098 = arith.extui %sign3A_1097 : i1 to i32
        %sign3A_1099 = arith.subi %sign3A_1095, %sign3A_1098 : i32
        %ne3A_1100 = arith.cmpi ne, %sign3A_1092, %sign3A_1099 : i32
        %rem3A_1101 = arith.remsi %add3A_1083, %jit3A_1084 : i32
        %ne3A_1102 = arith.constant 0 : i32
        %ne3A_1103 = arith.cmpi ne, %rem3A_1101, %ne3A_1102 : i32
        %and3A_1104 = arith.andi %ne3A_1100, %ne3A_1103 : i1
        %sub3A_1105 = arith.constant 1 : i32
        %sub3A_1106 = arith.subi %div3A_1085, %sub3A_1105 : i32
        %select_n3A_1107 = arith.select %and3A_1104, %sub3A_1106, %div3A_1085 : i32
        %slice3A_1108 = vector.extract_strided_slice %mul3A_317 {offsets = [9], sizes = [1], strides = [1]} : vector<16xi32> to vector<1xi32>
        %squeeze3A_1109 = vector.extract %slice3A_1108[0] : i32 from vector<1xi32>
        %slice3A_1110 = vector.extract_strided_slice %mul3A_355 {offsets = [9], sizes = [1], strides = [1]} : vector<16xi32> to vector<1xi32>
        %squeeze3A_1111 = vector.extract %slice3A_1110[0] : i32 from vector<1xi32>
        %add3A_1112 = arith.constant 0 : i32
        %add3A_1113 = arith.addi %squeeze3A_1109, %add3A_1112 : i32
        %get3A_1114 = arith.index_cast %add3A_1083 : i32 to index
        %get3A_1115 = arith.index_cast %add3A_1113 : i32 to index
        %get3A_1116 = tpu.vector_load %arg13[%get3A_1114, %get3A_1115] {strides = array<i32>} : memref<320x128xf32, #tpu.memory_space<vmem>>, vector<16xf32>,
        %add3A_1117 = arith.constant 0 : i32
        %add3A_1118 = arith.addi %squeeze3A_1111, %add3A_1117 : i32
        %get3A_1119 = arith.index_cast %select_n3A_1107 : i32 to index
        %get3A_1120 = arith.index_cast %add3A_1118 : i32 to index
        %get3A_1121 = tpu.vector_load %arg11[%get3A_1119, %get3A_1120] {strides = array<i32>} : memref<16x128xf32, #tpu.memory_space<vmem>>, vector<16xf32>,
        %mul3A_1122 = arith.mulf %get3A_1116, %get3A_1121 : vector<16xf32>
        %add3A_1123 = arith.constant 16 : i32
        %add3A_1124 = arith.addi %squeeze3A_1109, %add3A_1123 : i32
        %get3A_1125 = arith.index_cast %add3A_1083 : i32 to index
        %get3A_1126 = arith.index_cast %add3A_1124 : i32 to index
        %get3A_1127 = tpu.vector_load %arg13[%get3A_1125, %get3A_1126] {strides = array<i32>} : memref<320x128xf32, #tpu.memory_space<vmem>>, vector<16xf32>,
        %add3A_1128 = arith.constant 16 : i32
        %add3A_1129 = arith.addi %squeeze3A_1111, %add3A_1128 : i32
        %get3A_1130 = arith.index_cast %select_n3A_1107 : i32 to index
        %get3A_1131 = arith.index_cast %add3A_1129 : i32 to index
        %get3A_1132 = tpu.vector_load %arg11[%get3A_1130, %get3A_1131] {strides = array<i32>} : memref<16x128xf32, #tpu.memory_space<vmem>>, vector<16xf32>,
        %mul3A_1133 = arith.mulf %get3A_1127, %get3A_1132 : vector<16xf32>
        %add3A_1134 = arith.addf %mul3A_1122, %mul3A_1133 : vector<16xf32>
        %add3A_1135 = arith.constant 32 : i32
        %add3A_1136 = arith.addi %squeeze3A_1109, %add3A_1135 : i32
        %get3A_1137 = arith.index_cast %add3A_1083 : i32 to index
        %get3A_1138 = arith.index_cast %add3A_1136 : i32 to index
        %get3A_1139 = tpu.vector_load %arg13[%get3A_1137, %get3A_1138] {strides = array<i32>} : memref<320x128xf32, #tpu.memory_space<vmem>>, vector<16xf32>,
        %add3A_1140 = arith.constant 32 : i32
        %add3A_1141 = arith.addi %squeeze3A_1111, %add3A_1140 : i32
        %get3A_1142 = arith.index_cast %select_n3A_1107 : i32 to index
        %get3A_1143 = arith.index_cast %add3A_1141 : i32 to index
        %get3A_1144 = tpu.vector_load %arg11[%get3A_1142, %get3A_1143] {strides = array<i32>} : memref<16x128xf32, #tpu.memory_space<vmem>>, vector<16xf32>,
        %mul3A_1145 = arith.mulf %get3A_1139, %get3A_1144 : vector<16xf32>
        %add3A_1146 = arith.addf %add3A_1134, %mul3A_1145 : vector<16xf32>
        %add3A_1147 = arith.constant 48 : i32
        %add3A_1148 = arith.addi %squeeze3A_1109, %add3A_1147 : i32
        %get3A_1149 = arith.index_cast %add3A_1083 : i32 to index
        %get3A_1150 = arith.index_cast %add3A_1148 : i32 to index
        %get3A_1151 = tpu.vector_load %arg13[%get3A_1149, %get3A_1150] {strides = array<i32>} : memref<320x128xf32, #tpu.memory_space<vmem>>, vector<16xf32>,
        %add3A_1152 = arith.constant 48 : i32
        %add3A_1153 = arith.addi %squeeze3A_1111, %add3A_1152 : i32
        %get3A_1154 = arith.index_cast %select_n3A_1107 : i32 to index
        %get3A_1155 = arith.index_cast %add3A_1153 : i32 to index
        %get3A_1156 = tpu.vector_load %arg11[%get3A_1154, %get3A_1155] {strides = array<i32>} : memref<16x128xf32, #tpu.memory_space<vmem>>, vector<16xf32>,
        %mul3A_1157 = arith.mulf %get3A_1151, %get3A_1156 : vector<16xf32>
        %add3A_1158 = arith.addf %add3A_1146, %mul3A_1157 : vector<16xf32>
        %swap3A_1159 = arith.constant 9 : i32
        %swap3A_1160 = arith.index_cast %swap3A_1159 : i32 to index
        %swap3A_1161 = arith.constant 0 : index
        %swap3A_1162 = tpu.vector_load %arg15[%swap3A_1160, %swap3A_1161] {strides = array<i32>} : memref<16x16xf32, #tpu.memory_space<vmem>>, vector<16xf32>,
        tpu.vector_store %arg15[%swap3A_1160, %swap3A_1161], %add3A_1158 {strides = array<i32>} : memref<16x16xf32, #tpu.memory_space<vmem>>, vector<16xf32>,
        %add3A_1163 = arith.constant 10 : i32
        %add3A_1164 = arith.addi %mul3A_308, %add3A_1163 : i32
        %jit3A_1165 = arith.constant 20 : i32
        %div3A_1166 = arith.divsi %add3A_1164, %jit3A_1165 : i32
        %sign3A_1167 = arith.constant 0 : i32
        %sign3A_1168 = arith.cmpi sgt, %add3A_1164, %sign3A_1167 : i32
        %sign3A_1169 = arith.extui %sign3A_1168 : i1 to i32
        %sign3A_1170 = arith.constant 0 : i32
        %sign3A_1171 = arith.cmpi slt, %add3A_1164, %sign3A_1170 : i32
        %sign3A_1172 = arith.extui %sign3A_1171 : i1 to i32
        %sign3A_1173 = arith.subi %sign3A_1169, %sign3A_1172 : i32
        %sign3A_1174 = arith.constant 0 : i32
        %sign3A_1175 = arith.cmpi sgt, %jit3A_1165, %sign3A_1174 : i32
        %sign3A_1176 = arith.extui %sign3A_1175 : i1 to i32
        %sign3A_1177 = arith.constant 0 : i32
        %sign3A_1178 = arith.cmpi slt, %jit3A_1165, %sign3A_1177 : i32
        %sign3A_1179 = arith.extui %sign3A_1178 : i1 to i32
        %sign3A_1180 = arith.subi %sign3A_1176, %sign3A_1179 : i32
        %ne3A_1181 = arith.cmpi ne, %sign3A_1173, %sign3A_1180 : i32
        %rem3A_1182 = arith.remsi %add3A_1164, %jit3A_1165 : i32
        %ne3A_1183 = arith.constant 0 : i32
        %ne3A_1184 = arith.cmpi ne, %rem3A_1182, %ne3A_1183 : i32
        %and3A_1185 = arith.andi %ne3A_1181, %ne3A_1184 : i1
        %sub3A_1186 = arith.constant 1 : i32
        %sub3A_1187 = arith.subi %div3A_1166, %sub3A_1186 : i32
        %select_n3A_1188 = arith.select %and3A_1185, %sub3A_1187, %div3A_1166 : i32
        %slice3A_1189 = vector.extract_strided_slice %mul3A_317 {offsets = [10], sizes = [1], strides = [1]} : vector<16xi32> to vector<1xi32>
        %squeeze3A_1190 = vector.extract %slice3A_1189[0] : i32 from vector<1xi32>
        %slice3A_1191 = vector.extract_strided_slice %mul3A_355 {offsets = [10], sizes = [1], strides = [1]} : vector<16xi32> to vector<1xi32>
        %squeeze3A_1192 = vector.extract %slice3A_1191[0] : i32 from vector<1xi32>
        %add3A_1193 = arith.constant 0 : i32
        %add3A_1194 = arith.addi %squeeze3A_1190, %add3A_1193 : i32
        %get3A_1195 = arith.index_cast %add3A_1164 : i32 to index
        %get3A_1196 = arith.index_cast %add3A_1194 : i32 to index
        %get3A_1197 = tpu.vector_load %arg13[%get3A_1195, %get3A_1196] {strides = array<i32>} : memref<320x128xf32, #tpu.memory_space<vmem>>, vector<16xf32>,
        %add3A_1198 = arith.constant 0 : i32
        %add3A_1199 = arith.addi %squeeze3A_1192, %add3A_1198 : i32
        %get3A_1200 = arith.index_cast %select_n3A_1188 : i32 to index
        %get3A_1201 = arith.index_cast %add3A_1199 : i32 to index
        %get3A_1202 = tpu.vector_load %arg11[%get3A_1200, %get3A_1201] {strides = array<i32>} : memref<16x128xf32, #tpu.memory_space<vmem>>, vector<16xf32>,
        %mul3A_1203 = arith.mulf %get3A_1197, %get3A_1202 : vector<16xf32>
        %add3A_1204 = arith.constant 16 : i32
        %add3A_1205 = arith.addi %squeeze3A_1190, %add3A_1204 : i32
        %get3A_1206 = arith.index_cast %add3A_1164 : i32 to index
        %get3A_1207 = arith.index_cast %add3A_1205 : i32 to index
        %get3A_1208 = tpu.vector_load %arg13[%get3A_1206, %get3A_1207] {strides = array<i32>} : memref<320x128xf32, #tpu.memory_space<vmem>>, vector<16xf32>,
        %add3A_1209 = arith.constant 16 : i32
        %add3A_1210 = arith.addi %squeeze3A_1192, %add3A_1209 : i32
        %get3A_1211 = arith.index_cast %select_n3A_1188 : i32 to index
        %get3A_1212 = arith.index_cast %add3A_1210 : i32 to index
        %get3A_1213 = tpu.vector_load %arg11[%get3A_1211, %get3A_1212] {strides = array<i32>} : memref<16x128xf32, #tpu.memory_space<vmem>>, vector<16xf32>,
        %mul3A_1214 = arith.mulf %get3A_1208, %get3A_1213 : vector<16xf32>
        %add3A_1215 = arith.addf %mul3A_1203, %mul3A_1214 : vector<16xf32>
        %add3A_1216 = arith.constant 32 : i32
        %add3A_1217 = arith.addi %squeeze3A_1190, %add3A_1216 : i32
        %get3A_1218 = arith.index_cast %add3A_1164 : i32 to index
        %get3A_1219 = arith.index_cast %add3A_1217 : i32 to index
        %get3A_1220 = tpu.vector_load %arg13[%get3A_1218, %get3A_1219] {strides = array<i32>} : memref<320x128xf32, #tpu.memory_space<vmem>>, vector<16xf32>,
        %add3A_1221 = arith.constant 32 : i32
        %add3A_1222 = arith.addi %squeeze3A_1192, %add3A_1221 : i32
        %get3A_1223 = arith.index_cast %select_n3A_1188 : i32 to index
        %get3A_1224 = arith.index_cast %add3A_1222 : i32 to index
        %get3A_1225 = tpu.vector_load %arg11[%get3A_1223, %get3A_1224] {strides = array<i32>} : memref<16x128xf32, #tpu.memory_space<vmem>>, vector<16xf32>,
        %mul3A_1226 = arith.mulf %get3A_1220, %get3A_1225 : vector<16xf32>
        %add3A_1227 = arith.addf %add3A_1215, %mul3A_1226 : vector<16xf32>
        %add3A_1228 = arith.constant 48 : i32
        %add3A_1229 = arith.addi %squeeze3A_1190, %add3A_1228 : i32
        %get3A_1230 = arith.index_cast %add3A_1164 : i32 to index
        %get3A_1231 = arith.index_cast %add3A_1229 : i32 to index
        %get3A_1232 = tpu.vector_load %arg13[%get3A_1230, %get3A_1231] {strides = array<i32>} : memref<320x128xf32, #tpu.memory_space<vmem>>, vector<16xf32>,
        %add3A_1233 = arith.constant 48 : i32
        %add3A_1234 = arith.addi %squeeze3A_1192, %add3A_1233 : i32
        %get3A_1235 = arith.index_cast %select_n3A_1188 : i32 to index
        %get3A_1236 = arith.index_cast %add3A_1234 : i32 to index
        %get3A_1237 = tpu.vector_load %arg11[%get3A_1235, %get3A_1236] {strides = array<i32>} : memref<16x128xf32, #tpu.memory_space<vmem>>, vector<16xf32>,
        %mul3A_1238 = arith.mulf %get3A_1232, %get3A_1237 : vector<16xf32>
        %add3A_1239 = arith.addf %add3A_1227, %mul3A_1238 : vector<16xf32>
        %swap3A_1240 = arith.constant 10 : i32
        %swap3A_1241 = arith.index_cast %swap3A_1240 : i32 to index
        %swap3A_1242 = arith.constant 0 : index
        %swap3A_1243 = tpu.vector_load %arg15[%swap3A_1241, %swap3A_1242] {strides = array<i32>} : memref<16x16xf32, #tpu.memory_space<vmem>>, vector<16xf32>,
        tpu.vector_store %arg15[%swap3A_1241, %swap3A_1242], %add3A_1239 {strides = array<i32>} : memref<16x16xf32, #tpu.memory_space<vmem>>, vector<16xf32>,
        %add3A_1244 = arith.constant 11 : i32
        %add3A_1245 = arith.addi %mul3A_308, %add3A_1244 : i32
        %jit3A_1246 = arith.constant 20 : i32
        %div3A_1247 = arith.divsi %add3A_1245, %jit3A_1246 : i32
        %sign3A_1248 = arith.constant 0 : i32
        %sign3A_1249 = arith.cmpi sgt, %add3A_1245, %sign3A_1248 : i32
        %sign3A_1250 = arith.extui %sign3A_1249 : i1 to i32
        %sign3A_1251 = arith.constant 0 : i32
        %sign3A_1252 = arith.cmpi slt, %add3A_1245, %sign3A_1251 : i32
        %sign3A_1253 = arith.extui %sign3A_1252 : i1 to i32
        %sign3A_1254 = arith.subi %sign3A_1250, %sign3A_1253 : i32
        %sign3A_1255 = arith.constant 0 : i32
        %sign3A_1256 = arith.cmpi sgt, %jit3A_1246, %sign3A_1255 : i32
        %sign3A_1257 = arith.extui %sign3A_1256 : i1 to i32
        %sign3A_1258 = arith.constant 0 : i32
        %sign3A_1259 = arith.cmpi slt, %jit3A_1246, %sign3A_1258 : i32
        %sign3A_1260 = arith.extui %sign3A_1259 : i1 to i32
        %sign3A_1261 = arith.subi %sign3A_1257, %sign3A_1260 : i32
        %ne3A_1262 = arith.cmpi ne, %sign3A_1254, %sign3A_1261 : i32
        %rem3A_1263 = arith.remsi %add3A_1245, %jit3A_1246 : i32
        %ne3A_1264 = arith.constant 0 : i32
        %ne3A_1265 = arith.cmpi ne, %rem3A_1263, %ne3A_1264 : i32
        %and3A_1266 = arith.andi %ne3A_1262, %ne3A_1265 : i1
        %sub3A_1267 = arith.constant 1 : i32
        %sub3A_1268 = arith.subi %div3A_1247, %sub3A_1267 : i32
        %select_n3A_1269 = arith.select %and3A_1266, %sub3A_1268, %div3A_1247 : i32
        %slice3A_1270 = vector.extract_strided_slice %mul3A_317 {offsets = [11], sizes = [1], strides = [1]} : vector<16xi32> to vector<1xi32>
        %squeeze3A_1271 = vector.extract %slice3A_1270[0] : i32 from vector<1xi32>
        %slice3A_1272 = vector.extract_strided_slice %mul3A_355 {offsets = [11], sizes = [1], strides = [1]} : vector<16xi32> to vector<1xi32>
        %squeeze3A_1273 = vector.extract %slice3A_1272[0] : i32 from vector<1xi32>
        %add3A_1274 = arith.constant 0 : i32
        %add3A_1275 = arith.addi %squeeze3A_1271, %add3A_1274 : i32
        %get3A_1276 = arith.index_cast %add3A_1245 : i32 to index
        %get3A_1277 = arith.index_cast %add3A_1275 : i32 to index
        %get3A_1278 = tpu.vector_load %arg13[%get3A_1276, %get3A_1277] {strides = array<i32>} : memref<320x128xf32, #tpu.memory_space<vmem>>, vector<16xf32>,
        %add3A_1279 = arith.constant 0 : i32
        %add3A_1280 = arith.addi %squeeze3A_1273, %add3A_1279 : i32
        %get3A_1281 = arith.index_cast %select_n3A_1269 : i32 to index
        %get3A_1282 = arith.index_cast %add3A_1280 : i32 to index
        %get3A_1283 = tpu.vector_load %arg11[%get3A_1281, %get3A_1282] {strides = array<i32>} : memref<16x128xf32, #tpu.memory_space<vmem>>, vector<16xf32>,
        %mul3A_1284 = arith.mulf %get3A_1278, %get3A_1283 : vector<16xf32>
        %add3A_1285 = arith.constant 16 : i32
        %add3A_1286 = arith.addi %squeeze3A_1271, %add3A_1285 : i32
        %get3A_1287 = arith.index_cast %add3A_1245 : i32 to index
        %get3A_1288 = arith.index_cast %add3A_1286 : i32 to index
        %get3A_1289 = tpu.vector_load %arg13[%get3A_1287, %get3A_1288] {strides = array<i32>} : memref<320x128xf32, #tpu.memory_space<vmem>>, vector<16xf32>,
        %add3A_1290 = arith.constant 16 : i32
        %add3A_1291 = arith.addi %squeeze3A_1273, %add3A_1290 : i32
        %get3A_1292 = arith.index_cast %select_n3A_1269 : i32 to index
        %get3A_1293 = arith.index_cast %add3A_1291 : i32 to index
        %get3A_1294 = tpu.vector_load %arg11[%get3A_1292, %get3A_1293] {strides = array<i32>} : memref<16x128xf32, #tpu.memory_space<vmem>>, vector<16xf32>,
        %mul3A_1295 = arith.mulf %get3A_1289, %get3A_1294 : vector<16xf32>
        %add3A_1296 = arith.addf %mul3A_1284, %mul3A_1295 : vector<16xf32>
        %add3A_1297 = arith.constant 32 : i32
        %add3A_1298 = arith.addi %squeeze3A_1271, %add3A_1297 : i32
        %get3A_1299 = arith.index_cast %add3A_1245 : i32 to index
        %get3A_1300 = arith.index_cast %add3A_1298 : i32 to index
        %get3A_1301 = tpu.vector_load %arg13[%get3A_1299, %get3A_1300] {strides = array<i32>} : memref<320x128xf32, #tpu.memory_space<vmem>>, vector<16xf32>,
        %add3A_1302 = arith.constant 32 : i32
        %add3A_1303 = arith.addi %squeeze3A_1273, %add3A_1302 : i32
        %get3A_1304 = arith.index_cast %select_n3A_1269 : i32 to index
        %get3A_1305 = arith.index_cast %add3A_1303 : i32 to index
        %get3A_1306 = tpu.vector_load %arg11[%get3A_1304, %get3A_1305] {strides = array<i32>} : memref<16x128xf32, #tpu.memory_space<vmem>>, vector<16xf32>,
        %mul3A_1307 = arith.mulf %get3A_1301, %get3A_1306 : vector<16xf32>
        %add3A_1308 = arith.addf %add3A_1296, %mul3A_1307 : vector<16xf32>
        %add3A_1309 = arith.constant 48 : i32
        %add3A_1310 = arith.addi %squeeze3A_1271, %add3A_1309 : i32
        %get3A_1311 = arith.index_cast %add3A_1245 : i32 to index
        %get3A_1312 = arith.index_cast %add3A_1310 : i32 to index
        %get3A_1313 = tpu.vector_load %arg13[%get3A_1311, %get3A_1312] {strides = array<i32>} : memref<320x128xf32, #tpu.memory_space<vmem>>, vector<16xf32>,
        %add3A_1314 = arith.constant 48 : i32
        %add3A_1315 = arith.addi %squeeze3A_1273, %add3A_1314 : i32
        %get3A_1316 = arith.index_cast %select_n3A_1269 : i32 to index
        %get3A_1317 = arith.index_cast %add3A_1315 : i32 to index
        %get3A_1318 = tpu.vector_load %arg11[%get3A_1316, %get3A_1317] {strides = array<i32>} : memref<16x128xf32, #tpu.memory_space<vmem>>, vector<16xf32>,
        %mul3A_1319 = arith.mulf %get3A_1313, %get3A_1318 : vector<16xf32>
        %add3A_1320 = arith.addf %add3A_1308, %mul3A_1319 : vector<16xf32>
        %swap3A_1321 = arith.constant 11 : i32
        %swap3A_1322 = arith.index_cast %swap3A_1321 : i32 to index
        %swap3A_1323 = arith.constant 0 : index
        %swap3A_1324 = tpu.vector_load %arg15[%swap3A_1322, %swap3A_1323] {strides = array<i32>} : memref<16x16xf32, #tpu.memory_space<vmem>>, vector<16xf32>,
        tpu.vector_store %arg15[%swap3A_1322, %swap3A_1323], %add3A_1320 {strides = array<i32>} : memref<16x16xf32, #tpu.memory_space<vmem>>, vector<16xf32>,
        %add3A_1325 = arith.constant 12 : i32
        %add3A_1326 = arith.addi %mul3A_308, %add3A_1325 : i32
        %jit3A_1327 = arith.constant 20 : i32
        %div3A_1328 = arith.divsi %add3A_1326, %jit3A_1327 : i32
        %sign3A_1329 = arith.constant 0 : i32
        %sign3A_1330 = arith.cmpi sgt, %add3A_1326, %sign3A_1329 : i32
        %sign3A_1331 = arith.extui %sign3A_1330 : i1 to i32
        %sign3A_1332 = arith.constant 0 : i32
        %sign3A_1333 = arith.cmpi slt, %add3A_1326, %sign3A_1332 : i32
        %sign3A_1334 = arith.extui %sign3A_1333 : i1 to i32
        %sign3A_1335 = arith.subi %sign3A_1331, %sign3A_1334 : i32
        %sign3A_1336 = arith.constant 0 : i32
        %sign3A_1337 = arith.cmpi sgt, %jit3A_1327, %sign3A_1336 : i32
        %sign3A_1338 = arith.extui %sign3A_1337 : i1 to i32
        %sign3A_1339 = arith.constant 0 : i32
        %sign3A_1340 = arith.cmpi slt, %jit3A_1327, %sign3A_1339 : i32
        %sign3A_1341 = arith.extui %sign3A_1340 : i1 to i32
        %sign3A_1342 = arith.subi %sign3A_1338, %sign3A_1341 : i32
        %ne3A_1343 = arith.cmpi ne, %sign3A_1335, %sign3A_1342 : i32
        %rem3A_1344 = arith.remsi %add3A_1326, %jit3A_1327 : i32
        %ne3A_1345 = arith.constant 0 : i32
        %ne3A_1346 = arith.cmpi ne, %rem3A_1344, %ne3A_1345 : i32
        %and3A_1347 = arith.andi %ne3A_1343, %ne3A_1346 : i1
        %sub3A_1348 = arith.constant 1 : i32
        %sub3A_1349 = arith.subi %div3A_1328, %sub3A_1348 : i32
        %select_n3A_1350 = arith.select %and3A_1347, %sub3A_1349, %div3A_1328 : i32
        %slice3A_1351 = vector.extract_strided_slice %mul3A_317 {offsets = [12], sizes = [1], strides = [1]} : vector<16xi32> to vector<1xi32>
        %squeeze3A_1352 = vector.extract %slice3A_1351[0] : i32 from vector<1xi32>
        %slice3A_1353 = vector.extract_strided_slice %mul3A_355 {offsets = [12], sizes = [1], strides = [1]} : vector<16xi32> to vector<1xi32>
        %squeeze3A_1354 = vector.extract %slice3A_1353[0] : i32 from vector<1xi32>
        %add3A_1355 = arith.constant 0 : i32
        %add3A_1356 = arith.addi %squeeze3A_1352, %add3A_1355 : i32
        %get3A_1357 = arith.index_cast %add3A_1326 : i32 to index
        %get3A_1358 = arith.index_cast %add3A_1356 : i32 to index
        %get3A_1359 = tpu.vector_load %arg13[%get3A_1357, %get3A_1358] {strides = array<i32>} : memref<320x128xf32, #tpu.memory_space<vmem>>, vector<16xf32>,
        %add3A_1360 = arith.constant 0 : i32
        %add3A_1361 = arith.addi %squeeze3A_1354, %add3A_1360 : i32
        %get3A_1362 = arith.index_cast %select_n3A_1350 : i32 to index
        %get3A_1363 = arith.index_cast %add3A_1361 : i32 to index
        %get3A_1364 = tpu.vector_load %arg11[%get3A_1362, %get3A_1363] {strides = array<i32>} : memref<16x128xf32, #tpu.memory_space<vmem>>, vector<16xf32>,
        %mul3A_1365 = arith.mulf %get3A_1359, %get3A_1364 : vector<16xf32>
        %add3A_1366 = arith.constant 16 : i32
        %add3A_1367 = arith.addi %squeeze3A_1352, %add3A_1366 : i32
        %get3A_1368 = arith.index_cast %add3A_1326 : i32 to index
        %get3A_1369 = arith.index_cast %add3A_1367 : i32 to index
        %get3A_1370 = tpu.vector_load %arg13[%get3A_1368, %get3A_1369] {strides = array<i32>} : memref<320x128xf32, #tpu.memory_space<vmem>>, vector<16xf32>,
        %add3A_1371 = arith.constant 16 : i32
        %add3A_1372 = arith.addi %squeeze3A_1354, %add3A_1371 : i32
        %get3A_1373 = arith.index_cast %select_n3A_1350 : i32 to index
        %get3A_1374 = arith.index_cast %add3A_1372 : i32 to index
        %get3A_1375 = tpu.vector_load %arg11[%get3A_1373, %get3A_1374] {strides = array<i32>} : memref<16x128xf32, #tpu.memory_space<vmem>>, vector<16xf32>,
        %mul3A_1376 = arith.mulf %get3A_1370, %get3A_1375 : vector<16xf32>
        %add3A_1377 = arith.addf %mul3A_1365, %mul3A_1376 : vector<16xf32>
        %add3A_1378 = arith.constant 32 : i32
        %add3A_1379 = arith.addi %squeeze3A_1352, %add3A_1378 : i32
        %get3A_1380 = arith.index_cast %add3A_1326 : i32 to index
        %get3A_1381 = arith.index_cast %add3A_1379 : i32 to index
        %get3A_1382 = tpu.vector_load %arg13[%get3A_1380, %get3A_1381] {strides = array<i32>} : memref<320x128xf32, #tpu.memory_space<vmem>>, vector<16xf32>,
        %add3A_1383 = arith.constant 32 : i32
        %add3A_1384 = arith.addi %squeeze3A_1354, %add3A_1383 : i32
        %get3A_1385 = arith.index_cast %select_n3A_1350 : i32 to index
        %get3A_1386 = arith.index_cast %add3A_1384 : i32 to index
        %get3A_1387 = tpu.vector_load %arg11[%get3A_1385, %get3A_1386] {strides = array<i32>} : memref<16x128xf32, #tpu.memory_space<vmem>>, vector<16xf32>,
        %mul3A_1388 = arith.mulf %get3A_1382, %get3A_1387 : vector<16xf32>
        %add3A_1389 = arith.addf %add3A_1377, %mul3A_1388 : vector<16xf32>
        %add3A_1390 = arith.constant 48 : i32
        %add3A_1391 = arith.addi %squeeze3A_1352, %add3A_1390 : i32
        %get3A_1392 = arith.index_cast %add3A_1326 : i32 to index
        %get3A_1393 = arith.index_cast %add3A_1391 : i32 to index
        %get3A_1394 = tpu.vector_load %arg13[%get3A_1392, %get3A_1393] {strides = array<i32>} : memref<320x128xf32, #tpu.memory_space<vmem>>, vector<16xf32>,
        %add3A_1395 = arith.constant 48 : i32
        %add3A_1396 = arith.addi %squeeze3A_1354, %add3A_1395 : i32
        %get3A_1397 = arith.index_cast %select_n3A_1350 : i32 to index
        %get3A_1398 = arith.index_cast %add3A_1396 : i32 to index
        %get3A_1399 = tpu.vector_load %arg11[%get3A_1397, %get3A_1398] {strides = array<i32>} : memref<16x128xf32, #tpu.memory_space<vmem>>, vector<16xf32>,
        %mul3A_1400 = arith.mulf %get3A_1394, %get3A_1399 : vector<16xf32>
        %add3A_1401 = arith.addf %add3A_1389, %mul3A_1400 : vector<16xf32>
        %swap3A_1402 = arith.constant 12 : i32
        %swap3A_1403 = arith.index_cast %swap3A_1402 : i32 to index
        %swap3A_1404 = arith.constant 0 : index
        %swap3A_1405 = tpu.vector_load %arg15[%swap3A_1403, %swap3A_1404] {strides = array<i32>} : memref<16x16xf32, #tpu.memory_space<vmem>>, vector<16xf32>,
        tpu.vector_store %arg15[%swap3A_1403, %swap3A_1404], %add3A_1401 {strides = array<i32>} : memref<16x16xf32, #tpu.memory_space<vmem>>, vector<16xf32>,
        %add3A_1406 = arith.constant 13 : i32
        %add3A_1407 = arith.addi %mul3A_308, %add3A_1406 : i32
        %jit3A_1408 = arith.constant 20 : i32
        %div3A_1409 = arith.divsi %add3A_1407, %jit3A_1408 : i32
        %sign3A_1410 = arith.constant 0 : i32
        %sign3A_1411 = arith.cmpi sgt, %add3A_1407, %sign3A_1410 : i32
        %sign3A_1412 = arith.extui %sign3A_1411 : i1 to i32
        %sign3A_1413 = arith.constant 0 : i32
        %sign3A_1414 = arith.cmpi slt, %add3A_1407, %sign3A_1413 : i32
        %sign3A_1415 = arith.extui %sign3A_1414 : i1 to i32
        %sign3A_1416 = arith.subi %sign3A_1412, %sign3A_1415 : i32
        %sign3A_1417 = arith.constant 0 : i32
        %sign3A_1418 = arith.cmpi sgt, %jit3A_1408, %sign3A_1417 : i32
        %sign3A_1419 = arith.extui %sign3A_1418 : i1 to i32
        %sign3A_1420 = arith.constant 0 : i32
        %sign3A_1421 = arith.cmpi slt, %jit3A_1408, %sign3A_1420 : i32
        %sign3A_1422 = arith.extui %sign3A_1421 : i1 to i32
        %sign3A_1423 = arith.subi %sign3A_1419, %sign3A_1422 : i32
        %ne3A_1424 = arith.cmpi ne, %sign3A_1416, %sign3A_1423 : i32
        %rem3A_1425 = arith.remsi %add3A_1407, %jit3A_1408 : i32
        %ne3A_1426 = arith.constant 0 : i32
        %ne3A_1427 = arith.cmpi ne, %rem3A_1425, %ne3A_1426 : i32
        %and3A_1428 = arith.andi %ne3A_1424, %ne3A_1427 : i1
        %sub3A_1429 = arith.constant 1 : i32
        %sub3A_1430 = arith.subi %div3A_1409, %sub3A_1429 : i32
        %select_n3A_1431 = arith.select %and3A_1428, %sub3A_1430, %div3A_1409 : i32
        %slice3A_1432 = vector.extract_strided_slice %mul3A_317 {offsets = [13], sizes = [1], strides = [1]} : vector<16xi32> to vector<1xi32>
        %squeeze3A_1433 = vector.extract %slice3A_1432[0] : i32 from vector<1xi32>
        %slice3A_1434 = vector.extract_strided_slice %mul3A_355 {offsets = [13], sizes = [1], strides = [1]} : vector<16xi32> to vector<1xi32>
        %squeeze3A_1435 = vector.extract %slice3A_1434[0] : i32 from vector<1xi32>
        %add3A_1436 = arith.constant 0 : i32
        %add3A_1437 = arith.addi %squeeze3A_1433, %add3A_1436 : i32
        %get3A_1438 = arith.index_cast %add3A_1407 : i32 to index
        %get3A_1439 = arith.index_cast %add3A_1437 : i32 to index
        %get3A_1440 = tpu.vector_load %arg13[%get3A_1438, %get3A_1439] {strides = array<i32>} : memref<320x128xf32, #tpu.memory_space<vmem>>, vector<16xf32>,
        %add3A_1441 = arith.constant 0 : i32
        %add3A_1442 = arith.addi %squeeze3A_1435, %add3A_1441 : i32
        %get3A_1443 = arith.index_cast %select_n3A_1431 : i32 to index
        %get3A_1444 = arith.index_cast %add3A_1442 : i32 to index
        %get3A_1445 = tpu.vector_load %arg11[%get3A_1443, %get3A_1444] {strides = array<i32>} : memref<16x128xf32, #tpu.memory_space<vmem>>, vector<16xf32>,
        %mul3A_1446 = arith.mulf %get3A_1440, %get3A_1445 : vector<16xf32>
        %add3A_1447 = arith.constant 16 : i32
        %add3A_1448 = arith.addi %squeeze3A_1433, %add3A_1447 : i32
        %get3A_1449 = arith.index_cast %add3A_1407 : i32 to index
        %get3A_1450 = arith.index_cast %add3A_1448 : i32 to index
        %get3A_1451 = tpu.vector_load %arg13[%get3A_1449, %get3A_1450] {strides = array<i32>} : memref<320x128xf32, #tpu.memory_space<vmem>>, vector<16xf32>,
        %add3A_1452 = arith.constant 16 : i32
        %add3A_1453 = arith.addi %squeeze3A_1435, %add3A_1452 : i32
        %get3A_1454 = arith.index_cast %select_n3A_1431 : i32 to index
        %get3A_1455 = arith.index_cast %add3A_1453 : i32 to index
        %get3A_1456 = tpu.vector_load %arg11[%get3A_1454, %get3A_1455] {strides = array<i32>} : memref<16x128xf32, #tpu.memory_space<vmem>>, vector<16xf32>,
        %mul3A_1457 = arith.mulf %get3A_1451, %get3A_1456 : vector<16xf32>
        %add3A_1458 = arith.addf %mul3A_1446, %mul3A_1457 : vector<16xf32>
        %add3A_1459 = arith.constant 32 : i32
        %add3A_1460 = arith.addi %squeeze3A_1433, %add3A_1459 : i32
        %get3A_1461 = arith.index_cast %add3A_1407 : i32 to index
        %get3A_1462 = arith.index_cast %add3A_1460 : i32 to index
        %get3A_1463 = tpu.vector_load %arg13[%get3A_1461, %get3A_1462] {strides = array<i32>} : memref<320x128xf32, #tpu.memory_space<vmem>>, vector<16xf32>,
        %add3A_1464 = arith.constant 32 : i32
        %add3A_1465 = arith.addi %squeeze3A_1435, %add3A_1464 : i32
        %get3A_1466 = arith.index_cast %select_n3A_1431 : i32 to index
        %get3A_1467 = arith.index_cast %add3A_1465 : i32 to index
        %get3A_1468 = tpu.vector_load %arg11[%get3A_1466, %get3A_1467] {strides = array<i32>} : memref<16x128xf32, #tpu.memory_space<vmem>>, vector<16xf32>,
        %mul3A_1469 = arith.mulf %get3A_1463, %get3A_1468 : vector<16xf32>
        %add3A_1470 = arith.addf %add3A_1458, %mul3A_1469 : vector<16xf32>
        %add3A_1471 = arith.constant 48 : i32
        %add3A_1472 = arith.addi %squeeze3A_1433, %add3A_1471 : i32
        %get3A_1473 = arith.index_cast %add3A_1407 : i32 to index
        %get3A_1474 = arith.index_cast %add3A_1472 : i32 to index
        %get3A_1475 = tpu.vector_load %arg13[%get3A_1473, %get3A_1474] {strides = array<i32>} : memref<320x128xf32, #tpu.memory_space<vmem>>, vector<16xf32>,
        %add3A_1476 = arith.constant 48 : i32
        %add3A_1477 = arith.addi %squeeze3A_1435, %add3A_1476 : i32
        %get3A_1478 = arith.index_cast %select_n3A_1431 : i32 to index
        %get3A_1479 = arith.index_cast %add3A_1477 : i32 to index
        %get3A_1480 = tpu.vector_load %arg11[%get3A_1478, %get3A_1479] {strides = array<i32>} : memref<16x128xf32, #tpu.memory_space<vmem>>, vector<16xf32>,
        %mul3A_1481 = arith.mulf %get3A_1475, %get3A_1480 : vector<16xf32>
        %add3A_1482 = arith.addf %add3A_1470, %mul3A_1481 : vector<16xf32>
        %swap3A_1483 = arith.constant 13 : i32
        %swap3A_1484 = arith.index_cast %swap3A_1483 : i32 to index
        %swap3A_1485 = arith.constant 0 : index
        %swap3A_1486 = tpu.vector_load %arg15[%swap3A_1484, %swap3A_1485] {strides = array<i32>} : memref<16x16xf32, #tpu.memory_space<vmem>>, vector<16xf32>,
        tpu.vector_store %arg15[%swap3A_1484, %swap3A_1485], %add3A_1482 {strides = array<i32>} : memref<16x16xf32, #tpu.memory_space<vmem>>, vector<16xf32>,
        %add3A_1487 = arith.constant 14 : i32
        %add3A_1488 = arith.addi %mul3A_308, %add3A_1487 : i32
        %jit3A_1489 = arith.constant 20 : i32
        %div3A_1490 = arith.divsi %add3A_1488, %jit3A_1489 : i32
        %sign3A_1491 = arith.constant 0 : i32
        %sign3A_1492 = arith.cmpi sgt, %add3A_1488, %sign3A_1491 : i32
        %sign3A_1493 = arith.extui %sign3A_1492 : i1 to i32
        %sign3A_1494 = arith.constant 0 : i32
        %sign3A_1495 = arith.cmpi slt, %add3A_1488, %sign3A_1494 : i32
        %sign3A_1496 = arith.extui %sign3A_1495 : i1 to i32
        %sign3A_1497 = arith.subi %sign3A_1493, %sign3A_1496 : i32
        %sign3A_1498 = arith.constant 0 : i32
        %sign3A_1499 = arith.cmpi sgt, %jit3A_1489, %sign3A_1498 : i32
        %sign3A_1500 = arith.extui %sign3A_1499 : i1 to i32
        %sign3A_1501 = arith.constant 0 : i32
        %sign3A_1502 = arith.cmpi slt, %jit3A_1489, %sign3A_1501 : i32
        %sign3A_1503 = arith.extui %sign3A_1502 : i1 to i32
        %sign3A_1504 = arith.subi %sign3A_1500, %sign3A_1503 : i32
        %ne3A_1505 = arith.cmpi ne, %sign3A_1497, %sign3A_1504 : i32
        %rem3A_1506 = arith.remsi %add3A_1488, %jit3A_1489 : i32
        %ne3A_1507 = arith.constant 0 : i32
        %ne3A_1508 = arith.cmpi ne, %rem3A_1506, %ne3A_1507 : i32
        %and3A_1509 = arith.andi %ne3A_1505, %ne3A_1508 : i1
        %sub3A_1510 = arith.constant 1 : i32
        %sub3A_1511 = arith.subi %div3A_1490, %sub3A_1510 : i32
        %select_n3A_1512 = arith.select %and3A_1509, %sub3A_1511, %div3A_1490 : i32
        %slice3A_1513 = vector.extract_strided_slice %mul3A_317 {offsets = [14], sizes = [1], strides = [1]} : vector<16xi32> to vector<1xi32>
        %squeeze3A_1514 = vector.extract %slice3A_1513[0] : i32 from vector<1xi32>
        %slice3A_1515 = vector.extract_strided_slice %mul3A_355 {offsets = [14], sizes = [1], strides = [1]} : vector<16xi32> to vector<1xi32>
        %squeeze3A_1516 = vector.extract %slice3A_1515[0] : i32 from vector<1xi32>
        %add3A_1517 = arith.constant 0 : i32
        %add3A_1518 = arith.addi %squeeze3A_1514, %add3A_1517 : i32
        %get3A_1519 = arith.index_cast %add3A_1488 : i32 to index
        %get3A_1520 = arith.index_cast %add3A_1518 : i32 to index
        %get3A_1521 = tpu.vector_load %arg13[%get3A_1519, %get3A_1520] {strides = array<i32>} : memref<320x128xf32, #tpu.memory_space<vmem>>, vector<16xf32>,
        %add3A_1522 = arith.constant 0 : i32
        %add3A_1523 = arith.addi %squeeze3A_1516, %add3A_1522 : i32
        %get3A_1524 = arith.index_cast %select_n3A_1512 : i32 to index
        %get3A_1525 = arith.index_cast %add3A_1523 : i32 to index
        %get3A_1526 = tpu.vector_load %arg11[%get3A_1524, %get3A_1525] {strides = array<i32>} : memref<16x128xf32, #tpu.memory_space<vmem>>, vector<16xf32>,
        %mul3A_1527 = arith.mulf %get3A_1521, %get3A_1526 : vector<16xf32>
        %add3A_1528 = arith.constant 16 : i32
        %add3A_1529 = arith.addi %squeeze3A_1514, %add3A_1528 : i32
        %get3A_1530 = arith.index_cast %add3A_1488 : i32 to index
        %get3A_1531 = arith.index_cast %add3A_1529 : i32 to index
        %get3A_1532 = tpu.vector_load %arg13[%get3A_1530, %get3A_1531] {strides = array<i32>} : memref<320x128xf32, #tpu.memory_space<vmem>>, vector<16xf32>,
        %add3A_1533 = arith.constant 16 : i32
        %add3A_1534 = arith.addi %squeeze3A_1516, %add3A_1533 : i32
        %get3A_1535 = arith.index_cast %select_n3A_1512 : i32 to index
        %get3A_1536 = arith.index_cast %add3A_1534 : i32 to index
        %get3A_1537 = tpu.vector_load %arg11[%get3A_1535, %get3A_1536] {strides = array<i32>} : memref<16x128xf32, #tpu.memory_space<vmem>>, vector<16xf32>,
        %mul3A_1538 = arith.mulf %get3A_1532, %get3A_1537 : vector<16xf32>
        %add3A_1539 = arith.addf %mul3A_1527, %mul3A_1538 : vector<16xf32>
        %add3A_1540 = arith.constant 32 : i32
        %add3A_1541 = arith.addi %squeeze3A_1514, %add3A_1540 : i32
        %get3A_1542 = arith.index_cast %add3A_1488 : i32 to index
        %get3A_1543 = arith.index_cast %add3A_1541 : i32 to index
        %get3A_1544 = tpu.vector_load %arg13[%get3A_1542, %get3A_1543] {strides = array<i32>} : memref<320x128xf32, #tpu.memory_space<vmem>>, vector<16xf32>,
        %add3A_1545 = arith.constant 32 : i32
        %add3A_1546 = arith.addi %squeeze3A_1516, %add3A_1545 : i32
        %get3A_1547 = arith.index_cast %select_n3A_1512 : i32 to index
        %get3A_1548 = arith.index_cast %add3A_1546 : i32 to index
        %get3A_1549 = tpu.vector_load %arg11[%get3A_1547, %get3A_1548] {strides = array<i32>} : memref<16x128xf32, #tpu.memory_space<vmem>>, vector<16xf32>,
        %mul3A_1550 = arith.mulf %get3A_1544, %get3A_1549 : vector<16xf32>
        %add3A_1551 = arith.addf %add3A_1539, %mul3A_1550 : vector<16xf32>
        %add3A_1552 = arith.constant 48 : i32
        %add3A_1553 = arith.addi %squeeze3A_1514, %add3A_1552 : i32
        %get3A_1554 = arith.index_cast %add3A_1488 : i32 to index
        %get3A_1555 = arith.index_cast %add3A_1553 : i32 to index
        %get3A_1556 = tpu.vector_load %arg13[%get3A_1554, %get3A_1555] {strides = array<i32>} : memref<320x128xf32, #tpu.memory_space<vmem>>, vector<16xf32>,
        %add3A_1557 = arith.constant 48 : i32
        %add3A_1558 = arith.addi %squeeze3A_1516, %add3A_1557 : i32
        %get3A_1559 = arith.index_cast %select_n3A_1512 : i32 to index
        %get3A_1560 = arith.index_cast %add3A_1558 : i32 to index
        %get3A_1561 = tpu.vector_load %arg11[%get3A_1559, %get3A_1560] {strides = array<i32>} : memref<16x128xf32, #tpu.memory_space<vmem>>, vector<16xf32>,
        %mul3A_1562 = arith.mulf %get3A_1556, %get3A_1561 : vector<16xf32>
        %add3A_1563 = arith.addf %add3A_1551, %mul3A_1562 : vector<16xf32>
        %swap3A_1564 = arith.constant 14 : i32
        %swap3A_1565 = arith.index_cast %swap3A_1564 : i32 to index
        %swap3A_1566 = arith.constant 0 : index
        %swap3A_1567 = tpu.vector_load %arg15[%swap3A_1565, %swap3A_1566] {strides = array<i32>} : memref<16x16xf32, #tpu.memory_space<vmem>>, vector<16xf32>,
        tpu.vector_store %arg15[%swap3A_1565, %swap3A_1566], %add3A_1563 {strides = array<i32>} : memref<16x16xf32, #tpu.memory_space<vmem>>, vector<16xf32>,
        %add3A_1568 = arith.constant 15 : i32
        %add3A_1569 = arith.addi %mul3A_308, %add3A_1568 : i32
        %jit3A_1570 = arith.constant 20 : i32
        %div3A_1571 = arith.divsi %add3A_1569, %jit3A_1570 : i32
        %sign3A_1572 = arith.constant 0 : i32
        %sign3A_1573 = arith.cmpi sgt, %add3A_1569, %sign3A_1572 : i32
        %sign3A_1574 = arith.extui %sign3A_1573 : i1 to i32
        %sign3A_1575 = arith.constant 0 : i32
        %sign3A_1576 = arith.cmpi slt, %add3A_1569, %sign3A_1575 : i32
        %sign3A_1577 = arith.extui %sign3A_1576 : i1 to i32
        %sign3A_1578 = arith.subi %sign3A_1574, %sign3A_1577 : i32
        %sign3A_1579 = arith.constant 0 : i32
        %sign3A_1580 = arith.cmpi sgt, %jit3A_1570, %sign3A_1579 : i32
        %sign3A_1581 = arith.extui %sign3A_1580 : i1 to i32
        %sign3A_1582 = arith.constant 0 : i32
        %sign3A_1583 = arith.cmpi slt, %jit3A_1570, %sign3A_1582 : i32
        %sign3A_1584 = arith.extui %sign3A_1583 : i1 to i32
        %sign3A_1585 = arith.subi %sign3A_1581, %sign3A_1584 : i32
        %ne3A_1586 = arith.cmpi ne, %sign3A_1578, %sign3A_1585 : i32
        %rem3A_1587 = arith.remsi %add3A_1569, %jit3A_1570 : i32
        %ne3A_1588 = arith.constant 0 : i32
        %ne3A_1589 = arith.cmpi ne, %rem3A_1587, %ne3A_1588 : i32
        %and3A_1590 = arith.andi %ne3A_1586, %ne3A_1589 : i1
        %sub3A_1591 = arith.constant 1 : i32
        %sub3A_1592 = arith.subi %div3A_1571, %sub3A_1591 : i32
        %select_n3A_1593 = arith.select %and3A_1590, %sub3A_1592, %div3A_1571 : i32
        %slice3A_1594 = vector.extract_strided_slice %mul3A_317 {offsets = [15], sizes = [1], strides = [1]} : vector<16xi32> to vector<1xi32>
        %squeeze3A_1595 = vector.extract %slice3A_1594[0] : i32 from vector<1xi32>
        %slice3A_1596 = vector.extract_strided_slice %mul3A_355 {offsets = [15], sizes = [1], strides = [1]} : vector<16xi32> to vector<1xi32>
        %squeeze3A_1597 = vector.extract %slice3A_1596[0] : i32 from vector<1xi32>
        %add3A_1598 = arith.constant 0 : i32
        %add3A_1599 = arith.addi %squeeze3A_1595, %add3A_1598 : i32
        %get3A_1600 = arith.index_cast %add3A_1569 : i32 to index
        %get3A_1601 = arith.index_cast %add3A_1599 : i32 to index
        %get3A_1602 = tpu.vector_load %arg13[%get3A_1600, %get3A_1601] {strides = array<i32>} : memref<320x128xf32, #tpu.memory_space<vmem>>, vector<16xf32>,
        %add3A_1603 = arith.constant 0 : i32
        %add3A_1604 = arith.addi %squeeze3A_1597, %add3A_1603 : i32
        %get3A_1605 = arith.index_cast %select_n3A_1593 : i32 to index
        %get3A_1606 = arith.index_cast %add3A_1604 : i32 to index
        %get3A_1607 = tpu.vector_load %arg11[%get3A_1605, %get3A_1606] {strides = array<i32>} : memref<16x128xf32, #tpu.memory_space<vmem>>, vector<16xf32>,
        %mul3A_1608 = arith.mulf %get3A_1602, %get3A_1607 : vector<16xf32>
        %add3A_1609 = arith.constant 16 : i32
        %add3A_1610 = arith.addi %squeeze3A_1595, %add3A_1609 : i32
        %get3A_1611 = arith.index_cast %add3A_1569 : i32 to index
        %get3A_1612 = arith.index_cast %add3A_1610 : i32 to index
        %get3A_1613 = tpu.vector_load %arg13[%get3A_1611, %get3A_1612] {strides = array<i32>} : memref<320x128xf32, #tpu.memory_space<vmem>>, vector<16xf32>,
        %add3A_1614 = arith.constant 16 : i32
        %add3A_1615 = arith.addi %squeeze3A_1597, %add3A_1614 : i32
        %get3A_1616 = arith.index_cast %select_n3A_1593 : i32 to index
        %get3A_1617 = arith.index_cast %add3A_1615 : i32 to index
        %get3A_1618 = tpu.vector_load %arg11[%get3A_1616, %get3A_1617] {strides = array<i32>} : memref<16x128xf32, #tpu.memory_space<vmem>>, vector<16xf32>,
        %mul3A_1619 = arith.mulf %get3A_1613, %get3A_1618 : vector<16xf32>
        %add3A_1620 = arith.addf %mul3A_1608, %mul3A_1619 : vector<16xf32>
        %add3A_1621 = arith.constant 32 : i32
        %add3A_1622 = arith.addi %squeeze3A_1595, %add3A_1621 : i32
        %get3A_1623 = arith.index_cast %add3A_1569 : i32 to index
        %get3A_1624 = arith.index_cast %add3A_1622 : i32 to index
        %get3A_1625 = tpu.vector_load %arg13[%get3A_1623, %get3A_1624] {strides = array<i32>} : memref<320x128xf32, #tpu.memory_space<vmem>>, vector<16xf32>,
        %add3A_1626 = arith.constant 32 : i32
        %add3A_1627 = arith.addi %squeeze3A_1597, %add3A_1626 : i32
        %get3A_1628 = arith.index_cast %select_n3A_1593 : i32 to index
        %get3A_1629 = arith.index_cast %add3A_1627 : i32 to index
        %get3A_1630 = tpu.vector_load %arg11[%get3A_1628, %get3A_1629] {strides = array<i32>} : memref<16x128xf32, #tpu.memory_space<vmem>>, vector<16xf32>,
        %mul3A_1631 = arith.mulf %get3A_1625, %get3A_1630 : vector<16xf32>
        %add3A_1632 = arith.addf %add3A_1620, %mul3A_1631 : vector<16xf32>
        %add3A_1633 = arith.constant 48 : i32
        %add3A_1634 = arith.addi %squeeze3A_1595, %add3A_1633 : i32
        %get3A_1635 = arith.index_cast %add3A_1569 : i32 to index
        %get3A_1636 = arith.index_cast %add3A_1634 : i32 to index
        %get3A_1637 = tpu.vector_load %arg13[%get3A_1635, %get3A_1636] {strides = array<i32>} : memref<320x128xf32, #tpu.memory_space<vmem>>, vector<16xf32>,
        %add3A_1638 = arith.constant 48 : i32
        %add3A_1639 = arith.addi %squeeze3A_1597, %add3A_1638 : i32
        %get3A_1640 = arith.index_cast %select_n3A_1593 : i32 to index
        %get3A_1641 = arith.index_cast %add3A_1639 : i32 to index
        %get3A_1642 = tpu.vector_load %arg11[%get3A_1640, %get3A_1641] {strides = array<i32>} : memref<16x128xf32, #tpu.memory_space<vmem>>, vector<16xf32>,
        %mul3A_1643 = arith.mulf %get3A_1637, %get3A_1642 : vector<16xf32>
        %add3A_1644 = arith.addf %add3A_1632, %mul3A_1643 : vector<16xf32>
        %swap3A_1645 = arith.constant 15 : i32
        %swap3A_1646 = arith.index_cast %swap3A_1645 : i32 to index
        %swap3A_1647 = arith.constant 0 : index
        %swap3A_1648 = tpu.vector_load %arg15[%swap3A_1646, %swap3A_1647] {strides = array<i32>} : memref<16x16xf32, #tpu.memory_space<vmem>>, vector<16xf32>,
        tpu.vector_store %arg15[%swap3A_1646, %swap3A_1647], %add3A_1644 {strides = array<i32>} : memref<16x16xf32, #tpu.memory_space<vmem>>, vector<16xf32>,
        %broadcast_in_dim3A_1649 = arith.constant 0 : i32
        %broadcast_in_dim3A_1650 = vector.broadcast %broadcast_in_dim3A_1649 : i32 to vector<16xi32>
        %gather3A_1651 = tpu.vector_load_idx %arg15[%iota3A, %broadcast_in_dim3A_1650] : memref<16x16xf32, #tpu.memory_space<vmem>>[vector<16xi32>, vector<16xi32>], vector<16xf32>,
        %broadcast_in_dim3A_1652 = arith.constant 1 : i32
        %broadcast_in_dim3A_1653 = vector.broadcast %broadcast_in_dim3A_1652 : i32 to vector<16xi32>
        %gather3A_1654 = tpu.vector_load_idx %arg15[%iota3A, %broadcast_in_dim3A_1653] : memref<16x16xf32, #tpu.memory_space<vmem>>[vector<16xi32>, vector<16xi32>], vector<16xf32>,
        %broadcast_in_dim3A_1655 = arith.constant 2 : i32
        %broadcast_in_dim3A_1656 = vector.broadcast %broadcast_in_dim3A_1655 : i32 to vector<16xi32>
        %gather3A_1657 = tpu.vector_load_idx %arg15[%iota3A, %broadcast_in_dim3A_1656] : memref<16x16xf32, #tpu.memory_space<vmem>>[vector<16xi32>, vector<16xi32>], vector<16xf32>,
        %broadcast_in_dim3A_1658 = arith.constant 3 : i32
        %broadcast_in_dim3A_1659 = vector.broadcast %broadcast_in_dim3A_1658 : i32 to vector<16xi32>
        %gather3A_1660 = tpu.vector_load_idx %arg15[%iota3A, %broadcast_in_dim3A_1659] : memref<16x16xf32, #tpu.memory_space<vmem>>[vector<16xi32>, vector<16xi32>], vector<16xf32>,
        %broadcast_in_dim3A_1661 = arith.constant 4 : i32
        %broadcast_in_dim3A_1662 = vector.broadcast %broadcast_in_dim3A_1661 : i32 to vector<16xi32>
        %gather3A_1663 = tpu.vector_load_idx %arg15[%iota3A, %broadcast_in_dim3A_1662] : memref<16x16xf32, #tpu.memory_space<vmem>>[vector<16xi32>, vector<16xi32>], vector<16xf32>,
        %broadcast_in_dim3A_1664 = arith.constant 5 : i32
        %broadcast_in_dim3A_1665 = vector.broadcast %broadcast_in_dim3A_1664 : i32 to vector<16xi32>
        %gather3A_1666 = tpu.vector_load_idx %arg15[%iota3A, %broadcast_in_dim3A_1665] : memref<16x16xf32, #tpu.memory_space<vmem>>[vector<16xi32>, vector<16xi32>], vector<16xf32>,
        %broadcast_in_dim3A_1667 = arith.constant 6 : i32
        %broadcast_in_dim3A_1668 = vector.broadcast %broadcast_in_dim3A_1667 : i32 to vector<16xi32>
        %gather3A_1669 = tpu.vector_load_idx %arg15[%iota3A, %broadcast_in_dim3A_1668] : memref<16x16xf32, #tpu.memory_space<vmem>>[vector<16xi32>, vector<16xi32>], vector<16xf32>,
        %broadcast_in_dim3A_1670 = arith.constant 7 : i32
        %broadcast_in_dim3A_1671 = vector.broadcast %broadcast_in_dim3A_1670 : i32 to vector<16xi32>
        %gather3A_1672 = tpu.vector_load_idx %arg15[%iota3A, %broadcast_in_dim3A_1671] : memref<16x16xf32, #tpu.memory_space<vmem>>[vector<16xi32>, vector<16xi32>], vector<16xf32>,
        %broadcast_in_dim3A_1673 = arith.constant 8 : i32
        %broadcast_in_dim3A_1674 = vector.broadcast %broadcast_in_dim3A_1673 : i32 to vector<16xi32>
        %gather3A_1675 = tpu.vector_load_idx %arg15[%iota3A, %broadcast_in_dim3A_1674] : memref<16x16xf32, #tpu.memory_space<vmem>>[vector<16xi32>, vector<16xi32>], vector<16xf32>,
        %broadcast_in_dim3A_1676 = arith.constant 9 : i32
        %broadcast_in_dim3A_1677 = vector.broadcast %broadcast_in_dim3A_1676 : i32 to vector<16xi32>
        %gather3A_1678 = tpu.vector_load_idx %arg15[%iota3A, %broadcast_in_dim3A_1677] : memref<16x16xf32, #tpu.memory_space<vmem>>[vector<16xi32>, vector<16xi32>], vector<16xf32>,
        %broadcast_in_dim3A_1679 = arith.constant 10 : i32
        %broadcast_in_dim3A_1680 = vector.broadcast %broadcast_in_dim3A_1679 : i32 to vector<16xi32>
        %gather3A_1681 = tpu.vector_load_idx %arg15[%iota3A, %broadcast_in_dim3A_1680] : memref<16x16xf32, #tpu.memory_space<vmem>>[vector<16xi32>, vector<16xi32>], vector<16xf32>,
        %broadcast_in_dim3A_1682 = arith.constant 11 : i32
        %broadcast_in_dim3A_1683 = vector.broadcast %broadcast_in_dim3A_1682 : i32 to vector<16xi32>
        %gather3A_1684 = tpu.vector_load_idx %arg15[%iota3A, %broadcast_in_dim3A_1683] : memref<16x16xf32, #tpu.memory_space<vmem>>[vector<16xi32>, vector<16xi32>], vector<16xf32>,
        %broadcast_in_dim3A_1685 = arith.constant 12 : i32
        %broadcast_in_dim3A_1686 = vector.broadcast %broadcast_in_dim3A_1685 : i32 to vector<16xi32>
        %gather3A_1687 = tpu.vector_load_idx %arg15[%iota3A, %broadcast_in_dim3A_1686] : memref<16x16xf32, #tpu.memory_space<vmem>>[vector<16xi32>, vector<16xi32>], vector<16xf32>,
        %broadcast_in_dim3A_1688 = arith.constant 13 : i32
        %broadcast_in_dim3A_1689 = vector.broadcast %broadcast_in_dim3A_1688 : i32 to vector<16xi32>
        %gather3A_1690 = tpu.vector_load_idx %arg15[%iota3A, %broadcast_in_dim3A_1689] : memref<16x16xf32, #tpu.memory_space<vmem>>[vector<16xi32>, vector<16xi32>], vector<16xf32>,
        %broadcast_in_dim3A_1691 = arith.constant 14 : i32
        %broadcast_in_dim3A_1692 = vector.broadcast %broadcast_in_dim3A_1691 : i32 to vector<16xi32>
        %gather3A_1693 = tpu.vector_load_idx %arg15[%iota3A, %broadcast_in_dim3A_1692] : memref<16x16xf32, #tpu.memory_space<vmem>>[vector<16xi32>, vector<16xi32>], vector<16xf32>,
        %broadcast_in_dim3A_1694 = arith.constant 15 : i32
        %broadcast_in_dim3A_1695 = vector.broadcast %broadcast_in_dim3A_1694 : i32 to vector<16xi32>
        %gather3A_1696 = tpu.vector_load_idx %arg15[%iota3A, %broadcast_in_dim3A_1695] : memref<16x16xf32, #tpu.memory_space<vmem>>[vector<16xi32>, vector<16xi32>], vector<16xf32>,
        %add3A_1697 = arith.addf %gather3A_1651, %gather3A_1654 : vector<16xf32>
        %add3A_1698 = arith.addf %gather3A_1657, %gather3A_1660 : vector<16xf32>
        %add3A_1699 = arith.addf %gather3A_1663, %gather3A_1666 : vector<16xf32>
        %add3A_1700 = arith.addf %gather3A_1669, %gather3A_1672 : vector<16xf32>
        %add3A_1701 = arith.addf %gather3A_1675, %gather3A_1678 : vector<16xf32>
        %add3A_1702 = arith.addf %gather3A_1681, %gather3A_1684 : vector<16xf32>
        %add3A_1703 = arith.addf %gather3A_1687, %gather3A_1690 : vector<16xf32>
        %add3A_1704 = arith.addf %gather3A_1693, %gather3A_1696 : vector<16xf32>
        %add3A_1705 = arith.addf %add3A_1697, %add3A_1698 : vector<16xf32>
        %add3A_1706 = arith.addf %add3A_1699, %add3A_1700 : vector<16xf32>
        %add3A_1707 = arith.addf %add3A_1701, %add3A_1702 : vector<16xf32>
        %add3A_1708 = arith.addf %add3A_1703, %add3A_1704 : vector<16xf32>
        %add3A_1709 = arith.addf %add3A_1705, %add3A_1706 : vector<16xf32>
        %add3A_1710 = arith.addf %add3A_1707, %add3A_1708 : vector<16xf32>
        %add3A_1711 = arith.addf %add3A_1709, %add3A_1710 : vector<16xf32>
        %neg3A = arith.constant 0.000000e+00 : f32
        %neg3A_1712 = vector.broadcast %neg3A : f32 to vector<16xf32>
        %neg3A_1713 = arith.subf %neg3A_1712, %add3A_1711 : vector<16xf32>
        %exp3A = math.exp %neg3A_1713 : vector<16xf32>
        %add3A_1714 = arith.constant 1.000000e+00 : f32
        %add3A_1715 = vector.broadcast %add3A_1714 : f32 to vector<16xf32>
        %add3A_1716 = arith.addf %add3A_1715, %exp3A : vector<16xf32>
        %div3A_1717 = arith.constant 1.000000e+00 : f32
        %div3A_1718 = vector.broadcast %div3A_1717 : f32 to vector<16xf32>
        %div3A_1719 = arith.divf %div3A_1718, %add3A_1716 : vector<16xf32>
        %mul3A_1720 = arith.constant 16 : i32
        %mul3A_1721 = arith.muli %mul3A_1720, %scan3A_306 : i32
        %swap3A_1722 = arith.index_cast %mul3A_1721 : i32 to index
        %swap3A_1723 = tpu.vector_load %arg16[%swap3A_1722] {strides = array<i32>} : memref<320xf32, #tpu.memory_space<vmem>>, vector<16xf32>,
        tpu.vector_store %arg16[%swap3A_1722], %div3A_1719 {strides = array<i32>} : memref<320xf32, #tpu.memory_space<vmem>>, vector<16xf32>,
      }
      %scan3A_211 = arith.constant 20 : i32
      %mul3A_212 = arith.constant 10240 : i32
      %mul3A_213 = arith.muli %add3A, %mul3A_212 : i32
      %mul3A_214 = arith.constant 320 : i32
      %mul3A_215 = arith.muli %mul3A_214, %mul3A_79 : i32
      %add3A_216 = arith.addi %mul3A_213, %mul3A_215 : i32
      %dma_start3A_217 = tpu.memref_slice %arg6[%add3A_216] : memref<327680xf32, #tpu.memory_space<hbm>> -> memref<320xf32, #tpu.memory_space<hbm>>
      %dma_start3A_218 = tpu.memref_slice %arg6[%add3A_216] : memref<327680xf32, #tpu.memory_space<hbm>> -> memref<320xf32, #tpu.memory_space<hbm>>
      tpu.enqueue_dma source(%arg16 : memref<320xf32, #tpu.memory_space<vmem>>) target(%dma_start3A_218 : memref<320xf32, #tpu.memory_space<hbm>>) target_semaphore(%arg20 : memref<!tpu.dma_semaphore, #tpu.memory_space<semaphore_mem>>)
      %lt3A = arith.constant 15 : i32
      %lt3A_219 = arith.cmpi slt, %scan3A_77, %lt3A : i32
      %convert_element_type3A_220 = arith.extui %lt3A_219 : i1 to i32
      %cond3A_221 = arith.constant 0 : i32
      %cond3A_222 = arith.cmpi ne, %convert_element_type3A_220, %cond3A_221 : i32
      scf.if %cond3A_222 {
        %add3A_306 = arith.constant 2 : i32
        %add3A_307 = arith.addi %mul3A_79, %add3A_306 : i32
        %mul3A_308 = arith.constant 16 : i32
        %mul3A_309 = arith.muli %mul3A_308, %add3A_307 : i32
        %dma_start3A_310 = tpu.memref_slice %arg9[%mul3A_309] : memref<512xi32, #tpu.memory_space<vmem>> -> memref<16xi32, #tpu.memory_space<vmem>>
        %dma_start3A_311 = arith.constant 0 : i32
        %dma_start3A_312 = arith.constant 0 : i32
        %dma_start3A_313 = tpu.memref_slice %arg4[%dma_start3A_311, %dma_start3A_312] : memref<500000x128xf32, #tpu.memory_space<hbm>> -> memref<500000x128xf32, #tpu.memory_space<hbm>>
        tpu.enqueue_indirect_dma source(%dma_start3A_313 : memref<500000x128xf32, #tpu.memory_space<hbm>>) target(%arg11 : memref<16x128xf32, #tpu.memory_space<vmem>>) offsets(%dma_start3A_310 : memref<16xi32, #tpu.memory_space<vmem>>) semaphore(%arg18 : memref<!tpu.dma_semaphore, #tpu.memory_space<semaphore_mem>>)
        %mul3A_314 = arith.constant 320 : i32
        %mul3A_315 = arith.muli %mul3A_314, %add3A_307 : i32
        %add3A_316 = arith.constant 0 : i32
        %add3A_317 = arith.addi %mul3A_315, %add3A_316 : i32
        %dma_start3A_318 = arith.constant 0 : i32
        %dma_start3A_319 = arith.constant 0 : i32
        %dma_start3A_320 = tpu.memref_slice %arg13[%dma_start3A_318, %dma_start3A_319] : memref<320x128xf32, #tpu.memory_space<vmem>> -> memref<64x128xf32, #tpu.memory_space<vmem>>
        %dma_start3A_321 = tpu.memref_slice %arg10[%add3A_317] : memref<10240xi32, #tpu.memory_space<vmem>> -> memref<64xi32, #tpu.memory_space<vmem>>
        %dma_start3A_322 = arith.constant 0 : i32
        %dma_start3A_323 = arith.constant 0 : i32
        %dma_start3A_324 = tpu.memref_slice %arg5[%dma_start3A_322, %dma_start3A_323] : memref<500000x128xf32, #tpu.memory_space<hbm>> -> memref<500000x128xf32, #tpu.memory_space<hbm>>
        tpu.enqueue_indirect_dma source(%dma_start3A_324 : memref<500000x128xf32, #tpu.memory_space<hbm>>) target(%dma_start3A_320 : memref<64x128xf32, #tpu.memory_space<vmem>>) offsets(%dma_start3A_321 : memref<64xi32, #tpu.memory_space<vmem>>) semaphore(%arg18 : memref<!tpu.dma_semaphore, #tpu.memory_space<semaphore_mem>>)
        %mul3A_325 = arith.constant 320 : i32
        %mul3A_326 = arith.muli %mul3A_325, %add3A_307 : i32
        %add3A_327 = arith.constant 64 : i32
        %add3A_328 = arith.addi %mul3A_326, %add3A_327 : i32
        %dma_start3A_329 = arith.constant 64 : i32
        %dma_start3A_330 = arith.constant 0 : i32
        %dma_start3A_331 = tpu.memref_slice %arg13[%dma_start3A_329, %dma_start3A_330] : memref<320x128xf32, #tpu.memory_space<vmem>> -> memref<64x128xf32, #tpu.memory_space<vmem>>
        %dma_start3A_332 = tpu.memref_slice %arg10[%add3A_328] : memref<10240xi32, #tpu.memory_space<vmem>> -> memref<64xi32, #tpu.memory_space<vmem>>
        %dma_start3A_333 = arith.constant 0 : i32
        %dma_start3A_334 = arith.constant 0 : i32
        %dma_start3A_335 = tpu.memref_slice %arg5[%dma_start3A_333, %dma_start3A_334] : memref<500000x128xf32, #tpu.memory_space<hbm>> -> memref<500000x128xf32, #tpu.memory_space<hbm>>
        tpu.enqueue_indirect_dma source(%dma_start3A_335 : memref<500000x128xf32, #tpu.memory_space<hbm>>) target(%dma_start3A_331 : memref<64x128xf32, #tpu.memory_space<vmem>>) offsets(%dma_start3A_332 : memref<64xi32, #tpu.memory_space<vmem>>) semaphore(%arg18 : memref<!tpu.dma_semaphore, #tpu.memory_space<semaphore_mem>>)
        %mul3A_336 = arith.constant 320 : i32
        %mul3A_337 = arith.muli %mul3A_336, %add3A_307 : i32
        %add3A_338 = arith.constant 128 : i32
        %add3A_339 = arith.addi %mul3A_337, %add3A_338 : i32
        %dma_start3A_340 = arith.constant 128 : i32
        %dma_start3A_341 = arith.constant 0 : i32
        %dma_start3A_342 = tpu.memref_slice %arg13[%dma_start3A_340, %dma_start3A_341] : memref<320x128xf32, #tpu.memory_space<vmem>> -> memref<64x128xf32, #tpu.memory_space<vmem>>
        %dma_start3A_343 = tpu.memref_slice %arg10[%add3A_339] : memref<10240xi32, #tpu.memory_space<vmem>> -> memref<64xi32, #tpu.memory_space<vmem>>
        %dma_start3A_344 = arith.constant 0 : i32
        %dma_start3A_345 = arith.constant 0 : i32
        %dma_start3A_346 = tpu.memref_slice %arg5[%dma_start3A_344, %dma_start3A_345] : memref<500000x128xf32, #tpu.memory_space<hbm>> -> memref<500000x128xf32, #tpu.memory_space<hbm>>
        tpu.enqueue_indirect_dma source(%dma_start3A_346 : memref<500000x128xf32, #tpu.memory_space<hbm>>) target(%dma_start3A_342 : memref<64x128xf32, #tpu.memory_space<vmem>>) offsets(%dma_start3A_343 : memref<64xi32, #tpu.memory_space<vmem>>) semaphore(%arg18 : memref<!tpu.dma_semaphore, #tpu.memory_space<semaphore_mem>>)
        %mul3A_347 = arith.constant 320 : i32
        %mul3A_348 = arith.muli %mul3A_347, %add3A_307 : i32
        %add3A_349 = arith.constant 192 : i32
        %add3A_350 = arith.addi %mul3A_348, %add3A_349 : i32
        %dma_start3A_351 = arith.constant 192 : i32
        %dma_start3A_352 = arith.constant 0 : i32
        %dma_start3A_353 = tpu.memref_slice %arg13[%dma_start3A_351, %dma_start3A_352] : memref<320x128xf32, #tpu.memory_space<vmem>> -> memref<64x128xf32, #tpu.memory_space<vmem>>
        %dma_start3A_354 = tpu.memref_slice %arg10[%add3A_350] : memref<10240xi32, #tpu.memory_space<vmem>> -> memref<64xi32, #tpu.memory_space<vmem>>
        %dma_start3A_355 = arith.constant 0 : i32
        %dma_start3A_356 = arith.constant 0 : i32
        %dma_start3A_357 = tpu.memref_slice %arg5[%dma_start3A_355, %dma_start3A_356] : memref<500000x128xf32, #tpu.memory_space<hbm>> -> memref<500000x128xf32, #tpu.memory_space<hbm>>
        tpu.enqueue_indirect_dma source(%dma_start3A_357 : memref<500000x128xf32, #tpu.memory_space<hbm>>) target(%dma_start3A_353 : memref<64x128xf32, #tpu.memory_space<vmem>>) offsets(%dma_start3A_354 : memref<64xi32, #tpu.memory_space<vmem>>) semaphore(%arg18 : memref<!tpu.dma_semaphore, #tpu.memory_space<semaphore_mem>>)
        %mul3A_358 = arith.constant 320 : i32
        %mul3A_359 = arith.muli %mul3A_358, %add3A_307 : i32
        %add3A_360 = arith.constant 256 : i32
        %add3A_361 = arith.addi %mul3A_359, %add3A_360 : i32
        %dma_start3A_362 = arith.constant 256 : i32
        %dma_start3A_363 = arith.constant 0 : i32
        %dma_start3A_364 = tpu.memref_slice %arg13[%dma_start3A_362, %dma_start3A_363] : memref<320x128xf32, #tpu.memory_space<vmem>> -> memref<64x128xf32, #tpu.memory_space<vmem>>
        %dma_start3A_365 = tpu.memref_slice %arg10[%add3A_361] : memref<10240xi32, #tpu.memory_space<vmem>> -> memref<64xi32, #tpu.memory_space<vmem>>
        %dma_start3A_366 = arith.constant 0 : i32
        %dma_start3A_367 = arith.constant 0 : i32
        %dma_start3A_368 = tpu.memref_slice %arg5[%dma_start3A_366, %dma_start3A_367] : memref<500000x128xf32, #tpu.memory_space<hbm>> -> memref<500000x128xf32, #tpu.memory_space<hbm>>
        tpu.enqueue_indirect_dma source(%dma_start3A_368 : memref<500000x128xf32, #tpu.memory_space<hbm>>) target(%dma_start3A_364 : memref<64x128xf32, #tpu.memory_space<vmem>>) offsets(%dma_start3A_365 : memref<64xi32, #tpu.memory_space<vmem>>) semaphore(%arg18 : memref<!tpu.dma_semaphore, #tpu.memory_space<semaphore_mem>>)
      } else {
      }
      %add3A_223 = arith.constant 1 : i32
      %add3A_224 = arith.addi %mul3A_79, %add3A_223 : i32
      %mul3A_225 = arith.constant 16 : i32
      %mul3A_226 = arith.muli %mul3A_225, %add3A_224 : i32
      %dma_wait3A_227 = tpu.memref_slice %arg9[%mul3A_226] : memref<512xi32, #tpu.memory_space<vmem>> -> memref<16xi32, #tpu.memory_space<vmem>>
      %dma_wait3A_228 = arith.constant 0 : i32
      %dma_wait3A_229 = arith.constant 0 : i32
      %dma_wait3A_230 = tpu.memref_slice %arg4[%dma_wait3A_228, %dma_wait3A_229] : memref<500000x128xf32, #tpu.memory_space<hbm>> -> memref<500000x128xf32, #tpu.memory_space<hbm>>
      tpu.wait_indirect_dma semaphore(%arg19 : memref<!tpu.dma_semaphore, #tpu.memory_space<semaphore_mem>>) src(%dma_wait3A_230 : memref<500000x128xf32, #tpu.memory_space<hbm>>) dst(%arg12 : memref<16x128xf32, #tpu.memory_space<vmem>>)
      %mul3A_231 = arith.constant 320 : i32
      %mul3A_232 = arith.muli %mul3A_231, %add3A_224 : i32
      %add3A_233 = arith.constant 0 : i32
      %add3A_234 = arith.addi %mul3A_232, %add3A_233 : i32
      %dma_wait3A_235 = arith.constant 0 : i32
      %dma_wait3A_236 = arith.constant 0 : i32
      %dma_wait3A_237 = tpu.memref_slice %arg14[%dma_wait3A_235, %dma_wait3A_236] : memref<320x128xf32, #tpu.memory_space<vmem>> -> memref<64x128xf32, #tpu.memory_space<vmem>>
      %dma_wait3A_238 = tpu.memref_slice %arg10[%add3A_234] : memref<10240xi32, #tpu.memory_space<vmem>> -> memref<64xi32, #tpu.memory_space<vmem>>
      %dma_wait3A_239 = arith.constant 0 : i32
      %dma_wait3A_240 = arith.constant 0 : i32
      %dma_wait3A_241 = tpu.memref_slice %arg5[%dma_wait3A_239, %dma_wait3A_240] : memref<500000x128xf32, #tpu.memory_space<hbm>> -> memref<500000x128xf32, #tpu.memory_space<hbm>>
      tpu.wait_indirect_dma semaphore(%arg19 : memref<!tpu.dma_semaphore, #tpu.memory_space<semaphore_mem>>) src(%dma_wait3A_241 : memref<500000x128xf32, #tpu.memory_space<hbm>>) dst(%dma_wait3A_237 : memref<64x128xf32, #tpu.memory_space<vmem>>)
      %mul3A_242 = arith.constant 320 : i32
      %mul3A_243 = arith.muli %mul3A_242, %add3A_224 : i32
      %add3A_244 = arith.constant 64 : i32
      %add3A_245 = arith.addi %mul3A_243, %add3A_244 : i32
      %dma_wait3A_246 = arith.constant 64 : i32
      %dma_wait3A_247 = arith.constant 0 : i32
      %dma_wait3A_248 = tpu.memref_slice %arg14[%dma_wait3A_246, %dma_wait3A_247] : memref<320x128xf32, #tpu.memory_space<vmem>> -> memref<64x128xf32, #tpu.memory_space<vmem>>
      %dma_wait3A_249 = tpu.memref_slice %arg10[%add3A_245] : memref<10240xi32, #tpu.memory_space<vmem>> -> memref<64xi32, #tpu.memory_space<vmem>>
      %dma_wait3A_250 = arith.constant 0 : i32
      %dma_wait3A_251 = arith.constant 0 : i32
      %dma_wait3A_252 = tpu.memref_slice %arg5[%dma_wait3A_250, %dma_wait3A_251] : memref<500000x128xf32, #tpu.memory_space<hbm>> -> memref<500000x128xf32, #tpu.memory_space<hbm>>
      tpu.wait_indirect_dma semaphore(%arg19 : memref<!tpu.dma_semaphore, #tpu.memory_space<semaphore_mem>>) src(%dma_wait3A_252 : memref<500000x128xf32, #tpu.memory_space<hbm>>) dst(%dma_wait3A_248 : memref<64x128xf32, #tpu.memory_space<vmem>>)
      %mul3A_253 = arith.constant 320 : i32
      %mul3A_254 = arith.muli %mul3A_253, %add3A_224 : i32
      %add3A_255 = arith.constant 128 : i32
      %add3A_256 = arith.addi %mul3A_254, %add3A_255 : i32
      %dma_wait3A_257 = arith.constant 128 : i32
      %dma_wait3A_258 = arith.constant 0 : i32
      %dma_wait3A_259 = tpu.memref_slice %arg14[%dma_wait3A_257, %dma_wait3A_258] : memref<320x128xf32, #tpu.memory_space<vmem>> -> memref<64x128xf32, #tpu.memory_space<vmem>>
      %dma_wait3A_260 = tpu.memref_slice %arg10[%add3A_256] : memref<10240xi32, #tpu.memory_space<vmem>> -> memref<64xi32, #tpu.memory_space<vmem>>
      %dma_wait3A_261 = arith.constant 0 : i32
      %dma_wait3A_262 = arith.constant 0 : i32
      %dma_wait3A_263 = tpu.memref_slice %arg5[%dma_wait3A_261, %dma_wait3A_262] : memref<500000x128xf32, #tpu.memory_space<hbm>> -> memref<500000x128xf32, #tpu.memory_space<hbm>>
      tpu.wait_indirect_dma semaphore(%arg19 : memref<!tpu.dma_semaphore, #tpu.memory_space<semaphore_mem>>) src(%dma_wait3A_263 : memref<500000x128xf32, #tpu.memory_space<hbm>>) dst(%dma_wait3A_259 : memref<64x128xf32, #tpu.memory_space<vmem>>)
      %mul3A_264 = arith.constant 320 : i32
      %mul3A_265 = arith.muli %mul3A_264, %add3A_224 : i32
      %add3A_266 = arith.constant 192 : i32
      %add3A_267 = arith.addi %mul3A_265, %add3A_266 : i32
      %dma_wait3A_268 = arith.constant 192 : i32
      %dma_wait3A_269 = arith.constant 0 : i32
      %dma_wait3A_270 = tpu.memref_slice %arg14[%dma_wait3A_268, %dma_wait3A_269] : memref<320x128xf32, #tpu.memory_space<vmem>> -> memref<64x128xf32, #tpu.memory_space<vmem>>
      %dma_wait3A_271 = tpu.memref_slice %arg10[%add3A_267] : memref<10240xi32, #tpu.memory_space<vmem>> -> memref<64xi32, #tpu.memory_space<vmem>>
      %dma_wait3A_272 = arith.constant 0 : i32
      %dma_wait3A_273 = arith.constant 0 : i32
      %dma_wait3A_274 = tpu.memref_slice %arg5[%dma_wait3A_272, %dma_wait3A_273] : memref<500000x128xf32, #tpu.memory_space<hbm>> -> memref<500000x128xf32, #tpu.memory_space<hbm>>
      tpu.wait_indirect_dma semaphore(%arg19 : memref<!tpu.dma_semaphore, #tpu.memory_space<semaphore_mem>>) src(%dma_wait3A_274 : memref<500000x128xf32, #tpu.memory_space<hbm>>) dst(%dma_wait3A_270 : memref<64x128xf32, #tpu.memory_space<vmem>>)
      %mul3A_275 = arith.constant 320 : i32
      %mul3A_276 = arith.muli %mul3A_275, %add3A_224 : i32
      %add3A_277 = arith.constant 256 : i32
      %add3A_278 = arith.addi %mul3A_276, %add3A_277 : i32
      %dma_wait3A_279 = arith.constant 256 : i32
      %dma_wait3A_280 = arith.constant 0 : i32
      %dma_wait3A_281 = tpu.memref_slice %arg14[%dma_wait3A_279, %dma_wait3A_280] : memref<320x128xf32, #tpu.memory_space<vmem>> -> memref<64x128xf32, #tpu.memory_space<vmem>>
      %dma_wait3A_282 = tpu.memref_slice %arg10[%add3A_278] : memref<10240xi32, #tpu.memory_space<vmem>> -> memref<64xi32, #tpu.memory_space<vmem>>
      %dma_wait3A_283 = arith.constant 0 : i32
      %dma_wait3A_284 = arith.constant 0 : i32
      %dma_wait3A_285 = tpu.memref_slice %arg5[%dma_wait3A_283, %dma_wait3A_284] : memref<500000x128xf32, #tpu.memory_space<hbm>> -> memref<500000x128xf32, #tpu.memory_space<hbm>>
      tpu.wait_indirect_dma semaphore(%arg19 : memref<!tpu.dma_semaphore, #tpu.memory_space<semaphore_mem>>) src(%dma_wait3A_285 : memref<500000x128xf32, #tpu.memory_space<hbm>>) dst(%dma_wait3A_281 : memref<64x128xf32, #tpu.memory_space<vmem>>)
      %add3A_286 = arith.constant 1 : i32
      %add3A_287 = arith.addi %mul3A_79, %add3A_286 : i32
      %ge3A_288 = arith.constant 2 : i32
      %ge3A_289 = arith.cmpi sge, %add3A_287, %ge3A_288 : i32
      %convert_element_type3A_290 = arith.extui %ge3A_289 : i1 to i32
      %cond3A_291 = arith.constant 0 : i32
      %cond3A_292 = arith.cmpi ne, %convert_element_type3A_290, %cond3A_291 : i32
      scf.if %cond3A_292 {
        %mul3A_306 = arith.constant 10240 : i32
        %mul3A_307 = arith.muli %add3A, %mul3A_306 : i32
        %sub3A = arith.constant 2 : i32
        %sub3A_308 = arith.subi %add3A_287, %sub3A : i32
        %mul3A_309 = arith.constant 320 : i32
        %mul3A_310 = arith.muli %mul3A_309, %sub3A_308 : i32
        %add3A_311 = arith.addi %mul3A_307, %mul3A_310 : i32
        %dma_wait3A_312 = tpu.memref_slice %arg6[%add3A_311] : memref<327680xf32, #tpu.memory_space<hbm>> -> memref<320xf32, #tpu.memory_space<hbm>>
        %dma_wait3A_313 = tpu.memref_slice %arg6[%add3A_311] : memref<327680xf32, #tpu.memory_space<hbm>> -> memref<320xf32, #tpu.memory_space<hbm>>
        tpu.wait_dma2 semaphore(%arg21 : memref<!tpu.dma_semaphore, #tpu.memory_space<semaphore_mem>>) src(%arg17 : memref<320xf32, #tpu.memory_space<vmem>>) dst(%dma_wait3A_313 : memref<320xf32, #tpu.memory_space<hbm>>)
      } else {
      }
      %scan3A_293 = arith.constant 0 : i32
      %scan3A_294 = arith.constant 0 : i32
      %scan3A_295 = arith.constant 20 : i32
      %scan3A_296 = arith.addi %scan3A_294, %scan3A_295 : i32
      %scan3A_297 = arith.constant 1 : i32
      scf.for %scan3A_306 = %scan3A_294 to %scan3A_296 step %scan3A_297  : i32 {
        %mul3A_307 = arith.constant 16 : i32
        %mul3A_308 = arith.muli %mul3A_307, %scan3A_306 : i32
        %mul3A_309 = arith.constant 320 : i32
        %mul3A_310 = arith.muli %mul3A_309, %add3A_287 : i32
        %add3A_311 = arith.addi %mul3A_310, %mul3A_308 : i32
        %get3A = arith.index_cast %add3A_311 : i32 to index
        %get3A_312 = tpu.vector_load %arg8[%get3A] {strides = array<i32>} : memref<10240xi32, #tpu.memory_space<vmem>>, vector<16xi32>,
        %and3A = arith.constant 1 : i32
        %and3A_313 = vector.broadcast %and3A : i32 to vector<16xi32>
        %and3A_314 = arith.andi %get3A_312, %and3A_313 : vector<16xi32>
        %mul3A_315 = arith.constant 64 : i32
        %mul3A_316 = vector.broadcast %mul3A_315 : i32 to vector<16xi32>
        %mul3A_317 = arith.muli %and3A_314, %mul3A_316 : vector<16xi32>
        %add3A_318 = vector.broadcast %mul3A_308 : i32 to vector<16xi32>
        %add3A_319 = arith.addi %add3A_318, %iota3A : vector<16xi32>
        %jit3A = arith.constant 20 : i32
        %div3A = vector.broadcast %jit3A : i32 to vector<16xi32>
        %div3A_320 = arith.divsi %add3A_319, %div3A : vector<16xi32>
        %sign3A = arith.constant 0 : i32
        %sign3A_321 = vector.broadcast %sign3A : i32 to vector<16xi32>
        %sign3A_322 = arith.cmpi sgt, %add3A_319, %sign3A_321 : vector<16xi32>
        %sign3A_323 = arith.extui %sign3A_322 : vector<16xi1> to vector<16xi32>
        %sign3A_324 = arith.constant 0 : i32
        %sign3A_325 = vector.broadcast %sign3A_324 : i32 to vector<16xi32>
        %sign3A_326 = arith.cmpi slt, %add3A_319, %sign3A_325 : vector<16xi32>
        %sign3A_327 = arith.extui %sign3A_326 : vector<16xi1> to vector<16xi32>
        %sign3A_328 = arith.subi %sign3A_323, %sign3A_327 : vector<16xi32>
        %sign3A_329 = arith.constant 0 : i32
        %sign3A_330 = arith.cmpi sgt, %jit3A, %sign3A_329 : i32
        %sign3A_331 = arith.extui %sign3A_330 : i1 to i32
        %sign3A_332 = arith.constant 0 : i32
        %sign3A_333 = arith.cmpi slt, %jit3A, %sign3A_332 : i32
        %sign3A_334 = arith.extui %sign3A_333 : i1 to i32
        %sign3A_335 = arith.subi %sign3A_331, %sign3A_334 : i32
        %ne3A = vector.broadcast %sign3A_335 : i32 to vector<16xi32>
        %ne3A_336 = arith.cmpi ne, %sign3A_328, %ne3A : vector<16xi32>
        %rem3A = vector.broadcast %jit3A : i32 to vector<16xi32>
        %rem3A_337 = arith.remsi %add3A_319, %rem3A : vector<16xi32>
        %ne3A_338 = arith.constant 0 : i32
        %ne3A_339 = vector.broadcast %ne3A_338 : i32 to vector<16xi32>
        %ne3A_340 = arith.cmpi ne, %rem3A_337, %ne3A_339 : vector<16xi32>
        %and3A_341 = arith.andi %ne3A_336, %ne3A_340 : vector<16xi1>
        %sub3A = arith.constant 1 : i32
        %sub3A_342 = vector.broadcast %sub3A : i32 to vector<16xi32>
        %sub3A_343 = arith.subi %div3A_320, %sub3A_342 : vector<16xi32>
        %select_n3A = arith.select %and3A_341, %sub3A_343, %div3A_320 : vector<16xi1>, vector<16xi32>
        %broadcast_in_dim3A = arith.constant 0 : i32
        %broadcast_in_dim3A_344 = vector.broadcast %broadcast_in_dim3A : i32 to vector<16xi32>
        %mul3A_345 = arith.constant 16 : i32
        %mul3A_346 = arith.muli %mul3A_345, %add3A_287 : i32
        %add3A_347 = vector.broadcast %mul3A_346 : i32 to vector<16xi32>
        %add3A_348 = arith.addi %broadcast_in_dim3A_344, %add3A_347 : vector<16xi32>
        %add3A_349 = arith.addi %add3A_348, %select_n3A : vector<16xi32>
        %gather3A = tpu.vector_load_idx %arg7[%add3A_349] : memref<512xi32, #tpu.memory_space<vmem>>[vector<16xi32>], vector<16xi32>,
        %and3A_350 = arith.constant 1 : i32
        %and3A_351 = vector.broadcast %and3A_350 : i32 to vector<16xi32>
        %and3A_352 = arith.andi %gather3A, %and3A_351 : vector<16xi32>
        %mul3A_353 = arith.constant 64 : i32
        %mul3A_354 = vector.broadcast %mul3A_353 : i32 to vector<16xi32>
        %mul3A_355 = arith.muli %and3A_352, %mul3A_354 : vector<16xi32>
        %add3A_356 = arith.constant 0 : i32
        %add3A_357 = arith.addi %mul3A_308, %add3A_356 : i32
        %jit3A_358 = arith.constant 20 : i32
        %div3A_359 = arith.divsi %add3A_357, %jit3A_358 : i32
        %sign3A_360 = arith.constant 0 : i32
        %sign3A_361 = arith.cmpi sgt, %add3A_357, %sign3A_360 : i32
        %sign3A_362 = arith.extui %sign3A_361 : i1 to i32
        %sign3A_363 = arith.constant 0 : i32
        %sign3A_364 = arith.cmpi slt, %add3A_357, %sign3A_363 : i32
        %sign3A_365 = arith.extui %sign3A_364 : i1 to i32
        %sign3A_366 = arith.subi %sign3A_362, %sign3A_365 : i32
        %sign3A_367 = arith.constant 0 : i32
        %sign3A_368 = arith.cmpi sgt, %jit3A_358, %sign3A_367 : i32
        %sign3A_369 = arith.extui %sign3A_368 : i1 to i32
        %sign3A_370 = arith.constant 0 : i32
        %sign3A_371 = arith.cmpi slt, %jit3A_358, %sign3A_370 : i32
        %sign3A_372 = arith.extui %sign3A_371 : i1 to i32
        %sign3A_373 = arith.subi %sign3A_369, %sign3A_372 : i32
        %ne3A_374 = arith.cmpi ne, %sign3A_366, %sign3A_373 : i32
        %rem3A_375 = arith.remsi %add3A_357, %jit3A_358 : i32
        %ne3A_376 = arith.constant 0 : i32
        %ne3A_377 = arith.cmpi ne, %rem3A_375, %ne3A_376 : i32
        %and3A_378 = arith.andi %ne3A_374, %ne3A_377 : i1
        %sub3A_379 = arith.constant 1 : i32
        %sub3A_380 = arith.subi %div3A_359, %sub3A_379 : i32
        %select_n3A_381 = arith.select %and3A_378, %sub3A_380, %div3A_359 : i32
        %slice3A = vector.extract_strided_slice %mul3A_317 {offsets = [0], sizes = [1], strides = [1]} : vector<16xi32> to vector<1xi32>
        %squeeze3A = vector.extract %slice3A[0] : i32 from vector<1xi32>
        %slice3A_382 = vector.extract_strided_slice %mul3A_355 {offsets = [0], sizes = [1], strides = [1]} : vector<16xi32> to vector<1xi32>
        %squeeze3A_383 = vector.extract %slice3A_382[0] : i32 from vector<1xi32>
        %add3A_384 = arith.constant 0 : i32
        %add3A_385 = arith.addi %squeeze3A, %add3A_384 : i32
        %get3A_386 = arith.index_cast %add3A_357 : i32 to index
        %get3A_387 = arith.index_cast %add3A_385 : i32 to index
        %get3A_388 = tpu.vector_load %arg14[%get3A_386, %get3A_387] {strides = array<i32>} : memref<320x128xf32, #tpu.memory_space<vmem>>, vector<16xf32>,
        %add3A_389 = arith.constant 0 : i32
        %add3A_390 = arith.addi %squeeze3A_383, %add3A_389 : i32
        %get3A_391 = arith.index_cast %select_n3A_381 : i32 to index
        %get3A_392 = arith.index_cast %add3A_390 : i32 to index
        %get3A_393 = tpu.vector_load %arg12[%get3A_391, %get3A_392] {strides = array<i32>} : memref<16x128xf32, #tpu.memory_space<vmem>>, vector<16xf32>,
        %mul3A_394 = arith.mulf %get3A_388, %get3A_393 : vector<16xf32>
        %add3A_395 = arith.constant 16 : i32
        %add3A_396 = arith.addi %squeeze3A, %add3A_395 : i32
        %get3A_397 = arith.index_cast %add3A_357 : i32 to index
        %get3A_398 = arith.index_cast %add3A_396 : i32 to index
        %get3A_399 = tpu.vector_load %arg14[%get3A_397, %get3A_398] {strides = array<i32>} : memref<320x128xf32, #tpu.memory_space<vmem>>, vector<16xf32>,
        %add3A_400 = arith.constant 16 : i32
        %add3A_401 = arith.addi %squeeze3A_383, %add3A_400 : i32
        %get3A_402 = arith.index_cast %select_n3A_381 : i32 to index
        %get3A_403 = arith.index_cast %add3A_401 : i32 to index
        %get3A_404 = tpu.vector_load %arg12[%get3A_402, %get3A_403] {strides = array<i32>} : memref<16x128xf32, #tpu.memory_space<vmem>>, vector<16xf32>,
        %mul3A_405 = arith.mulf %get3A_399, %get3A_404 : vector<16xf32>
        %add3A_406 = arith.addf %mul3A_394, %mul3A_405 : vector<16xf32>
        %add3A_407 = arith.constant 32 : i32
        %add3A_408 = arith.addi %squeeze3A, %add3A_407 : i32
        %get3A_409 = arith.index_cast %add3A_357 : i32 to index
        %get3A_410 = arith.index_cast %add3A_408 : i32 to index
        %get3A_411 = tpu.vector_load %arg14[%get3A_409, %get3A_410] {strides = array<i32>} : memref<320x128xf32, #tpu.memory_space<vmem>>, vector<16xf32>,
        %add3A_412 = arith.constant 32 : i32
        %add3A_413 = arith.addi %squeeze3A_383, %add3A_412 : i32
        %get3A_414 = arith.index_cast %select_n3A_381 : i32 to index
        %get3A_415 = arith.index_cast %add3A_413 : i32 to index
        %get3A_416 = tpu.vector_load %arg12[%get3A_414, %get3A_415] {strides = array<i32>} : memref<16x128xf32, #tpu.memory_space<vmem>>, vector<16xf32>,
        %mul3A_417 = arith.mulf %get3A_411, %get3A_416 : vector<16xf32>
        %add3A_418 = arith.addf %add3A_406, %mul3A_417 : vector<16xf32>
        %add3A_419 = arith.constant 48 : i32
        %add3A_420 = arith.addi %squeeze3A, %add3A_419 : i32
        %get3A_421 = arith.index_cast %add3A_357 : i32 to index
        %get3A_422 = arith.index_cast %add3A_420 : i32 to index
        %get3A_423 = tpu.vector_load %arg14[%get3A_421, %get3A_422] {strides = array<i32>} : memref<320x128xf32, #tpu.memory_space<vmem>>, vector<16xf32>,
        %add3A_424 = arith.constant 48 : i32
        %add3A_425 = arith.addi %squeeze3A_383, %add3A_424 : i32
        %get3A_426 = arith.index_cast %select_n3A_381 : i32 to index
        %get3A_427 = arith.index_cast %add3A_425 : i32 to index
        %get3A_428 = tpu.vector_load %arg12[%get3A_426, %get3A_427] {strides = array<i32>} : memref<16x128xf32, #tpu.memory_space<vmem>>, vector<16xf32>,
        %mul3A_429 = arith.mulf %get3A_423, %get3A_428 : vector<16xf32>
        %add3A_430 = arith.addf %add3A_418, %mul3A_429 : vector<16xf32>
        %swap3A = arith.constant 0 : i32
        %swap3A_431 = arith.index_cast %swap3A : i32 to index
        %swap3A_432 = arith.constant 0 : index
        %swap3A_433 = tpu.vector_load %arg15[%swap3A_431, %swap3A_432] {strides = array<i32>} : memref<16x16xf32, #tpu.memory_space<vmem>>, vector<16xf32>,
        tpu.vector_store %arg15[%swap3A_431, %swap3A_432], %add3A_430 {strides = array<i32>} : memref<16x16xf32, #tpu.memory_space<vmem>>, vector<16xf32>,
        %add3A_434 = arith.constant 1 : i32
        %add3A_435 = arith.addi %mul3A_308, %add3A_434 : i32
        %jit3A_436 = arith.constant 20 : i32
        %div3A_437 = arith.divsi %add3A_435, %jit3A_436 : i32
        %sign3A_438 = arith.constant 0 : i32
        %sign3A_439 = arith.cmpi sgt, %add3A_435, %sign3A_438 : i32
        %sign3A_440 = arith.extui %sign3A_439 : i1 to i32
        %sign3A_441 = arith.constant 0 : i32
        %sign3A_442 = arith.cmpi slt, %add3A_435, %sign3A_441 : i32
        %sign3A_443 = arith.extui %sign3A_442 : i1 to i32
        %sign3A_444 = arith.subi %sign3A_440, %sign3A_443 : i32
        %sign3A_445 = arith.constant 0 : i32
        %sign3A_446 = arith.cmpi sgt, %jit3A_436, %sign3A_445 : i32
        %sign3A_447 = arith.extui %sign3A_446 : i1 to i32
        %sign3A_448 = arith.constant 0 : i32
        %sign3A_449 = arith.cmpi slt, %jit3A_436, %sign3A_448 : i32
        %sign3A_450 = arith.extui %sign3A_449 : i1 to i32
        %sign3A_451 = arith.subi %sign3A_447, %sign3A_450 : i32
        %ne3A_452 = arith.cmpi ne, %sign3A_444, %sign3A_451 : i32
        %rem3A_453 = arith.remsi %add3A_435, %jit3A_436 : i32
        %ne3A_454 = arith.constant 0 : i32
        %ne3A_455 = arith.cmpi ne, %rem3A_453, %ne3A_454 : i32
        %and3A_456 = arith.andi %ne3A_452, %ne3A_455 : i1
        %sub3A_457 = arith.constant 1 : i32
        %sub3A_458 = arith.subi %div3A_437, %sub3A_457 : i32
        %select_n3A_459 = arith.select %and3A_456, %sub3A_458, %div3A_437 : i32
        %slice3A_460 = vector.extract_strided_slice %mul3A_317 {offsets = [1], sizes = [1], strides = [1]} : vector<16xi32> to vector<1xi32>
        %squeeze3A_461 = vector.extract %slice3A_460[0] : i32 from vector<1xi32>
        %slice3A_462 = vector.extract_strided_slice %mul3A_355 {offsets = [1], sizes = [1], strides = [1]} : vector<16xi32> to vector<1xi32>
        %squeeze3A_463 = vector.extract %slice3A_462[0] : i32 from vector<1xi32>
        %add3A_464 = arith.constant 0 : i32
        %add3A_465 = arith.addi %squeeze3A_461, %add3A_464 : i32
        %get3A_466 = arith.index_cast %add3A_435 : i32 to index
        %get3A_467 = arith.index_cast %add3A_465 : i32 to index
        %get3A_468 = tpu.vector_load %arg14[%get3A_466, %get3A_467] {strides = array<i32>} : memref<320x128xf32, #tpu.memory_space<vmem>>, vector<16xf32>,
        %add3A_469 = arith.constant 0 : i32
        %add3A_470 = arith.addi %squeeze3A_463, %add3A_469 : i32
        %get3A_471 = arith.index_cast %select_n3A_459 : i32 to index
        %get3A_472 = arith.index_cast %add3A_470 : i32 to index
        %get3A_473 = tpu.vector_load %arg12[%get3A_471, %get3A_472] {strides = array<i32>} : memref<16x128xf32, #tpu.memory_space<vmem>>, vector<16xf32>,
        %mul3A_474 = arith.mulf %get3A_468, %get3A_473 : vector<16xf32>
        %add3A_475 = arith.constant 16 : i32
        %add3A_476 = arith.addi %squeeze3A_461, %add3A_475 : i32
        %get3A_477 = arith.index_cast %add3A_435 : i32 to index
        %get3A_478 = arith.index_cast %add3A_476 : i32 to index
        %get3A_479 = tpu.vector_load %arg14[%get3A_477, %get3A_478] {strides = array<i32>} : memref<320x128xf32, #tpu.memory_space<vmem>>, vector<16xf32>,
        %add3A_480 = arith.constant 16 : i32
        %add3A_481 = arith.addi %squeeze3A_463, %add3A_480 : i32
        %get3A_482 = arith.index_cast %select_n3A_459 : i32 to index
        %get3A_483 = arith.index_cast %add3A_481 : i32 to index
        %get3A_484 = tpu.vector_load %arg12[%get3A_482, %get3A_483] {strides = array<i32>} : memref<16x128xf32, #tpu.memory_space<vmem>>, vector<16xf32>,
        %mul3A_485 = arith.mulf %get3A_479, %get3A_484 : vector<16xf32>
        %add3A_486 = arith.addf %mul3A_474, %mul3A_485 : vector<16xf32>
        %add3A_487 = arith.constant 32 : i32
        %add3A_488 = arith.addi %squeeze3A_461, %add3A_487 : i32
        %get3A_489 = arith.index_cast %add3A_435 : i32 to index
        %get3A_490 = arith.index_cast %add3A_488 : i32 to index
        %get3A_491 = tpu.vector_load %arg14[%get3A_489, %get3A_490] {strides = array<i32>} : memref<320x128xf32, #tpu.memory_space<vmem>>, vector<16xf32>,
        %add3A_492 = arith.constant 32 : i32
        %add3A_493 = arith.addi %squeeze3A_463, %add3A_492 : i32
        %get3A_494 = arith.index_cast %select_n3A_459 : i32 to index
        %get3A_495 = arith.index_cast %add3A_493 : i32 to index
        %get3A_496 = tpu.vector_load %arg12[%get3A_494, %get3A_495] {strides = array<i32>} : memref<16x128xf32, #tpu.memory_space<vmem>>, vector<16xf32>,
        %mul3A_497 = arith.mulf %get3A_491, %get3A_496 : vector<16xf32>
        %add3A_498 = arith.addf %add3A_486, %mul3A_497 : vector<16xf32>
        %add3A_499 = arith.constant 48 : i32
        %add3A_500 = arith.addi %squeeze3A_461, %add3A_499 : i32
        %get3A_501 = arith.index_cast %add3A_435 : i32 to index
        %get3A_502 = arith.index_cast %add3A_500 : i32 to index
        %get3A_503 = tpu.vector_load %arg14[%get3A_501, %get3A_502] {strides = array<i32>} : memref<320x128xf32, #tpu.memory_space<vmem>>, vector<16xf32>,
        %add3A_504 = arith.constant 48 : i32
        %add3A_505 = arith.addi %squeeze3A_463, %add3A_504 : i32
        %get3A_506 = arith.index_cast %select_n3A_459 : i32 to index
        %get3A_507 = arith.index_cast %add3A_505 : i32 to index
        %get3A_508 = tpu.vector_load %arg12[%get3A_506, %get3A_507] {strides = array<i32>} : memref<16x128xf32, #tpu.memory_space<vmem>>, vector<16xf32>,
        %mul3A_509 = arith.mulf %get3A_503, %get3A_508 : vector<16xf32>
        %add3A_510 = arith.addf %add3A_498, %mul3A_509 : vector<16xf32>
        %swap3A_511 = arith.constant 1 : i32
        %swap3A_512 = arith.index_cast %swap3A_511 : i32 to index
        %swap3A_513 = arith.constant 0 : index
        %swap3A_514 = tpu.vector_load %arg15[%swap3A_512, %swap3A_513] {strides = array<i32>} : memref<16x16xf32, #tpu.memory_space<vmem>>, vector<16xf32>,
        tpu.vector_store %arg15[%swap3A_512, %swap3A_513], %add3A_510 {strides = array<i32>} : memref<16x16xf32, #tpu.memory_space<vmem>>, vector<16xf32>,
        %add3A_515 = arith.constant 2 : i32
        %add3A_516 = arith.addi %mul3A_308, %add3A_515 : i32
        %jit3A_517 = arith.constant 20 : i32
        %div3A_518 = arith.divsi %add3A_516, %jit3A_517 : i32
        %sign3A_519 = arith.constant 0 : i32
        %sign3A_520 = arith.cmpi sgt, %add3A_516, %sign3A_519 : i32
        %sign3A_521 = arith.extui %sign3A_520 : i1 to i32
        %sign3A_522 = arith.constant 0 : i32
        %sign3A_523 = arith.cmpi slt, %add3A_516, %sign3A_522 : i32
        %sign3A_524 = arith.extui %sign3A_523 : i1 to i32
        %sign3A_525 = arith.subi %sign3A_521, %sign3A_524 : i32
        %sign3A_526 = arith.constant 0 : i32
        %sign3A_527 = arith.cmpi sgt, %jit3A_517, %sign3A_526 : i32
        %sign3A_528 = arith.extui %sign3A_527 : i1 to i32
        %sign3A_529 = arith.constant 0 : i32
        %sign3A_530 = arith.cmpi slt, %jit3A_517, %sign3A_529 : i32
        %sign3A_531 = arith.extui %sign3A_530 : i1 to i32
        %sign3A_532 = arith.subi %sign3A_528, %sign3A_531 : i32
        %ne3A_533 = arith.cmpi ne, %sign3A_525, %sign3A_532 : i32
        %rem3A_534 = arith.remsi %add3A_516, %jit3A_517 : i32
        %ne3A_535 = arith.constant 0 : i32
        %ne3A_536 = arith.cmpi ne, %rem3A_534, %ne3A_535 : i32
        %and3A_537 = arith.andi %ne3A_533, %ne3A_536 : i1
        %sub3A_538 = arith.constant 1 : i32
        %sub3A_539 = arith.subi %div3A_518, %sub3A_538 : i32
        %select_n3A_540 = arith.select %and3A_537, %sub3A_539, %div3A_518 : i32
        %slice3A_541 = vector.extract_strided_slice %mul3A_317 {offsets = [2], sizes = [1], strides = [1]} : vector<16xi32> to vector<1xi32>
        %squeeze3A_542 = vector.extract %slice3A_541[0] : i32 from vector<1xi32>
        %slice3A_543 = vector.extract_strided_slice %mul3A_355 {offsets = [2], sizes = [1], strides = [1]} : vector<16xi32> to vector<1xi32>
        %squeeze3A_544 = vector.extract %slice3A_543[0] : i32 from vector<1xi32>
        %add3A_545 = arith.constant 0 : i32
        %add3A_546 = arith.addi %squeeze3A_542, %add3A_545 : i32
        %get3A_547 = arith.index_cast %add3A_516 : i32 to index
        %get3A_548 = arith.index_cast %add3A_546 : i32 to index
        %get3A_549 = tpu.vector_load %arg14[%get3A_547, %get3A_548] {strides = array<i32>} : memref<320x128xf32, #tpu.memory_space<vmem>>, vector<16xf32>,
        %add3A_550 = arith.constant 0 : i32
        %add3A_551 = arith.addi %squeeze3A_544, %add3A_550 : i32
        %get3A_552 = arith.index_cast %select_n3A_540 : i32 to index
        %get3A_553 = arith.index_cast %add3A_551 : i32 to index
        %get3A_554 = tpu.vector_load %arg12[%get3A_552, %get3A_553] {strides = array<i32>} : memref<16x128xf32, #tpu.memory_space<vmem>>, vector<16xf32>,
        %mul3A_555 = arith.mulf %get3A_549, %get3A_554 : vector<16xf32>
        %add3A_556 = arith.constant 16 : i32
        %add3A_557 = arith.addi %squeeze3A_542, %add3A_556 : i32
        %get3A_558 = arith.index_cast %add3A_516 : i32 to index
        %get3A_559 = arith.index_cast %add3A_557 : i32 to index
        %get3A_560 = tpu.vector_load %arg14[%get3A_558, %get3A_559] {strides = array<i32>} : memref<320x128xf32, #tpu.memory_space<vmem>>, vector<16xf32>,
        %add3A_561 = arith.constant 16 : i32
        %add3A_562 = arith.addi %squeeze3A_544, %add3A_561 : i32
        %get3A_563 = arith.index_cast %select_n3A_540 : i32 to index
        %get3A_564 = arith.index_cast %add3A_562 : i32 to index
        %get3A_565 = tpu.vector_load %arg12[%get3A_563, %get3A_564] {strides = array<i32>} : memref<16x128xf32, #tpu.memory_space<vmem>>, vector<16xf32>,
        %mul3A_566 = arith.mulf %get3A_560, %get3A_565 : vector<16xf32>
        %add3A_567 = arith.addf %mul3A_555, %mul3A_566 : vector<16xf32>
        %add3A_568 = arith.constant 32 : i32
        %add3A_569 = arith.addi %squeeze3A_542, %add3A_568 : i32
        %get3A_570 = arith.index_cast %add3A_516 : i32 to index
        %get3A_571 = arith.index_cast %add3A_569 : i32 to index
        %get3A_572 = tpu.vector_load %arg14[%get3A_570, %get3A_571] {strides = array<i32>} : memref<320x128xf32, #tpu.memory_space<vmem>>, vector<16xf32>,
        %add3A_573 = arith.constant 32 : i32
        %add3A_574 = arith.addi %squeeze3A_544, %add3A_573 : i32
        %get3A_575 = arith.index_cast %select_n3A_540 : i32 to index
        %get3A_576 = arith.index_cast %add3A_574 : i32 to index
        %get3A_577 = tpu.vector_load %arg12[%get3A_575, %get3A_576] {strides = array<i32>} : memref<16x128xf32, #tpu.memory_space<vmem>>, vector<16xf32>,
        %mul3A_578 = arith.mulf %get3A_572, %get3A_577 : vector<16xf32>
        %add3A_579 = arith.addf %add3A_567, %mul3A_578 : vector<16xf32>
        %add3A_580 = arith.constant 48 : i32
        %add3A_581 = arith.addi %squeeze3A_542, %add3A_580 : i32
        %get3A_582 = arith.index_cast %add3A_516 : i32 to index
        %get3A_583 = arith.index_cast %add3A_581 : i32 to index
        %get3A_584 = tpu.vector_load %arg14[%get3A_582, %get3A_583] {strides = array<i32>} : memref<320x128xf32, #tpu.memory_space<vmem>>, vector<16xf32>,
        %add3A_585 = arith.constant 48 : i32
        %add3A_586 = arith.addi %squeeze3A_544, %add3A_585 : i32
        %get3A_587 = arith.index_cast %select_n3A_540 : i32 to index
        %get3A_588 = arith.index_cast %add3A_586 : i32 to index
        %get3A_589 = tpu.vector_load %arg12[%get3A_587, %get3A_588] {strides = array<i32>} : memref<16x128xf32, #tpu.memory_space<vmem>>, vector<16xf32>,
        %mul3A_590 = arith.mulf %get3A_584, %get3A_589 : vector<16xf32>
        %add3A_591 = arith.addf %add3A_579, %mul3A_590 : vector<16xf32>
        %swap3A_592 = arith.constant 2 : i32
        %swap3A_593 = arith.index_cast %swap3A_592 : i32 to index
        %swap3A_594 = arith.constant 0 : index
        %swap3A_595 = tpu.vector_load %arg15[%swap3A_593, %swap3A_594] {strides = array<i32>} : memref<16x16xf32, #tpu.memory_space<vmem>>, vector<16xf32>,
        tpu.vector_store %arg15[%swap3A_593, %swap3A_594], %add3A_591 {strides = array<i32>} : memref<16x16xf32, #tpu.memory_space<vmem>>, vector<16xf32>,
        %add3A_596 = arith.constant 3 : i32
        %add3A_597 = arith.addi %mul3A_308, %add3A_596 : i32
        %jit3A_598 = arith.constant 20 : i32
        %div3A_599 = arith.divsi %add3A_597, %jit3A_598 : i32
        %sign3A_600 = arith.constant 0 : i32
        %sign3A_601 = arith.cmpi sgt, %add3A_597, %sign3A_600 : i32
        %sign3A_602 = arith.extui %sign3A_601 : i1 to i32
        %sign3A_603 = arith.constant 0 : i32
        %sign3A_604 = arith.cmpi slt, %add3A_597, %sign3A_603 : i32
        %sign3A_605 = arith.extui %sign3A_604 : i1 to i32
        %sign3A_606 = arith.subi %sign3A_602, %sign3A_605 : i32
        %sign3A_607 = arith.constant 0 : i32
        %sign3A_608 = arith.cmpi sgt, %jit3A_598, %sign3A_607 : i32
        %sign3A_609 = arith.extui %sign3A_608 : i1 to i32
        %sign3A_610 = arith.constant 0 : i32
        %sign3A_611 = arith.cmpi slt, %jit3A_598, %sign3A_610 : i32
        %sign3A_612 = arith.extui %sign3A_611 : i1 to i32
        %sign3A_613 = arith.subi %sign3A_609, %sign3A_612 : i32
        %ne3A_614 = arith.cmpi ne, %sign3A_606, %sign3A_613 : i32
        %rem3A_615 = arith.remsi %add3A_597, %jit3A_598 : i32
        %ne3A_616 = arith.constant 0 : i32
        %ne3A_617 = arith.cmpi ne, %rem3A_615, %ne3A_616 : i32
        %and3A_618 = arith.andi %ne3A_614, %ne3A_617 : i1
        %sub3A_619 = arith.constant 1 : i32
        %sub3A_620 = arith.subi %div3A_599, %sub3A_619 : i32
        %select_n3A_621 = arith.select %and3A_618, %sub3A_620, %div3A_599 : i32
        %slice3A_622 = vector.extract_strided_slice %mul3A_317 {offsets = [3], sizes = [1], strides = [1]} : vector<16xi32> to vector<1xi32>
        %squeeze3A_623 = vector.extract %slice3A_622[0] : i32 from vector<1xi32>
        %slice3A_624 = vector.extract_strided_slice %mul3A_355 {offsets = [3], sizes = [1], strides = [1]} : vector<16xi32> to vector<1xi32>
        %squeeze3A_625 = vector.extract %slice3A_624[0] : i32 from vector<1xi32>
        %add3A_626 = arith.constant 0 : i32
        %add3A_627 = arith.addi %squeeze3A_623, %add3A_626 : i32
        %get3A_628 = arith.index_cast %add3A_597 : i32 to index
        %get3A_629 = arith.index_cast %add3A_627 : i32 to index
        %get3A_630 = tpu.vector_load %arg14[%get3A_628, %get3A_629] {strides = array<i32>} : memref<320x128xf32, #tpu.memory_space<vmem>>, vector<16xf32>,
        %add3A_631 = arith.constant 0 : i32
        %add3A_632 = arith.addi %squeeze3A_625, %add3A_631 : i32
        %get3A_633 = arith.index_cast %select_n3A_621 : i32 to index
        %get3A_634 = arith.index_cast %add3A_632 : i32 to index
        %get3A_635 = tpu.vector_load %arg12[%get3A_633, %get3A_634] {strides = array<i32>} : memref<16x128xf32, #tpu.memory_space<vmem>>, vector<16xf32>,
        %mul3A_636 = arith.mulf %get3A_630, %get3A_635 : vector<16xf32>
        %add3A_637 = arith.constant 16 : i32
        %add3A_638 = arith.addi %squeeze3A_623, %add3A_637 : i32
        %get3A_639 = arith.index_cast %add3A_597 : i32 to index
        %get3A_640 = arith.index_cast %add3A_638 : i32 to index
        %get3A_641 = tpu.vector_load %arg14[%get3A_639, %get3A_640] {strides = array<i32>} : memref<320x128xf32, #tpu.memory_space<vmem>>, vector<16xf32>,
        %add3A_642 = arith.constant 16 : i32
        %add3A_643 = arith.addi %squeeze3A_625, %add3A_642 : i32
        %get3A_644 = arith.index_cast %select_n3A_621 : i32 to index
        %get3A_645 = arith.index_cast %add3A_643 : i32 to index
        %get3A_646 = tpu.vector_load %arg12[%get3A_644, %get3A_645] {strides = array<i32>} : memref<16x128xf32, #tpu.memory_space<vmem>>, vector<16xf32>,
        %mul3A_647 = arith.mulf %get3A_641, %get3A_646 : vector<16xf32>
        %add3A_648 = arith.addf %mul3A_636, %mul3A_647 : vector<16xf32>
        %add3A_649 = arith.constant 32 : i32
        %add3A_650 = arith.addi %squeeze3A_623, %add3A_649 : i32
        %get3A_651 = arith.index_cast %add3A_597 : i32 to index
        %get3A_652 = arith.index_cast %add3A_650 : i32 to index
        %get3A_653 = tpu.vector_load %arg14[%get3A_651, %get3A_652] {strides = array<i32>} : memref<320x128xf32, #tpu.memory_space<vmem>>, vector<16xf32>,
        %add3A_654 = arith.constant 32 : i32
        %add3A_655 = arith.addi %squeeze3A_625, %add3A_654 : i32
        %get3A_656 = arith.index_cast %select_n3A_621 : i32 to index
        %get3A_657 = arith.index_cast %add3A_655 : i32 to index
        %get3A_658 = tpu.vector_load %arg12[%get3A_656, %get3A_657] {strides = array<i32>} : memref<16x128xf32, #tpu.memory_space<vmem>>, vector<16xf32>,
        %mul3A_659 = arith.mulf %get3A_653, %get3A_658 : vector<16xf32>
        %add3A_660 = arith.addf %add3A_648, %mul3A_659 : vector<16xf32>
        %add3A_661 = arith.constant 48 : i32
        %add3A_662 = arith.addi %squeeze3A_623, %add3A_661 : i32
        %get3A_663 = arith.index_cast %add3A_597 : i32 to index
        %get3A_664 = arith.index_cast %add3A_662 : i32 to index
        %get3A_665 = tpu.vector_load %arg14[%get3A_663, %get3A_664] {strides = array<i32>} : memref<320x128xf32, #tpu.memory_space<vmem>>, vector<16xf32>,
        %add3A_666 = arith.constant 48 : i32
        %add3A_667 = arith.addi %squeeze3A_625, %add3A_666 : i32
        %get3A_668 = arith.index_cast %select_n3A_621 : i32 to index
        %get3A_669 = arith.index_cast %add3A_667 : i32 to index
        %get3A_670 = tpu.vector_load %arg12[%get3A_668, %get3A_669] {strides = array<i32>} : memref<16x128xf32, #tpu.memory_space<vmem>>, vector<16xf32>,
        %mul3A_671 = arith.mulf %get3A_665, %get3A_670 : vector<16xf32>
        %add3A_672 = arith.addf %add3A_660, %mul3A_671 : vector<16xf32>
        %swap3A_673 = arith.constant 3 : i32
        %swap3A_674 = arith.index_cast %swap3A_673 : i32 to index
        %swap3A_675 = arith.constant 0 : index
        %swap3A_676 = tpu.vector_load %arg15[%swap3A_674, %swap3A_675] {strides = array<i32>} : memref<16x16xf32, #tpu.memory_space<vmem>>, vector<16xf32>,
        tpu.vector_store %arg15[%swap3A_674, %swap3A_675], %add3A_672 {strides = array<i32>} : memref<16x16xf32, #tpu.memory_space<vmem>>, vector<16xf32>,
        %add3A_677 = arith.constant 4 : i32
        %add3A_678 = arith.addi %mul3A_308, %add3A_677 : i32
        %jit3A_679 = arith.constant 20 : i32
        %div3A_680 = arith.divsi %add3A_678, %jit3A_679 : i32
        %sign3A_681 = arith.constant 0 : i32
        %sign3A_682 = arith.cmpi sgt, %add3A_678, %sign3A_681 : i32
        %sign3A_683 = arith.extui %sign3A_682 : i1 to i32
        %sign3A_684 = arith.constant 0 : i32
        %sign3A_685 = arith.cmpi slt, %add3A_678, %sign3A_684 : i32
        %sign3A_686 = arith.extui %sign3A_685 : i1 to i32
        %sign3A_687 = arith.subi %sign3A_683, %sign3A_686 : i32
        %sign3A_688 = arith.constant 0 : i32
        %sign3A_689 = arith.cmpi sgt, %jit3A_679, %sign3A_688 : i32
        %sign3A_690 = arith.extui %sign3A_689 : i1 to i32
        %sign3A_691 = arith.constant 0 : i32
        %sign3A_692 = arith.cmpi slt, %jit3A_679, %sign3A_691 : i32
        %sign3A_693 = arith.extui %sign3A_692 : i1 to i32
        %sign3A_694 = arith.subi %sign3A_690, %sign3A_693 : i32
        %ne3A_695 = arith.cmpi ne, %sign3A_687, %sign3A_694 : i32
        %rem3A_696 = arith.remsi %add3A_678, %jit3A_679 : i32
        %ne3A_697 = arith.constant 0 : i32
        %ne3A_698 = arith.cmpi ne, %rem3A_696, %ne3A_697 : i32
        %and3A_699 = arith.andi %ne3A_695, %ne3A_698 : i1
        %sub3A_700 = arith.constant 1 : i32
        %sub3A_701 = arith.subi %div3A_680, %sub3A_700 : i32
        %select_n3A_702 = arith.select %and3A_699, %sub3A_701, %div3A_680 : i32
        %slice3A_703 = vector.extract_strided_slice %mul3A_317 {offsets = [4], sizes = [1], strides = [1]} : vector<16xi32> to vector<1xi32>
        %squeeze3A_704 = vector.extract %slice3A_703[0] : i32 from vector<1xi32>
        %slice3A_705 = vector.extract_strided_slice %mul3A_355 {offsets = [4], sizes = [1], strides = [1]} : vector<16xi32> to vector<1xi32>
        %squeeze3A_706 = vector.extract %slice3A_705[0] : i32 from vector<1xi32>
        %add3A_707 = arith.constant 0 : i32
        %add3A_708 = arith.addi %squeeze3A_704, %add3A_707 : i32
        %get3A_709 = arith.index_cast %add3A_678 : i32 to index
        %get3A_710 = arith.index_cast %add3A_708 : i32 to index
        %get3A_711 = tpu.vector_load %arg14[%get3A_709, %get3A_710] {strides = array<i32>} : memref<320x128xf32, #tpu.memory_space<vmem>>, vector<16xf32>,
        %add3A_712 = arith.constant 0 : i32
        %add3A_713 = arith.addi %squeeze3A_706, %add3A_712 : i32
        %get3A_714 = arith.index_cast %select_n3A_702 : i32 to index
        %get3A_715 = arith.index_cast %add3A_713 : i32 to index
        %get3A_716 = tpu.vector_load %arg12[%get3A_714, %get3A_715] {strides = array<i32>} : memref<16x128xf32, #tpu.memory_space<vmem>>, vector<16xf32>,
        %mul3A_717 = arith.mulf %get3A_711, %get3A_716 : vector<16xf32>
        %add3A_718 = arith.constant 16 : i32
        %add3A_719 = arith.addi %squeeze3A_704, %add3A_718 : i32
        %get3A_720 = arith.index_cast %add3A_678 : i32 to index
        %get3A_721 = arith.index_cast %add3A_719 : i32 to index
        %get3A_722 = tpu.vector_load %arg14[%get3A_720, %get3A_721] {strides = array<i32>} : memref<320x128xf32, #tpu.memory_space<vmem>>, vector<16xf32>,
        %add3A_723 = arith.constant 16 : i32
        %add3A_724 = arith.addi %squeeze3A_706, %add3A_723 : i32
        %get3A_725 = arith.index_cast %select_n3A_702 : i32 to index
        %get3A_726 = arith.index_cast %add3A_724 : i32 to index
        %get3A_727 = tpu.vector_load %arg12[%get3A_725, %get3A_726] {strides = array<i32>} : memref<16x128xf32, #tpu.memory_space<vmem>>, vector<16xf32>,
        %mul3A_728 = arith.mulf %get3A_722, %get3A_727 : vector<16xf32>
        %add3A_729 = arith.addf %mul3A_717, %mul3A_728 : vector<16xf32>
        %add3A_730 = arith.constant 32 : i32
        %add3A_731 = arith.addi %squeeze3A_704, %add3A_730 : i32
        %get3A_732 = arith.index_cast %add3A_678 : i32 to index
        %get3A_733 = arith.index_cast %add3A_731 : i32 to index
        %get3A_734 = tpu.vector_load %arg14[%get3A_732, %get3A_733] {strides = array<i32>} : memref<320x128xf32, #tpu.memory_space<vmem>>, vector<16xf32>,
        %add3A_735 = arith.constant 32 : i32
        %add3A_736 = arith.addi %squeeze3A_706, %add3A_735 : i32
        %get3A_737 = arith.index_cast %select_n3A_702 : i32 to index
        %get3A_738 = arith.index_cast %add3A_736 : i32 to index
        %get3A_739 = tpu.vector_load %arg12[%get3A_737, %get3A_738] {strides = array<i32>} : memref<16x128xf32, #tpu.memory_space<vmem>>, vector<16xf32>,
        %mul3A_740 = arith.mulf %get3A_734, %get3A_739 : vector<16xf32>
        %add3A_741 = arith.addf %add3A_729, %mul3A_740 : vector<16xf32>
        %add3A_742 = arith.constant 48 : i32
        %add3A_743 = arith.addi %squeeze3A_704, %add3A_742 : i32
        %get3A_744 = arith.index_cast %add3A_678 : i32 to index
        %get3A_745 = arith.index_cast %add3A_743 : i32 to index
        %get3A_746 = tpu.vector_load %arg14[%get3A_744, %get3A_745] {strides = array<i32>} : memref<320x128xf32, #tpu.memory_space<vmem>>, vector<16xf32>,
        %add3A_747 = arith.constant 48 : i32
        %add3A_748 = arith.addi %squeeze3A_706, %add3A_747 : i32
        %get3A_749 = arith.index_cast %select_n3A_702 : i32 to index
        %get3A_750 = arith.index_cast %add3A_748 : i32 to index
        %get3A_751 = tpu.vector_load %arg12[%get3A_749, %get3A_750] {strides = array<i32>} : memref<16x128xf32, #tpu.memory_space<vmem>>, vector<16xf32>,
        %mul3A_752 = arith.mulf %get3A_746, %get3A_751 : vector<16xf32>
        %add3A_753 = arith.addf %add3A_741, %mul3A_752 : vector<16xf32>
        %swap3A_754 = arith.constant 4 : i32
        %swap3A_755 = arith.index_cast %swap3A_754 : i32 to index
        %swap3A_756 = arith.constant 0 : index
        %swap3A_757 = tpu.vector_load %arg15[%swap3A_755, %swap3A_756] {strides = array<i32>} : memref<16x16xf32, #tpu.memory_space<vmem>>, vector<16xf32>,
        tpu.vector_store %arg15[%swap3A_755, %swap3A_756], %add3A_753 {strides = array<i32>} : memref<16x16xf32, #tpu.memory_space<vmem>>, vector<16xf32>,
        %add3A_758 = arith.constant 5 : i32
        %add3A_759 = arith.addi %mul3A_308, %add3A_758 : i32
        %jit3A_760 = arith.constant 20 : i32
        %div3A_761 = arith.divsi %add3A_759, %jit3A_760 : i32
        %sign3A_762 = arith.constant 0 : i32
        %sign3A_763 = arith.cmpi sgt, %add3A_759, %sign3A_762 : i32
        %sign3A_764 = arith.extui %sign3A_763 : i1 to i32
        %sign3A_765 = arith.constant 0 : i32
        %sign3A_766 = arith.cmpi slt, %add3A_759, %sign3A_765 : i32
        %sign3A_767 = arith.extui %sign3A_766 : i1 to i32
        %sign3A_768 = arith.subi %sign3A_764, %sign3A_767 : i32
        %sign3A_769 = arith.constant 0 : i32
        %sign3A_770 = arith.cmpi sgt, %jit3A_760, %sign3A_769 : i32
        %sign3A_771 = arith.extui %sign3A_770 : i1 to i32
        %sign3A_772 = arith.constant 0 : i32
        %sign3A_773 = arith.cmpi slt, %jit3A_760, %sign3A_772 : i32
        %sign3A_774 = arith.extui %sign3A_773 : i1 to i32
        %sign3A_775 = arith.subi %sign3A_771, %sign3A_774 : i32
        %ne3A_776 = arith.cmpi ne, %sign3A_768, %sign3A_775 : i32
        %rem3A_777 = arith.remsi %add3A_759, %jit3A_760 : i32
        %ne3A_778 = arith.constant 0 : i32
        %ne3A_779 = arith.cmpi ne, %rem3A_777, %ne3A_778 : i32
        %and3A_780 = arith.andi %ne3A_776, %ne3A_779 : i1
        %sub3A_781 = arith.constant 1 : i32
        %sub3A_782 = arith.subi %div3A_761, %sub3A_781 : i32
        %select_n3A_783 = arith.select %and3A_780, %sub3A_782, %div3A_761 : i32
        %slice3A_784 = vector.extract_strided_slice %mul3A_317 {offsets = [5], sizes = [1], strides = [1]} : vector<16xi32> to vector<1xi32>
        %squeeze3A_785 = vector.extract %slice3A_784[0] : i32 from vector<1xi32>
        %slice3A_786 = vector.extract_strided_slice %mul3A_355 {offsets = [5], sizes = [1], strides = [1]} : vector<16xi32> to vector<1xi32>
        %squeeze3A_787 = vector.extract %slice3A_786[0] : i32 from vector<1xi32>
        %add3A_788 = arith.constant 0 : i32
        %add3A_789 = arith.addi %squeeze3A_785, %add3A_788 : i32
        %get3A_790 = arith.index_cast %add3A_759 : i32 to index
        %get3A_791 = arith.index_cast %add3A_789 : i32 to index
        %get3A_792 = tpu.vector_load %arg14[%get3A_790, %get3A_791] {strides = array<i32>} : memref<320x128xf32, #tpu.memory_space<vmem>>, vector<16xf32>,
        %add3A_793 = arith.constant 0 : i32
        %add3A_794 = arith.addi %squeeze3A_787, %add3A_793 : i32
        %get3A_795 = arith.index_cast %select_n3A_783 : i32 to index
        %get3A_796 = arith.index_cast %add3A_794 : i32 to index
        %get3A_797 = tpu.vector_load %arg12[%get3A_795, %get3A_796] {strides = array<i32>} : memref<16x128xf32, #tpu.memory_space<vmem>>, vector<16xf32>,
        %mul3A_798 = arith.mulf %get3A_792, %get3A_797 : vector<16xf32>
        %add3A_799 = arith.constant 16 : i32
        %add3A_800 = arith.addi %squeeze3A_785, %add3A_799 : i32
        %get3A_801 = arith.index_cast %add3A_759 : i32 to index
        %get3A_802 = arith.index_cast %add3A_800 : i32 to index
        %get3A_803 = tpu.vector_load %arg14[%get3A_801, %get3A_802] {strides = array<i32>} : memref<320x128xf32, #tpu.memory_space<vmem>>, vector<16xf32>,
        %add3A_804 = arith.constant 16 : i32
        %add3A_805 = arith.addi %squeeze3A_787, %add3A_804 : i32
        %get3A_806 = arith.index_cast %select_n3A_783 : i32 to index
        %get3A_807 = arith.index_cast %add3A_805 : i32 to index
        %get3A_808 = tpu.vector_load %arg12[%get3A_806, %get3A_807] {strides = array<i32>} : memref<16x128xf32, #tpu.memory_space<vmem>>, vector<16xf32>,
        %mul3A_809 = arith.mulf %get3A_803, %get3A_808 : vector<16xf32>
        %add3A_810 = arith.addf %mul3A_798, %mul3A_809 : vector<16xf32>
        %add3A_811 = arith.constant 32 : i32
        %add3A_812 = arith.addi %squeeze3A_785, %add3A_811 : i32
        %get3A_813 = arith.index_cast %add3A_759 : i32 to index
        %get3A_814 = arith.index_cast %add3A_812 : i32 to index
        %get3A_815 = tpu.vector_load %arg14[%get3A_813, %get3A_814] {strides = array<i32>} : memref<320x128xf32, #tpu.memory_space<vmem>>, vector<16xf32>,
        %add3A_816 = arith.constant 32 : i32
        %add3A_817 = arith.addi %squeeze3A_787, %add3A_816 : i32
        %get3A_818 = arith.index_cast %select_n3A_783 : i32 to index
        %get3A_819 = arith.index_cast %add3A_817 : i32 to index
        %get3A_820 = tpu.vector_load %arg12[%get3A_818, %get3A_819] {strides = array<i32>} : memref<16x128xf32, #tpu.memory_space<vmem>>, vector<16xf32>,
        %mul3A_821 = arith.mulf %get3A_815, %get3A_820 : vector<16xf32>
        %add3A_822 = arith.addf %add3A_810, %mul3A_821 : vector<16xf32>
        %add3A_823 = arith.constant 48 : i32
        %add3A_824 = arith.addi %squeeze3A_785, %add3A_823 : i32
        %get3A_825 = arith.index_cast %add3A_759 : i32 to index
        %get3A_826 = arith.index_cast %add3A_824 : i32 to index
        %get3A_827 = tpu.vector_load %arg14[%get3A_825, %get3A_826] {strides = array<i32>} : memref<320x128xf32, #tpu.memory_space<vmem>>, vector<16xf32>,
        %add3A_828 = arith.constant 48 : i32
        %add3A_829 = arith.addi %squeeze3A_787, %add3A_828 : i32
        %get3A_830 = arith.index_cast %select_n3A_783 : i32 to index
        %get3A_831 = arith.index_cast %add3A_829 : i32 to index
        %get3A_832 = tpu.vector_load %arg12[%get3A_830, %get3A_831] {strides = array<i32>} : memref<16x128xf32, #tpu.memory_space<vmem>>, vector<16xf32>,
        %mul3A_833 = arith.mulf %get3A_827, %get3A_832 : vector<16xf32>
        %add3A_834 = arith.addf %add3A_822, %mul3A_833 : vector<16xf32>
        %swap3A_835 = arith.constant 5 : i32
        %swap3A_836 = arith.index_cast %swap3A_835 : i32 to index
        %swap3A_837 = arith.constant 0 : index
        %swap3A_838 = tpu.vector_load %arg15[%swap3A_836, %swap3A_837] {strides = array<i32>} : memref<16x16xf32, #tpu.memory_space<vmem>>, vector<16xf32>,
        tpu.vector_store %arg15[%swap3A_836, %swap3A_837], %add3A_834 {strides = array<i32>} : memref<16x16xf32, #tpu.memory_space<vmem>>, vector<16xf32>,
        %add3A_839 = arith.constant 6 : i32
        %add3A_840 = arith.addi %mul3A_308, %add3A_839 : i32
        %jit3A_841 = arith.constant 20 : i32
        %div3A_842 = arith.divsi %add3A_840, %jit3A_841 : i32
        %sign3A_843 = arith.constant 0 : i32
        %sign3A_844 = arith.cmpi sgt, %add3A_840, %sign3A_843 : i32
        %sign3A_845 = arith.extui %sign3A_844 : i1 to i32
        %sign3A_846 = arith.constant 0 : i32
        %sign3A_847 = arith.cmpi slt, %add3A_840, %sign3A_846 : i32
        %sign3A_848 = arith.extui %sign3A_847 : i1 to i32
        %sign3A_849 = arith.subi %sign3A_845, %sign3A_848 : i32
        %sign3A_850 = arith.constant 0 : i32
        %sign3A_851 = arith.cmpi sgt, %jit3A_841, %sign3A_850 : i32
        %sign3A_852 = arith.extui %sign3A_851 : i1 to i32
        %sign3A_853 = arith.constant 0 : i32
        %sign3A_854 = arith.cmpi slt, %jit3A_841, %sign3A_853 : i32
        %sign3A_855 = arith.extui %sign3A_854 : i1 to i32
        %sign3A_856 = arith.subi %sign3A_852, %sign3A_855 : i32
        %ne3A_857 = arith.cmpi ne, %sign3A_849, %sign3A_856 : i32
        %rem3A_858 = arith.remsi %add3A_840, %jit3A_841 : i32
        %ne3A_859 = arith.constant 0 : i32
        %ne3A_860 = arith.cmpi ne, %rem3A_858, %ne3A_859 : i32
        %and3A_861 = arith.andi %ne3A_857, %ne3A_860 : i1
        %sub3A_862 = arith.constant 1 : i32
        %sub3A_863 = arith.subi %div3A_842, %sub3A_862 : i32
        %select_n3A_864 = arith.select %and3A_861, %sub3A_863, %div3A_842 : i32
        %slice3A_865 = vector.extract_strided_slice %mul3A_317 {offsets = [6], sizes = [1], strides = [1]} : vector<16xi32> to vector<1xi32>
        %squeeze3A_866 = vector.extract %slice3A_865[0] : i32 from vector<1xi32>
        %slice3A_867 = vector.extract_strided_slice %mul3A_355 {offsets = [6], sizes = [1], strides = [1]} : vector<16xi32> to vector<1xi32>
        %squeeze3A_868 = vector.extract %slice3A_867[0] : i32 from vector<1xi32>
        %add3A_869 = arith.constant 0 : i32
        %add3A_870 = arith.addi %squeeze3A_866, %add3A_869 : i32
        %get3A_871 = arith.index_cast %add3A_840 : i32 to index
        %get3A_872 = arith.index_cast %add3A_870 : i32 to index
        %get3A_873 = tpu.vector_load %arg14[%get3A_871, %get3A_872] {strides = array<i32>} : memref<320x128xf32, #tpu.memory_space<vmem>>, vector<16xf32>,
        %add3A_874 = arith.constant 0 : i32
        %add3A_875 = arith.addi %squeeze3A_868, %add3A_874 : i32
        %get3A_876 = arith.index_cast %select_n3A_864 : i32 to index
        %get3A_877 = arith.index_cast %add3A_875 : i32 to index
        %get3A_878 = tpu.vector_load %arg12[%get3A_876, %get3A_877] {strides = array<i32>} : memref<16x128xf32, #tpu.memory_space<vmem>>, vector<16xf32>,
        %mul3A_879 = arith.mulf %get3A_873, %get3A_878 : vector<16xf32>
        %add3A_880 = arith.constant 16 : i32
        %add3A_881 = arith.addi %squeeze3A_866, %add3A_880 : i32
        %get3A_882 = arith.index_cast %add3A_840 : i32 to index
        %get3A_883 = arith.index_cast %add3A_881 : i32 to index
        %get3A_884 = tpu.vector_load %arg14[%get3A_882, %get3A_883] {strides = array<i32>} : memref<320x128xf32, #tpu.memory_space<vmem>>, vector<16xf32>,
        %add3A_885 = arith.constant 16 : i32
        %add3A_886 = arith.addi %squeeze3A_868, %add3A_885 : i32
        %get3A_887 = arith.index_cast %select_n3A_864 : i32 to index
        %get3A_888 = arith.index_cast %add3A_886 : i32 to index
        %get3A_889 = tpu.vector_load %arg12[%get3A_887, %get3A_888] {strides = array<i32>} : memref<16x128xf32, #tpu.memory_space<vmem>>, vector<16xf32>,
        %mul3A_890 = arith.mulf %get3A_884, %get3A_889 : vector<16xf32>
        %add3A_891 = arith.addf %mul3A_879, %mul3A_890 : vector<16xf32>
        %add3A_892 = arith.constant 32 : i32
        %add3A_893 = arith.addi %squeeze3A_866, %add3A_892 : i32
        %get3A_894 = arith.index_cast %add3A_840 : i32 to index
        %get3A_895 = arith.index_cast %add3A_893 : i32 to index
        %get3A_896 = tpu.vector_load %arg14[%get3A_894, %get3A_895] {strides = array<i32>} : memref<320x128xf32, #tpu.memory_space<vmem>>, vector<16xf32>,
        %add3A_897 = arith.constant 32 : i32
        %add3A_898 = arith.addi %squeeze3A_868, %add3A_897 : i32
        %get3A_899 = arith.index_cast %select_n3A_864 : i32 to index
        %get3A_900 = arith.index_cast %add3A_898 : i32 to index
        %get3A_901 = tpu.vector_load %arg12[%get3A_899, %get3A_900] {strides = array<i32>} : memref<16x128xf32, #tpu.memory_space<vmem>>, vector<16xf32>,
        %mul3A_902 = arith.mulf %get3A_896, %get3A_901 : vector<16xf32>
        %add3A_903 = arith.addf %add3A_891, %mul3A_902 : vector<16xf32>
        %add3A_904 = arith.constant 48 : i32
        %add3A_905 = arith.addi %squeeze3A_866, %add3A_904 : i32
        %get3A_906 = arith.index_cast %add3A_840 : i32 to index
        %get3A_907 = arith.index_cast %add3A_905 : i32 to index
        %get3A_908 = tpu.vector_load %arg14[%get3A_906, %get3A_907] {strides = array<i32>} : memref<320x128xf32, #tpu.memory_space<vmem>>, vector<16xf32>,
        %add3A_909 = arith.constant 48 : i32
        %add3A_910 = arith.addi %squeeze3A_868, %add3A_909 : i32
        %get3A_911 = arith.index_cast %select_n3A_864 : i32 to index
        %get3A_912 = arith.index_cast %add3A_910 : i32 to index
        %get3A_913 = tpu.vector_load %arg12[%get3A_911, %get3A_912] {strides = array<i32>} : memref<16x128xf32, #tpu.memory_space<vmem>>, vector<16xf32>,
        %mul3A_914 = arith.mulf %get3A_908, %get3A_913 : vector<16xf32>
        %add3A_915 = arith.addf %add3A_903, %mul3A_914 : vector<16xf32>
        %swap3A_916 = arith.constant 6 : i32
        %swap3A_917 = arith.index_cast %swap3A_916 : i32 to index
        %swap3A_918 = arith.constant 0 : index
        %swap3A_919 = tpu.vector_load %arg15[%swap3A_917, %swap3A_918] {strides = array<i32>} : memref<16x16xf32, #tpu.memory_space<vmem>>, vector<16xf32>,
        tpu.vector_store %arg15[%swap3A_917, %swap3A_918], %add3A_915 {strides = array<i32>} : memref<16x16xf32, #tpu.memory_space<vmem>>, vector<16xf32>,
        %add3A_920 = arith.constant 7 : i32
        %add3A_921 = arith.addi %mul3A_308, %add3A_920 : i32
        %jit3A_922 = arith.constant 20 : i32
        %div3A_923 = arith.divsi %add3A_921, %jit3A_922 : i32
        %sign3A_924 = arith.constant 0 : i32
        %sign3A_925 = arith.cmpi sgt, %add3A_921, %sign3A_924 : i32
        %sign3A_926 = arith.extui %sign3A_925 : i1 to i32
        %sign3A_927 = arith.constant 0 : i32
        %sign3A_928 = arith.cmpi slt, %add3A_921, %sign3A_927 : i32
        %sign3A_929 = arith.extui %sign3A_928 : i1 to i32
        %sign3A_930 = arith.subi %sign3A_926, %sign3A_929 : i32
        %sign3A_931 = arith.constant 0 : i32
        %sign3A_932 = arith.cmpi sgt, %jit3A_922, %sign3A_931 : i32
        %sign3A_933 = arith.extui %sign3A_932 : i1 to i32
        %sign3A_934 = arith.constant 0 : i32
        %sign3A_935 = arith.cmpi slt, %jit3A_922, %sign3A_934 : i32
        %sign3A_936 = arith.extui %sign3A_935 : i1 to i32
        %sign3A_937 = arith.subi %sign3A_933, %sign3A_936 : i32
        %ne3A_938 = arith.cmpi ne, %sign3A_930, %sign3A_937 : i32
        %rem3A_939 = arith.remsi %add3A_921, %jit3A_922 : i32
        %ne3A_940 = arith.constant 0 : i32
        %ne3A_941 = arith.cmpi ne, %rem3A_939, %ne3A_940 : i32
        %and3A_942 = arith.andi %ne3A_938, %ne3A_941 : i1
        %sub3A_943 = arith.constant 1 : i32
        %sub3A_944 = arith.subi %div3A_923, %sub3A_943 : i32
        %select_n3A_945 = arith.select %and3A_942, %sub3A_944, %div3A_923 : i32
        %slice3A_946 = vector.extract_strided_slice %mul3A_317 {offsets = [7], sizes = [1], strides = [1]} : vector<16xi32> to vector<1xi32>
        %squeeze3A_947 = vector.extract %slice3A_946[0] : i32 from vector<1xi32>
        %slice3A_948 = vector.extract_strided_slice %mul3A_355 {offsets = [7], sizes = [1], strides = [1]} : vector<16xi32> to vector<1xi32>
        %squeeze3A_949 = vector.extract %slice3A_948[0] : i32 from vector<1xi32>
        %add3A_950 = arith.constant 0 : i32
        %add3A_951 = arith.addi %squeeze3A_947, %add3A_950 : i32
        %get3A_952 = arith.index_cast %add3A_921 : i32 to index
        %get3A_953 = arith.index_cast %add3A_951 : i32 to index
        %get3A_954 = tpu.vector_load %arg14[%get3A_952, %get3A_953] {strides = array<i32>} : memref<320x128xf32, #tpu.memory_space<vmem>>, vector<16xf32>,
        %add3A_955 = arith.constant 0 : i32
        %add3A_956 = arith.addi %squeeze3A_949, %add3A_955 : i32
        %get3A_957 = arith.index_cast %select_n3A_945 : i32 to index
        %get3A_958 = arith.index_cast %add3A_956 : i32 to index
        %get3A_959 = tpu.vector_load %arg12[%get3A_957, %get3A_958] {strides = array<i32>} : memref<16x128xf32, #tpu.memory_space<vmem>>, vector<16xf32>,
        %mul3A_960 = arith.mulf %get3A_954, %get3A_959 : vector<16xf32>
        %add3A_961 = arith.constant 16 : i32
        %add3A_962 = arith.addi %squeeze3A_947, %add3A_961 : i32
        %get3A_963 = arith.index_cast %add3A_921 : i32 to index
        %get3A_964 = arith.index_cast %add3A_962 : i32 to index
        %get3A_965 = tpu.vector_load %arg14[%get3A_963, %get3A_964] {strides = array<i32>} : memref<320x128xf32, #tpu.memory_space<vmem>>, vector<16xf32>,
        %add3A_966 = arith.constant 16 : i32
        %add3A_967 = arith.addi %squeeze3A_949, %add3A_966 : i32
        %get3A_968 = arith.index_cast %select_n3A_945 : i32 to index
        %get3A_969 = arith.index_cast %add3A_967 : i32 to index
        %get3A_970 = tpu.vector_load %arg12[%get3A_968, %get3A_969] {strides = array<i32>} : memref<16x128xf32, #tpu.memory_space<vmem>>, vector<16xf32>,
        %mul3A_971 = arith.mulf %get3A_965, %get3A_970 : vector<16xf32>
        %add3A_972 = arith.addf %mul3A_960, %mul3A_971 : vector<16xf32>
        %add3A_973 = arith.constant 32 : i32
        %add3A_974 = arith.addi %squeeze3A_947, %add3A_973 : i32
        %get3A_975 = arith.index_cast %add3A_921 : i32 to index
        %get3A_976 = arith.index_cast %add3A_974 : i32 to index
        %get3A_977 = tpu.vector_load %arg14[%get3A_975, %get3A_976] {strides = array<i32>} : memref<320x128xf32, #tpu.memory_space<vmem>>, vector<16xf32>,
        %add3A_978 = arith.constant 32 : i32
        %add3A_979 = arith.addi %squeeze3A_949, %add3A_978 : i32
        %get3A_980 = arith.index_cast %select_n3A_945 : i32 to index
        %get3A_981 = arith.index_cast %add3A_979 : i32 to index
        %get3A_982 = tpu.vector_load %arg12[%get3A_980, %get3A_981] {strides = array<i32>} : memref<16x128xf32, #tpu.memory_space<vmem>>, vector<16xf32>,
        %mul3A_983 = arith.mulf %get3A_977, %get3A_982 : vector<16xf32>
        %add3A_984 = arith.addf %add3A_972, %mul3A_983 : vector<16xf32>
        %add3A_985 = arith.constant 48 : i32
        %add3A_986 = arith.addi %squeeze3A_947, %add3A_985 : i32
        %get3A_987 = arith.index_cast %add3A_921 : i32 to index
        %get3A_988 = arith.index_cast %add3A_986 : i32 to index
        %get3A_989 = tpu.vector_load %arg14[%get3A_987, %get3A_988] {strides = array<i32>} : memref<320x128xf32, #tpu.memory_space<vmem>>, vector<16xf32>,
        %add3A_990 = arith.constant 48 : i32
        %add3A_991 = arith.addi %squeeze3A_949, %add3A_990 : i32
        %get3A_992 = arith.index_cast %select_n3A_945 : i32 to index
        %get3A_993 = arith.index_cast %add3A_991 : i32 to index
        %get3A_994 = tpu.vector_load %arg12[%get3A_992, %get3A_993] {strides = array<i32>} : memref<16x128xf32, #tpu.memory_space<vmem>>, vector<16xf32>,
        %mul3A_995 = arith.mulf %get3A_989, %get3A_994 : vector<16xf32>
        %add3A_996 = arith.addf %add3A_984, %mul3A_995 : vector<16xf32>
        %swap3A_997 = arith.constant 7 : i32
        %swap3A_998 = arith.index_cast %swap3A_997 : i32 to index
        %swap3A_999 = arith.constant 0 : index
        %swap3A_1000 = tpu.vector_load %arg15[%swap3A_998, %swap3A_999] {strides = array<i32>} : memref<16x16xf32, #tpu.memory_space<vmem>>, vector<16xf32>,
        tpu.vector_store %arg15[%swap3A_998, %swap3A_999], %add3A_996 {strides = array<i32>} : memref<16x16xf32, #tpu.memory_space<vmem>>, vector<16xf32>,
        %add3A_1001 = arith.constant 8 : i32
        %add3A_1002 = arith.addi %mul3A_308, %add3A_1001 : i32
        %jit3A_1003 = arith.constant 20 : i32
        %div3A_1004 = arith.divsi %add3A_1002, %jit3A_1003 : i32
        %sign3A_1005 = arith.constant 0 : i32
        %sign3A_1006 = arith.cmpi sgt, %add3A_1002, %sign3A_1005 : i32
        %sign3A_1007 = arith.extui %sign3A_1006 : i1 to i32
        %sign3A_1008 = arith.constant 0 : i32
        %sign3A_1009 = arith.cmpi slt, %add3A_1002, %sign3A_1008 : i32
        %sign3A_1010 = arith.extui %sign3A_1009 : i1 to i32
        %sign3A_1011 = arith.subi %sign3A_1007, %sign3A_1010 : i32
        %sign3A_1012 = arith.constant 0 : i32
        %sign3A_1013 = arith.cmpi sgt, %jit3A_1003, %sign3A_1012 : i32
        %sign3A_1014 = arith.extui %sign3A_1013 : i1 to i32
        %sign3A_1015 = arith.constant 0 : i32
        %sign3A_1016 = arith.cmpi slt, %jit3A_1003, %sign3A_1015 : i32
        %sign3A_1017 = arith.extui %sign3A_1016 : i1 to i32
        %sign3A_1018 = arith.subi %sign3A_1014, %sign3A_1017 : i32
        %ne3A_1019 = arith.cmpi ne, %sign3A_1011, %sign3A_1018 : i32
        %rem3A_1020 = arith.remsi %add3A_1002, %jit3A_1003 : i32
        %ne3A_1021 = arith.constant 0 : i32
        %ne3A_1022 = arith.cmpi ne, %rem3A_1020, %ne3A_1021 : i32
        %and3A_1023 = arith.andi %ne3A_1019, %ne3A_1022 : i1
        %sub3A_1024 = arith.constant 1 : i32
        %sub3A_1025 = arith.subi %div3A_1004, %sub3A_1024 : i32
        %select_n3A_1026 = arith.select %and3A_1023, %sub3A_1025, %div3A_1004 : i32
        %slice3A_1027 = vector.extract_strided_slice %mul3A_317 {offsets = [8], sizes = [1], strides = [1]} : vector<16xi32> to vector<1xi32>
        %squeeze3A_1028 = vector.extract %slice3A_1027[0] : i32 from vector<1xi32>
        %slice3A_1029 = vector.extract_strided_slice %mul3A_355 {offsets = [8], sizes = [1], strides = [1]} : vector<16xi32> to vector<1xi32>
        %squeeze3A_1030 = vector.extract %slice3A_1029[0] : i32 from vector<1xi32>
        %add3A_1031 = arith.constant 0 : i32
        %add3A_1032 = arith.addi %squeeze3A_1028, %add3A_1031 : i32
        %get3A_1033 = arith.index_cast %add3A_1002 : i32 to index
        %get3A_1034 = arith.index_cast %add3A_1032 : i32 to index
        %get3A_1035 = tpu.vector_load %arg14[%get3A_1033, %get3A_1034] {strides = array<i32>} : memref<320x128xf32, #tpu.memory_space<vmem>>, vector<16xf32>,
        %add3A_1036 = arith.constant 0 : i32
        %add3A_1037 = arith.addi %squeeze3A_1030, %add3A_1036 : i32
        %get3A_1038 = arith.index_cast %select_n3A_1026 : i32 to index
        %get3A_1039 = arith.index_cast %add3A_1037 : i32 to index
        %get3A_1040 = tpu.vector_load %arg12[%get3A_1038, %get3A_1039] {strides = array<i32>} : memref<16x128xf32, #tpu.memory_space<vmem>>, vector<16xf32>,
        %mul3A_1041 = arith.mulf %get3A_1035, %get3A_1040 : vector<16xf32>
        %add3A_1042 = arith.constant 16 : i32
        %add3A_1043 = arith.addi %squeeze3A_1028, %add3A_1042 : i32
        %get3A_1044 = arith.index_cast %add3A_1002 : i32 to index
        %get3A_1045 = arith.index_cast %add3A_1043 : i32 to index
        %get3A_1046 = tpu.vector_load %arg14[%get3A_1044, %get3A_1045] {strides = array<i32>} : memref<320x128xf32, #tpu.memory_space<vmem>>, vector<16xf32>,
        %add3A_1047 = arith.constant 16 : i32
        %add3A_1048 = arith.addi %squeeze3A_1030, %add3A_1047 : i32
        %get3A_1049 = arith.index_cast %select_n3A_1026 : i32 to index
        %get3A_1050 = arith.index_cast %add3A_1048 : i32 to index
        %get3A_1051 = tpu.vector_load %arg12[%get3A_1049, %get3A_1050] {strides = array<i32>} : memref<16x128xf32, #tpu.memory_space<vmem>>, vector<16xf32>,
        %mul3A_1052 = arith.mulf %get3A_1046, %get3A_1051 : vector<16xf32>
        %add3A_1053 = arith.addf %mul3A_1041, %mul3A_1052 : vector<16xf32>
        %add3A_1054 = arith.constant 32 : i32
        %add3A_1055 = arith.addi %squeeze3A_1028, %add3A_1054 : i32
        %get3A_1056 = arith.index_cast %add3A_1002 : i32 to index
        %get3A_1057 = arith.index_cast %add3A_1055 : i32 to index
        %get3A_1058 = tpu.vector_load %arg14[%get3A_1056, %get3A_1057] {strides = array<i32>} : memref<320x128xf32, #tpu.memory_space<vmem>>, vector<16xf32>,
        %add3A_1059 = arith.constant 32 : i32
        %add3A_1060 = arith.addi %squeeze3A_1030, %add3A_1059 : i32
        %get3A_1061 = arith.index_cast %select_n3A_1026 : i32 to index
        %get3A_1062 = arith.index_cast %add3A_1060 : i32 to index
        %get3A_1063 = tpu.vector_load %arg12[%get3A_1061, %get3A_1062] {strides = array<i32>} : memref<16x128xf32, #tpu.memory_space<vmem>>, vector<16xf32>,
        %mul3A_1064 = arith.mulf %get3A_1058, %get3A_1063 : vector<16xf32>
        %add3A_1065 = arith.addf %add3A_1053, %mul3A_1064 : vector<16xf32>
        %add3A_1066 = arith.constant 48 : i32
        %add3A_1067 = arith.addi %squeeze3A_1028, %add3A_1066 : i32
        %get3A_1068 = arith.index_cast %add3A_1002 : i32 to index
        %get3A_1069 = arith.index_cast %add3A_1067 : i32 to index
        %get3A_1070 = tpu.vector_load %arg14[%get3A_1068, %get3A_1069] {strides = array<i32>} : memref<320x128xf32, #tpu.memory_space<vmem>>, vector<16xf32>,
        %add3A_1071 = arith.constant 48 : i32
        %add3A_1072 = arith.addi %squeeze3A_1030, %add3A_1071 : i32
        %get3A_1073 = arith.index_cast %select_n3A_1026 : i32 to index
        %get3A_1074 = arith.index_cast %add3A_1072 : i32 to index
        %get3A_1075 = tpu.vector_load %arg12[%get3A_1073, %get3A_1074] {strides = array<i32>} : memref<16x128xf32, #tpu.memory_space<vmem>>, vector<16xf32>,
        %mul3A_1076 = arith.mulf %get3A_1070, %get3A_1075 : vector<16xf32>
        %add3A_1077 = arith.addf %add3A_1065, %mul3A_1076 : vector<16xf32>
        %swap3A_1078 = arith.constant 8 : i32
        %swap3A_1079 = arith.index_cast %swap3A_1078 : i32 to index
        %swap3A_1080 = arith.constant 0 : index
        %swap3A_1081 = tpu.vector_load %arg15[%swap3A_1079, %swap3A_1080] {strides = array<i32>} : memref<16x16xf32, #tpu.memory_space<vmem>>, vector<16xf32>,
        tpu.vector_store %arg15[%swap3A_1079, %swap3A_1080], %add3A_1077 {strides = array<i32>} : memref<16x16xf32, #tpu.memory_space<vmem>>, vector<16xf32>,
        %add3A_1082 = arith.constant 9 : i32
        %add3A_1083 = arith.addi %mul3A_308, %add3A_1082 : i32
        %jit3A_1084 = arith.constant 20 : i32
        %div3A_1085 = arith.divsi %add3A_1083, %jit3A_1084 : i32
        %sign3A_1086 = arith.constant 0 : i32
        %sign3A_1087 = arith.cmpi sgt, %add3A_1083, %sign3A_1086 : i32
        %sign3A_1088 = arith.extui %sign3A_1087 : i1 to i32
        %sign3A_1089 = arith.constant 0 : i32
        %sign3A_1090 = arith.cmpi slt, %add3A_1083, %sign3A_1089 : i32
        %sign3A_1091 = arith.extui %sign3A_1090 : i1 to i32
        %sign3A_1092 = arith.subi %sign3A_1088, %sign3A_1091 : i32
        %sign3A_1093 = arith.constant 0 : i32
        %sign3A_1094 = arith.cmpi sgt, %jit3A_1084, %sign3A_1093 : i32
        %sign3A_1095 = arith.extui %sign3A_1094 : i1 to i32
        %sign3A_1096 = arith.constant 0 : i32
        %sign3A_1097 = arith.cmpi slt, %jit3A_1084, %sign3A_1096 : i32
        %sign3A_1098 = arith.extui %sign3A_1097 : i1 to i32
        %sign3A_1099 = arith.subi %sign3A_1095, %sign3A_1098 : i32
        %ne3A_1100 = arith.cmpi ne, %sign3A_1092, %sign3A_1099 : i32
        %rem3A_1101 = arith.remsi %add3A_1083, %jit3A_1084 : i32
        %ne3A_1102 = arith.constant 0 : i32
        %ne3A_1103 = arith.cmpi ne, %rem3A_1101, %ne3A_1102 : i32
        %and3A_1104 = arith.andi %ne3A_1100, %ne3A_1103 : i1
        %sub3A_1105 = arith.constant 1 : i32
        %sub3A_1106 = arith.subi %div3A_1085, %sub3A_1105 : i32
        %select_n3A_1107 = arith.select %and3A_1104, %sub3A_1106, %div3A_1085 : i32
        %slice3A_1108 = vector.extract_strided_slice %mul3A_317 {offsets = [9], sizes = [1], strides = [1]} : vector<16xi32> to vector<1xi32>
        %squeeze3A_1109 = vector.extract %slice3A_1108[0] : i32 from vector<1xi32>
        %slice3A_1110 = vector.extract_strided_slice %mul3A_355 {offsets = [9], sizes = [1], strides = [1]} : vector<16xi32> to vector<1xi32>
        %squeeze3A_1111 = vector.extract %slice3A_1110[0] : i32 from vector<1xi32>
        %add3A_1112 = arith.constant 0 : i32
        %add3A_1113 = arith.addi %squeeze3A_1109, %add3A_1112 : i32
        %get3A_1114 = arith.index_cast %add3A_1083 : i32 to index
        %get3A_1115 = arith.index_cast %add3A_1113 : i32 to index
        %get3A_1116 = tpu.vector_load %arg14[%get3A_1114, %get3A_1115] {strides = array<i32>} : memref<320x128xf32, #tpu.memory_space<vmem>>, vector<16xf32>,
        %add3A_1117 = arith.constant 0 : i32
        %add3A_1118 = arith.addi %squeeze3A_1111, %add3A_1117 : i32
        %get3A_1119 = arith.index_cast %select_n3A_1107 : i32 to index
        %get3A_1120 = arith.index_cast %add3A_1118 : i32 to index
        %get3A_1121 = tpu.vector_load %arg12[%get3A_1119, %get3A_1120] {strides = array<i32>} : memref<16x128xf32, #tpu.memory_space<vmem>>, vector<16xf32>,
        %mul3A_1122 = arith.mulf %get3A_1116, %get3A_1121 : vector<16xf32>
        %add3A_1123 = arith.constant 16 : i32
        %add3A_1124 = arith.addi %squeeze3A_1109, %add3A_1123 : i32
        %get3A_1125 = arith.index_cast %add3A_1083 : i32 to index
        %get3A_1126 = arith.index_cast %add3A_1124 : i32 to index
        %get3A_1127 = tpu.vector_load %arg14[%get3A_1125, %get3A_1126] {strides = array<i32>} : memref<320x128xf32, #tpu.memory_space<vmem>>, vector<16xf32>,
        %add3A_1128 = arith.constant 16 : i32
        %add3A_1129 = arith.addi %squeeze3A_1111, %add3A_1128 : i32
        %get3A_1130 = arith.index_cast %select_n3A_1107 : i32 to index
        %get3A_1131 = arith.index_cast %add3A_1129 : i32 to index
        %get3A_1132 = tpu.vector_load %arg12[%get3A_1130, %get3A_1131] {strides = array<i32>} : memref<16x128xf32, #tpu.memory_space<vmem>>, vector<16xf32>,
        %mul3A_1133 = arith.mulf %get3A_1127, %get3A_1132 : vector<16xf32>
        %add3A_1134 = arith.addf %mul3A_1122, %mul3A_1133 : vector<16xf32>
        %add3A_1135 = arith.constant 32 : i32
        %add3A_1136 = arith.addi %squeeze3A_1109, %add3A_1135 : i32
        %get3A_1137 = arith.index_cast %add3A_1083 : i32 to index
        %get3A_1138 = arith.index_cast %add3A_1136 : i32 to index
        %get3A_1139 = tpu.vector_load %arg14[%get3A_1137, %get3A_1138] {strides = array<i32>} : memref<320x128xf32, #tpu.memory_space<vmem>>, vector<16xf32>,
        %add3A_1140 = arith.constant 32 : i32
        %add3A_1141 = arith.addi %squeeze3A_1111, %add3A_1140 : i32
        %get3A_1142 = arith.index_cast %select_n3A_1107 : i32 to index
        %get3A_1143 = arith.index_cast %add3A_1141 : i32 to index
        %get3A_1144 = tpu.vector_load %arg12[%get3A_1142, %get3A_1143] {strides = array<i32>} : memref<16x128xf32, #tpu.memory_space<vmem>>, vector<16xf32>,
        %mul3A_1145 = arith.mulf %get3A_1139, %get3A_1144 : vector<16xf32>
        %add3A_1146 = arith.addf %add3A_1134, %mul3A_1145 : vector<16xf32>
        %add3A_1147 = arith.constant 48 : i32
        %add3A_1148 = arith.addi %squeeze3A_1109, %add3A_1147 : i32
        %get3A_1149 = arith.index_cast %add3A_1083 : i32 to index
        %get3A_1150 = arith.index_cast %add3A_1148 : i32 to index
        %get3A_1151 = tpu.vector_load %arg14[%get3A_1149, %get3A_1150] {strides = array<i32>} : memref<320x128xf32, #tpu.memory_space<vmem>>, vector<16xf32>,
        %add3A_1152 = arith.constant 48 : i32
        %add3A_1153 = arith.addi %squeeze3A_1111, %add3A_1152 : i32
        %get3A_1154 = arith.index_cast %select_n3A_1107 : i32 to index
        %get3A_1155 = arith.index_cast %add3A_1153 : i32 to index
        %get3A_1156 = tpu.vector_load %arg12[%get3A_1154, %get3A_1155] {strides = array<i32>} : memref<16x128xf32, #tpu.memory_space<vmem>>, vector<16xf32>,
        %mul3A_1157 = arith.mulf %get3A_1151, %get3A_1156 : vector<16xf32>
        %add3A_1158 = arith.addf %add3A_1146, %mul3A_1157 : vector<16xf32>
        %swap3A_1159 = arith.constant 9 : i32
        %swap3A_1160 = arith.index_cast %swap3A_1159 : i32 to index
        %swap3A_1161 = arith.constant 0 : index
        %swap3A_1162 = tpu.vector_load %arg15[%swap3A_1160, %swap3A_1161] {strides = array<i32>} : memref<16x16xf32, #tpu.memory_space<vmem>>, vector<16xf32>,
        tpu.vector_store %arg15[%swap3A_1160, %swap3A_1161], %add3A_1158 {strides = array<i32>} : memref<16x16xf32, #tpu.memory_space<vmem>>, vector<16xf32>,
        %add3A_1163 = arith.constant 10 : i32
        %add3A_1164 = arith.addi %mul3A_308, %add3A_1163 : i32
        %jit3A_1165 = arith.constant 20 : i32
        %div3A_1166 = arith.divsi %add3A_1164, %jit3A_1165 : i32
        %sign3A_1167 = arith.constant 0 : i32
        %sign3A_1168 = arith.cmpi sgt, %add3A_1164, %sign3A_1167 : i32
        %sign3A_1169 = arith.extui %sign3A_1168 : i1 to i32
        %sign3A_1170 = arith.constant 0 : i32
        %sign3A_1171 = arith.cmpi slt, %add3A_1164, %sign3A_1170 : i32
        %sign3A_1172 = arith.extui %sign3A_1171 : i1 to i32
        %sign3A_1173 = arith.subi %sign3A_1169, %sign3A_1172 : i32
        %sign3A_1174 = arith.constant 0 : i32
        %sign3A_1175 = arith.cmpi sgt, %jit3A_1165, %sign3A_1174 : i32
        %sign3A_1176 = arith.extui %sign3A_1175 : i1 to i32
        %sign3A_1177 = arith.constant 0 : i32
        %sign3A_1178 = arith.cmpi slt, %jit3A_1165, %sign3A_1177 : i32
        %sign3A_1179 = arith.extui %sign3A_1178 : i1 to i32
        %sign3A_1180 = arith.subi %sign3A_1176, %sign3A_1179 : i32
        %ne3A_1181 = arith.cmpi ne, %sign3A_1173, %sign3A_1180 : i32
        %rem3A_1182 = arith.remsi %add3A_1164, %jit3A_1165 : i32
        %ne3A_1183 = arith.constant 0 : i32
        %ne3A_1184 = arith.cmpi ne, %rem3A_1182, %ne3A_1183 : i32
        %and3A_1185 = arith.andi %ne3A_1181, %ne3A_1184 : i1
        %sub3A_1186 = arith.constant 1 : i32
        %sub3A_1187 = arith.subi %div3A_1166, %sub3A_1186 : i32
        %select_n3A_1188 = arith.select %and3A_1185, %sub3A_1187, %div3A_1166 : i32
        %slice3A_1189 = vector.extract_strided_slice %mul3A_317 {offsets = [10], sizes = [1], strides = [1]} : vector<16xi32> to vector<1xi32>
        %squeeze3A_1190 = vector.extract %slice3A_1189[0] : i32 from vector<1xi32>
        %slice3A_1191 = vector.extract_strided_slice %mul3A_355 {offsets = [10], sizes = [1], strides = [1]} : vector<16xi32> to vector<1xi32>
        %squeeze3A_1192 = vector.extract %slice3A_1191[0] : i32 from vector<1xi32>
        %add3A_1193 = arith.constant 0 : i32
        %add3A_1194 = arith.addi %squeeze3A_1190, %add3A_1193 : i32
        %get3A_1195 = arith.index_cast %add3A_1164 : i32 to index
        %get3A_1196 = arith.index_cast %add3A_1194 : i32 to index
        %get3A_1197 = tpu.vector_load %arg14[%get3A_1195, %get3A_1196] {strides = array<i32>} : memref<320x128xf32, #tpu.memory_space<vmem>>, vector<16xf32>,
        %add3A_1198 = arith.constant 0 : i32
        %add3A_1199 = arith.addi %squeeze3A_1192, %add3A_1198 : i32
        %get3A_1200 = arith.index_cast %select_n3A_1188 : i32 to index
        %get3A_1201 = arith.index_cast %add3A_1199 : i32 to index
        %get3A_1202 = tpu.vector_load %arg12[%get3A_1200, %get3A_1201] {strides = array<i32>} : memref<16x128xf32, #tpu.memory_space<vmem>>, vector<16xf32>,
        %mul3A_1203 = arith.mulf %get3A_1197, %get3A_1202 : vector<16xf32>
        %add3A_1204 = arith.constant 16 : i32
        %add3A_1205 = arith.addi %squeeze3A_1190, %add3A_1204 : i32
        %get3A_1206 = arith.index_cast %add3A_1164 : i32 to index
        %get3A_1207 = arith.index_cast %add3A_1205 : i32 to index
        %get3A_1208 = tpu.vector_load %arg14[%get3A_1206, %get3A_1207] {strides = array<i32>} : memref<320x128xf32, #tpu.memory_space<vmem>>, vector<16xf32>,
        %add3A_1209 = arith.constant 16 : i32
        %add3A_1210 = arith.addi %squeeze3A_1192, %add3A_1209 : i32
        %get3A_1211 = arith.index_cast %select_n3A_1188 : i32 to index
        %get3A_1212 = arith.index_cast %add3A_1210 : i32 to index
        %get3A_1213 = tpu.vector_load %arg12[%get3A_1211, %get3A_1212] {strides = array<i32>} : memref<16x128xf32, #tpu.memory_space<vmem>>, vector<16xf32>,
        %mul3A_1214 = arith.mulf %get3A_1208, %get3A_1213 : vector<16xf32>
        %add3A_1215 = arith.addf %mul3A_1203, %mul3A_1214 : vector<16xf32>
        %add3A_1216 = arith.constant 32 : i32
        %add3A_1217 = arith.addi %squeeze3A_1190, %add3A_1216 : i32
        %get3A_1218 = arith.index_cast %add3A_1164 : i32 to index
        %get3A_1219 = arith.index_cast %add3A_1217 : i32 to index
        %get3A_1220 = tpu.vector_load %arg14[%get3A_1218, %get3A_1219] {strides = array<i32>} : memref<320x128xf32, #tpu.memory_space<vmem>>, vector<16xf32>,
        %add3A_1221 = arith.constant 32 : i32
        %add3A_1222 = arith.addi %squeeze3A_1192, %add3A_1221 : i32
        %get3A_1223 = arith.index_cast %select_n3A_1188 : i32 to index
        %get3A_1224 = arith.index_cast %add3A_1222 : i32 to index
        %get3A_1225 = tpu.vector_load %arg12[%get3A_1223, %get3A_1224] {strides = array<i32>} : memref<16x128xf32, #tpu.memory_space<vmem>>, vector<16xf32>,
        %mul3A_1226 = arith.mulf %get3A_1220, %get3A_1225 : vector<16xf32>
        %add3A_1227 = arith.addf %add3A_1215, %mul3A_1226 : vector<16xf32>
        %add3A_1228 = arith.constant 48 : i32
        %add3A_1229 = arith.addi %squeeze3A_1190, %add3A_1228 : i32
        %get3A_1230 = arith.index_cast %add3A_1164 : i32 to index
        %get3A_1231 = arith.index_cast %add3A_1229 : i32 to index
        %get3A_1232 = tpu.vector_load %arg14[%get3A_1230, %get3A_1231] {strides = array<i32>} : memref<320x128xf32, #tpu.memory_space<vmem>>, vector<16xf32>,
        %add3A_1233 = arith.constant 48 : i32
        %add3A_1234 = arith.addi %squeeze3A_1192, %add3A_1233 : i32
        %get3A_1235 = arith.index_cast %select_n3A_1188 : i32 to index
        %get3A_1236 = arith.index_cast %add3A_1234 : i32 to index
        %get3A_1237 = tpu.vector_load %arg12[%get3A_1235, %get3A_1236] {strides = array<i32>} : memref<16x128xf32, #tpu.memory_space<vmem>>, vector<16xf32>,
        %mul3A_1238 = arith.mulf %get3A_1232, %get3A_1237 : vector<16xf32>
        %add3A_1239 = arith.addf %add3A_1227, %mul3A_1238 : vector<16xf32>
        %swap3A_1240 = arith.constant 10 : i32
        %swap3A_1241 = arith.index_cast %swap3A_1240 : i32 to index
        %swap3A_1242 = arith.constant 0 : index
        %swap3A_1243 = tpu.vector_load %arg15[%swap3A_1241, %swap3A_1242] {strides = array<i32>} : memref<16x16xf32, #tpu.memory_space<vmem>>, vector<16xf32>,
        tpu.vector_store %arg15[%swap3A_1241, %swap3A_1242], %add3A_1239 {strides = array<i32>} : memref<16x16xf32, #tpu.memory_space<vmem>>, vector<16xf32>,
        %add3A_1244 = arith.constant 11 : i32
        %add3A_1245 = arith.addi %mul3A_308, %add3A_1244 : i32
        %jit3A_1246 = arith.constant 20 : i32
        %div3A_1247 = arith.divsi %add3A_1245, %jit3A_1246 : i32
        %sign3A_1248 = arith.constant 0 : i32
        %sign3A_1249 = arith.cmpi sgt, %add3A_1245, %sign3A_1248 : i32
        %sign3A_1250 = arith.extui %sign3A_1249 : i1 to i32
        %sign3A_1251 = arith.constant 0 : i32
        %sign3A_1252 = arith.cmpi slt, %add3A_1245, %sign3A_1251 : i32
        %sign3A_1253 = arith.extui %sign3A_1252 : i1 to i32
        %sign3A_1254 = arith.subi %sign3A_1250, %sign3A_1253 : i32
        %sign3A_1255 = arith.constant 0 : i32
        %sign3A_1256 = arith.cmpi sgt, %jit3A_1246, %sign3A_1255 : i32
        %sign3A_1257 = arith.extui %sign3A_1256 : i1 to i32
        %sign3A_1258 = arith.constant 0 : i32
        %sign3A_1259 = arith.cmpi slt, %jit3A_1246, %sign3A_1258 : i32
        %sign3A_1260 = arith.extui %sign3A_1259 : i1 to i32
        %sign3A_1261 = arith.subi %sign3A_1257, %sign3A_1260 : i32
        %ne3A_1262 = arith.cmpi ne, %sign3A_1254, %sign3A_1261 : i32
        %rem3A_1263 = arith.remsi %add3A_1245, %jit3A_1246 : i32
        %ne3A_1264 = arith.constant 0 : i32
        %ne3A_1265 = arith.cmpi ne, %rem3A_1263, %ne3A_1264 : i32
        %and3A_1266 = arith.andi %ne3A_1262, %ne3A_1265 : i1
        %sub3A_1267 = arith.constant 1 : i32
        %sub3A_1268 = arith.subi %div3A_1247, %sub3A_1267 : i32
        %select_n3A_1269 = arith.select %and3A_1266, %sub3A_1268, %div3A_1247 : i32
        %slice3A_1270 = vector.extract_strided_slice %mul3A_317 {offsets = [11], sizes = [1], strides = [1]} : vector<16xi32> to vector<1xi32>
        %squeeze3A_1271 = vector.extract %slice3A_1270[0] : i32 from vector<1xi32>
        %slice3A_1272 = vector.extract_strided_slice %mul3A_355 {offsets = [11], sizes = [1], strides = [1]} : vector<16xi32> to vector<1xi32>
        %squeeze3A_1273 = vector.extract %slice3A_1272[0] : i32 from vector<1xi32>
        %add3A_1274 = arith.constant 0 : i32
        %add3A_1275 = arith.addi %squeeze3A_1271, %add3A_1274 : i32
        %get3A_1276 = arith.index_cast %add3A_1245 : i32 to index
        %get3A_1277 = arith.index_cast %add3A_1275 : i32 to index
        %get3A_1278 = tpu.vector_load %arg14[%get3A_1276, %get3A_1277] {strides = array<i32>} : memref<320x128xf32, #tpu.memory_space<vmem>>, vector<16xf32>,
        %add3A_1279 = arith.constant 0 : i32
        %add3A_1280 = arith.addi %squeeze3A_1273, %add3A_1279 : i32
        %get3A_1281 = arith.index_cast %select_n3A_1269 : i32 to index
        %get3A_1282 = arith.index_cast %add3A_1280 : i32 to index
        %get3A_1283 = tpu.vector_load %arg12[%get3A_1281, %get3A_1282] {strides = array<i32>} : memref<16x128xf32, #tpu.memory_space<vmem>>, vector<16xf32>,
        %mul3A_1284 = arith.mulf %get3A_1278, %get3A_1283 : vector<16xf32>
        %add3A_1285 = arith.constant 16 : i32
        %add3A_1286 = arith.addi %squeeze3A_1271, %add3A_1285 : i32
        %get3A_1287 = arith.index_cast %add3A_1245 : i32 to index
        %get3A_1288 = arith.index_cast %add3A_1286 : i32 to index
        %get3A_1289 = tpu.vector_load %arg14[%get3A_1287, %get3A_1288] {strides = array<i32>} : memref<320x128xf32, #tpu.memory_space<vmem>>, vector<16xf32>,
        %add3A_1290 = arith.constant 16 : i32
        %add3A_1291 = arith.addi %squeeze3A_1273, %add3A_1290 : i32
        %get3A_1292 = arith.index_cast %select_n3A_1269 : i32 to index
        %get3A_1293 = arith.index_cast %add3A_1291 : i32 to index
        %get3A_1294 = tpu.vector_load %arg12[%get3A_1292, %get3A_1293] {strides = array<i32>} : memref<16x128xf32, #tpu.memory_space<vmem>>, vector<16xf32>,
        %mul3A_1295 = arith.mulf %get3A_1289, %get3A_1294 : vector<16xf32>
        %add3A_1296 = arith.addf %mul3A_1284, %mul3A_1295 : vector<16xf32>
        %add3A_1297 = arith.constant 32 : i32
        %add3A_1298 = arith.addi %squeeze3A_1271, %add3A_1297 : i32
        %get3A_1299 = arith.index_cast %add3A_1245 : i32 to index
        %get3A_1300 = arith.index_cast %add3A_1298 : i32 to index
        %get3A_1301 = tpu.vector_load %arg14[%get3A_1299, %get3A_1300] {strides = array<i32>} : memref<320x128xf32, #tpu.memory_space<vmem>>, vector<16xf32>,
        %add3A_1302 = arith.constant 32 : i32
        %add3A_1303 = arith.addi %squeeze3A_1273, %add3A_1302 : i32
        %get3A_1304 = arith.index_cast %select_n3A_1269 : i32 to index
        %get3A_1305 = arith.index_cast %add3A_1303 : i32 to index
        %get3A_1306 = tpu.vector_load %arg12[%get3A_1304, %get3A_1305] {strides = array<i32>} : memref<16x128xf32, #tpu.memory_space<vmem>>, vector<16xf32>,
        %mul3A_1307 = arith.mulf %get3A_1301, %get3A_1306 : vector<16xf32>
        %add3A_1308 = arith.addf %add3A_1296, %mul3A_1307 : vector<16xf32>
        %add3A_1309 = arith.constant 48 : i32
        %add3A_1310 = arith.addi %squeeze3A_1271, %add3A_1309 : i32
        %get3A_1311 = arith.index_cast %add3A_1245 : i32 to index
        %get3A_1312 = arith.index_cast %add3A_1310 : i32 to index
        %get3A_1313 = tpu.vector_load %arg14[%get3A_1311, %get3A_1312] {strides = array<i32>} : memref<320x128xf32, #tpu.memory_space<vmem>>, vector<16xf32>,
        %add3A_1314 = arith.constant 48 : i32
        %add3A_1315 = arith.addi %squeeze3A_1273, %add3A_1314 : i32
        %get3A_1316 = arith.index_cast %select_n3A_1269 : i32 to index
        %get3A_1317 = arith.index_cast %add3A_1315 : i32 to index
        %get3A_1318 = tpu.vector_load %arg12[%get3A_1316, %get3A_1317] {strides = array<i32>} : memref<16x128xf32, #tpu.memory_space<vmem>>, vector<16xf32>,
        %mul3A_1319 = arith.mulf %get3A_1313, %get3A_1318 : vector<16xf32>
        %add3A_1320 = arith.addf %add3A_1308, %mul3A_1319 : vector<16xf32>
        %swap3A_1321 = arith.constant 11 : i32
        %swap3A_1322 = arith.index_cast %swap3A_1321 : i32 to index
        %swap3A_1323 = arith.constant 0 : index
        %swap3A_1324 = tpu.vector_load %arg15[%swap3A_1322, %swap3A_1323] {strides = array<i32>} : memref<16x16xf32, #tpu.memory_space<vmem>>, vector<16xf32>,
        tpu.vector_store %arg15[%swap3A_1322, %swap3A_1323], %add3A_1320 {strides = array<i32>} : memref<16x16xf32, #tpu.memory_space<vmem>>, vector<16xf32>,
        %add3A_1325 = arith.constant 12 : i32
        %add3A_1326 = arith.addi %mul3A_308, %add3A_1325 : i32
        %jit3A_1327 = arith.constant 20 : i32
        %div3A_1328 = arith.divsi %add3A_1326, %jit3A_1327 : i32
        %sign3A_1329 = arith.constant 0 : i32
        %sign3A_1330 = arith.cmpi sgt, %add3A_1326, %sign3A_1329 : i32
        %sign3A_1331 = arith.extui %sign3A_1330 : i1 to i32
        %sign3A_1332 = arith.constant 0 : i32
        %sign3A_1333 = arith.cmpi slt, %add3A_1326, %sign3A_1332 : i32
        %sign3A_1334 = arith.extui %sign3A_1333 : i1 to i32
        %sign3A_1335 = arith.subi %sign3A_1331, %sign3A_1334 : i32
        %sign3A_1336 = arith.constant 0 : i32
        %sign3A_1337 = arith.cmpi sgt, %jit3A_1327, %sign3A_1336 : i32
        %sign3A_1338 = arith.extui %sign3A_1337 : i1 to i32
        %sign3A_1339 = arith.constant 0 : i32
        %sign3A_1340 = arith.cmpi slt, %jit3A_1327, %sign3A_1339 : i32
        %sign3A_1341 = arith.extui %sign3A_1340 : i1 to i32
        %sign3A_1342 = arith.subi %sign3A_1338, %sign3A_1341 : i32
        %ne3A_1343 = arith.cmpi ne, %sign3A_1335, %sign3A_1342 : i32
        %rem3A_1344 = arith.remsi %add3A_1326, %jit3A_1327 : i32
        %ne3A_1345 = arith.constant 0 : i32
        %ne3A_1346 = arith.cmpi ne, %rem3A_1344, %ne3A_1345 : i32
        %and3A_1347 = arith.andi %ne3A_1343, %ne3A_1346 : i1
        %sub3A_1348 = arith.constant 1 : i32
        %sub3A_1349 = arith.subi %div3A_1328, %sub3A_1348 : i32
        %select_n3A_1350 = arith.select %and3A_1347, %sub3A_1349, %div3A_1328 : i32
        %slice3A_1351 = vector.extract_strided_slice %mul3A_317 {offsets = [12], sizes = [1], strides = [1]} : vector<16xi32> to vector<1xi32>
        %squeeze3A_1352 = vector.extract %slice3A_1351[0] : i32 from vector<1xi32>
        %slice3A_1353 = vector.extract_strided_slice %mul3A_355 {offsets = [12], sizes = [1], strides = [1]} : vector<16xi32> to vector<1xi32>
        %squeeze3A_1354 = vector.extract %slice3A_1353[0] : i32 from vector<1xi32>
        %add3A_1355 = arith.constant 0 : i32
        %add3A_1356 = arith.addi %squeeze3A_1352, %add3A_1355 : i32
        %get3A_1357 = arith.index_cast %add3A_1326 : i32 to index
        %get3A_1358 = arith.index_cast %add3A_1356 : i32 to index
        %get3A_1359 = tpu.vector_load %arg14[%get3A_1357, %get3A_1358] {strides = array<i32>} : memref<320x128xf32, #tpu.memory_space<vmem>>, vector<16xf32>,
        %add3A_1360 = arith.constant 0 : i32
        %add3A_1361 = arith.addi %squeeze3A_1354, %add3A_1360 : i32
        %get3A_1362 = arith.index_cast %select_n3A_1350 : i32 to index
        %get3A_1363 = arith.index_cast %add3A_1361 : i32 to index
        %get3A_1364 = tpu.vector_load %arg12[%get3A_1362, %get3A_1363] {strides = array<i32>} : memref<16x128xf32, #tpu.memory_space<vmem>>, vector<16xf32>,
        %mul3A_1365 = arith.mulf %get3A_1359, %get3A_1364 : vector<16xf32>
        %add3A_1366 = arith.constant 16 : i32
        %add3A_1367 = arith.addi %squeeze3A_1352, %add3A_1366 : i32
        %get3A_1368 = arith.index_cast %add3A_1326 : i32 to index
        %get3A_1369 = arith.index_cast %add3A_1367 : i32 to index
        %get3A_1370 = tpu.vector_load %arg14[%get3A_1368, %get3A_1369] {strides = array<i32>} : memref<320x128xf32, #tpu.memory_space<vmem>>, vector<16xf32>,
        %add3A_1371 = arith.constant 16 : i32
        %add3A_1372 = arith.addi %squeeze3A_1354, %add3A_1371 : i32
        %get3A_1373 = arith.index_cast %select_n3A_1350 : i32 to index
        %get3A_1374 = arith.index_cast %add3A_1372 : i32 to index
        %get3A_1375 = tpu.vector_load %arg12[%get3A_1373, %get3A_1374] {strides = array<i32>} : memref<16x128xf32, #tpu.memory_space<vmem>>, vector<16xf32>,
        %mul3A_1376 = arith.mulf %get3A_1370, %get3A_1375 : vector<16xf32>
        %add3A_1377 = arith.addf %mul3A_1365, %mul3A_1376 : vector<16xf32>
        %add3A_1378 = arith.constant 32 : i32
        %add3A_1379 = arith.addi %squeeze3A_1352, %add3A_1378 : i32
        %get3A_1380 = arith.index_cast %add3A_1326 : i32 to index
        %get3A_1381 = arith.index_cast %add3A_1379 : i32 to index
        %get3A_1382 = tpu.vector_load %arg14[%get3A_1380, %get3A_1381] {strides = array<i32>} : memref<320x128xf32, #tpu.memory_space<vmem>>, vector<16xf32>,
        %add3A_1383 = arith.constant 32 : i32
        %add3A_1384 = arith.addi %squeeze3A_1354, %add3A_1383 : i32
        %get3A_1385 = arith.index_cast %select_n3A_1350 : i32 to index
        %get3A_1386 = arith.index_cast %add3A_1384 : i32 to index
        %get3A_1387 = tpu.vector_load %arg12[%get3A_1385, %get3A_1386] {strides = array<i32>} : memref<16x128xf32, #tpu.memory_space<vmem>>, vector<16xf32>,
        %mul3A_1388 = arith.mulf %get3A_1382, %get3A_1387 : vector<16xf32>
        %add3A_1389 = arith.addf %add3A_1377, %mul3A_1388 : vector<16xf32>
        %add3A_1390 = arith.constant 48 : i32
        %add3A_1391 = arith.addi %squeeze3A_1352, %add3A_1390 : i32
        %get3A_1392 = arith.index_cast %add3A_1326 : i32 to index
        %get3A_1393 = arith.index_cast %add3A_1391 : i32 to index
        %get3A_1394 = tpu.vector_load %arg14[%get3A_1392, %get3A_1393] {strides = array<i32>} : memref<320x128xf32, #tpu.memory_space<vmem>>, vector<16xf32>,
        %add3A_1395 = arith.constant 48 : i32
        %add3A_1396 = arith.addi %squeeze3A_1354, %add3A_1395 : i32
        %get3A_1397 = arith.index_cast %select_n3A_1350 : i32 to index
        %get3A_1398 = arith.index_cast %add3A_1396 : i32 to index
        %get3A_1399 = tpu.vector_load %arg12[%get3A_1397, %get3A_1398] {strides = array<i32>} : memref<16x128xf32, #tpu.memory_space<vmem>>, vector<16xf32>,
        %mul3A_1400 = arith.mulf %get3A_1394, %get3A_1399 : vector<16xf32>
        %add3A_1401 = arith.addf %add3A_1389, %mul3A_1400 : vector<16xf32>
        %swap3A_1402 = arith.constant 12 : i32
        %swap3A_1403 = arith.index_cast %swap3A_1402 : i32 to index
        %swap3A_1404 = arith.constant 0 : index
        %swap3A_1405 = tpu.vector_load %arg15[%swap3A_1403, %swap3A_1404] {strides = array<i32>} : memref<16x16xf32, #tpu.memory_space<vmem>>, vector<16xf32>,
        tpu.vector_store %arg15[%swap3A_1403, %swap3A_1404], %add3A_1401 {strides = array<i32>} : memref<16x16xf32, #tpu.memory_space<vmem>>, vector<16xf32>,
        %add3A_1406 = arith.constant 13 : i32
        %add3A_1407 = arith.addi %mul3A_308, %add3A_1406 : i32
        %jit3A_1408 = arith.constant 20 : i32
        %div3A_1409 = arith.divsi %add3A_1407, %jit3A_1408 : i32
        %sign3A_1410 = arith.constant 0 : i32
        %sign3A_1411 = arith.cmpi sgt, %add3A_1407, %sign3A_1410 : i32
        %sign3A_1412 = arith.extui %sign3A_1411 : i1 to i32
        %sign3A_1413 = arith.constant 0 : i32
        %sign3A_1414 = arith.cmpi slt, %add3A_1407, %sign3A_1413 : i32
        %sign3A_1415 = arith.extui %sign3A_1414 : i1 to i32
        %sign3A_1416 = arith.subi %sign3A_1412, %sign3A_1415 : i32
        %sign3A_1417 = arith.constant 0 : i32
        %sign3A_1418 = arith.cmpi sgt, %jit3A_1408, %sign3A_1417 : i32
        %sign3A_1419 = arith.extui %sign3A_1418 : i1 to i32
        %sign3A_1420 = arith.constant 0 : i32
        %sign3A_1421 = arith.cmpi slt, %jit3A_1408, %sign3A_1420 : i32
        %sign3A_1422 = arith.extui %sign3A_1421 : i1 to i32
        %sign3A_1423 = arith.subi %sign3A_1419, %sign3A_1422 : i32
        %ne3A_1424 = arith.cmpi ne, %sign3A_1416, %sign3A_1423 : i32
        %rem3A_1425 = arith.remsi %add3A_1407, %jit3A_1408 : i32
        %ne3A_1426 = arith.constant 0 : i32
        %ne3A_1427 = arith.cmpi ne, %rem3A_1425, %ne3A_1426 : i32
        %and3A_1428 = arith.andi %ne3A_1424, %ne3A_1427 : i1
        %sub3A_1429 = arith.constant 1 : i32
        %sub3A_1430 = arith.subi %div3A_1409, %sub3A_1429 : i32
        %select_n3A_1431 = arith.select %and3A_1428, %sub3A_1430, %div3A_1409 : i32
        %slice3A_1432 = vector.extract_strided_slice %mul3A_317 {offsets = [13], sizes = [1], strides = [1]} : vector<16xi32> to vector<1xi32>
        %squeeze3A_1433 = vector.extract %slice3A_1432[0] : i32 from vector<1xi32>
        %slice3A_1434 = vector.extract_strided_slice %mul3A_355 {offsets = [13], sizes = [1], strides = [1]} : vector<16xi32> to vector<1xi32>
        %squeeze3A_1435 = vector.extract %slice3A_1434[0] : i32 from vector<1xi32>
        %add3A_1436 = arith.constant 0 : i32
        %add3A_1437 = arith.addi %squeeze3A_1433, %add3A_1436 : i32
        %get3A_1438 = arith.index_cast %add3A_1407 : i32 to index
        %get3A_1439 = arith.index_cast %add3A_1437 : i32 to index
        %get3A_1440 = tpu.vector_load %arg14[%get3A_1438, %get3A_1439] {strides = array<i32>} : memref<320x128xf32, #tpu.memory_space<vmem>>, vector<16xf32>,
        %add3A_1441 = arith.constant 0 : i32
        %add3A_1442 = arith.addi %squeeze3A_1435, %add3A_1441 : i32
        %get3A_1443 = arith.index_cast %select_n3A_1431 : i32 to index
        %get3A_1444 = arith.index_cast %add3A_1442 : i32 to index
        %get3A_1445 = tpu.vector_load %arg12[%get3A_1443, %get3A_1444] {strides = array<i32>} : memref<16x128xf32, #tpu.memory_space<vmem>>, vector<16xf32>,
        %mul3A_1446 = arith.mulf %get3A_1440, %get3A_1445 : vector<16xf32>
        %add3A_1447 = arith.constant 16 : i32
        %add3A_1448 = arith.addi %squeeze3A_1433, %add3A_1447 : i32
        %get3A_1449 = arith.index_cast %add3A_1407 : i32 to index
        %get3A_1450 = arith.index_cast %add3A_1448 : i32 to index
        %get3A_1451 = tpu.vector_load %arg14[%get3A_1449, %get3A_1450] {strides = array<i32>} : memref<320x128xf32, #tpu.memory_space<vmem>>, vector<16xf32>,
        %add3A_1452 = arith.constant 16 : i32
        %add3A_1453 = arith.addi %squeeze3A_1435, %add3A_1452 : i32
        %get3A_1454 = arith.index_cast %select_n3A_1431 : i32 to index
        %get3A_1455 = arith.index_cast %add3A_1453 : i32 to index
        %get3A_1456 = tpu.vector_load %arg12[%get3A_1454, %get3A_1455] {strides = array<i32>} : memref<16x128xf32, #tpu.memory_space<vmem>>, vector<16xf32>,
        %mul3A_1457 = arith.mulf %get3A_1451, %get3A_1456 : vector<16xf32>
        %add3A_1458 = arith.addf %mul3A_1446, %mul3A_1457 : vector<16xf32>
        %add3A_1459 = arith.constant 32 : i32
        %add3A_1460 = arith.addi %squeeze3A_1433, %add3A_1459 : i32
        %get3A_1461 = arith.index_cast %add3A_1407 : i32 to index
        %get3A_1462 = arith.index_cast %add3A_1460 : i32 to index
        %get3A_1463 = tpu.vector_load %arg14[%get3A_1461, %get3A_1462] {strides = array<i32>} : memref<320x128xf32, #tpu.memory_space<vmem>>, vector<16xf32>,
        %add3A_1464 = arith.constant 32 : i32
        %add3A_1465 = arith.addi %squeeze3A_1435, %add3A_1464 : i32
        %get3A_1466 = arith.index_cast %select_n3A_1431 : i32 to index
        %get3A_1467 = arith.index_cast %add3A_1465 : i32 to index
        %get3A_1468 = tpu.vector_load %arg12[%get3A_1466, %get3A_1467] {strides = array<i32>} : memref<16x128xf32, #tpu.memory_space<vmem>>, vector<16xf32>,
        %mul3A_1469 = arith.mulf %get3A_1463, %get3A_1468 : vector<16xf32>
        %add3A_1470 = arith.addf %add3A_1458, %mul3A_1469 : vector<16xf32>
        %add3A_1471 = arith.constant 48 : i32
        %add3A_1472 = arith.addi %squeeze3A_1433, %add3A_1471 : i32
        %get3A_1473 = arith.index_cast %add3A_1407 : i32 to index
        %get3A_1474 = arith.index_cast %add3A_1472 : i32 to index
        %get3A_1475 = tpu.vector_load %arg14[%get3A_1473, %get3A_1474] {strides = array<i32>} : memref<320x128xf32, #tpu.memory_space<vmem>>, vector<16xf32>,
        %add3A_1476 = arith.constant 48 : i32
        %add3A_1477 = arith.addi %squeeze3A_1435, %add3A_1476 : i32
        %get3A_1478 = arith.index_cast %select_n3A_1431 : i32 to index
        %get3A_1479 = arith.index_cast %add3A_1477 : i32 to index
        %get3A_1480 = tpu.vector_load %arg12[%get3A_1478, %get3A_1479] {strides = array<i32>} : memref<16x128xf32, #tpu.memory_space<vmem>>, vector<16xf32>,
        %mul3A_1481 = arith.mulf %get3A_1475, %get3A_1480 : vector<16xf32>
        %add3A_1482 = arith.addf %add3A_1470, %mul3A_1481 : vector<16xf32>
        %swap3A_1483 = arith.constant 13 : i32
        %swap3A_1484 = arith.index_cast %swap3A_1483 : i32 to index
        %swap3A_1485 = arith.constant 0 : index
        %swap3A_1486 = tpu.vector_load %arg15[%swap3A_1484, %swap3A_1485] {strides = array<i32>} : memref<16x16xf32, #tpu.memory_space<vmem>>, vector<16xf32>,
        tpu.vector_store %arg15[%swap3A_1484, %swap3A_1485], %add3A_1482 {strides = array<i32>} : memref<16x16xf32, #tpu.memory_space<vmem>>, vector<16xf32>,
        %add3A_1487 = arith.constant 14 : i32
        %add3A_1488 = arith.addi %mul3A_308, %add3A_1487 : i32
        %jit3A_1489 = arith.constant 20 : i32
        %div3A_1490 = arith.divsi %add3A_1488, %jit3A_1489 : i32
        %sign3A_1491 = arith.constant 0 : i32
        %sign3A_1492 = arith.cmpi sgt, %add3A_1488, %sign3A_1491 : i32
        %sign3A_1493 = arith.extui %sign3A_1492 : i1 to i32
        %sign3A_1494 = arith.constant 0 : i32
        %sign3A_1495 = arith.cmpi slt, %add3A_1488, %sign3A_1494 : i32
        %sign3A_1496 = arith.extui %sign3A_1495 : i1 to i32
        %sign3A_1497 = arith.subi %sign3A_1493, %sign3A_1496 : i32
        %sign3A_1498 = arith.constant 0 : i32
        %sign3A_1499 = arith.cmpi sgt, %jit3A_1489, %sign3A_1498 : i32
        %sign3A_1500 = arith.extui %sign3A_1499 : i1 to i32
        %sign3A_1501 = arith.constant 0 : i32
        %sign3A_1502 = arith.cmpi slt, %jit3A_1489, %sign3A_1501 : i32
        %sign3A_1503 = arith.extui %sign3A_1502 : i1 to i32
        %sign3A_1504 = arith.subi %sign3A_1500, %sign3A_1503 : i32
        %ne3A_1505 = arith.cmpi ne, %sign3A_1497, %sign3A_1504 : i32
        %rem3A_1506 = arith.remsi %add3A_1488, %jit3A_1489 : i32
        %ne3A_1507 = arith.constant 0 : i32
        %ne3A_1508 = arith.cmpi ne, %rem3A_1506, %ne3A_1507 : i32
        %and3A_1509 = arith.andi %ne3A_1505, %ne3A_1508 : i1
        %sub3A_1510 = arith.constant 1 : i32
        %sub3A_1511 = arith.subi %div3A_1490, %sub3A_1510 : i32
        %select_n3A_1512 = arith.select %and3A_1509, %sub3A_1511, %div3A_1490 : i32
        %slice3A_1513 = vector.extract_strided_slice %mul3A_317 {offsets = [14], sizes = [1], strides = [1]} : vector<16xi32> to vector<1xi32>
        %squeeze3A_1514 = vector.extract %slice3A_1513[0] : i32 from vector<1xi32>
        %slice3A_1515 = vector.extract_strided_slice %mul3A_355 {offsets = [14], sizes = [1], strides = [1]} : vector<16xi32> to vector<1xi32>
        %squeeze3A_1516 = vector.extract %slice3A_1515[0] : i32 from vector<1xi32>
        %add3A_1517 = arith.constant 0 : i32
        %add3A_1518 = arith.addi %squeeze3A_1514, %add3A_1517 : i32
        %get3A_1519 = arith.index_cast %add3A_1488 : i32 to index
        %get3A_1520 = arith.index_cast %add3A_1518 : i32 to index
        %get3A_1521 = tpu.vector_load %arg14[%get3A_1519, %get3A_1520] {strides = array<i32>} : memref<320x128xf32, #tpu.memory_space<vmem>>, vector<16xf32>,
        %add3A_1522 = arith.constant 0 : i32
        %add3A_1523 = arith.addi %squeeze3A_1516, %add3A_1522 : i32
        %get3A_1524 = arith.index_cast %select_n3A_1512 : i32 to index
        %get3A_1525 = arith.index_cast %add3A_1523 : i32 to index
        %get3A_1526 = tpu.vector_load %arg12[%get3A_1524, %get3A_1525] {strides = array<i32>} : memref<16x128xf32, #tpu.memory_space<vmem>>, vector<16xf32>,
        %mul3A_1527 = arith.mulf %get3A_1521, %get3A_1526 : vector<16xf32>
        %add3A_1528 = arith.constant 16 : i32
        %add3A_1529 = arith.addi %squeeze3A_1514, %add3A_1528 : i32
        %get3A_1530 = arith.index_cast %add3A_1488 : i32 to index
        %get3A_1531 = arith.index_cast %add3A_1529 : i32 to index
        %get3A_1532 = tpu.vector_load %arg14[%get3A_1530, %get3A_1531] {strides = array<i32>} : memref<320x128xf32, #tpu.memory_space<vmem>>, vector<16xf32>,
        %add3A_1533 = arith.constant 16 : i32
        %add3A_1534 = arith.addi %squeeze3A_1516, %add3A_1533 : i32
        %get3A_1535 = arith.index_cast %select_n3A_1512 : i32 to index
        %get3A_1536 = arith.index_cast %add3A_1534 : i32 to index
        %get3A_1537 = tpu.vector_load %arg12[%get3A_1535, %get3A_1536] {strides = array<i32>} : memref<16x128xf32, #tpu.memory_space<vmem>>, vector<16xf32>,
        %mul3A_1538 = arith.mulf %get3A_1532, %get3A_1537 : vector<16xf32>
        %add3A_1539 = arith.addf %mul3A_1527, %mul3A_1538 : vector<16xf32>
        %add3A_1540 = arith.constant 32 : i32
        %add3A_1541 = arith.addi %squeeze3A_1514, %add3A_1540 : i32
        %get3A_1542 = arith.index_cast %add3A_1488 : i32 to index
        %get3A_1543 = arith.index_cast %add3A_1541 : i32 to index
        %get3A_1544 = tpu.vector_load %arg14[%get3A_1542, %get3A_1543] {strides = array<i32>} : memref<320x128xf32, #tpu.memory_space<vmem>>, vector<16xf32>,
        %add3A_1545 = arith.constant 32 : i32
        %add3A_1546 = arith.addi %squeeze3A_1516, %add3A_1545 : i32
        %get3A_1547 = arith.index_cast %select_n3A_1512 : i32 to index
        %get3A_1548 = arith.index_cast %add3A_1546 : i32 to index
        %get3A_1549 = tpu.vector_load %arg12[%get3A_1547, %get3A_1548] {strides = array<i32>} : memref<16x128xf32, #tpu.memory_space<vmem>>, vector<16xf32>,
        %mul3A_1550 = arith.mulf %get3A_1544, %get3A_1549 : vector<16xf32>
        %add3A_1551 = arith.addf %add3A_1539, %mul3A_1550 : vector<16xf32>
        %add3A_1552 = arith.constant 48 : i32
        %add3A_1553 = arith.addi %squeeze3A_1514, %add3A_1552 : i32
        %get3A_1554 = arith.index_cast %add3A_1488 : i32 to index
        %get3A_1555 = arith.index_cast %add3A_1553 : i32 to index
        %get3A_1556 = tpu.vector_load %arg14[%get3A_1554, %get3A_1555] {strides = array<i32>} : memref<320x128xf32, #tpu.memory_space<vmem>>, vector<16xf32>,
        %add3A_1557 = arith.constant 48 : i32
        %add3A_1558 = arith.addi %squeeze3A_1516, %add3A_1557 : i32
        %get3A_1559 = arith.index_cast %select_n3A_1512 : i32 to index
        %get3A_1560 = arith.index_cast %add3A_1558 : i32 to index
        %get3A_1561 = tpu.vector_load %arg12[%get3A_1559, %get3A_1560] {strides = array<i32>} : memref<16x128xf32, #tpu.memory_space<vmem>>, vector<16xf32>,
        %mul3A_1562 = arith.mulf %get3A_1556, %get3A_1561 : vector<16xf32>
        %add3A_1563 = arith.addf %add3A_1551, %mul3A_1562 : vector<16xf32>
        %swap3A_1564 = arith.constant 14 : i32
        %swap3A_1565 = arith.index_cast %swap3A_1564 : i32 to index
        %swap3A_1566 = arith.constant 0 : index
        %swap3A_1567 = tpu.vector_load %arg15[%swap3A_1565, %swap3A_1566] {strides = array<i32>} : memref<16x16xf32, #tpu.memory_space<vmem>>, vector<16xf32>,
        tpu.vector_store %arg15[%swap3A_1565, %swap3A_1566], %add3A_1563 {strides = array<i32>} : memref<16x16xf32, #tpu.memory_space<vmem>>, vector<16xf32>,
        %add3A_1568 = arith.constant 15 : i32
        %add3A_1569 = arith.addi %mul3A_308, %add3A_1568 : i32
        %jit3A_1570 = arith.constant 20 : i32
        %div3A_1571 = arith.divsi %add3A_1569, %jit3A_1570 : i32
        %sign3A_1572 = arith.constant 0 : i32
        %sign3A_1573 = arith.cmpi sgt, %add3A_1569, %sign3A_1572 : i32
        %sign3A_1574 = arith.extui %sign3A_1573 : i1 to i32
        %sign3A_1575 = arith.constant 0 : i32
        %sign3A_1576 = arith.cmpi slt, %add3A_1569, %sign3A_1575 : i32
        %sign3A_1577 = arith.extui %sign3A_1576 : i1 to i32
        %sign3A_1578 = arith.subi %sign3A_1574, %sign3A_1577 : i32
        %sign3A_1579 = arith.constant 0 : i32
        %sign3A_1580 = arith.cmpi sgt, %jit3A_1570, %sign3A_1579 : i32
        %sign3A_1581 = arith.extui %sign3A_1580 : i1 to i32
        %sign3A_1582 = arith.constant 0 : i32
        %sign3A_1583 = arith.cmpi slt, %jit3A_1570, %sign3A_1582 : i32
        %sign3A_1584 = arith.extui %sign3A_1583 : i1 to i32
        %sign3A_1585 = arith.subi %sign3A_1581, %sign3A_1584 : i32
        %ne3A_1586 = arith.cmpi ne, %sign3A_1578, %sign3A_1585 : i32
        %rem3A_1587 = arith.remsi %add3A_1569, %jit3A_1570 : i32
        %ne3A_1588 = arith.constant 0 : i32
        %ne3A_1589 = arith.cmpi ne, %rem3A_1587, %ne3A_1588 : i32
        %and3A_1590 = arith.andi %ne3A_1586, %ne3A_1589 : i1
        %sub3A_1591 = arith.constant 1 : i32
        %sub3A_1592 = arith.subi %div3A_1571, %sub3A_1591 : i32
        %select_n3A_1593 = arith.select %and3A_1590, %sub3A_1592, %div3A_1571 : i32
        %slice3A_1594 = vector.extract_strided_slice %mul3A_317 {offsets = [15], sizes = [1], strides = [1]} : vector<16xi32> to vector<1xi32>
        %squeeze3A_1595 = vector.extract %slice3A_1594[0] : i32 from vector<1xi32>
        %slice3A_1596 = vector.extract_strided_slice %mul3A_355 {offsets = [15], sizes = [1], strides = [1]} : vector<16xi32> to vector<1xi32>
        %squeeze3A_1597 = vector.extract %slice3A_1596[0] : i32 from vector<1xi32>
        %add3A_1598 = arith.constant 0 : i32
        %add3A_1599 = arith.addi %squeeze3A_1595, %add3A_1598 : i32
        %get3A_1600 = arith.index_cast %add3A_1569 : i32 to index
        %get3A_1601 = arith.index_cast %add3A_1599 : i32 to index
        %get3A_1602 = tpu.vector_load %arg14[%get3A_1600, %get3A_1601] {strides = array<i32>} : memref<320x128xf32, #tpu.memory_space<vmem>>, vector<16xf32>,
        %add3A_1603 = arith.constant 0 : i32
        %add3A_1604 = arith.addi %squeeze3A_1597, %add3A_1603 : i32
        %get3A_1605 = arith.index_cast %select_n3A_1593 : i32 to index
        %get3A_1606 = arith.index_cast %add3A_1604 : i32 to index
        %get3A_1607 = tpu.vector_load %arg12[%get3A_1605, %get3A_1606] {strides = array<i32>} : memref<16x128xf32, #tpu.memory_space<vmem>>, vector<16xf32>,
        %mul3A_1608 = arith.mulf %get3A_1602, %get3A_1607 : vector<16xf32>
        %add3A_1609 = arith.constant 16 : i32
        %add3A_1610 = arith.addi %squeeze3A_1595, %add3A_1609 : i32
        %get3A_1611 = arith.index_cast %add3A_1569 : i32 to index
        %get3A_1612 = arith.index_cast %add3A_1610 : i32 to index
        %get3A_1613 = tpu.vector_load %arg14[%get3A_1611, %get3A_1612] {strides = array<i32>} : memref<320x128xf32, #tpu.memory_space<vmem>>, vector<16xf32>,
        %add3A_1614 = arith.constant 16 : i32
        %add3A_1615 = arith.addi %squeeze3A_1597, %add3A_1614 : i32
        %get3A_1616 = arith.index_cast %select_n3A_1593 : i32 to index
        %get3A_1617 = arith.index_cast %add3A_1615 : i32 to index
        %get3A_1618 = tpu.vector_load %arg12[%get3A_1616, %get3A_1617] {strides = array<i32>} : memref<16x128xf32, #tpu.memory_space<vmem>>, vector<16xf32>,
        %mul3A_1619 = arith.mulf %get3A_1613, %get3A_1618 : vector<16xf32>
        %add3A_1620 = arith.addf %mul3A_1608, %mul3A_1619 : vector<16xf32>
        %add3A_1621 = arith.constant 32 : i32
        %add3A_1622 = arith.addi %squeeze3A_1595, %add3A_1621 : i32
        %get3A_1623 = arith.index_cast %add3A_1569 : i32 to index
        %get3A_1624 = arith.index_cast %add3A_1622 : i32 to index
        %get3A_1625 = tpu.vector_load %arg14[%get3A_1623, %get3A_1624] {strides = array<i32>} : memref<320x128xf32, #tpu.memory_space<vmem>>, vector<16xf32>,
        %add3A_1626 = arith.constant 32 : i32
        %add3A_1627 = arith.addi %squeeze3A_1597, %add3A_1626 : i32
        %get3A_1628 = arith.index_cast %select_n3A_1593 : i32 to index
        %get3A_1629 = arith.index_cast %add3A_1627 : i32 to index
        %get3A_1630 = tpu.vector_load %arg12[%get3A_1628, %get3A_1629] {strides = array<i32>} : memref<16x128xf32, #tpu.memory_space<vmem>>, vector<16xf32>,
        %mul3A_1631 = arith.mulf %get3A_1625, %get3A_1630 : vector<16xf32>
        %add3A_1632 = arith.addf %add3A_1620, %mul3A_1631 : vector<16xf32>
        %add3A_1633 = arith.constant 48 : i32
        %add3A_1634 = arith.addi %squeeze3A_1595, %add3A_1633 : i32
        %get3A_1635 = arith.index_cast %add3A_1569 : i32 to index
        %get3A_1636 = arith.index_cast %add3A_1634 : i32 to index
        %get3A_1637 = tpu.vector_load %arg14[%get3A_1635, %get3A_1636] {strides = array<i32>} : memref<320x128xf32, #tpu.memory_space<vmem>>, vector<16xf32>,
        %add3A_1638 = arith.constant 48 : i32
        %add3A_1639 = arith.addi %squeeze3A_1597, %add3A_1638 : i32
        %get3A_1640 = arith.index_cast %select_n3A_1593 : i32 to index
        %get3A_1641 = arith.index_cast %add3A_1639 : i32 to index
        %get3A_1642 = tpu.vector_load %arg12[%get3A_1640, %get3A_1641] {strides = array<i32>} : memref<16x128xf32, #tpu.memory_space<vmem>>, vector<16xf32>,
        %mul3A_1643 = arith.mulf %get3A_1637, %get3A_1642 : vector<16xf32>
        %add3A_1644 = arith.addf %add3A_1632, %mul3A_1643 : vector<16xf32>
        %swap3A_1645 = arith.constant 15 : i32
        %swap3A_1646 = arith.index_cast %swap3A_1645 : i32 to index
        %swap3A_1647 = arith.constant 0 : index
        %swap3A_1648 = tpu.vector_load %arg15[%swap3A_1646, %swap3A_1647] {strides = array<i32>} : memref<16x16xf32, #tpu.memory_space<vmem>>, vector<16xf32>,
        tpu.vector_store %arg15[%swap3A_1646, %swap3A_1647], %add3A_1644 {strides = array<i32>} : memref<16x16xf32, #tpu.memory_space<vmem>>, vector<16xf32>,
        %broadcast_in_dim3A_1649 = arith.constant 0 : i32
        %broadcast_in_dim3A_1650 = vector.broadcast %broadcast_in_dim3A_1649 : i32 to vector<16xi32>
        %gather3A_1651 = tpu.vector_load_idx %arg15[%iota3A, %broadcast_in_dim3A_1650] : memref<16x16xf32, #tpu.memory_space<vmem>>[vector<16xi32>, vector<16xi32>], vector<16xf32>,
        %broadcast_in_dim3A_1652 = arith.constant 1 : i32
        %broadcast_in_dim3A_1653 = vector.broadcast %broadcast_in_dim3A_1652 : i32 to vector<16xi32>
        %gather3A_1654 = tpu.vector_load_idx %arg15[%iota3A, %broadcast_in_dim3A_1653] : memref<16x16xf32, #tpu.memory_space<vmem>>[vector<16xi32>, vector<16xi32>], vector<16xf32>,
        %broadcast_in_dim3A_1655 = arith.constant 2 : i32
        %broadcast_in_dim3A_1656 = vector.broadcast %broadcast_in_dim3A_1655 : i32 to vector<16xi32>
        %gather3A_1657 = tpu.vector_load_idx %arg15[%iota3A, %broadcast_in_dim3A_1656] : memref<16x16xf32, #tpu.memory_space<vmem>>[vector<16xi32>, vector<16xi32>], vector<16xf32>,
        %broadcast_in_dim3A_1658 = arith.constant 3 : i32
        %broadcast_in_dim3A_1659 = vector.broadcast %broadcast_in_dim3A_1658 : i32 to vector<16xi32>
        %gather3A_1660 = tpu.vector_load_idx %arg15[%iota3A, %broadcast_in_dim3A_1659] : memref<16x16xf32, #tpu.memory_space<vmem>>[vector<16xi32>, vector<16xi32>], vector<16xf32>,
        %broadcast_in_dim3A_1661 = arith.constant 4 : i32
        %broadcast_in_dim3A_1662 = vector.broadcast %broadcast_in_dim3A_1661 : i32 to vector<16xi32>
        %gather3A_1663 = tpu.vector_load_idx %arg15[%iota3A, %broadcast_in_dim3A_1662] : memref<16x16xf32, #tpu.memory_space<vmem>>[vector<16xi32>, vector<16xi32>], vector<16xf32>,
        %broadcast_in_dim3A_1664 = arith.constant 5 : i32
        %broadcast_in_dim3A_1665 = vector.broadcast %broadcast_in_dim3A_1664 : i32 to vector<16xi32>
        %gather3A_1666 = tpu.vector_load_idx %arg15[%iota3A, %broadcast_in_dim3A_1665] : memref<16x16xf32, #tpu.memory_space<vmem>>[vector<16xi32>, vector<16xi32>], vector<16xf32>,
        %broadcast_in_dim3A_1667 = arith.constant 6 : i32
        %broadcast_in_dim3A_1668 = vector.broadcast %broadcast_in_dim3A_1667 : i32 to vector<16xi32>
        %gather3A_1669 = tpu.vector_load_idx %arg15[%iota3A, %broadcast_in_dim3A_1668] : memref<16x16xf32, #tpu.memory_space<vmem>>[vector<16xi32>, vector<16xi32>], vector<16xf32>,
        %broadcast_in_dim3A_1670 = arith.constant 7 : i32
        %broadcast_in_dim3A_1671 = vector.broadcast %broadcast_in_dim3A_1670 : i32 to vector<16xi32>
        %gather3A_1672 = tpu.vector_load_idx %arg15[%iota3A, %broadcast_in_dim3A_1671] : memref<16x16xf32, #tpu.memory_space<vmem>>[vector<16xi32>, vector<16xi32>], vector<16xf32>,
        %broadcast_in_dim3A_1673 = arith.constant 8 : i32
        %broadcast_in_dim3A_1674 = vector.broadcast %broadcast_in_dim3A_1673 : i32 to vector<16xi32>
        %gather3A_1675 = tpu.vector_load_idx %arg15[%iota3A, %broadcast_in_dim3A_1674] : memref<16x16xf32, #tpu.memory_space<vmem>>[vector<16xi32>, vector<16xi32>], vector<16xf32>,
        %broadcast_in_dim3A_1676 = arith.constant 9 : i32
        %broadcast_in_dim3A_1677 = vector.broadcast %broadcast_in_dim3A_1676 : i32 to vector<16xi32>
        %gather3A_1678 = tpu.vector_load_idx %arg15[%iota3A, %broadcast_in_dim3A_1677] : memref<16x16xf32, #tpu.memory_space<vmem>>[vector<16xi32>, vector<16xi32>], vector<16xf32>,
        %broadcast_in_dim3A_1679 = arith.constant 10 : i32
        %broadcast_in_dim3A_1680 = vector.broadcast %broadcast_in_dim3A_1679 : i32 to vector<16xi32>
        %gather3A_1681 = tpu.vector_load_idx %arg15[%iota3A, %broadcast_in_dim3A_1680] : memref<16x16xf32, #tpu.memory_space<vmem>>[vector<16xi32>, vector<16xi32>], vector<16xf32>,
        %broadcast_in_dim3A_1682 = arith.constant 11 : i32
        %broadcast_in_dim3A_1683 = vector.broadcast %broadcast_in_dim3A_1682 : i32 to vector<16xi32>
        %gather3A_1684 = tpu.vector_load_idx %arg15[%iota3A, %broadcast_in_dim3A_1683] : memref<16x16xf32, #tpu.memory_space<vmem>>[vector<16xi32>, vector<16xi32>], vector<16xf32>,
        %broadcast_in_dim3A_1685 = arith.constant 12 : i32
        %broadcast_in_dim3A_1686 = vector.broadcast %broadcast_in_dim3A_1685 : i32 to vector<16xi32>
        %gather3A_1687 = tpu.vector_load_idx %arg15[%iota3A, %broadcast_in_dim3A_1686] : memref<16x16xf32, #tpu.memory_space<vmem>>[vector<16xi32>, vector<16xi32>], vector<16xf32>,
        %broadcast_in_dim3A_1688 = arith.constant 13 : i32
        %broadcast_in_dim3A_1689 = vector.broadcast %broadcast_in_dim3A_1688 : i32 to vector<16xi32>
        %gather3A_1690 = tpu.vector_load_idx %arg15[%iota3A, %broadcast_in_dim3A_1689] : memref<16x16xf32, #tpu.memory_space<vmem>>[vector<16xi32>, vector<16xi32>], vector<16xf32>,
        %broadcast_in_dim3A_1691 = arith.constant 14 : i32
        %broadcast_in_dim3A_1692 = vector.broadcast %broadcast_in_dim3A_1691 : i32 to vector<16xi32>
        %gather3A_1693 = tpu.vector_load_idx %arg15[%iota3A, %broadcast_in_dim3A_1692] : memref<16x16xf32, #tpu.memory_space<vmem>>[vector<16xi32>, vector<16xi32>], vector<16xf32>,
        %broadcast_in_dim3A_1694 = arith.constant 15 : i32
        %broadcast_in_dim3A_1695 = vector.broadcast %broadcast_in_dim3A_1694 : i32 to vector<16xi32>
        %gather3A_1696 = tpu.vector_load_idx %arg15[%iota3A, %broadcast_in_dim3A_1695] : memref<16x16xf32, #tpu.memory_space<vmem>>[vector<16xi32>, vector<16xi32>], vector<16xf32>,
        %add3A_1697 = arith.addf %gather3A_1651, %gather3A_1654 : vector<16xf32>
        %add3A_1698 = arith.addf %gather3A_1657, %gather3A_1660 : vector<16xf32>
        %add3A_1699 = arith.addf %gather3A_1663, %gather3A_1666 : vector<16xf32>
        %add3A_1700 = arith.addf %gather3A_1669, %gather3A_1672 : vector<16xf32>
        %add3A_1701 = arith.addf %gather3A_1675, %gather3A_1678 : vector<16xf32>
        %add3A_1702 = arith.addf %gather3A_1681, %gather3A_1684 : vector<16xf32>
        %add3A_1703 = arith.addf %gather3A_1687, %gather3A_1690 : vector<16xf32>
        %add3A_1704 = arith.addf %gather3A_1693, %gather3A_1696 : vector<16xf32>
        %add3A_1705 = arith.addf %add3A_1697, %add3A_1698 : vector<16xf32>
        %add3A_1706 = arith.addf %add3A_1699, %add3A_1700 : vector<16xf32>
        %add3A_1707 = arith.addf %add3A_1701, %add3A_1702 : vector<16xf32>
        %add3A_1708 = arith.addf %add3A_1703, %add3A_1704 : vector<16xf32>
        %add3A_1709 = arith.addf %add3A_1705, %add3A_1706 : vector<16xf32>
        %add3A_1710 = arith.addf %add3A_1707, %add3A_1708 : vector<16xf32>
        %add3A_1711 = arith.addf %add3A_1709, %add3A_1710 : vector<16xf32>
        %neg3A = arith.constant 0.000000e+00 : f32
        %neg3A_1712 = vector.broadcast %neg3A : f32 to vector<16xf32>
        %neg3A_1713 = arith.subf %neg3A_1712, %add3A_1711 : vector<16xf32>
        %exp3A = math.exp %neg3A_1713 : vector<16xf32>
        %add3A_1714 = arith.constant 1.000000e+00 : f32
        %add3A_1715 = vector.broadcast %add3A_1714 : f32 to vector<16xf32>
        %add3A_1716 = arith.addf %add3A_1715, %exp3A : vector<16xf32>
        %div3A_1717 = arith.constant 1.000000e+00 : f32
        %div3A_1718 = vector.broadcast %div3A_1717 : f32 to vector<16xf32>
        %div3A_1719 = arith.divf %div3A_1718, %add3A_1716 : vector<16xf32>
        %mul3A_1720 = arith.constant 16 : i32
        %mul3A_1721 = arith.muli %mul3A_1720, %scan3A_306 : i32
        %swap3A_1722 = arith.index_cast %mul3A_1721 : i32 to index
        %swap3A_1723 = tpu.vector_load %arg17[%swap3A_1722] {strides = array<i32>} : memref<320xf32, #tpu.memory_space<vmem>>, vector<16xf32>,
        tpu.vector_store %arg17[%swap3A_1722], %div3A_1719 {strides = array<i32>} : memref<320xf32, #tpu.memory_space<vmem>>, vector<16xf32>,
      }
      %scan3A_298 = arith.constant 20 : i32
      %mul3A_299 = arith.constant 10240 : i32
      %mul3A_300 = arith.muli %add3A, %mul3A_299 : i32
      %mul3A_301 = arith.constant 320 : i32
      %mul3A_302 = arith.muli %mul3A_301, %add3A_287 : i32
      %add3A_303 = arith.addi %mul3A_300, %mul3A_302 : i32
      %dma_start3A_304 = tpu.memref_slice %arg6[%add3A_303] : memref<327680xf32, #tpu.memory_space<hbm>> -> memref<320xf32, #tpu.memory_space<hbm>>
      %dma_start3A_305 = tpu.memref_slice %arg6[%add3A_303] : memref<327680xf32, #tpu.memory_space<hbm>> -> memref<320xf32, #tpu.memory_space<hbm>>
      tpu.enqueue_dma source(%arg17 : memref<320xf32, #tpu.memory_space<vmem>>) target(%dma_start3A_305 : memref<320xf32, #tpu.memory_space<hbm>>) target_semaphore(%arg21 : memref<!tpu.dma_semaphore, #tpu.memory_space<semaphore_mem>>)
    }
    %scan3A_65 = arith.constant 16 : i32
    %mul3A_66 = arith.constant 10240 : i32
    %mul3A_67 = arith.muli %add3A, %mul3A_66 : i32
    %add3A_68 = arith.constant 9600 : i32
    %add3A_69 = arith.addi %mul3A_67, %add3A_68 : i32
    %dma_wait3A = tpu.memref_slice %arg6[%add3A_69] : memref<327680xf32, #tpu.memory_space<hbm>> -> memref<320xf32, #tpu.memory_space<hbm>>
    %dma_wait3A_70 = tpu.memref_slice %arg6[%add3A_69] : memref<327680xf32, #tpu.memory_space<hbm>> -> memref<320xf32, #tpu.memory_space<hbm>>
    tpu.wait_dma2 semaphore(%arg20 : memref<!tpu.dma_semaphore, #tpu.memory_space<semaphore_mem>>) src(%arg16 : memref<320xf32, #tpu.memory_space<vmem>>) dst(%dma_wait3A_70 : memref<320xf32, #tpu.memory_space<hbm>>)
    %mul3A_71 = arith.constant 10240 : i32
    %mul3A_72 = arith.muli %add3A, %mul3A_71 : i32
    %add3A_73 = arith.constant 9920 : i32
    %add3A_74 = arith.addi %mul3A_72, %add3A_73 : i32
    %dma_wait3A_75 = tpu.memref_slice %arg6[%add3A_74] : memref<327680xf32, #tpu.memory_space<hbm>> -> memref<320xf32, #tpu.memory_space<hbm>>
    %dma_wait3A_76 = tpu.memref_slice %arg6[%add3A_74] : memref<327680xf32, #tpu.memory_space<hbm>> -> memref<320xf32, #tpu.memory_space<hbm>>
    tpu.wait_dma2 semaphore(%arg21 : memref<!tpu.dma_semaphore, #tpu.memory_space<semaphore_mem>>) src(%arg17 : memref<320xf32, #tpu.memory_space<vmem>>) dst(%dma_wait3A_76 : memref<320xf32, #tpu.memory_space<hbm>>)
    return
  }
}

</mosaic_0001>

<sc_bundles>
// kernel: _sc_call.3.cloned.1.call-start
scs
__scs_entry_jumppad:
0x0: {  	(pc) =	sbr.rel $0x88, $3  }
0x1: {  	(tag) =	ssettag $0x0;
	lr =	simm.s32 $0x1  }
0x2: {  	[smem:$0x3F9D] =	sst lr;
	_ =	strace $0xD0000000  }
0x3: {  	_ = 	snop  }
0x4: {  	_ = 	snop  }
0x5: {  	_ = 	snop  }
0x6: {  	_ = 	snop  }
0x7: {  	_ = 	snop  }
__scs_overlays_trampoline_lowered:
0x8: {  	[smem:$0x3FAC] =	sst s0  }
0x9: {  	[smem:$0x3FAD] =	sst s1  }
0xa: {  	[smem:$0x3FAE] =	sst s2  }
0xb: {  	[smem:$0x3FAF] =	sst s3  }
0xc: {  	[smem:$0x3FB0] =	sst s4  }
0xd: {  	[smem:$0x3FB1] =	sst s5  }
0xe: {  	[smem:$0x3FB2] =	sst s6  }
0xf: {  	[smem:$0x3FB3] =	sst s7  }
0x10: {  	[smem:$0x3FB4] =	sst s8  }
0x11: {  	[smem:$0x3FB5] =	sst s9;
	s0 =	simm.s32 @!p0 $0x0  }
0x12: {  	s1 =	sld [smem:$0x3F9B];
	s0 =	simm.s32 @p0 $0x1  }
0x13: {  	[smem:$0x3FB6] =	sst s0;
	s0 =	simm.s32 @!p1 $0x0  }
0x14: {  	s2 =	sld [smem:$0x3F9A];
	s0 =	simm.s32 @p1 $0x1  }
0x15: {  	[smem:$0x3FB7] =	sst s0;
	s0 =	simm.s32 @!p2 $0x0  }
0x16: {  	s3 =	sld [smem:$0x3FDB];
	s0 =	simm.s32 @p2 $0x1  }
0x17: {  	s4 =	simm.s32 $0x1BF5;
	[smem:$0x3FB9] =	sst s0  }
0x18: {  	s0 =	sld [smem:$0x3F9C];
	_ =	swait.ge [sflag:s4], $0x0  }
0x19: {  	s7 =	sld [smem:$0x3F9D]  }
0x1a: {  	s8 =	sadd.s32 $0xFFFFE003, lr  }
0x1b: {  	s9 =	sadd.s32 $0xFFFFFEF7, lr;
	s5 =	simm.s32 $0xFFFFFFFF;
	p2 =	slt.u32 s8, $0xFFFFF086  }
0x1c: {  	p1 =	slt.u32 s9, $0xF7A;
	s5 =	simm.s32 @!p2 $0x0  }
0x1d: {  	s5 =	simm.s32 @p1 $0x1;
	p0 =	seq.s32 s7, s2  }
0x1e: {  	s7 =	smul.u32 @!p0 $0xF7A, s2;
	p2 =	seq.s32 @!p0 s5, $0x0  }
0x1f: {  	s9 =	smul.u32 $0xF7A, s1;
	s8 =	simm.s32 @!p0 $0x1BF5;
	p2 =	por !p2, p0  }
0x20: {  	[sflag:s8] =	ssyncset.s32 @!p0 $0xFFFFF086;
	s6 =	sadd.s32 @!p0 s3, s7;
	s7 =	simm.s32 @!p0 $0x108  }
0x21: {  	s3 =	sadd.s32 s3, s9;
	s6 =	sadd.s32 @!p0 $0x88, s6;
	s7 =	simm.s32 @p2 $0x1082  }
0x22: {  	[simem:s7], [sflag:s8] =	dma.local @!p0 [hbm:s6], $0xF7A  }
0x23: {  	s9 =	sor.u32 $0xD0000000, s2;
	s6 =	simm.s32 $0x108;
	_ =	swait.ge @!p0 [sflag:s8], $0x0  }
0x24: {  	s3 =	sadd.s32 $0x88, s3;
	s6 =	simm.s32 @!p1 $0x1082;
	[sflag:s4] =	ssyncset.s32 $0xFFFFF086  }
0x25: {  	[simem:s6], [sflag:s4] =	dma.local [hbm:s3], $0xF7A  }
0x26: {  	[smem:$0x3F9D] =	sst s1;
	(tag) =	ssettag s2;
	_ =	strace s9  }
0x27: {  	s1 =	sld [smem:$0x3FAD]  }
0x28: {  	s2 =	sld [smem:$0x3FAE]  }
0x29: {  	s4 =	sld [smem:$0x3FB0]  }
0x2a: {  	p0 =	seq.s32 s5, $0x0;
	s5 =	sld [smem:$0x3FB1]  }
0x2b: {  	s6 =	sld [smem:$0x3FB2]  }
0x2c: {  	s7 =	sld [smem:$0x3FB3]  }
0x2d: {  	s3 =	simm.s32 $0x108;
	s8 =	sld [smem:$0x3FB4]  }
0x2e: {  	s3 =	simm.s32 @!p0 $0x1082;
	s9 =	sld [smem:$0x3FB5]  }
0x2f: {  	lr =	sadd.s32 s0, s3;
	s0 =	sld [smem:$0x3FAC]  }
0x30: {  	s3 =	sld [smem:$0x3FAF]  }
0x31: {  	[smem:$0x3FB8] =	sst s10  }
0x32: {  	s10 =	sld [smem:$0x3FB6];
	_ =	sdelay $0x3  }
0x33: {  	p0 =	seq.s32 s10, $0x1;
	s10 =	sld [smem:$0x3FB8];
	_ =	sdelay $0x3  }
0x34: {  	[smem:$0x3FB8] =	sst s10  }
0x35: {  	s10 =	sld [smem:$0x3FB7];
	_ =	sdelay $0x3  }
0x36: {  	p1 =	seq.s32 s10, $0x1;
	s10 =	sld [smem:$0x3FB8];
	_ =	sdelay $0x3  }
0x37: {  	[smem:$0x3FB8] =	sst s10  }
0x38: {  	s10 =	sld [smem:$0x3FB9]  }
0x39: {  	_ = 	snop;
	(pc) =	sbr.ind lr, $3  }
0x3a: {  	_ = 	snop  }
0x3b: {  	_ = 	snop  }
0x3c: {  	p2 =	seq.s32 s10, $0x1;
	s10 =	sld [smem:$0x3FB8]  }
0x3d: {  	_ =	shalt  }
0x3e: {  	_ =	shalt  }
0x3f: {  	_ =	shalt  }
0x40: {  	_ =	shalt  }
0x41: {  	_ =	shalt  }
0x42: {  	_ =	shalt  }
0x43: {  	_ =	shalt  }
0x44: {  	_ =	shalt  }
0x45: {  	_ =	shalt  }
0x46: {  	_ =	shalt  }
0x47: {  	_ =	shalt  }
0x48: {  	_ =	shalt  }
0x49: {  	_ =	shalt  }
0x4a: {  	_ =	shalt  }
0x4b: {  	_ =	shalt  }
0x4c: {  	_ =	shalt  }
0x4d: {  	_ =	shalt  }
0x4e: {  	_ =	shalt  }
0x4f: {  	_ =	shalt  }
0x50: {  	_ =	shalt  }
0x51: {  	_ =	shalt  }
0x52: {  	_ =	shalt  }
0x53: {  	_ =	shalt  }
0x54: {  	_ =	shalt  }
0x55: {  	_ =	shalt  }
0x56: {  	_ =	shalt  }
0x57: {  	_ =	shalt  }
0x58: {  	_ =	shalt  }
0x59: {  	_ =	shalt  }
0x5a: {  	_ =	shalt  }
0x5b: {  	_ =	shalt  }
0x5c: {  	_ =	shalt  }
0x5d: {  	_ =	shalt  }
0x5e: {  	_ =	shalt  }
0x5f: {  	_ =	shalt  }
0x60: {  	_ =	shalt  }
0x61: {  	_ =	shalt  }
0x62: {  	_ =	shalt  }
0x63: {  	_ =	shalt  }
0x64: {  	_ =	shalt  }
0x65: {  	_ =	shalt  }
0x66: {  	_ =	shalt  }
0x67: {  	_ =	shalt  }
0x68: {  	_ =	shalt  }
0x69: {  	_ =	shalt  }
0x6a: {  	_ =	shalt  }
0x6b: {  	_ =	shalt  }
0x6c: {  	_ =	shalt  }
0x6d: {  	_ =	shalt  }
0x6e: {  	_ =	shalt  }
0x6f: {  	_ =	shalt  }
0x70: {  	_ =	shalt  }
0x71: {  	_ =	shalt  }
0x72: {  	_ =	shalt  }
0x73: {  	_ =	shalt  }
0x74: {  	_ =	shalt  }
0x75: {  	_ =	shalt  }
0x76: {  	_ =	shalt  }
0x77: {  	_ =	shalt  }
0x78: {  	_ =	shalt  }
0x79: {  	_ =	shalt  }
0x7a: {  	_ =	shalt  }
0x7b: {  	_ =	shalt  }
0x7c: {  	_ =	shalt  }
0x7d: {  	_ =	shalt  }
0x7e: {  	_ =	shalt  }
0x7f: {  	_ =	shalt  }
0x80: {  	_ =	shalt  }
0x81: {  	_ =	shalt  }
0x82: {  	_ =	shalt  }
0x83: {  	_ =	shalt  }
0x84: {  	_ =	shalt  }
0x85: {  	_ =	shalt  }
0x86: {  	_ =	shalt  }
0x87: {  	_ =	shalt  }
.Lfunc_end0:
.L_simem_size_0:
called_computation_lowered:
.L_overlay_start_0:
0x88: {  	s2 =	sld [smem:$0x3FD9]  }
0x89: {  	s3 =	sld [smem:$0x3FFE];
	_ =	sdelay $0x1  }
0x8a: {  	s1 =	srdreg.scid  }
0x8b: {  	s0 =	sand.u32 $0x1, s1  }
0x8c: {  	s18 =	sshll.u32 s0, $0xA;
	s2 =	sadd.s32 s3, s2  }
0x8d: {  	s2 =	sadd.s32 s2, s18  }
0x8e: {  	[smem:$0x3FC4] =	sst s2  }
0x8f: {  	_ = 	snop  }
0x90: {  	s2 =	sld [smem:$0x3FC9]  }
0x91: {  	s19 =	sld [smem:$0x3FC8]  }
0x92: {  	s4 =	sld [smem:$0x3FC7]  }
0x93: {  	s5 =	sld [smem:$0x3FC6]  }
0x94: {  	s6 =	sld [smem:$0x3FD0];
	(tm) =	ssettm $0x1  }
0x95: {  	s7 =	sld [smem:$0x3FFB];
	_ =	sdelay $0x3  }
0x96: {  	_ =	strace s7  }
0x97: {  	s7 =	sld [smem:$0x3FFC];
	_ =	sdelay $0x3  }
0x98: {  	_ =	strace s7  }
0x99: {  	s7 =	sld [smem:$0x3FFD];
	_ =	sdelay $0x3  }
0x9a: {  	_ =	strace s7  }
0x9b: {  	_ =	strace $0x8FFFFFFF  }
0x9c: {  	s20 =	sld [smem:$0x3FDB];
	_ =	sdelay $0x1  }
0x9d: {  	s8 =	simm.s32 $_scs_section_size  }
0x9e: {  	s9 =	simm.s32 $_size__tile_overlayer_lowered;
	s10 =	simm.s32 $_tile_overlayer_lowered  }
0x9f: {  	s23 =	simm.s32 $0x1BFF;
	s22 =	sshll.u32 s10, $0x1;
	s7 =	sadd.s32 s8, s20  }
0xa0: {  	s11 =	simm.s32 $0x0;
	s21 =	sshll.u32 s9, $0x1;
	s9 =	sadd.s32 s22, s7  }
0xa1: {  	[timem:s11], [sflag:s23] =	dma.local [hbm:s9], s21  }
0xa2: {  	_ =	swait.ge [sflag:s23], s21  }
0xa3: {  	s8 =	ssub.s32 $0x0, s21;
	[sflag:s23] =	ssyncset.done $0x0  }
0xa4: {  	[sflag:s23] =	ssyncadd.s32 s8;
	_ =	sdelay $0x1  }
0xa5: {  	s24 =	simm.s32 $0x1B8B  }
0xa6: {  	_ =	swait.ge [sflag:s24], $0x1  }
0xa7: {  	[sflag:s24] =	ssyncset.done $0x0  }
0xa8: {  	s25 =	simm.s32 $0x1B8E;
	[sflag:s24] =	ssyncadd.s32 $0xFFFFFFFF  }
0xa9: {  	s26 =	simm.s32 $execute0_lowered;
	[smem:$0x3FD2] =	sst s25  }
0xaa: {  	s8 =	sshll.u32 s26, $0x1;
	_ =	strace $0x80000046;
	[dreg:$0x1] =	wrdreg $0xFFFFFFFF  }
0xab: {  	s28 =	simm.s32 $_size_execute0_lowered;
	s7 =	sadd.s32 s7, s8;
	[dreg:$0x0] =	wrdreg $0x0  }
0xac: {  	s8 =	sshll.u32 s28, $0x1;
	[dreg:$0x2] =	wrdreg s7  }
0xad: {  	[dreg:$0x3] =	wrdreg s8  }
0xae: {  	[dreg:$0x4] =	wrdreg $0xC0  }
0xaf: {  	_ =	task [dreg:s11], $0x5FFFF  }
0xb0: {  	[dreg:$0x1] =	wrdreg $0xFFFFFFFF  }
0xb1: {  	[dreg:$0x0] =	wrdreg $0x60  }
0xb2: {  	[dreg:$0x2] =	wrdreg s2  }
0xb3: {  	[dreg:$0x3] =	wrdreg s19  }
0xb4: {  	[dreg:$0x4] =	wrdreg s4  }
0xb5: {  	[dreg:$0x5] =	wrdreg s5  }
0xb6: {  	[dreg:$0x6] =	wrdreg s6  }
0xb7: {  	[dreg:$0x7] =	wrdreg $0x9  }
0xb8: {  	_ =	task.clear_ibuf [dreg:s11], $0x8FFFF;
	_ =	strace $0x90000046  }
0xb9: {  	s29 =	simm.s32 $0x9;
	_ =	strace $0x80000048  }
0xba: {  	_ =	swait.ge [sflag:s29], $0x1  }
0xbb: {  	[sflag:s29] =	ssyncadd.s32 $0xFFFFFFFF  }
0xbc: {  	_ =	strace $0x90000048  }
0xbd: {  	_ =	sfence  }
0xbe: {  	s30 =	sld [smem:$0x0];
	_ =	sdelay $0x2  }
0xbf: {  	s31 =	sshll.u32 s1, $0xD;
	s1 =	sshrl.u32 s1, $0x2  }
0xc0: {  	s3 =	sand.u32 $0x4000, s31;
	s1 =	sadd.s32 s1, s30  }
0xc1: {  	s0 =	sor.u32 s3, s0;
	s1 =	sshll.u32 s1, $0x11  }
0xc2: {  	s0 =	sor.u32 s1, s0  }
0xc3: {  	s0 =	sadd.s32 $0x8F2B, s0  }
0xc4: {  	[sflag:s0] =	ssyncadd.remote.s32 $0x1  }
0xc5: {  	_ =	sfence.sel $0xFFFF  }
0xc6: {  	[dreg:$0x0] =	wrdreg $0xFFFFFFFF;
	(pc) =	sbr.abs _section_cstart, $3  }
0xc7: {  	[dreg:$0x1] =	wrdreg $0xFFFFFFFF  }
0xc8: {  	_ =	task.clear_ibuf [dreg:s11], $0x2FFFF;
	_ =	strace $0x9FFFFFFF  }
0xc9: {  	(tm) =	ssettm $0x7FFFFFFF  }
tec
execute0_lowered:
.L_overlay_start_1:
0x0: {  	(tag) =	ssettag $0x1  }
0x1: {  	s0 =	rddreg [dreg:$0x0]  }
0x2: {  	s2 =	rddreg [dreg:$0x1]  }
0x3: {  	s1 =	rddreg [dreg:$0x2]  }
0x4: {  	s3 =	rddreg [dreg:$0x3];
	s5 =	srdreg.scid  }
0x5: {  	s7 =	stileid.u32;
	s4 =	rddreg [dreg:$0x4]  }
0x6: {  	s12 =	simm.s32 $0x10;
	s15 =	simm.s32 $0x40;
	s29 =	simm.s32 $0x12400  }
0x7: {  	s30 =	simm.s32 $0x14400;
	s31 =	simm.s32 $0x16400;
	s11 =	simm.s32 $0x1A400  }
0x8: {  	v0 =	vlaneseq.u32;
	s13 =	simm.s32 $0x1AC00;
	s14 =	simm.s32 $0x2;
	s16 =	simm.s32 $0x1AD80  }
0x9: {  	s6 =	sand.u32 $0x1, s5;
	s7 =	sshll.u32 s7, $0x1;
	s5 =	simm.s32 $0x0;
	v1 =	vmul.u32 $0x80, v0  }
0xa: {  	v3 =	vimm.s32 $0x0;
	v2 =	vmul.u32 $0xFFFFFFFF, v0;
	s7 =	sor.u32 s6, s7;
	[smem:$0x7FF] =	sst s5;
	s8 =	ssub.s32 $0x2, s6  }
0xb: {  	s6 =	smul.u32 $0x2800, s7;
	s9 =	sshrl.u32 s8, $0x1;
	s7 =	sshll.u32 s7, $0x6;
	v4 =	vor.u32 $0x1, v1;
	v5 =	vor.u32 $0x2, v1;
	v6 =	vor.u32 $0x3, v1  }
0xc: {  	_ =	strace $0x80000047;
	v7 =	vor.u32 $0x4, v1;
	v8 =	vor.u32 $0x5, v1;
	v9 =	vor.u32 $0x6, v1;
	s8 =	ssub.s32 s8, s9;
	s0 =	sadd.s32 s0, s7  }
0xd: {  	v10 =	vor.u32 $0x7, v1;
	v11 =	vor.u32 $0x8, v1;
	v12 =	vor.u32 $0x9, v1;
	s25 =	sshrl.u32 s6, $0x3;
	[dreg:$0x6] =	wrdreg s0;
	s28 =	smax.u32 s8, $0x1  }
0xe: {  	v13 =	vor.u32 $0xA, v1;
	v14 =	vor.u32 $0xB, v1;
	v15 =	vor.u32 $0xC, v1;
	s9 =	simm.s32 $0x0;
	s26 =	sadd.s32 s2, s25;
	[dreg:$0x8] =	wrdreg s28  }
0xf: {  	v16 =	vor.u32 $0xD, v1;
	v17 =	vor.u32 $0xE, v1;
	v18 =	vor.u32 $0xF, v1;
	s0 =	simm.s32 $0x1;
	s2 =	simm.s32 $0x18400;
	[dreg:$0x7] =	wrdreg s26  }
.LBB2_1:
0x10: {  	[dreg:$0x9] =	wrdreg s9  }
0x11: {  	s7 =	rddreg [dreg:$0x6];
	s8 =	simm.s32 $0x5  }
0x12: {  	[tilespmem:s5], [sflag:$0x5] =	stream.linear.gather [hbm4b:s7+s5], $0x200, $0x38;
	[tilespmem:$0x1AF00] =	vst v63  }
0x13: {  	_ =	swait.ge [sflag:s8], $0x200  }
0x14: {  	[sflag:s8] =	ssyncset.done $0x0  }
0x15: {  	s28 =	simm.s32 $0x200;
	s26 =	rddreg [dreg:$0x7];
	[sflag:s8] =	ssyncadd.s32 $0xFFFFFE00  }
0x16: {  	[tilespmem:s28], [sflag:$0x5] =	stream.linear.gather [hbm4b:s26+s5], $0x2800, $0x38;
	[tilespmem:$0x1AF00] =	vst v63  }
0x17: {  	_ =	swait.ge [sflag:s8], $0x2800  }
0x18: {  	[sflag:s8] =	ssyncset.done $0x0  }
0x19: {  	s7 =	simm.s32 $0x0;
	[sflag:s8] =	ssyncadd.s32 $0xFFFFD800  }
0x1a: {  	s8 =	simm.s32 $0x40;
	v19 =	vld [tilespmem:s7+$0x200]  }
.LBB2_2:
0x1b: {  	p0 =	sne.s32 s8, $0x9FC0  }
.Ltmp0:
0x1c: {  	_ = 	snop;
	(pc) =	sbr.rel @p0 .LBB2_2-.Ltmp0, $3  }
0x1d: {  	_ =	sdelay $0x1  }
0x1e: {  	s9 =	sshra.s32 s8, $0x2;
	s8 =	sadd.s32 $0x40, s8;
	v20 =	vshrl.u32 v19, $0x1  }
0x1f: {  	v19 =	vld [tilespmem:s9+$0x200];
	[tilespmem:s7+$0x2C00] =	vst v20;
	s7 =	smov.u32 s9  }
0x20: {  	_ =	sdelay $0x3  }
0x21: {  	v19 =	vshrl.u32 v19, $0x1  }
0x22: {  	[tilespmem:s7+$0x2C00] =	vst v19;
	s7 =	simm.s32 $0x0  }
0x23: {  	s8 =	simm.s32 $0x40;
	v19 =	vld [tilespmem:s7+$0x0]  }
.LBB2_4:
0x24: {  	p0 =	sne.s32 s8, $0x7C0  }
.Ltmp1:
0x25: {  	_ = 	snop;
	(pc) =	sbr.rel @p0 .LBB2_4-.Ltmp1, $3  }
0x26: {  	_ =	sdelay $0x1  }
0x27: {  	s9 =	sshra.s32 s8, $0x2;
	s8 =	sadd.s32 $0x40, s8;
	v20 =	vshrl.u32 v19, $0x1  }
0x28: {  	v19 =	vld [tilespmem:s9+$0x0];
	[tilespmem:s7+$0x2A00] =	vst v20;
	s7 =	smov.u32 s9  }
0x29: {  	_ =	sdelay $0x3  }
0x2a: {  	v19 =	vshrl.u32 v19, $0x1  }
0x2b: {  	s17 =	simm.s32 $0x2A00;
	s8 =	simm.s32 $0x5400;
	[tilespmem:s7+$0x2A00] =	vst v19  }
0x2c: {  	[tilespmem:s8], [sflag:$0x1] =	stream.indirect.gather [hbm4b:s1+s12], $0x80, s17, s12, $0xb8;
	[tilespmem:$0x1AF00] =	vst v63  }
0x2d: {  	s18 =	simm.s32 $0x2C00;
	s19 =	simm.s32 $0x6400  }
0x2e: {  	[tilespmem:s19], [sflag:$0x1] =	stream.indirect.gather [hbm4b:s3+s15], $0x80, s18, s15, $0xb8;
	[tilespmem:$0x1AF00] =	vst v63  }
0x2f: {  	s20 =	simm.s32 $0x2C40;
	s21 =	simm.s32 $0x8400  }
0x30: {  	[tilespmem:s21], [sflag:$0x1] =	stream.indirect.gather [hbm4b:s3+s15], $0x80, s20, s15, $0xb8;
	[tilespmem:$0x1AF00] =	vst v63  }
0x31: {  	s22 =	simm.s32 $0x2C80;
	s23 =	simm.s32 $0xA400;
	s24 =	simm.s32 $0x2CC0  }
0x32: {  	[tilespmem:s23], [sflag:$0x1] =	stream.indirect.gather [hbm4b:s3+s15], $0x80, s22, s15, $0xb8;
	[tilespmem:$0x1AF00] =	vst v63  }
0x33: {  	s25 =	simm.s32 $0xC400;
	s26 =	simm.s32 $0x2D00;
	s28 =	simm.s32 $0xE400  }
0x34: {  	[tilespmem:s25], [sflag:$0x1] =	stream.indirect.gather [hbm4b:s3+s15], $0x80, s24, s15, $0xb8;
	[tilespmem:$0x1AF00] =	vst v63  }
0x35: {  	s20 =	simm.s32 $0x0;
	s21 =	simm.s32 $0x340;
	s22 =	simm.s32 $0x0  }
0x36: {  	[tilespmem:s28], [sflag:$0x1] =	stream.indirect.gather [hbm4b:s3+s15], $0x80, s26, s15, $0xb8;
	[tilespmem:$0x1AF00] =	vst v63  }
.LBB2_6:
0x37: {  	s7 =	sshllo.u32 s22, $0x1  }
0x38: {  	s24 =	sshll.u32 s7, $0x4  }
0x39: {  	s9 =	simm.s32 $0x5C00;
	s23 =	smul.u32 $0x140, s7;
	s8 =	sadd.s32 $0x2A00, s24  }
0x3a: {  	[tilespmem:s9], [sflag:$0x2] =	stream.indirect.gather [hbm4b:s1+s12], $0x80, s8, s12, $0xb8;
	[tilespmem:$0x1AF00] =	vst v63  }
0x3b: {  	s17 =	simm.s32 $0x10400;
	s10 =	sadd.s32 $0x2C00, s23  }
0x3c: {  	[tilespmem:s17], [sflag:$0x2] =	stream.indirect.gather [hbm4b:s3+s15], $0x80, s10, s15, $0xb8;
	[tilespmem:$0x1AF00] =	vst v63  }
0x3d: {  	s18 =	sadd.s32 $0x2C40, s23  }
0x3e: {  	[tilespmem:s29], [sflag:$0x2] =	stream.indirect.gather [hbm4b:s3+s15], $0x80, s18, s15, $0xb8;
	[tilespmem:$0x1AF00] =	vst v63  }
0x3f: {  	s19 =	sadd.s32 $0x2C80, s23  }
0x40: {  	[tilespmem:s30], [sflag:$0x2] =	stream.indirect.gather [hbm4b:s3+s15], $0x80, s19, s15, $0xb8;
	[tilespmem:$0x1AF00] =	vst v63  }
0x41: {  	s25 =	sadd.s32 $0x2CC0, s23  }
0x42: {  	[tilespmem:s31], [sflag:$0x2] =	stream.indirect.gather [hbm4b:s3+s15], $0x80, s25, s15, $0xb8;
	[tilespmem:$0x1AF00] =	vst v63  }
0x43: {  	s26 =	sadd.s32 $0x2D00, s23  }
0x44: {  	[tilespmem:s2], [sflag:$0x2] =	stream.indirect.gather [hbm4b:s3+s15], $0x80, s26, s15, $0xb8;
	[tilespmem:$0x1AF00] =	vst v63  }
0x45: {  	_ =	swait.ge [sflag:s0], $0x800  }
0x46: {  	[sflag:s0] =	ssyncset.done $0x0  }
0x47: {  	[sflag:s0] =	ssyncadd.s32 $0xFFFFF800  }
0x48: {  	_ =	swait.ge [sflag:s0], $0x2000  }
0x49: {  	[sflag:s0] =	ssyncset.done $0x0  }
0x4a: {  	[sflag:s0] =	ssyncadd.s32 $0xFFFFE000  }
0x4b: {  	_ =	swait.ge [sflag:s0], $0x2000  }
0x4c: {  	[sflag:s0] =	ssyncset.done $0x0  }
0x4d: {  	[sflag:s0] =	ssyncadd.s32 $0xFFFFE000  }
0x4e: {  	_ =	swait.ge [sflag:s0], $0x2000  }
0x4f: {  	[sflag:s0] =	ssyncset.done $0x0  }
0x50: {  	[sflag:s0] =	ssyncadd.s32 $0xFFFFE000  }
0x51: {  	_ =	swait.ge [sflag:s0], $0x2000  }
0x52: {  	[sflag:s0] =	ssyncset.done $0x0  }
0x53: {  	[sflag:s0] =	ssyncadd.s32 $0xFFFFE000  }
0x54: {  	_ =	swait.ge [sflag:s0], $0x2000  }
0x55: {  	p0 =	seq.s32 s22, $0x0;
	[sflag:s0] =	ssyncset.done $0x0  }
0x56: {  	s7 =	simm.s32 @!p0 $0x3;
	[sflag:s0] =	ssyncadd.s32 $0xFFFFE000  }
0x57: {  	s28 =	sshll.u32 s22, $0x5;
	s8 =	simm.s32 $0x1AC00;
	_ =	swait.ge @!p0 [sflag:s7], $0x140  }
0x58: {  	s9 =	simm.s32 $0x0;
	s17 =	simm.s32 $0x0;
	[sflag:s7] =	ssyncset.done @!p0 $0x0  }
0x59: {  	v19 =	vmov s28;
	s25 =	sshll.u32 s22, $0x1;
	[sflag:s7] =	ssyncadd.s32 @!p0 $0xFFFFFEC0;
	s7 =	smul.u32 $0x280, s22  }
.LBB2_7:
0x5a: {  	v20 =	vor.u32 s9, v0  }
0x5b: {  	v20 =	vmulhi.u32 $0xCCCCCCCD, v20;
	_ =	sdelay $0x1  }
0x5c: {  	v20 =	vshrl.u32 v20, $0x4  }
0x5d: {  	v21 =	vmov s9;
	v22 =	vmul.u32 $0xFFFFFFEC, v20  }
0x5e: {  	v23 =	vsub.s32 v2, v21  }
0x5f: {  	vm0 =	veq.s32 v21, v0;
	vm1 =	vne.s32 v22, v23  }
0x60: {  	vm0 =	vmand vm0, vm1  }
0x61: {  	v20 =	vadd.s32 v19, v20;
	v54 =	vsel vm0, $0xFFFFFFFF, v3  }
0x62: {  	v20 =	vadd.s32 v54, v20;
	_ =	sdelay $0x2  }
0x63: {  	s10 =	sadd.s32 s9, s20  }
0x64: {  	s18 =	sand.u32 $0x70, s9;
	s10 =	sand.u32 $0x7F80, s10  }
0x65: {  	s10 =	sor.u32 s18, s10;
	v20 =	vld.idx.msk [tilespmem:v20+s5+$0x0], $0xffff  }
0x66: {  	v55 =	vld [tilespmem:s10+$0x200];
	_ =	sdelay $0x3  }
0x67: {  	v20 =	vshll.u32 v20, $0x6  }
0x68: {  	v21 =	vshll.u32 v55, $0x6;
	v20 =	vand.u32 $0x40, v20  }
0x69: {  	s26 =	sshra.s32 s17, $0x2;
	v21 =	vand.u32 $0x40, v21;
	(v2sf) =	vpush v20, $0x0  }
0x6a: {  	v21 =	vadd.s32 s26, v21  }
0x6b: {  	(v2sf) =	vpush v21, $0x1  }
0x6c: {  	(v2sf) =	vpush v21, $0x0;
	_ =	sdelay $0x7  }
0x6d: {  	s18 =	smul.u32 $0xCCCD, s9;
	_ =	sdelay $0x1  }
0x6e: {  	s28 =	sshrl.u32 s18, $0xD  }
0x6f: {  	s10 =	sand.u32 $0xFF80, s28  }
0x70: {  	s10 =	sadd.s32 $0x5400, s10;
	s19 =	spop (v2sf)  }
0x71: {  	s19 =	sor.u32 s19, s10  }
0x72: {  	s26 =	spop (v2sf);
	v57 =	vld [tilespmem:s19+$0x0]  }
0x73: {  	s28 =	spop (v2sf);
	v25 =	vld [tilespmem:s19+$0x10]  }
0x74: {  	(v2sf) =	vpush v20, $0x1;
	v56 =	vld [tilespmem:s28+$0x6400]  }
0x75: {  	v24 =	vld [tilespmem:s28+$0x6410]  }
0x76: {  	v27 =	vld [tilespmem:s19+$0x20]  }
0x77: {  	v26 =	vld [tilespmem:s28+$0x6420]  }
0x78: {  	v29 =	vld [tilespmem:s19+$0x30]  }
0x79: {  	v28 =	vld [tilespmem:s28+$0x6430]  }
0x7a: {  	v22 =	vmul.f32 v57, v56;
	v58 =	vmul.f32 v25, v24;
	_ =	sdelay $0x1  }
0x7b: {  	v59 =	vmul.f32 v27, v26;
	v22 =	vadd.f32 v58, v22;
	_ =	sdelay $0x1  }
0x7c: {  	v60 =	vmul.f32 v29, v28;
	v22 =	vadd.f32 v59, v22;
	_ =	sdelay $0x1  }
0x7d: {  	v22 =	vadd.f32 v60, v22;
	_ =	sdelay $0x1  }
0x7e: {  	(v2sf) =	vpush v20, $0x2;
	[tilespmem:$0x1A400] =	vst v22  }
0x7f: {  	(v2sf) =	vpush v21, $0x3;
	s28 =	spop (v2sf);
	v22 =	vld [tilespmem:s26+$0x6480]  }
0x80: {  	(v2sf) =	vpush v21, $0x2;
	v62 =	vld [tilespmem:s26+$0x6490];
	s19 =	sor.u32 s28, s10  }
0x81: {  	v61 =	vld [tilespmem:s19+$0x0]  }
0x82: {  	v63 =	vld [tilespmem:s19+$0x10]  }
0x83: {  	v32 =	vld [tilespmem:s26+$0x64A0]  }
0x84: {  	v33 =	vld [tilespmem:s19+$0x20]  }
0x85: {  	v34 =	vld [tilespmem:s26+$0x64B0]  }
0x86: {  	v35 =	vld [tilespmem:s19+$0x30]  }
0x87: {  	v22 =	vmul.f32 v61, v22;
	v36 =	vmul.f32 v63, v62;
	_ =	sdelay $0x1  }
0x88: {  	v37 =	vmul.f32 v33, v32;
	v22 =	vadd.f32 v36, v22;
	_ =	sdelay $0x1  }
0x89: {  	v38 =	vmul.f32 v35, v34;
	v22 =	vadd.f32 v37, v22;
	_ =	sdelay $0x1  }
0x8a: {  	s19 =	spop (v2sf);
	v22 =	vadd.f32 v38, v22  }
0x8b: {  	s26 =	spop (v2sf)  }
0x8c: {  	[tilespmem:$0x1A480] =	vst v22;
	s28 =	spop (v2sf)  }
0x8d: {  	s19 =	sor.u32 s19, s10;
	v22 =	vld [tilespmem:s28+$0x6500]  }
0x8e: {  	(v2sf) =	vpush v20, $0x3;
	v39 =	vld [tilespmem:s19+$0x0]  }
0x8f: {  	v40 =	vld [tilespmem:s28+$0x6510]  }
0x90: {  	v41 =	vld [tilespmem:s19+$0x10]  }
0x91: {  	v42 =	vld [tilespmem:s28+$0x6520]  }
0x92: {  	v43 =	vld [tilespmem:s19+$0x20]  }
0x93: {  	v44 =	vld [tilespmem:s28+$0x6530]  }
0x94: {  	v45 =	vld [tilespmem:s19+$0x30]  }
0x95: {  	v22 =	vmul.f32 v39, v22;
	v46 =	vmul.f32 v41, v40;
	_ =	sdelay $0x1  }
0x96: {  	v47 =	vmul.f32 v43, v42;
	v22 =	vadd.f32 v46, v22;
	_ =	sdelay $0x1  }
0x97: {  	v48 =	vmul.f32 v45, v44;
	v22 =	vadd.f32 v47, v22;
	_ =	sdelay $0x1  }
0x98: {  	v22 =	vadd.f32 v48, v22;
	_ =	sdelay $0x1  }
0x99: {  	(v2sf) =	vpush v20, $0x4;
	s28 =	spop (v2sf);
	[tilespmem:$0x1A500] =	vst v22  }
0x9a: {  	(v2sf) =	vpush v21, $0x5;
	s10 =	sor.u32 s28, s10;
	v22 =	vld [tilespmem:s26+$0x6580]  }
0x9b: {  	(v2sf) =	vpush v21, $0x4;
	v49 =	vld [tilespmem:s10+$0x0]  }
0x9c: {  	v50 =	vld [tilespmem:s26+$0x6590]  }
0x9d: {  	v51 =	vld [tilespmem:s10+$0x10]  }
0x9e: {  	v52 =	vld [tilespmem:s26+$0x65A0]  }
0x9f: {  	v53 =	vld [tilespmem:s10+$0x20]  }
0xa0: {  	v54 =	vld [tilespmem:s26+$0x65B0]  }
0xa1: {  	v55 =	vld [tilespmem:s10+$0x30]  }
0xa2: {  	v22 =	vmul.f32 v49, v22;
	v56 =	vmul.f32 v51, v50;
	_ =	sdelay $0x1  }
0xa3: {  	v57 =	vmul.f32 v53, v52;
	v22 =	vadd.f32 v56, v22;
	_ =	sdelay $0x1  }
0xa4: {  	v58 =	vmul.f32 v55, v54;
	v22 =	vadd.f32 v57, v22;
	_ =	sdelay $0x1  }
0xa5: {  	s28 =	sadd.s32 $0x33334, s18;
	s19 =	spop (v2sf);
	v22 =	vadd.f32 v58, v22  }
0xa6: {  	s10 =	sshrl.u32 s28, $0xD;
	s26 =	spop (v2sf)  }
0xa7: {  	s10 =	sand.u32 $0xFF80, s10;
	s28 =	spop (v2sf);
	[tilespmem:$0x1A580] =	vst v22  }
0xa8: {  	s10 =	sor.u32 s19, s10;
	v22 =	vld [tilespmem:s28+$0x6600]  }
0xa9: {  	(v2sf) =	vpush v20, $0x5;
	v59 =	vld [tilespmem:s10+$0x5400]  }
0xaa: {  	v60 =	vld [tilespmem:s28+$0x6610]  }
0xab: {  	v61 =	vld [tilespmem:s10+$0x5410]  }
0xac: {  	v62 =	vld [tilespmem:s28+$0x6620]  }
0xad: {  	v63 =	vld [tilespmem:s10+$0x5420]  }
0xae: {  	v32 =	vld [tilespmem:s28+$0x6630]  }
0xaf: {  	v33 =	vld [tilespmem:s10+$0x5430]  }
0xb0: {  	v22 =	vmul.f32 v59, v22;
	v34 =	vmul.f32 v61, v60;
	_ =	sdelay $0x1  }
0xb1: {  	v35 =	vmul.f32 v63, v62;
	v22 =	vadd.f32 v34, v22;
	_ =	sdelay $0x1  }
0xb2: {  	v36 =	vmul.f32 v33, v32;
	v22 =	vadd.f32 v35, v22;
	_ =	sdelay $0x1  }
0xb3: {  	s19 =	sadd.s32 $0x40001, s18;
	v22 =	vadd.f32 v36, v22  }
0xb4: {  	s10 =	sshrl.u32 s19, $0xD  }
0xb5: {  	(v2sf) =	vpush v20, $0x6;
	s10 =	sand.u32 $0xFF80, s10;
	s28 =	spop (v2sf);
	[tilespmem:$0x1A600] =	vst v22  }
0xb6: {  	(v2sf) =	vpush v21, $0x7;
	s10 =	sor.u32 s28, s10;
	v22 =	vld [tilespmem:s26+$0x6680]  }
0xb7: {  	(v2sf) =	vpush v21, $0x6;
	v37 =	vld [tilespmem:s10+$0x5400]  }
0xb8: {  	v38 =	vld [tilespmem:s26+$0x6690]  }
0xb9: {  	v39 =	vld [tilespmem:s10+$0x5410]  }
0xba: {  	v40 =	vld [tilespmem:s26+$0x66A0]  }
0xbb: {  	v41 =	vld [tilespmem:s10+$0x5420]  }
0xbc: {  	v42 =	vld [tilespmem:s26+$0x66B0]  }
0xbd: {  	v43 =	vld [tilespmem:s10+$0x5430]  }
0xbe: {  	v22 =	vmul.f32 v37, v22;
	v44 =	vmul.f32 v39, v38;
	_ =	sdelay $0x1  }
0xbf: {  	v45 =	vmul.f32 v41, v40;
	v22 =	vadd.f32 v44, v22;
	_ =	sdelay $0x1  }
0xc0: {  	v46 =	vmul.f32 v43, v42;
	v22 =	vadd.f32 v45, v22;
	_ =	sdelay $0x1  }
0xc1: {  	s28 =	sadd.s32 $0x4CCCE, s18;
	s19 =	spop (v2sf);
	v22 =	vadd.f32 v46, v22  }
0xc2: {  	s26 =	spop (v2sf);
	s10 =	sshrl.u32 s28, $0xD  }
0xc3: {  	s10 =	sand.u32 $0xFF80, s10;
	s28 =	spop (v2sf);
	[tilespmem:$0x1A680] =	vst v22  }
0xc4: {  	s10 =	sor.u32 s19, s10;
	v22 =	vld [tilespmem:s28+$0x6700]  }
0xc5: {  	(v2sf) =	vpush v20, $0x7;
	v47 =	vld [tilespmem:s10+$0x5400]  }
0xc6: {  	v48 =	vld [tilespmem:s28+$0x6710]  }
0xc7: {  	v49 =	vld [tilespmem:s10+$0x5410]  }
0xc8: {  	v50 =	vld [tilespmem:s28+$0x6720]  }
0xc9: {  	v51 =	vld [tilespmem:s10+$0x5420]  }
0xca: {  	v52 =	vld [tilespmem:s28+$0x6730]  }
0xcb: {  	v53 =	vld [tilespmem:s10+$0x5430]  }
0xcc: {  	v22 =	vmul.f32 v47, v22;
	v54 =	vmul.f32 v49, v48;
	_ =	sdelay $0x1  }
0xcd: {  	v55 =	vmul.f32 v51, v50;
	v22 =	vadd.f32 v54, v22;
	_ =	sdelay $0x1  }
0xce: {  	v56 =	vmul.f32 v53, v52;
	v22 =	vadd.f32 v55, v22;
	_ =	sdelay $0x1  }
0xcf: {  	s19 =	sadd.s32 $0x5999B, s18;
	v22 =	vadd.f32 v56, v22  }
0xd0: {  	s10 =	sshrl.u32 s19, $0xD  }
0xd1: {  	(v2sf) =	vpush v20, $0x8;
	s28 =	spop (v2sf);
	s10 =	sand.u32 $0xFF80, s10;
	[tilespmem:$0x1A700] =	vst v22  }
0xd2: {  	(v2sf) =	vpush v21, $0x9;
	s10 =	sor.u32 s28, s10;
	v22 =	vld [tilespmem:s26+$0x6780]  }
0xd3: {  	(v2sf) =	vpush v21, $0x8;
	v57 =	vld [tilespmem:s10+$0x5400]  }
0xd4: {  	v58 =	vld [tilespmem:s26+$0x6790]  }
0xd5: {  	v59 =	vld [tilespmem:s10+$0x5410]  }
0xd6: {  	v60 =	vld [tilespmem:s26+$0x67A0]  }
0xd7: {  	v61 =	vld [tilespmem:s10+$0x5420]  }
0xd8: {  	v62 =	vld [tilespmem:s26+$0x67B0]  }
0xd9: {  	v63 =	vld [tilespmem:s10+$0x5430]  }
0xda: {  	v22 =	vmul.f32 v57, v22;
	v30 =	vmul.f32 v59, v58;
	_ =	sdelay $0x1  }
0xdb: {  	v31 =	vmul.f32 v61, v60;
	v22 =	vadd.f32 v30, v22;
	_ =	sdelay $0x1  }
0xdc: {  	v32 =	vmul.f32 v63, v62;
	v22 =	vadd.f32 v31, v22;
	_ =	sdelay $0x1  }
0xdd: {  	s28 =	sadd.s32 $0x66668, s18;
	s19 =	spop (v2sf);
	v22 =	vadd.f32 v32, v22  }
0xde: {  	s10 =	sshrl.u32 s28, $0xD;
	s26 =	spop (v2sf)  }
0xdf: {  	s10 =	sand.u32 $0xFF80, s10;
	s28 =	spop (v2sf);
	[tilespmem:$0x1A780] =	vst v22  }
0xe0: {  	s10 =	sor.u32 s19, s10;
	v22 =	vld [tilespmem:s28+$0x6800]  }
0xe1: {  	(v2sf) =	vpush v20, $0x9;
	v33 =	vld [tilespmem:s10+$0x5400]  }
0xe2: {  	v34 =	vld [tilespmem:s28+$0x6810]  }
0xe3: {  	v35 =	vld [tilespmem:s10+$0x5410]  }
0xe4: {  	v36 =	vld [tilespmem:s28+$0x6820]  }
0xe5: {  	v37 =	vld [tilespmem:s10+$0x5420]  }
0xe6: {  	v38 =	vld [tilespmem:s28+$0x6830]  }
0xe7: {  	v39 =	vld [tilespmem:s10+$0x5430]  }
0xe8: {  	v22 =	vmul.f32 v33, v22;
	v40 =	vmul.f32 v35, v34;
	_ =	sdelay $0x1  }
0xe9: {  	v41 =	vmul.f32 v37, v36;
	v22 =	vadd.f32 v40, v22;
	_ =	sdelay $0x1  }
0xea: {  	v42 =	vmul.f32 v39, v38;
	v22 =	vadd.f32 v41, v22;
	_ =	sdelay $0x1  }
0xeb: {  	s19 =	sadd.s32 $0x73335, s18;
	v22 =	vadd.f32 v42, v22  }
0xec: {  	s10 =	sshrl.u32 s19, $0xD  }
0xed: {  	(v2sf) =	vpush v20, $0xA;
	s10 =	sand.u32 $0xFF80, s10;
	s28 =	spop (v2sf);
	[tilespmem:$0x1A800] =	vst v22  }
0xee: {  	(v2sf) =	vpush v21, $0xB;
	s10 =	sor.u32 s28, s10;
	v22 =	vld [tilespmem:s26+$0x6880]  }
0xef: {  	(v2sf) =	vpush v21, $0xA;
	v43 =	vld [tilespmem:s10+$0x5400]  }
0xf0: {  	v44 =	vld [tilespmem:s26+$0x6890]  }
0xf1: {  	v45 =	vld [tilespmem:s10+$0x5410]  }
0xf2: {  	v46 =	vld [tilespmem:s26+$0x68A0]  }
0xf3: {  	v47 =	vld [tilespmem:s10+$0x5420]  }
0xf4: {  	v48 =	vld [tilespmem:s26+$0x68B0]  }
0xf5: {  	v49 =	vld [tilespmem:s10+$0x5430]  }
0xf6: {  	v22 =	vmul.f32 v43, v22;
	v50 =	vmul.f32 v45, v44;
	_ =	sdelay $0x1  }
0xf7: {  	v51 =	vmul.f32 v47, v46;
	v22 =	vadd.f32 v50, v22;
	_ =	sdelay $0x1  }
0xf8: {  	v52 =	vmul.f32 v49, v48;
	v22 =	vadd.f32 v51, v22;
	_ =	sdelay $0x1  }
0xf9: {  	s28 =	sadd.s32 $0x80002, s18;
	s19 =	spop (v2sf);
	v22 =	vadd.f32 v52, v22  }
0xfa: {  	s26 =	spop (v2sf);
	s10 =	sshrl.u32 s28, $0xD  }
0xfb: {  	s10 =	sand.u32 $0xFF80, s10;
	s28 =	spop (v2sf);
	[tilespmem:$0x1A880] =	vst v22  }
0xfc: {  	s10 =	sor.u32 s19, s10;
	v22 =	vld [tilespmem:s28+$0x6900]  }
0xfd: {  	(v2sf) =	vpush v20, $0xB;
	v53 =	vld [tilespmem:s10+$0x5400]  }
0xfe: {  	v54 =	vld [tilespmem:s28+$0x6910]  }
0xff: {  	v55 =	vld [tilespmem:s10+$0x5410]  }
0x100: {  	v56 =	vld [tilespmem:s28+$0x6920]  }
0x101: {  	v57 =	vld [tilespmem:s10+$0x5420]  }
0x102: {  	v58 =	vld [tilespmem:s28+$0x6930]  }
0x103: {  	v59 =	vld [tilespmem:s10+$0x5430]  }
0x104: {  	v22 =	vmul.f32 v53, v22;
	v60 =	vmul.f32 v55, v54;
	_ =	sdelay $0x1  }
0x105: {  	v61 =	vmul.f32 v57, v56;
	v22 =	vadd.f32 v60, v22;
	_ =	sdelay $0x1  }
0x106: {  	v62 =	vmul.f32 v59, v58;
	v22 =	vadd.f32 v61, v22;
	_ =	sdelay $0x1  }
0x107: {  	s19 =	sadd.s32 $0x8CCCF, s18;
	v22 =	vadd.f32 v62, v22  }
0x108: {  	s10 =	sshrl.u32 s19, $0xD  }
0x109: {  	(v2sf) =	vpush v20, $0xC;
	s28 =	spop (v2sf);
	s10 =	sand.u32 $0xFF80, s10;
	[tilespmem:$0x1A900] =	vst v22  }
0x10a: {  	(v2sf) =	vpush v21, $0xD;
	s10 =	sor.u32 s28, s10;
	v22 =	vld [tilespmem:s26+$0x6980]  }
0x10b: {  	(v2sf) =	vpush v21, $0xC;
	v63 =	vld [tilespmem:s10+$0x5400]  }
0x10c: {  	v32 =	vld [tilespmem:s26+$0x6990]  }
0x10d: {  	v33 =	vld [tilespmem:s10+$0x5410]  }
0x10e: {  	v34 =	vld [tilespmem:s26+$0x69A0]  }
0x10f: {  	v35 =	vld [tilespmem:s10+$0x5420]  }
0x110: {  	v36 =	vld [tilespmem:s26+$0x69B0]  }
0x111: {  	v37 =	vld [tilespmem:s10+$0x5430]  }
0x112: {  	v22 =	vmul.f32 v63, v22;
	v38 =	vmul.f32 v33, v32;
	_ =	sdelay $0x1  }
0x113: {  	v39 =	vmul.f32 v35, v34;
	v22 =	vadd.f32 v38, v22;
	_ =	sdelay $0x1  }
0x114: {  	v40 =	vmul.f32 v37, v36;
	v22 =	vadd.f32 v39, v22;
	_ =	sdelay $0x1  }
0x115: {  	s28 =	sadd.s32 $0x9999C, s18;
	s19 =	spop (v2sf);
	v22 =	vadd.f32 v40, v22  }
0x116: {  	s10 =	sshrl.u32 s28, $0xD;
	s26 =	spop (v2sf)  }
0x117: {  	s10 =	sand.u32 $0xFF80, s10;
	s28 =	spop (v2sf);
	[tilespmem:$0x1A980] =	vst v22  }
0x118: {  	s10 =	sor.u32 s19, s10;
	v22 =	vld [tilespmem:s28+$0x6A00]  }
0x119: {  	(v2sf) =	vpush v20, $0xD;
	v41 =	vld [tilespmem:s10+$0x5400]  }
0x11a: {  	v42 =	vld [tilespmem:s28+$0x6A10]  }
0x11b: {  	v43 =	vld [tilespmem:s10+$0x5410]  }
0x11c: {  	v44 =	vld [tilespmem:s28+$0x6A20]  }
0x11d: {  	v45 =	vld [tilespmem:s10+$0x5420]  }
0x11e: {  	v46 =	vld [tilespmem:s28+$0x6A30]  }
0x11f: {  	v47 =	vld [tilespmem:s10+$0x5430]  }
0x120: {  	v22 =	vmul.f32 v41, v22;
	v48 =	vmul.f32 v43, v42;
	_ =	sdelay $0x1  }
0x121: {  	v49 =	vmul.f32 v45, v44;
	v22 =	vadd.f32 v48, v22;
	_ =	sdelay $0x1  }
0x122: {  	v50 =	vmul.f32 v47, v46;
	v22 =	vadd.f32 v49, v22;
	_ =	sdelay $0x1  }
0x123: {  	s19 =	sadd.s32 $0xA6669, s18;
	v22 =	vadd.f32 v50, v22  }
0x124: {  	s10 =	sshrl.u32 s19, $0xD  }
0x125: {  	(v2sf) =	vpush v20, $0xE;
	s10 =	sand.u32 $0xFF80, s10;
	s28 =	spop (v2sf);
	[tilespmem:$0x1AA00] =	vst v22  }
0x126: {  	(v2sf) =	vpush v21, $0xF;
	s10 =	sor.u32 s28, s10;
	v22 =	vld [tilespmem:s26+$0x6A80]  }
0x127: {  	(v2sf) =	vpush v21, $0xE;
	v51 =	vld [tilespmem:s10+$0x5400]  }
0x128: {  	v52 =	vld [tilespmem:s26+$0x6A90]  }
0x129: {  	v53 =	vld [tilespmem:s10+$0x5410]  }
0x12a: {  	v54 =	vld [tilespmem:s26+$0x6AA0]  }
0x12b: {  	v55 =	vld [tilespmem:s10+$0x5420]  }
0x12c: {  	v56 =	vld [tilespmem:s26+$0x6AB0]  }
0x12d: {  	v57 =	vld [tilespmem:s10+$0x5430]  }
0x12e: {  	v22 =	vmul.f32 v51, v22;
	v21 =	vmul.f32 v53, v52;
	_ =	sdelay $0x1  }
0x12f: {  	v58 =	vmul.f32 v55, v54;
	v21 =	vadd.f32 v21, v22;
	_ =	sdelay $0x1  }
0x130: {  	v59 =	vmul.f32 v57, v56;
	v21 =	vadd.f32 v58, v21;
	_ =	sdelay $0x1  }
0x131: {  	s28 =	sadd.s32 $0xB3336, s18;
	s10 =	spop (v2sf);
	v21 =	vadd.f32 v59, v21  }
0x132: {  	s19 =	sshrl.u32 s28, $0xD;
	s26 =	spop (v2sf)  }
0x133: {  	s19 =	sand.u32 $0xFF80, s19;
	s28 =	spop (v2sf);
	[tilespmem:$0x1AA80] =	vst v21  }
0x134: {  	s10 =	sor.u32 s10, s19;
	v21 =	vld [tilespmem:s28+$0x6B00]  }
0x135: {  	(v2sf) =	vpush v20, $0xF;
	v60 =	vld [tilespmem:s10+$0x5400]  }
0x136: {  	v20 =	vld [tilespmem:s28+$0x6B10]  }
0x137: {  	v61 =	vld [tilespmem:s10+$0x5410]  }
0x138: {  	v62 =	vld [tilespmem:s28+$0x6B20]  }
0x139: {  	v63 =	vld [tilespmem:s10+$0x5420]  }
0x13a: {  	v30 =	vld [tilespmem:s28+$0x6B30]  }
0x13b: {  	v31 =	vld [tilespmem:s10+$0x5430]  }
0x13c: {  	v21 =	vmul.f32 v60, v21;
	v20 =	vmul.f32 v61, v20;
	_ =	sdelay $0x1  }
0x13d: {  	v32 =	vmul.f32 v63, v62;
	v20 =	vadd.f32 v20, v21;
	_ =	sdelay $0x1  }
0x13e: {  	v33 =	vmul.f32 v31, v30;
	v20 =	vadd.f32 v32, v20;
	_ =	sdelay $0x1  }
0x13f: {  	s19 =	sadd.s32 $0xC0003, s18;
	v20 =	vadd.f32 v33, v20  }
0x140: {  	s10 =	sshrl.u32 s19, $0xD  }
0x141: {  	s28 =	spop (v2sf);
	s10 =	sand.u32 $0xFF80, s10;
	[tilespmem:$0x1AB00] =	vst v20  }
0x142: {  	s10 =	sor.u32 s28, s10;
	v20 =	vld [tilespmem:s26+$0x6B80]  }
0x143: {  	v34 =	vld [tilespmem:s10+$0x5400]  }
0x144: {  	v35 =	vld [tilespmem:s26+$0x6B90]  }
0x145: {  	v36 =	vld [tilespmem:s10+$0x5410]  }
0x146: {  	v37 =	vld [tilespmem:s26+$0x6BA0]  }
0x147: {  	v38 =	vld [tilespmem:s10+$0x5420]  }
0x148: {  	v39 =	vld [tilespmem:s26+$0x6BB0]  }
0x149: {  	v40 =	vld [tilespmem:s10+$0x5430]  }
0x14a: {  	v20 =	vmul.f32 v34, v20;
	v41 =	vmul.f32 v36, v35;
	_ =	sdelay $0x1  }
0x14b: {  	v42 =	vmul.f32 v38, v37;
	v20 =	vadd.f32 v41, v20;
	_ =	sdelay $0x1  }
0x14c: {  	v43 =	vmul.f32 v40, v39;
	v20 =	vadd.f32 v42, v20;
	_ =	sdelay $0x1  }
0x14d: {  	v20 =	vadd.f32 v43, v20;
	_ =	sdelay $0x1  }
0x14e: {  	[tilespmem:$0x1AB80] =	vst v20  }
0x14f: {  	v20 =	vld.idx.msk [tilespmem:v1+s11+$0x0], $0xffff  }
0x150: {  	v44 =	vld.idx.msk [tilespmem:v4+s11+$0x0], $0xffff  }
0x151: {  	v45 =	vld.idx.msk [tilespmem:v5+s11+$0x0], $0xffff  }
0x152: {  	v46 =	vld.idx.msk [tilespmem:v6+s11+$0x0], $0xffff  }
0x153: {  	v47 =	vld.idx.msk [tilespmem:v7+s11+$0x0], $0xffff  }
0x154: {  	v48 =	vld.idx.msk [tilespmem:v8+s11+$0x0], $0xffff  }
0x155: {  	v49 =	vld.idx.msk [tilespmem:v9+s11+$0x0], $0xffff  }
0x156: {  	v50 =	vld.idx.msk [tilespmem:v10+s11+$0x0], $0xffff  }
0x157: {  	v51 =	vld.idx.msk [tilespmem:v11+s11+$0x0], $0xffff  }
0x158: {  	v52 =	vld.idx.msk [tilespmem:v12+s11+$0x0], $0xffff  }
0x159: {  	v30 =	vld.idx.msk [tilespmem:v13+s11+$0x0], $0xffff  }
0x15a: {  	v31 =	vld.idx.msk [tilespmem:v14+s11+$0x0], $0xffff  }
0x15b: {  	v32 =	vld.idx.msk [tilespmem:v15+s11+$0x0], $0xffff  }
0x15c: {  	v33 =	vld.idx.msk [tilespmem:v16+s11+$0x0], $0xffff  }
0x15d: {  	v34 =	vld.idx.msk [tilespmem:v17+s11+$0x0], $0xffff  }
0x15e: {  	v35 =	vld.idx.msk [tilespmem:v18+s11+$0x0], $0xffff;
	_ =	sdelay $0x1  }
0x15f: {  	v20 =	vadd.f32 v44, v20;
	v53 =	vadd.f32 v46, v45  }
0x160: {  	v54 =	vadd.f32 v48, v47;
	v55 =	vadd.f32 v50, v49  }
0x161: {  	v56 =	vadd.f32 v52, v51;
	v57 =	vadd.f32 v31, v30  }
0x162: {  	v58 =	vadd.f32 v33, v32;
	v59 =	vadd.f32 v35, v34  }
0x163: {  	v20 =	vadd.f32 v53, v20;
	v60 =	vadd.f32 v55, v54  }
0x164: {  	v61 =	vadd.f32 v57, v56;
	v62 =	vadd.f32 v59, v58;
	_ =	sdelay $0x1  }
0x165: {  	v20 =	vadd.f32 v60, v20;
	v63 =	vadd.f32 v62, v61;
	_ =	sdelay $0x1  }
0x166: {  	v20 =	vadd.f32 v63, v20;
	_ =	sdelay $0x1  }
0x167: {  	v20 =	vsub.f32 $0.0e+00, v20;
	_ =	sdelay $0x1  }
0x168: {  	v20 =	vmul.f32 $1.442695020e+00, v20;
	_ =	sdelay $0x1  }
0x169: {  	(erf) = vpow2.f32 v20;
	_ =	sdelay $0x8  }
0x16a: {  	v20 =	vpop (erf)  }
0x16b: {  	v20 =	vadd.f32 $1.000000000e+00, v20;
	_ =	sdelay $0x1  }
0x16c: {  	(erf) = vrcp.f32 v20;
	_ =	sdelay $0x4  }
0x16d: {  	p1 =	sne.s32 s17, $0x26000  }
.Ltmp2:
0x16e: {  	_ = 	snop;
	(pc) =	sbr.rel @p1 .LBB2_7-.Ltmp2, $3  }
0x16f: {  	_ =	sdelay $0x1  }
0x170: {  	v20 =	vpop (erf)  }
0x171: {  	s17 =	sadd.s32 $0x2000, s17;
	s9 =	sadd.s32 $0x10, s9;
	[tilespmem:s8+$0x0] =	vst v20;
	s8 =	sadd.s32 $0x10, s8  }
0x172: {  	s7 =	sadd.s32 s6, s7  }
0x173: {  	s7 =	sshrl.u32 s7, $0x3  }
0x174: {  	p1 =	seq.s32 s22, $0xF;
	s7 =	sadd.s32 s4, s7  }
0x175: {  	[hbm4b:s7+s5] =	stream.linear.scatter [tilespmem:s13], [sflag:$0x3], $0x140, $0x38;
	[tilespmem:$0x1AF00] =	vst v63  }
0x176: {  	s7 =	sadd.s32 @!p1 $0x2, s25  }
0x177: {  	s8 =	sshll.u32 @!p1 s7, $0x4;
	s7 =	smul.u32 @!p1 $0x500, s7  }
0x178: {  	s9 =	simm.s32 @!p1 $0x10;
	s8 =	sand.u32 @!p1 $0x3FFFFFF0, s8  }
0x179: {  	s10 =	simm.s32 @!p1 $0x5400;
	s8 =	sadd.s32 @!p1 $0x2A00, s8;
	s7 =	sshra.s32 @!p1 s7, $0x2  }
0x17a: {  	[tilespmem:s10], [sflag:$0x1] =	stream.indirect.gather @!p1 [hbm4b:s1+s9], $0x80, s8, s9, $0xb8;
	[tilespmem:$0x1AF00] =	vst v63  }
0x17b: {  	s8 =	sadd.s32 @!p1 $0x2C00, s7;
	s9 =	simm.s32 @!p1 $0x40;
	s10 =	simm.s32 @!p1 $0x6400  }
0x17c: {  	[tilespmem:s10], [sflag:$0x1] =	stream.indirect.gather @!p1 [hbm4b:s3+s9], $0x80, s8, s9, $0xb8;
	[tilespmem:$0x1AF00] =	vst v63  }
0x17d: {  	s8 =	sadd.s32 @!p1 $0x2C40, s7;
	s10 =	simm.s32 @!p1 $0x8400  }
0x17e: {  	[tilespmem:s10], [sflag:$0x1] =	stream.indirect.gather @!p1 [hbm4b:s3+s9], $0x80, s8, s9, $0xb8;
	[tilespmem:$0x1AF00] =	vst v63  }
0x17f: {  	s8 =	sadd.s32 @!p1 $0x2C80, s7;
	s10 =	simm.s32 @!p1 $0xA400  }
0x180: {  	[tilespmem:s10], [sflag:$0x1] =	stream.indirect.gather @!p1 [hbm4b:s3+s9], $0x80, s8, s9, $0xb8;
	[tilespmem:$0x1AF00] =	vst v63  }
0x181: {  	s8 =	sadd.s32 @!p1 $0x2CC0, s7;
	s10 =	simm.s32 @!p1 $0xC400  }
0x182: {  	[tilespmem:s10], [sflag:$0x1] =	stream.indirect.gather @!p1 [hbm4b:s3+s9], $0x80, s8, s9, $0xb8;
	[tilespmem:$0x1AF00] =	vst v63  }
0x183: {  	s7 =	sadd.s32 @!p1 $0x2D00, s7;
	s8 =	simm.s32 @!p1 $0xE400  }
0x184: {  	[tilespmem:s8], [sflag:$0x1] =	stream.indirect.gather @!p1 [hbm4b:s3+s9], $0x80, s7, s9, $0xb8;
	[tilespmem:$0x1AF00] =	vst v63  }
0x185: {  	_ =	swait.ge [sflag:s14], $0x800  }
0x186: {  	[sflag:s14] =	ssyncset.done $0x0  }
0x187: {  	[sflag:s14] =	ssyncadd.s32 $0xFFFFF800  }
0x188: {  	_ =	swait.ge [sflag:s14], $0x2000  }
0x189: {  	[sflag:s14] =	ssyncset.done $0x0  }
0x18a: {  	[sflag:s14] =	ssyncadd.s32 $0xFFFFE000  }
0x18b: {  	_ =	swait.ge [sflag:s14], $0x2000  }
0x18c: {  	[sflag:s14] =	ssyncset.done $0x0  }
0x18d: {  	[sflag:s14] =	ssyncadd.s32 $0xFFFFE000  }
0x18e: {  	_ =	swait.ge [sflag:s14], $0x2000  }
0x18f: {  	[sflag:s14] =	ssyncset.done $0x0  }
0x190: {  	[sflag:s14] =	ssyncadd.s32 $0xFFFFE000  }
0x191: {  	_ =	swait.ge [sflag:s14], $0x2000  }
0x192: {  	[sflag:s14] =	ssyncset.done $0x0  }
0x193: {  	[sflag:s14] =	ssyncadd.s32 $0xFFFFE000  }
0x194: {  	_ =	swait.ge [sflag:s14], $0x2000  }
0x195: {  	[sflag:s14] =	ssyncset.done $0x0  }
0x196: {  	s7 =	simm.s32 @!p0 $0x4;
	[sflag:s14] =	ssyncadd.s32 $0xFFFFE000  }
0x197: {  	_ =	swait.ge @!p0 [sflag:s7], $0x140  }
0x198: {  	s17 =	simm.s32 $0x0;
	s8 =	simm.s32 $0x1AD80;
	[sflag:s7] =	ssyncset.done @!p0 $0x0  }
0x199: {  	v19 =	vmov s24;
	s9 =	smov.u32 s21;
	[sflag:s7] =	ssyncadd.s32 @!p0 $0xFFFFFEC0;
	s7 =	simm.s32 $0x0  }
.LBB2_9:
0x19a: {  	v20 =	vor.u32 s7, v0  }
0x19b: {  	v20 =	vmulhi.u32 $0xCCCCCCCD, v20;
	_ =	sdelay $0x1  }
0x19c: {  	v20 =	vshrl.u32 v20, $0x4  }
0x19d: {  	v21 =	vmov s7;
	v22 =	vmul.u32 $0xFFFFFFEC, v20  }
0x19e: {  	v23 =	vsub.s32 v2, v21  }
0x19f: {  	vm0 =	veq.s32 v21, v0;
	vm1 =	vne.s32 v22, v23  }
0x1a0: {  	vm0 =	vmand vm0, vm1  }
0x1a1: {  	v20 =	vadd.s32 v19, v20;
	v54 =	vsel vm0, $0xFFFFFFFF, v3  }
0x1a2: {  	v20 =	vadd.s32 v54, v20;
	_ =	sdelay $0x3  }
0x1a3: {  	v55 =	vld [tilespmem:s9+$0x0]  }
0x1a4: {  	v20 =	vld.idx.msk [tilespmem:v20+s5+$0x0], $0xffff;
	_ =	sdelay $0x4  }
0x1a5: {  	v21 =	vshll.u32 v55, $0x6;
	v20 =	vshll.u32 v20, $0x6  }
0x1a6: {  	s10 =	sshra.s32 s17, $0x2;
	v21 =	vand.u32 $0x40, v21;
	v20 =	vand.u32 $0x40, v20  }
0x1a7: {  	v21 =	vadd.s32 s10, v21;
	(v2sf) =	vpush v20, $0x0  }
0x1a8: {  	v21 =	vadd.s32 $0x10400, v21  }
0x1a9: {  	(v2sf) =	vpush v21, $0x1  }
0x1aa: {  	(v2sf) =	vpush v21, $0x0;
	_ =	sdelay $0x7  }
0x1ab: {  	s18 =	smul.u32 $0xCCCD, s7;
	_ =	sdelay $0x1  }
0x1ac: {  	s26 =	sshrl.u32 s18, $0xD  }
0x1ad: {  	s10 =	sand.u32 $0xFF80, s26  }
0x1ae: {  	s10 =	sadd.s32 $0x5C00, s10;
	s19 =	spop (v2sf)  }
0x1af: {  	s19 =	sor.u32 s19, s10  }
0x1b0: {  	s24 =	spop (v2sf);
	v57 =	vld [tilespmem:s19+$0x0]  }
0x1b1: {  	s25 =	spop (v2sf);
	v25 =	vld [tilespmem:s19+$0x10]  }
0x1b2: {  	(v2sf) =	vpush v20, $0x1;
	v56 =	vld [tilespmem:s25+$0x0]  }
0x1b3: {  	v24 =	vld [tilespmem:s25+$0x10]  }
0x1b4: {  	v27 =	vld [tilespmem:s19+$0x20]  }
0x1b5: {  	v26 =	vld [tilespmem:s25+$0x20]  }
0x1b6: {  	v29 =	vld [tilespmem:s19+$0x30]  }
0x1b7: {  	v28 =	vld [tilespmem:s25+$0x30]  }
0x1b8: {  	v22 =	vmul.f32 v57, v56;
	v58 =	vmul.f32 v25, v24;
	_ =	sdelay $0x1  }
0x1b9: {  	v59 =	vmul.f32 v27, v26;
	v22 =	vadd.f32 v58, v22;
	_ =	sdelay $0x1  }
0x1ba: {  	v60 =	vmul.f32 v29, v28;
	v22 =	vadd.f32 v59, v22;
	_ =	sdelay $0x1  }
0x1bb: {  	v22 =	vadd.f32 v60, v22;
	_ =	sdelay $0x1  }
0x1bc: {  	(v2sf) =	vpush v20, $0x2;
	[tilespmem:$0x1A400] =	vst v22  }
0x1bd: {  	(v2sf) =	vpush v21, $0x3;
	s28 =	spop (v2sf);
	v22 =	vld [tilespmem:s24+$0x80]  }
0x1be: {  	(v2sf) =	vpush v21, $0x2;
	v62 =	vld [tilespmem:s24+$0x90];
	s19 =	sor.u32 s28, s10  }
0x1bf: {  	v61 =	vld [tilespmem:s19+$0x0]  }
0x1c0: {  	v63 =	vld [tilespmem:s19+$0x10]  }
0x1c1: {  	v32 =	vld [tilespmem:s24+$0xA0]  }
0x1c2: {  	v33 =	vld [tilespmem:s19+$0x20]  }
0x1c3: {  	v34 =	vld [tilespmem:s24+$0xB0]  }
0x1c4: {  	v35 =	vld [tilespmem:s19+$0x30]  }
0x1c5: {  	v22 =	vmul.f32 v61, v22;
	v36 =	vmul.f32 v63, v62;
	_ =	sdelay $0x1  }
0x1c6: {  	v37 =	vmul.f32 v33, v32;
	v22 =	vadd.f32 v36, v22;
	_ =	sdelay $0x1  }
0x1c7: {  	v38 =	vmul.f32 v35, v34;
	v22 =	vadd.f32 v37, v22;
	_ =	sdelay $0x1  }
0x1c8: {  	s25 =	spop (v2sf);
	v22 =	vadd.f32 v38, v22  }
0x1c9: {  	s24 =	spop (v2sf)  }
0x1ca: {  	[tilespmem:$0x1A480] =	vst v22;
	s26 =	spop (v2sf)  }
0x1cb: {  	s19 =	sor.u32 s25, s10;
	v22 =	vld [tilespmem:s26+$0x100]  }
0x1cc: {  	(v2sf) =	vpush v20, $0x3;
	v39 =	vld [tilespmem:s19+$0x0]  }
0x1cd: {  	v40 =	vld [tilespmem:s26+$0x110]  }
0x1ce: {  	v41 =	vld [tilespmem:s19+$0x10]  }
0x1cf: {  	v42 =	vld [tilespmem:s26+$0x120]  }
0x1d0: {  	v43 =	vld [tilespmem:s19+$0x20]  }
0x1d1: {  	v44 =	vld [tilespmem:s26+$0x130]  }
0x1d2: {  	v45 =	vld [tilespmem:s19+$0x30]  }
0x1d3: {  	v22 =	vmul.f32 v39, v22;
	v46 =	vmul.f32 v41, v40;
	_ =	sdelay $0x1  }
0x1d4: {  	v47 =	vmul.f32 v43, v42;
	v22 =	vadd.f32 v46, v22;
	_ =	sdelay $0x1  }
0x1d5: {  	v48 =	vmul.f32 v45, v44;
	v22 =	vadd.f32 v47, v22;
	_ =	sdelay $0x1  }
0x1d6: {  	v22 =	vadd.f32 v48, v22;
	_ =	sdelay $0x1  }
0x1d7: {  	(v2sf) =	vpush v20, $0x4;
	s28 =	spop (v2sf);
	[tilespmem:$0x1A500] =	vst v22  }
0x1d8: {  	(v2sf) =	vpush v21, $0x5;
	s10 =	sor.u32 s28, s10;
	v22 =	vld [tilespmem:s24+$0x180]  }
0x1d9: {  	(v2sf) =	vpush v21, $0x4;
	v49 =	vld [tilespmem:s10+$0x0]  }
0x1da: {  	v50 =	vld [tilespmem:s24+$0x190]  }
0x1db: {  	v51 =	vld [tilespmem:s10+$0x10]  }
0x1dc: {  	v52 =	vld [tilespmem:s24+$0x1A0]  }
0x1dd: {  	v53 =	vld [tilespmem:s10+$0x20]  }
0x1de: {  	v54 =	vld [tilespmem:s24+$0x1B0]  }
0x1df: {  	v55 =	vld [tilespmem:s10+$0x30]  }
0x1e0: {  	v22 =	vmul.f32 v49, v22;
	v56 =	vmul.f32 v51, v50;
	_ =	sdelay $0x1  }
0x1e1: {  	v57 =	vmul.f32 v53, v52;
	v22 =	vadd.f32 v56, v22;
	_ =	sdelay $0x1  }
0x1e2: {  	v58 =	vmul.f32 v55, v54;
	v22 =	vadd.f32 v57, v22;
	_ =	sdelay $0x1  }
0x1e3: {  	s25 =	sadd.s32 $0x33334, s18;
	s26 =	spop (v2sf);
	v22 =	vadd.f32 v58, v22  }
0x1e4: {  	s10 =	sshrl.u32 s25, $0xD;
	s24 =	spop (v2sf)  }
0x1e5: {  	s10 =	sand.u32 $0xFF80, s10;
	s28 =	spop (v2sf);
	[tilespmem:$0x1A580] =	vst v22  }
0x1e6: {  	s10 =	sor.u32 s26, s10;
	v22 =	vld [tilespmem:s28+$0x200]  }
0x1e7: {  	(v2sf) =	vpush v20, $0x5;
	v59 =	vld [tilespmem:s10+$0x5C00]  }
0x1e8: {  	v60 =	vld [tilespmem:s28+$0x210]  }
0x1e9: {  	v61 =	vld [tilespmem:s10+$0x5C10]  }
0x1ea: {  	v62 =	vld [tilespmem:s28+$0x220]  }
0x1eb: {  	v63 =	vld [tilespmem:s10+$0x5C20]  }
0x1ec: {  	v32 =	vld [tilespmem:s28+$0x230]  }
0x1ed: {  	v33 =	vld [tilespmem:s10+$0x5C30]  }
0x1ee: {  	v22 =	vmul.f32 v59, v22;
	v34 =	vmul.f32 v61, v60;
	_ =	sdelay $0x1  }
0x1ef: {  	v35 =	vmul.f32 v63, v62;
	v22 =	vadd.f32 v34, v22;
	_ =	sdelay $0x1  }
0x1f0: {  	v36 =	vmul.f32 v33, v32;
	v22 =	vadd.f32 v35, v22;
	_ =	sdelay $0x1  }
0x1f1: {  	s26 =	sadd.s32 $0x40001, s18;
	v22 =	vadd.f32 v36, v22  }
0x1f2: {  	s10 =	sshrl.u32 s26, $0xD  }
0x1f3: {  	(v2sf) =	vpush v20, $0x6;
	s10 =	sand.u32 $0xFF80, s10;
	s28 =	spop (v2sf);
	[tilespmem:$0x1A600] =	vst v22  }
0x1f4: {  	(v2sf) =	vpush v21, $0x7;
	s10 =	sor.u32 s28, s10;
	v22 =	vld [tilespmem:s24+$0x280]  }
0x1f5: {  	(v2sf) =	vpush v21, $0x6;
	v37 =	vld [tilespmem:s10+$0x5C00]  }
0x1f6: {  	v38 =	vld [tilespmem:s24+$0x290]  }
0x1f7: {  	v39 =	vld [tilespmem:s10+$0x5C10]  }
0x1f8: {  	v40 =	vld [tilespmem:s24+$0x2A0]  }
0x1f9: {  	v41 =	vld [tilespmem:s10+$0x5C20]  }
0x1fa: {  	v42 =	vld [tilespmem:s24+$0x2B0]  }
0x1fb: {  	v43 =	vld [tilespmem:s10+$0x5C30]  }
0x1fc: {  	v22 =	vmul.f32 v37, v22;
	v44 =	vmul.f32 v39, v38;
	_ =	sdelay $0x1  }
0x1fd: {  	v45 =	vmul.f32 v41, v40;
	v22 =	vadd.f32 v44, v22;
	_ =	sdelay $0x1  }
0x1fe: {  	v46 =	vmul.f32 v43, v42;
	v22 =	vadd.f32 v45, v22;
	_ =	sdelay $0x1  }
0x1ff: {  	s25 =	sadd.s32 $0x4CCCE, s18;
	s26 =	spop (v2sf);
	v22 =	vadd.f32 v46, v22  }
0x200: {  	s24 =	spop (v2sf);
	s10 =	sshrl.u32 s25, $0xD  }
0x201: {  	s10 =	sand.u32 $0xFF80, s10;
	s28 =	spop (v2sf);
	[tilespmem:$0x1A680] =	vst v22  }
0x202: {  	s10 =	sor.u32 s26, s10;
	v22 =	vld [tilespmem:s28+$0x300]  }
0x203: {  	(v2sf) =	vpush v20, $0x7;
	v47 =	vld [tilespmem:s10+$0x5C00]  }
0x204: {  	v48 =	vld [tilespmem:s28+$0x310]  }
0x205: {  	v49 =	vld [tilespmem:s10+$0x5C10]  }
0x206: {  	v50 =	vld [tilespmem:s28+$0x320]  }
0x207: {  	v51 =	vld [tilespmem:s10+$0x5C20]  }
0x208: {  	v52 =	vld [tilespmem:s28+$0x330]  }
0x209: {  	v53 =	vld [tilespmem:s10+$0x5C30]  }
0x20a: {  	v22 =	vmul.f32 v47, v22;
	v54 =	vmul.f32 v49, v48;
	_ =	sdelay $0x1  }
0x20b: {  	v55 =	vmul.f32 v51, v50;
	v22 =	vadd.f32 v54, v22;
	_ =	sdelay $0x1  }
0x20c: {  	v56 =	vmul.f32 v53, v52;
	v22 =	vadd.f32 v55, v22;
	_ =	sdelay $0x1  }
0x20d: {  	s26 =	sadd.s32 $0x5999B, s18;
	v22 =	vadd.f32 v56, v22  }
0x20e: {  	s10 =	sshrl.u32 s26, $0xD  }
0x20f: {  	(v2sf) =	vpush v20, $0x8;
	s28 =	spop (v2sf);
	s10 =	sand.u32 $0xFF80, s10;
	[tilespmem:$0x1A700] =	vst v22  }
0x210: {  	(v2sf) =	vpush v21, $0x9;
	s10 =	sor.u32 s28, s10;
	v22 =	vld [tilespmem:s24+$0x380]  }
0x211: {  	(v2sf) =	vpush v21, $0x8;
	v57 =	vld [tilespmem:s10+$0x5C00]  }
0x212: {  	v58 =	vld [tilespmem:s24+$0x390]  }
0x213: {  	v59 =	vld [tilespmem:s10+$0x5C10]  }
0x214: {  	v60 =	vld [tilespmem:s24+$0x3A0]  }
0x215: {  	v61 =	vld [tilespmem:s10+$0x5C20]  }
0x216: {  	v62 =	vld [tilespmem:s24+$0x3B0]  }
0x217: {  	v63 =	vld [tilespmem:s10+$0x5C30]  }
0x218: {  	v22 =	vmul.f32 v57, v22;
	v30 =	vmul.f32 v59, v58;
	_ =	sdelay $0x1  }
0x219: {  	v31 =	vmul.f32 v61, v60;
	v22 =	vadd.f32 v30, v22;
	_ =	sdelay $0x1  }
0x21a: {  	v32 =	vmul.f32 v63, v62;
	v22 =	vadd.f32 v31, v22;
	_ =	sdelay $0x1  }
0x21b: {  	s25 =	sadd.s32 $0x66668, s18;
	s26 =	spop (v2sf);
	v22 =	vadd.f32 v32, v22  }
0x21c: {  	s10 =	sshrl.u32 s25, $0xD;
	s24 =	spop (v2sf)  }
0x21d: {  	s10 =	sand.u32 $0xFF80, s10;
	s28 =	spop (v2sf);
	[tilespmem:$0x1A780] =	vst v22  }
0x21e: {  	s10 =	sor.u32 s26, s10;
	v22 =	vld [tilespmem:s28+$0x400]  }
0x21f: {  	(v2sf) =	vpush v20, $0x9;
	v33 =	vld [tilespmem:s10+$0x5C00]  }
0x220: {  	v34 =	vld [tilespmem:s28+$0x410]  }
0x221: {  	v35 =	vld [tilespmem:s10+$0x5C10]  }
0x222: {  	v36 =	vld [tilespmem:s28+$0x420]  }
0x223: {  	v37 =	vld [tilespmem:s10+$0x5C20]  }
0x224: {  	v38 =	vld [tilespmem:s28+$0x430]  }
0x225: {  	v39 =	vld [tilespmem:s10+$0x5C30]  }
0x226: {  	v22 =	vmul.f32 v33, v22;
	v40 =	vmul.f32 v35, v34;
	_ =	sdelay $0x1  }
0x227: {  	v41 =	vmul.f32 v37, v36;
	v22 =	vadd.f32 v40, v22;
	_ =	sdelay $0x1  }
0x228: {  	v42 =	vmul.f32 v39, v38;
	v22 =	vadd.f32 v41, v22;
	_ =	sdelay $0x1  }
0x229: {  	s26 =	sadd.s32 $0x73335, s18;
	v22 =	vadd.f32 v42, v22  }
0x22a: {  	s10 =	sshrl.u32 s26, $0xD  }
0x22b: {  	(v2sf) =	vpush v20, $0xA;
	s10 =	sand.u32 $0xFF80, s10;
	s28 =	spop (v2sf);
	[tilespmem:$0x1A800] =	vst v22  }
0x22c: {  	(v2sf) =	vpush v21, $0xB;
	s10 =	sor.u32 s28, s10;
	v22 =	vld [tilespmem:s24+$0x480]  }
0x22d: {  	(v2sf) =	vpush v21, $0xA;
	v43 =	vld [tilespmem:s10+$0x5C00]  }
0x22e: {  	v44 =	vld [tilespmem:s24+$0x490]  }
0x22f: {  	v45 =	vld [tilespmem:s10+$0x5C10]  }
0x230: {  	v46 =	vld [tilespmem:s24+$0x4A0]  }
0x231: {  	v47 =	vld [tilespmem:s10+$0x5C20]  }
0x232: {  	v48 =	vld [tilespmem:s24+$0x4B0]  }
0x233: {  	v49 =	vld [tilespmem:s10+$0x5C30]  }
0x234: {  	v22 =	vmul.f32 v43, v22;
	v50 =	vmul.f32 v45, v44;
	_ =	sdelay $0x1  }
0x235: {  	v51 =	vmul.f32 v47, v46;
	v22 =	vadd.f32 v50, v22;
	_ =	sdelay $0x1  }
0x236: {  	v52 =	vmul.f32 v49, v48;
	v22 =	vadd.f32 v51, v22;
	_ =	sdelay $0x1  }
0x237: {  	s25 =	sadd.s32 $0x80002, s18;
	s26 =	spop (v2sf);
	v22 =	vadd.f32 v52, v22  }
0x238: {  	s24 =	spop (v2sf);
	s10 =	sshrl.u32 s25, $0xD  }
0x239: {  	s10 =	sand.u32 $0xFF80, s10;
	s28 =	spop (v2sf);
	[tilespmem:$0x1A880] =	vst v22  }
0x23a: {  	s10 =	sor.u32 s26, s10;
	v22 =	vld [tilespmem:s28+$0x500]  }
0x23b: {  	(v2sf) =	vpush v20, $0xB;
	v53 =	vld [tilespmem:s10+$0x5C00]  }
0x23c: {  	v54 =	vld [tilespmem:s28+$0x510]  }
0x23d: {  	v55 =	vld [tilespmem:s10+$0x5C10]  }
0x23e: {  	v56 =	vld [tilespmem:s28+$0x520]  }
0x23f: {  	v57 =	vld [tilespmem:s10+$0x5C20]  }
0x240: {  	v58 =	vld [tilespmem:s28+$0x530]  }
0x241: {  	v59 =	vld [tilespmem:s10+$0x5C30]  }
0x242: {  	v22 =	vmul.f32 v53, v22;
	v60 =	vmul.f32 v55, v54;
	_ =	sdelay $0x1  }
0x243: {  	v61 =	vmul.f32 v57, v56;
	v22 =	vadd.f32 v60, v22;
	_ =	sdelay $0x1  }
0x244: {  	v62 =	vmul.f32 v59, v58;
	v22 =	vadd.f32 v61, v22;
	_ =	sdelay $0x1  }
0x245: {  	s26 =	sadd.s32 $0x8CCCF, s18;
	v22 =	vadd.f32 v62, v22  }
0x246: {  	s10 =	sshrl.u32 s26, $0xD  }
0x247: {  	(v2sf) =	vpush v20, $0xC;
	s28 =	spop (v2sf);
	s10 =	sand.u32 $0xFF80, s10;
	[tilespmem:$0x1A900] =	vst v22  }
0x248: {  	(v2sf) =	vpush v21, $0xD;
	s10 =	sor.u32 s28, s10;
	v22 =	vld [tilespmem:s24+$0x580]  }
0x249: {  	(v2sf) =	vpush v21, $0xC;
	v63 =	vld [tilespmem:s10+$0x5C00]  }
0x24a: {  	v32 =	vld [tilespmem:s24+$0x590]  }
0x24b: {  	v33 =	vld [tilespmem:s10+$0x5C10]  }
0x24c: {  	v34 =	vld [tilespmem:s24+$0x5A0]  }
0x24d: {  	v35 =	vld [tilespmem:s10+$0x5C20]  }
0x24e: {  	v36 =	vld [tilespmem:s24+$0x5B0]  }
0x24f: {  	v37 =	vld [tilespmem:s10+$0x5C30]  }
0x250: {  	v22 =	vmul.f32 v63, v22;
	v38 =	vmul.f32 v33, v32;
	_ =	sdelay $0x1  }
0x251: {  	v39 =	vmul.f32 v35, v34;
	v22 =	vadd.f32 v38, v22;
	_ =	sdelay $0x1  }
0x252: {  	v40 =	vmul.f32 v37, v36;
	v22 =	vadd.f32 v39, v22;
	_ =	sdelay $0x1  }
0x253: {  	s25 =	sadd.s32 $0x9999C, s18;
	s26 =	spop (v2sf);
	v22 =	vadd.f32 v40, v22  }
0x254: {  	s10 =	sshrl.u32 s25, $0xD;
	s24 =	spop (v2sf)  }
0x255: {  	s10 =	sand.u32 $0xFF80, s10;
	s28 =	spop (v2sf);
	[tilespmem:$0x1A980] =	vst v22  }
0x256: {  	s10 =	sor.u32 s26, s10;
	v22 =	vld [tilespmem:s28+$0x600]  }
0x257: {  	(v2sf) =	vpush v20, $0xD;
	v41 =	vld [tilespmem:s10+$0x5C00]  }
0x258: {  	v42 =	vld [tilespmem:s28+$0x610]  }
0x259: {  	v43 =	vld [tilespmem:s10+$0x5C10]  }
0x25a: {  	v44 =	vld [tilespmem:s28+$0x620]  }
0x25b: {  	v45 =	vld [tilespmem:s10+$0x5C20]  }
0x25c: {  	v46 =	vld [tilespmem:s28+$0x630]  }
0x25d: {  	v47 =	vld [tilespmem:s10+$0x5C30]  }
0x25e: {  	v22 =	vmul.f32 v41, v22;
	v48 =	vmul.f32 v43, v42;
	_ =	sdelay $0x1  }
0x25f: {  	v49 =	vmul.f32 v45, v44;
	v22 =	vadd.f32 v48, v22;
	_ =	sdelay $0x1  }
0x260: {  	v50 =	vmul.f32 v47, v46;
	v22 =	vadd.f32 v49, v22;
	_ =	sdelay $0x1  }
0x261: {  	s26 =	sadd.s32 $0xA6669, s18;
	v22 =	vadd.f32 v50, v22  }
0x262: {  	s10 =	sshrl.u32 s26, $0xD  }
0x263: {  	(v2sf) =	vpush v20, $0xE;
	s10 =	sand.u32 $0xFF80, s10;
	s28 =	spop (v2sf);
	[tilespmem:$0x1AA00] =	vst v22  }
0x264: {  	(v2sf) =	vpush v21, $0xF;
	s10 =	sor.u32 s28, s10;
	v22 =	vld [tilespmem:s24+$0x680]  }
0x265: {  	(v2sf) =	vpush v21, $0xE;
	v51 =	vld [tilespmem:s10+$0x5C00]  }
0x266: {  	v52 =	vld [tilespmem:s24+$0x690]  }
0x267: {  	v53 =	vld [tilespmem:s10+$0x5C10]  }
0x268: {  	v54 =	vld [tilespmem:s24+$0x6A0]  }
0x269: {  	v55 =	vld [tilespmem:s10+$0x5C20]  }
0x26a: {  	v56 =	vld [tilespmem:s24+$0x6B0]  }
0x26b: {  	v57 =	vld [tilespmem:s10+$0x5C30]  }
0x26c: {  	v22 =	vmul.f32 v51, v22;
	v21 =	vmul.f32 v53, v52;
	_ =	sdelay $0x1  }
0x26d: {  	v58 =	vmul.f32 v55, v54;
	v21 =	vadd.f32 v21, v22;
	_ =	sdelay $0x1  }
0x26e: {  	v59 =	vmul.f32 v57, v56;
	v21 =	vadd.f32 v58, v21;
	_ =	sdelay $0x1  }
0x26f: {  	s26 =	sadd.s32 $0xB3336, s18;
	s25 =	spop (v2sf);
	v21 =	vadd.f32 v59, v21  }
0x270: {  	s19 =	sshrl.u32 s26, $0xD;
	s24 =	spop (v2sf)  }
0x271: {  	s19 =	sand.u32 $0xFF80, s19;
	s28 =	spop (v2sf);
	[tilespmem:$0x1AA80] =	vst v21  }
0x272: {  	s10 =	sor.u32 s25, s19;
	v21 =	vld [tilespmem:s28+$0x700]  }
0x273: {  	(v2sf) =	vpush v20, $0xF;
	v60 =	vld [tilespmem:s10+$0x5C00]  }
0x274: {  	v20 =	vld [tilespmem:s28+$0x710]  }
0x275: {  	v61 =	vld [tilespmem:s10+$0x5C10]  }
0x276: {  	v62 =	vld [tilespmem:s28+$0x720]  }
0x277: {  	v63 =	vld [tilespmem:s10+$0x5C20]  }
0x278: {  	v30 =	vld [tilespmem:s28+$0x730]  }
0x279: {  	v31 =	vld [tilespmem:s10+$0x5C30]  }
0x27a: {  	v21 =	vmul.f32 v60, v21;
	v20 =	vmul.f32 v61, v20;
	_ =	sdelay $0x1  }
0x27b: {  	v32 =	vmul.f32 v63, v62;
	v20 =	vadd.f32 v20, v21;
	_ =	sdelay $0x1  }
0x27c: {  	v33 =	vmul.f32 v31, v30;
	v20 =	vadd.f32 v32, v20;
	_ =	sdelay $0x1  }
0x27d: {  	s26 =	sadd.s32 $0xC0003, s18;
	v20 =	vadd.f32 v33, v20  }
0x27e: {  	s10 =	sshrl.u32 s26, $0xD  }
0x27f: {  	s28 =	spop (v2sf);
	s10 =	sand.u32 $0xFF80, s10;
	[tilespmem:$0x1AB00] =	vst v20  }
0x280: {  	s10 =	sor.u32 s28, s10;
	v20 =	vld [tilespmem:s24+$0x780]  }
0x281: {  	v34 =	vld [tilespmem:s10+$0x5C00]  }
0x282: {  	v35 =	vld [tilespmem:s24+$0x790]  }
0x283: {  	v36 =	vld [tilespmem:s10+$0x5C10]  }
0x284: {  	v37 =	vld [tilespmem:s24+$0x7A0]  }
0x285: {  	v38 =	vld [tilespmem:s10+$0x5C20]  }
0x286: {  	v39 =	vld [tilespmem:s24+$0x7B0]  }
0x287: {  	v40 =	vld [tilespmem:s10+$0x5C30]  }
0x288: {  	v20 =	vmul.f32 v34, v20;
	v41 =	vmul.f32 v36, v35;
	_ =	sdelay $0x1  }
0x289: {  	v42 =	vmul.f32 v38, v37;
	v20 =	vadd.f32 v41, v20;
	_ =	sdelay $0x1  }
0x28a: {  	v43 =	vmul.f32 v40, v39;
	v20 =	vadd.f32 v42, v20;
	_ =	sdelay $0x1  }
0x28b: {  	v20 =	vadd.f32 v43, v20;
	_ =	sdelay $0x1  }
0x28c: {  	[tilespmem:$0x1AB80] =	vst v20  }
0x28d: {  	v20 =	vld.idx.msk [tilespmem:v1+s11+$0x0], $0xffff  }
0x28e: {  	v44 =	vld.idx.msk [tilespmem:v4+s11+$0x0], $0xffff  }
0x28f: {  	v45 =	vld.idx.msk [tilespmem:v5+s11+$0x0], $0xffff  }
0x290: {  	v46 =	vld.idx.msk [tilespmem:v6+s11+$0x0], $0xffff  }
0x291: {  	v47 =	vld.idx.msk [tilespmem:v7+s11+$0x0], $0xffff  }
0x292: {  	v48 =	vld.idx.msk [tilespmem:v8+s11+$0x0], $0xffff  }
0x293: {  	v49 =	vld.idx.msk [tilespmem:v9+s11+$0x0], $0xffff  }
0x294: {  	v50 =	vld.idx.msk [tilespmem:v10+s11+$0x0], $0xffff  }
0x295: {  	v51 =	vld.idx.msk [tilespmem:v11+s11+$0x0], $0xffff  }
0x296: {  	v52 =	vld.idx.msk [tilespmem:v12+s11+$0x0], $0xffff  }
0x297: {  	v30 =	vld.idx.msk [tilespmem:v13+s11+$0x0], $0xffff  }
0x298: {  	v31 =	vld.idx.msk [tilespmem:v14+s11+$0x0], $0xffff  }
0x299: {  	v32 =	vld.idx.msk [tilespmem:v15+s11+$0x0], $0xffff  }
0x29a: {  	v33 =	vld.idx.msk [tilespmem:v16+s11+$0x0], $0xffff  }
0x29b: {  	v34 =	vld.idx.msk [tilespmem:v17+s11+$0x0], $0xffff  }
0x29c: {  	v35 =	vld.idx.msk [tilespmem:v18+s11+$0x0], $0xffff;
	_ =	sdelay $0x1  }
0x29d: {  	v20 =	vadd.f32 v44, v20;
	v53 =	vadd.f32 v46, v45  }
0x29e: {  	v54 =	vadd.f32 v48, v47;
	v55 =	vadd.f32 v50, v49  }
0x29f: {  	v56 =	vadd.f32 v52, v51;
	v57 =	vadd.f32 v31, v30  }
0x2a0: {  	v58 =	vadd.f32 v33, v32;
	v59 =	vadd.f32 v35, v34  }
0x2a1: {  	v20 =	vadd.f32 v53, v20;
	v60 =	vadd.f32 v55, v54  }
0x2a2: {  	v61 =	vadd.f32 v57, v56;
	v62 =	vadd.f32 v59, v58;
	_ =	sdelay $0x1  }
0x2a3: {  	v20 =	vadd.f32 v60, v20;
	v63 =	vadd.f32 v62, v61;
	_ =	sdelay $0x1  }
0x2a4: {  	v20 =	vadd.f32 v63, v20;
	_ =	sdelay $0x1  }
0x2a5: {  	v20 =	vsub.f32 $0.0e+00, v20;
	_ =	sdelay $0x1  }
0x2a6: {  	v20 =	vmul.f32 $1.442695020e+00, v20;
	_ =	sdelay $0x1  }
0x2a7: {  	(erf) = vpow2.f32 v20;
	_ =	sdelay $0x8  }
0x2a8: {  	v20 =	vpop (erf)  }
0x2a9: {  	v20 =	vadd.f32 $1.000000000e+00, v20;
	_ =	sdelay $0x1  }
0x2aa: {  	(erf) = vrcp.f32 v20;
	_ =	sdelay $0x4  }
0x2ab: {  	p0 =	sne.s32 s17, $0x26000  }
.Ltmp3:
0x2ac: {  	_ = 	snop;
	(pc) =	sbr.rel @p0 .LBB2_9-.Ltmp3, $3  }
0x2ad: {  	_ =	sdelay $0x1  }
0x2ae: {  	s7 =	sadd.s32 $0x10, s7;
	v20 =	vpop (erf)  }
0x2af: {  	s9 =	sadd.s32 $0x10, s9;
	s17 =	sadd.s32 $0x2000, s17;
	[tilespmem:s8+$0x0] =	vst v20;
	s8 =	sadd.s32 $0x10, s8  }
0x2b0: {  	s22 =	sadd.s32 $0x1, s22  }
0x2b1: {  	p0 =	sne.s32 s22, $0x10  }
.Ltmp4:
0x2b2: {  	_ = 	snop;
	(pc) =	sbr.rel @p0 .LBB2_6-.Ltmp4, $4  }
0x2b3: {  	s7 =	sadd.s32 s6, s23  }
0x2b4: {  	s7 =	sshrl.u32 s7, $0x3  }
0x2b5: {  	s20 =	sadd.s32 $0x280, s20;
	s21 =	sadd.s32 $0x280, s21;
	s7 =	sadd.s32 s4, s7  }
0x2b6: {  	[hbm4b:s7+s5] =	stream.linear.scatter [tilespmem:s16], [sflag:$0x4], $0x140, $0x38;
	[tilespmem:$0x1AF00] =	vst v63  }
0x2b7: {  	s7 =	simm.s32 $0x3  }
0x2b8: {  	_ =	swait.ge [sflag:s7], $0x140  }
0x2b9: {  	[sflag:s7] =	ssyncset.done $0x0  }
0x2ba: {  	s8 =	simm.s32 $0x4;
	[sflag:s7] =	ssyncadd.s32 $0xFFFFFEC0  }
0x2bb: {  	_ =	swait.ge [sflag:s8], $0x140  }
0x2bc: {  	s9 =	rddreg [dreg:$0x9]  }
0x2bd: {  	s28 =	rddreg [dreg:$0x8];
	s9 =	sadd.s32 $0x1, s9  }
0x2be: {  	p0 =	sne.s32 s9, s28  }
.Ltmp5:
0x2bf: {  	_ = 	snop;
	(pc) =	sbr.rel @p0 .LBB2_1-.Ltmp5, $3  }
0x2c0: {  	_ =	sdelay $0x1  }
0x2c1: {  	[sflag:s8] =	ssyncset.done $0x0  }
0x2c2: {  	[sflag:s8] =	ssyncadd.s32 $0xFFFFFEC0  }
0x2c3: {  	_ =	sfence.sel $0x180000  }
0x2c4: {  	[bflag:$0x0] =	sbarrier.arrive $0xFFFF  }
0x2c5: {  	_ =	strace $0x90000047  }
0x2c6: {  	s0 =	stileid.u32;
	[bflag:$0x2] =	sbarrier.arrive $0xFFFF  }
0x2c7: {  	p0 =	sne.s32 s0, $0x0;
	s0 =	rddreg [dreg:$0x5]  }
0x2c8: {  	s0 =	sadd.s32 @!p0 $0x100000, s0  }
0x2c9: {  	[sflag:s0] =	ssyncadd.tile.s32 @!p0 $0x1;
	_ =	shalt  }
.Lfunc_end2:
_tile_overlayer_lowered:
.L_overlay_start_2:
0x2ca: {  	(tag) =	ssettag $0x2  }
0x2cb: {  	s0 =	rddreg [dreg:$0x0];
	s2 =	stileid.u32  }
0x2cc: {  	s1 =	rddreg [dreg:$0x1];
	p0 =	sne.s32 s2, $0x0  }
0x2cd: {  	s3 =	rddreg [dreg:$0x2];
	[bflag:$0x3] =	sbarrier.arrive $0xFFFF;
	s2 =	simm.s32 @!p0 $0x1C05  }
0x2ce: {  	[timem:s3], [sflag:s2] =	dma.local @!p0 [hbm:s0], s1  }
0x2cf: {  	s0 =	simm.s32 @!p0 $0x5  }
0x2d0: {  	_ =	swait.ge @!p0 [sflag:s0], s1  }
0x2d1: {  	s1 =	ssub.s32 @!p0 $0x0, s1;
	[sflag:s0] =	ssyncset.done @!p0 $0x0  }
0x2d2: {  	[sflag:s0] =	ssyncadd.s32 @!p0 s1  }
0x2d3: {  	[bflag:$0x3] =	sbarrier.arrive $0xFFFF  }
0x2d4: {  	_ =	shalt  }

</sc_bundles>
